<compile_context>
chip_gen: v7x
topology: tpu7x:2x2x1
jax: 0.10.2.dev20260603
libtpu: 0.0.44.dev20260713+nightly
codegen_flags: <defaults>
</compile_context>

<pallas_src>
import functools

import jax
import jax.numpy as jnp
from jax import lax
from jax.experimental import pallas as pl
from jax.experimental.pallas import tpu as pltpu
from jax.experimental.pallas import tpu_sc as plsc

N = 10000
E = 320000
D = 128
T = 1000
NUM_PRED = 5
HID = 64
M = N + T * NUM_PRED
MPAD = 15360
NW = 32
EPB = 128
NB_E = E // EPB
TPAD = 5120
NBNEW = TPAD // EPB
RPT = MPAD // 16
NPT = MPAD // NW

C0_SLAB = 78
C1_SLAB = 80
C1_BASE = 1230

EV_BASE = 78
EV_SLAB = 79


def _core0_split(s):
    lt = s < 7
    start = jnp.where(lt, s * 78, 546 + (s - 7) * 76)
    npairs = jnp.where(lt, 39, 38)
    start_copy = jnp.minimum(start, 1230 - C0_SLAB)
    return start_copy, start - start_copy, npairs


def _core1_split(s):
    lt = s < 11
    start = jnp.where(lt, C1_BASE + s * 80, C1_BASE + 880 + (s - 11) * 78)
    npairs = jnp.where(lt, 40, 39)
    start_copy = jnp.minimum(start, NB_E - C1_SLAB)
    return start_copy, start - start_copy, npairs


def _even_split(wid):
    start = wid * EV_BASE + jnp.minimum(wid, 4)
    cnt = EV_BASE + jnp.where(wid < 4, 1, 0)
    start_copy = jnp.minimum(start, NB_E - EV_SLAB)
    return start_copy, start - start_copy, cnt



@functools.cache
def _make_sc_count():
    mesh = plsc.VectorSubcoreMesh(core_axis_name="c", subcore_axis_name="s")
    return functools.partial(
        pl.kernel,
        mesh=mesh,
        compiler_params=pltpu.CompilerParams(
            needs_layout_passes=False, use_tc_tiling_on_sc=False),
        out_type=jax.ShapeDtypeStruct((NW, MPAD), jnp.float32),
        scratch_types=[
            pltpu.VMEM((EV_SLAB, 2, EPB), jnp.int32),
            pltpu.VMEM((MPAD,), jnp.float32),
        ],
    )(_sc_count_body)


def _sc_count_body(e3_hbm, out_hbm, slab, acc_v):
    c = lax.axis_index("c")
    s = lax.axis_index("s")
    wid = s * 2 + c
    start_copy, off, cnt = _even_split(wid)
    pltpu.sync_copy(e3_hbm.at[pl.ds(start_copy, EV_SLAB)], slab)

    def zero(i, carry):
        acc_v[pl.ds(i * 16, 16)] = jnp.zeros((16,), jnp.float32)
        return carry

    lax.fori_loop(0, MPAD // 16, zero, 0)
    ones = jnp.full((16,), 1.0, jnp.float32)

    def body(i, carry):
        j = off + i
        for k in range(EPB // 16):
            plsc.addupdate_scatter(acc_v, [slab[j, 1, pl.ds(k * 16, 16)]], ones)
        return carry

    lax.fori_loop(0, cnt, body, 0)
    pltpu.sync_copy(acc_v, out_hbm.at[wid])


@functools.cache
def _make_sc_scalar():
    mesh = plsc.VectorSubcoreMesh(core_axis_name="c", subcore_axis_name="s")
    return functools.partial(
        pl.kernel,
        mesh=mesh,
        compiler_params=pltpu.CompilerParams(
            needs_layout_passes=False, use_tc_tiling_on_sc=False),
        out_type=jax.ShapeDtypeStruct((NW, MPAD), jnp.float32),
        scratch_types=[
            pltpu.VMEM((EV_SLAB, 2, EPB), jnp.int32),
            pltpu.VMEM((NBNEW, EPB), jnp.int32),
            pltpu.VMEM((MPAD,), jnp.float32),
            pltpu.VMEM((MPAD,), jnp.float32),
        ],
    )(_sc_scalar_body)


def _sc_scalar_body(g2_hbm, e3_hbm, t3_hbm, out_hbm, slab, t3_v, g2_v, acc_v):
    c = lax.axis_index("c")
    s = lax.axis_index("s")
    wid = s * 2 + c
    start_copy, off, cnt = _even_split(wid)
    pltpu.sync_copy(e3_hbm.at[pl.ds(start_copy, EV_SLAB)], slab)
    pltpu.sync_copy(t3_hbm, t3_v)
    pltpu.sync_copy(g2_hbm, g2_v)

    def zero(i, carry):
        acc_v[pl.ds(i * 16, 16)] = jnp.zeros((16,), jnp.float32)
        return carry

    lax.fori_loop(0, MPAD // 16, zero, 0)

    def body(i, carry):
        j = off + i
        for k in range(EPB // 16):
            sl = pl.ds(k * 16, 16)
            vals = plsc.load_gather(g2_v, [slab[j, 0, sl]])
            plsc.addupdate_scatter(acc_v, [slab[j, 1, sl]], vals)
        return carry

    lax.fori_loop(0, cnt, body, 0)

    for extra in range(2):
        nb = wid + extra * NW

        @pl.when(nb < NBNEW)
        def _newblk():
            for k in range(EPB // 16):
                sl = pl.ds(k * 16, 16)
                vals = plsc.load_gather(g2_v, [t3_v[nb, sl]])
                acc_v[pl.ds(N + nb * EPB + k * 16, 16)] = vals

    pltpu.sync_copy(acc_v, out_hbm.at[wid])


@functools.cache
def _make_sc_rows():
    mesh = plsc.VectorSubcoreMesh(core_axis_name="c", subcore_axis_name="s")
    return functools.partial(
        pl.kernel,
        mesh=mesh,
        compiler_params=pltpu.CompilerParams(
            needs_layout_passes=False, use_tc_tiling_on_sc=False),
        out_type=jax.ShapeDtypeStruct((2, MPAD, HID), jnp.float32),
        scratch_types=[
            pltpu.VMEM((C0_SLAB, 2, EPB), jnp.int32),
            pltpu.VMEM((C1_SLAB, 2, EPB), jnp.int32),
            pltpu.VMEM((NBNEW, EPB), jnp.int32),
            pltpu.VMEM((EPB, HID), jnp.float32),
            pltpu.VMEM((EPB, HID), jnp.float32),
            pltpu.SemaphoreType.DMA,
            pltpu.SemaphoreType.DMA,
            pltpu.VMEM_SHARED((MPAD, HID), jnp.float32),
        ],
    )(_sc_rows_body)


def _sc_rows_body(g_hbm, e3_hbm, t3_hbm, out_hbm,
                  slab0, slab1, t3_v, rows0, rows1, sem0, sem1, acc_sh):
    c = lax.axis_index("c")
    s = lax.axis_index("s")

    start0, off0, npairs0 = _core0_split(s)
    start1, off1, npairs1 = _core1_split(s)

    @pl.when(c == 0)
    def _stage0():
        pltpu.sync_copy(e3_hbm.at[pl.ds(start0, C0_SLAB)], slab0)
        pltpu.sync_copy(t3_hbm, t3_v)

    @pl.when(c == 1)
    def _stage1():
        pltpu.sync_copy(e3_hbm.at[pl.ds(start1, C1_SLAB)], slab1)

    def zrow(r, carry):
        for k in range(HID // 16):
            rows0[r, pl.ds(k * 16, 16)] = jnp.zeros((16,), jnp.float32)
        return carry

    lax.fori_loop(0, EPB, zrow, 0)
    base = s * RPT
    nfull = RPT // EPB
    for k in range(nfull):
        pltpu.sync_copy(rows0, acc_sh.at[pl.ds(base + k * EPB, EPB)])
    rem = RPT - nfull * EPB
    if rem:
        pltpu.sync_copy(rows0.at[pl.ds(0, rem)],
                        acc_sh.at[pl.ds(base + nfull * EPB, rem)])
    plsc.subcore_barrier()

    @pl.when(c == 0)
    def _new_edges():
        for extra in range(3):
            nb = extra * 16 + s

            @pl.when(nb < NBNEW)
            def _newblk():
                pltpu.async_copy(g_hbm.at[t3_v.at[nb]], rows0, sem0).wait()
                pltpu.sync_copy(rows0, acc_sh.at[pl.ds(N + nb * EPB, EPB)])

    bufs = (rows0, rows1)
    sems = (sem0, sem1)

    def run_pairs(slab, off, npairs):
        pltpu.async_copy(g_hbm.at[slab.at[off, 0]], rows0, sem0)
        pltpu.async_copy(g_hbm.at[slab.at[off + 1, 0]], rows1, sem1)

        def body(i, carry):
            for b in range(2):
                j = off + 2 * i + b
                buf, sem = bufs[b], sems[b]
                pltpu.make_async_copy(g_hbm.at[slab.at[j, 0]], buf, sem).wait()
                pltpu.sync_copy(buf, acc_sh.at[slab.at[j, 1]], add=True)

                @pl.when(2 * i + b + 2 < 2 * npairs)
                def _prefetch():
                    pltpu.async_copy(g_hbm.at[slab.at[j + 2, 0]], buf, sem)

            return carry

        lax.fori_loop(0, npairs, body, 0)

    @pl.when(c == 0)
    def _main0():
        run_pairs(slab0, off0, npairs0)

    @pl.when(c == 1)
    def _main1():
        run_pairs(slab1, off1, npairs1)

    plsc.subcore_barrier()
    pltpu.sync_copy(acc_sh.at[pl.ds(base, RPT)], out_hbm.at[c, pl.ds(base, RPT)])


@functools.cache
def _make_sc_mid():
    mesh = plsc.VectorSubcoreMesh(core_axis_name="c", subcore_axis_name="s")
    return functools.partial(
        pl.kernel,
        mesh=mesh,
        compiler_params=pltpu.CompilerParams(
            needs_layout_passes=False, use_tc_tiling_on_sc=False),
        out_type=jax.ShapeDtypeStruct((MPAD,), jnp.float32),
        scratch_types=[
            pltpu.VMEM((NPT, HID), jnp.float32),
            pltpu.VMEM((NPT, HID), jnp.float32),
            pltpu.VMEM((NPT, HID), jnp.float32),
            pltpu.VMEM((NPT,), jnp.float32),
            pltpu.VMEM((NPT,), jnp.float32),
            pltpu.VMEM((HID, 16), jnp.float32),
            pltpu.VMEM((HID, 16), jnp.float32),
        ],
    )(_sc_mid_body)


def _sc_mid_body(acc_hbm, g_hbm, dinv_hbm, bc1s_hbm, wc2s_hbm, out_hbm,
                 a0_v, a1_v, g_v, dinv_v, g2_v, bc1_v, wc2_v):
    c = lax.axis_index("c")
    s = lax.axis_index("s")
    wid = s * 2 + c
    nbase = wid * NPT
    pltpu.sync_copy(acc_hbm.at[0, pl.ds(nbase, NPT)], a0_v)
    pltpu.sync_copy(acc_hbm.at[1, pl.ds(nbase, NPT)], a1_v)
    pltpu.sync_copy(g_hbm.at[pl.ds(nbase, NPT)], g_v)
    pltpu.sync_copy(dinv_hbm.at[pl.ds(nbase, NPT)], dinv_v)
    pltpu.sync_copy(bc1s_hbm, bc1_v)
    pltpu.sync_copy(wc2s_hbm, wc2_v)
    row_iota = lax.iota(jnp.int32, 16)

    def tbody(r, carry):
        for k in range(HID // 16):
            sl = pl.ds(k * 16, 16)
            a0_v[r, sl] = a0_v[r, sl] + a1_v[r, sl] + g_v[r, sl]
        return carry

    lax.fori_loop(0, NPT, tbody, 0)

    def body(gg, carry):
        off = gg * 16
        dinv16 = dinv_v[pl.ds(off, 16)]
        ridx = row_iota + off
        saccs = [jnp.zeros((16,), jnp.float32) for _ in range(4)]
        for k0 in range(0, HID, 4):
            for u in range(4):
                k = k0 + u
                cidx = jnp.full((16,), k, jnp.int32)
                col = plsc.load_gather(a0_v, [ridx, cidx])
                out1 = jnp.maximum(col * dinv16 + bc1_v[k], 0.0)
                saccs[u] = saccs[u] + out1 * wc2_v[k]
        sacc = (saccs[0] + saccs[1]) + (saccs[2] + saccs[3])
        g2_v[pl.ds(off, 16)] = sacc * dinv16
        return carry

    lax.fori_loop(0, NPT // 16, body, 0)
    pltpu.sync_copy(g2_v, out_hbm.at[pl.ds(nbase, NPT)])



def _mlp_body(feat_ref, w1_ref, b1_ref, w2_ref, b2_ref, wf_ref, bf_ref,
              wc1_ref, gen_ref, geng_ref):
    h = jnp.dot(feat_ref[...], w1_ref[...], preferred_element_type=jnp.float32)
    h = jnp.maximum(h + b1_ref[...], 0.0)
    h = jnp.dot(h, w2_ref[...], preferred_element_type=jnp.float32)
    h = jnp.maximum(h + b2_ref[...], 0.0)
    gen = jnp.tanh(jnp.dot(h, wf_ref[...], preferred_element_type=jnp.float32)
                   + bf_ref[...])
    gen_ref[...] = gen
    wc1 = wc1_ref[...]
    parts = [
        jnp.dot(gen[:, p * D:(p + 1) * D], wc1, preferred_element_type=jnp.float32)
        for p in range(NUM_PRED)
    ]
    geng_ref[...] = jnp.concatenate(parts, axis=1)


def _deg_body(parts_ref, out_ref):
    deg = jnp.sum(parts_ref[...], axis=0, keepdims=True) + 1.0
    col = lax.broadcasted_iota(jnp.int32, (1, MPAD), 1)
    deg = jnp.where(col < N, deg, 2.0)
    out_ref[...] = lax.rsqrt(deg)


def _prep_body(x_ref, wc1_ref, gen5_ref, dinv_ref, g_ref):
    dinv_col = jnp.transpose(dinv_ref[...])
    hx = jnp.dot(x_ref[...], wc1_ref[...], preferred_element_type=jnp.float32)
    g_ref[pl.ds(0, N), :] = hx * dinv_col[0:N, :]
    g_ref[pl.ds(N, M - N), :] = gen5_ref[...] * dinv_col[N:M, :]
    g_ref[pl.ds(M, MPAD - M), :] = jnp.zeros((MPAD - M, HID), jnp.float32)


def _final_body(parts_ref, g2_ref, dinv_ref, bc2_ref, out_ref):
    acc2 = jnp.sum(parts_ref[...], axis=0, keepdims=True)
    out2 = dinv_ref[...] * (acc2 + g2_ref[...]) + bc2_ref[...]
    out_ref[...] = 1.0 / (1.0 + jnp.exp(-out2))



def kernel(feat, x, edge_index, tails, W1, b1, W2, b2, Wf, bf, Wc1, bc1, Wc2, bc2):
    e3 = edge_index.reshape(2, NB_E, EPB).transpose(1, 0, 2)
    tails_rep = jnp.broadcast_to(tails[:, None], (T, NUM_PRED)).reshape(-1)
    t3 = jnp.concatenate(
        [tails_rep, jnp.zeros((TPAD - T * NUM_PRED,), jnp.int32)]
    ).reshape(NBNEW, EPB)

    parts = _make_sc_count()(e3)

    dinv_row = pl.pallas_call(
        _deg_body,
        out_shape=jax.ShapeDtypeStruct((1, MPAD), jnp.float32),
    )(parts)

    gen_feat, geng = pl.pallas_call(
        _mlp_body,
        out_shape=(
            jax.ShapeDtypeStruct((T, NUM_PRED * D), jnp.float32),
            jax.ShapeDtypeStruct((T, NUM_PRED * HID), jnp.float32),
        ),
    )(feat, W1, b1.reshape(1, -1), W2, b2.reshape(1, -1), Wf, bf.reshape(1, -1),
      Wc1)

    gen5 = geng.reshape(T * NUM_PRED, HID)

    g = pl.pallas_call(
        _prep_body,
        out_shape=jax.ShapeDtypeStruct((MPAD, HID), jnp.float32),
    )(x, Wc1, gen5, dinv_row)

    acc = _make_sc_rows()(g, e3, t3)

    dinv_flat = dinv_row.reshape(MPAD)
    bc1s = jnp.broadcast_to(bc1[:, None], (HID, 16))
    wc2s = jnp.broadcast_to(Wc2[:, 0][:, None], (HID, 16))
    g2 = _make_sc_mid()(acc, g, dinv_flat, bc1s, wc2s)

    parts2 = _make_sc_scalar()(g2, e3, t3)

    pred_row = pl.pallas_call(
        _final_body,
        out_shape=jax.ShapeDtypeStruct((1, MPAD), jnp.float32),
    )(parts2, g2.reshape(1, MPAD), dinv_row, bc2.reshape(1, 1))

    class_pred = pred_row.reshape(MPAD, 1)[:M]
    return (gen_feat, class_pred)

# --- scband reference (transcript-rebuilt; emitter-appended) ---
"""Pipeline reference for scband-neigh-gen-28836410425765 (READ-ONLY COPY).

The authoritative reference and input builder live on the scoring server;
editing this copy changes nothing except your own understanding.
"""

import jax, jax.numpy as jnp
import numpy as np

N = 10000
E = 320000
D = 128
T = 1000
NUM_PRED = 5
HID = 64


def setup_inputs(seed: int = 0) -> dict:
    key = jax.random.key(seed)
    ks = jax.random.split(key, 16)
    feat = jax.random.normal(ks[0], (T, D), dtype=jnp.float32)
    x = jax.random.normal(ks[1], (N, D), dtype=jnp.float32)
    edge_index = jax.random.randint(ks[2], (2, E), 0, N, dtype=jnp.int32)
    tails = jax.random.randint(ks[3], (T,), 0, N, dtype=jnp.int32)
    # Gen MLP params (latent_dim=D -> 512 -> 256 -> num_pred*D)
    W1 = jax.random.normal(ks[4], (D, 512), dtype=jnp.float32) * (1.0 / np.sqrt(D))
    b1 = jnp.zeros((512,), jnp.float32)
    W2 = jax.random.normal(ks[5], (512, 256), dtype=jnp.float32) * (1.0 / np.sqrt(512))
    b2 = jnp.zeros((256,), jnp.float32)
    Wf = jax.random.normal(ks[6], (256, NUM_PRED * D), dtype=jnp.float32) * (1.0 / np.sqrt(256))
    bf = jnp.zeros((NUM_PRED * D,), jnp.float32)
    # GNN classifier params (GCNConv D->HID, HID->1)
    Wc1 = jax.random.normal(ks[7], (D, HID), dtype=jnp.float32) * (1.0 / np.sqrt(D))
    bc1 = jnp.zeros((HID,), jnp.float32)
    Wc2 = jax.random.normal(ks[8], (HID, 1), dtype=jnp.float32) * (1.0 / np.sqrt(HID))
    bc2 = jnp.zeros((1,), jnp.float32)
    return {"feat": feat, "x": x, "edge_index": edge_index, "tails": tails,
            "W1": W1, "b1": b1, "W2": W2, "b2": b2, "Wf": Wf, "bf": bf,
            "Wc1": Wc1, "bc1": bc1, "Wc2": Wc2, "bc2": bc2}


def gcn_conv(h, src, dst, W, b, num_nodes):
    # GCNConv: linear transform, symmetric normalization with self-loops already in (src, dst)
    h = h @ W
    ones = jnp.ones(src.shape[0], dtype=h.dtype)
    deg = jax.ops.segment_sum(ones, dst, num_segments=num_nodes)
    dinv = jnp.where(deg > 0, 1.0 / jnp.sqrt(deg), 0.0)
    norm = dinv[src] * dinv[dst]
    msg = h[src] * norm[:, None]
    out = jax.ops.segment_sum(msg, dst, num_segments=num_nodes)
    return out + b


def reference(feat, x, edge_index, tails, W1, b1, W2, b2, Wf, bf, Wc1, bc1, Wc2, bc2):
    # Gen MLP (dropout inactive at eval)
    h = jax.nn.relu(feat @ W1 + b1)
    h = jax.nn.relu(h @ W2 + b2)
    gen_feat = jnp.tanh(h @ Wf + bf)  # [T, NUM_PRED*D]
    n_nodes = x.shape[0]
    fs = x.shape[1]
    npred = gen_feat.shape[1] // fs
    t = tails.shape[0]
    # Add_Neighbor (non-dict path): attach npred generated neighbors per tail node
    new_src = jnp.repeat(tails, npred)
    new_dst = jnp.arange(n_nodes, n_nodes + t * npred, dtype=tails.dtype)
    src = jnp.concatenate([edge_index[0], new_src])
    dst = jnp.concatenate([edge_index[1], new_dst])
    gen_nodes = jax.lax.stop_gradient(gen_feat.reshape(-1, fs))  # .detach() in original
    new_feat = jnp.concatenate([x, gen_nodes], axis=0)
    M = n_nodes + t * npred
    loop = jnp.arange(M, dtype=src.dtype)
    src_l = jnp.concatenate([src, loop])
    dst_l = jnp.concatenate([dst, loop])
    # GNN classifier: GCN -> relu -> GCN -> sigmoid
    h1 = jax.nn.relu(gcn_conv(new_feat, src_l, dst_l, Wc1, bc1, M))
    out = gcn_conv(h1, src_l, dst_l, Wc2, bc2, M)
    class_pred = jax.nn.sigmoid(out)  # [M, 1]
    return (gen_feat, class_pred)

if __name__ == "__main__":
    import jax
    _d = setup_inputs()
    print(jax.jit(kernel)(*tuple(_d.values())))

</pallas_src>

<mosaic_0001>
#map = affine_map<(d0, d1) -> (0, 0, 0)>
#map1 = affine_map<(d0, d1) -> (0, 0)>
module attributes {stable_mosaic.version = 14 : i64} {
  func.func @_sc_count_body(%arg0: i32, %arg1: i32, %arg2: memref<2500x2x128xi32, #tpu.memory_space<hbm>>, %arg3: memref<32x15360xf32, #tpu.memory_space<hbm>>, %arg4: memref<79x2x128xi32, #tpu.memory_space<vmem>>, %arg5: memref<15360xf32, #tpu.memory_space<vmem>>) attributes {dimension_semantics = [#tpu.dimension_semantics<core_parallel>, #tpu.dimension_semantics<subcore_parallel>], iteration_bounds = array<i64: 2, 16>, scalar_prefetch = 0 : i64, scratch_operands = 2 : i64, tpu.core_type = #tpu.core_type<sc_vector_subcore>, window_params = [{transform_indices = #map}, {transform_indices = #map1}]} {
    %mul3A = arith.constant 2 : i32
    %mul3A_0 = arith.muli %arg1, %mul3A : i32
    %add3A = arith.addi %mul3A_0, %arg0 : i32
    %mul3A_1 = arith.constant 78 : i32
    %mul3A_2 = arith.muli %add3A, %mul3A_1 : i32
    %min3A = arith.constant 4 : i32
    %min3A_3 = arith.minsi %add3A, %min3A : i32
    %add3A_4 = arith.addi %mul3A_2, %min3A_3 : i32
    %lt3A = arith.constant 4 : i32
    %lt3A_5 = arith.cmpi slt, %add3A, %lt3A : i32
    %jit3A = arith.constant 1 : i32
    %jit3A_6 = arith.constant 0 : i32
    %select_n3A = arith.select %lt3A_5, %jit3A, %jit3A_6 : i32
    %add3A_7 = arith.constant 78 : i32
    %add3A_8 = arith.addi %add3A_7, %select_n3A : i32
    %min3A_9 = arith.constant 2421 : i32
    %min3A_10 = arith.minsi %add3A_4, %min3A_9 : i32
    %sub3A = arith.subi %add3A_4, %min3A_10 : i32
    "tpu.region"() ({
      %run_scoped3A = tpu.sem_alloc : memref<!tpu.dma_semaphore, #tpu.memory_space<semaphore_mem>>
      %dma_start3A = arith.constant 0 : i32
      %dma_start3A_26 = arith.constant 0 : i32
      %dma_start3A_27 = tpu.memref_slice %arg2[%min3A_10, %dma_start3A, %dma_start3A_26] : memref<2500x2x128xi32, #tpu.memory_space<hbm>> -> memref<79x2x128xi32, #tpu.memory_space<hbm>>
      %dma_start3A_28 = arith.constant 0 : i32
      %dma_start3A_29 = arith.constant 0 : i32
      %dma_start3A_30 = tpu.memref_slice %arg2[%min3A_10, %dma_start3A_28, %dma_start3A_29] : memref<2500x2x128xi32, #tpu.memory_space<hbm>> -> memref<79x2x128xi32, #tpu.memory_space<hbm>>
      tpu.enqueue_dma source(%dma_start3A_30 : memref<79x2x128xi32, #tpu.memory_space<hbm>>) target(%arg4 : memref<79x2x128xi32, #tpu.memory_space<vmem>>) target_semaphore(%run_scoped3A : memref<!tpu.dma_semaphore, #tpu.memory_space<semaphore_mem>>)
      %dma_wait3A = arith.constant 0 : i32
      %dma_wait3A_31 = arith.constant 0 : i32
      %dma_wait3A_32 = tpu.memref_slice %arg2[%min3A_10, %dma_wait3A, %dma_wait3A_31] : memref<2500x2x128xi32, #tpu.memory_space<hbm>> -> memref<79x2x128xi32, #tpu.memory_space<hbm>>
      %dma_wait3A_33 = arith.constant 0 : i32
      %dma_wait3A_34 = arith.constant 0 : i32
      %dma_wait3A_35 = tpu.memref_slice %arg2[%min3A_10, %dma_wait3A_33, %dma_wait3A_34] : memref<2500x2x128xi32, #tpu.memory_space<hbm>> -> memref<79x2x128xi32, #tpu.memory_space<hbm>>
      tpu.wait_dma2 semaphore(%run_scoped3A : memref<!tpu.dma_semaphore, #tpu.memory_space<semaphore_mem>>) src(%dma_wait3A_35 : memref<79x2x128xi32, #tpu.memory_space<hbm>>) dst(%arg4 : memref<79x2x128xi32, #tpu.memory_space<vmem>>)
      tpu.yield
    }) : () -> ()
    %scan3A = arith.constant 0 : i32
    %scan3A_11 = arith.constant 0 : i32
    %scan3A_12 = arith.constant 960 : i32
    %scan3A_13 = arith.addi %scan3A_11, %scan3A_12 : i32
    %scan3A_14 = arith.constant 1 : i32
    scf.for %scan3A_26 = %scan3A_11 to %scan3A_13 step %scan3A_14  : i32 {
      %broadcast_in_dim3A_27 = arith.constant 0.000000e+00 : f32
      %broadcast_in_dim3A_28 = vector.broadcast %broadcast_in_dim3A_27 : f32 to vector<16xf32>
      %mul3A_29 = arith.constant 16 : i32
      %mul3A_30 = arith.muli %scan3A_26, %mul3A_29 : i32
      %swap3A = arith.index_cast %mul3A_30 : i32 to index
      %swap3A_31 = tpu.vector_load %arg5[%swap3A] {strides = array<i32>} : memref<15360xf32, #tpu.memory_space<vmem>>, vector<16xf32>,
      tpu.vector_store %arg5[%swap3A], %broadcast_in_dim3A_28 {strides = array<i32>} : memref<15360xf32, #tpu.memory_space<vmem>>, vector<16xf32>,
    }
    %scan3A_15 = arith.constant 960 : i32
    %broadcast_in_dim3A = arith.constant 1.000000e+00 : f32
    %broadcast_in_dim3A_16 = vector.broadcast %broadcast_in_dim3A : f32 to vector<16xf32>
    %while3A = arith.constant 0 : i32
    %while3A_17 = arith.constant 0 : i32
    %while3A_18 = arith.subi %add3A_8, %while3A_17 : i32
    %while3A_19 = arith.addi %while3A_17, %while3A_18 : i32
    %while3A_20 = arith.constant 1 : i32
    %while3A_21 = arith.divsi %while3A_18, %while3A_20 : i32
    %while3A_22 = arith.muli %while3A_21, %while3A_20 : i32
    %while3A_23 = arith.addi %while3A_17, %while3A_22 : i32
    %while3A_24 = arith.constant 1 : i32
    scf.for %while3A_26 = %while3A_17 to %while3A_23 step %while3A_24  : i32 {
      %add3A_27 = arith.addi %sub3A, %while3A_26 : i32
      %get3A = arith.constant 1 : i32
      %get3A_28 = arith.index_cast %add3A_27 : i32 to index
      %get3A_29 = arith.index_cast %get3A : i32 to index
      %get3A_30 = arith.constant 0 : index
      %get3A_31 = tpu.vector_load %arg4[%get3A_28, %get3A_29, %get3A_30] {strides = array<i32>} : memref<79x2x128xi32, #tpu.memory_space<vmem>>, vector<16xi32>,
      tpu.vector_store_idx %arg5[%get3A_31], %broadcast_in_dim3A_16 {add = true} : memref<15360xf32, #tpu.memory_space<vmem>>[vector<16xi32>], vector<16xf32>,
      %get3A_32 = arith.constant 1 : i32
      %get3A_33 = arith.index_cast %add3A_27 : i32 to index
      %get3A_34 = arith.index_cast %get3A_32 : i32 to index
      %get3A_35 = arith.constant 16 : index
      %get3A_36 = tpu.vector_load %arg4[%get3A_33, %get3A_34, %get3A_35] {strides = array<i32>} : memref<79x2x128xi32, #tpu.memory_space<vmem>>, vector<16xi32>,
      tpu.vector_store_idx %arg5[%get3A_36], %broadcast_in_dim3A_16 {add = true} : memref<15360xf32, #tpu.memory_space<vmem>>[vector<16xi32>], vector<16xf32>,
      %get3A_37 = arith.constant 1 : i32
      %get3A_38 = arith.index_cast %add3A_27 : i32 to index
      %get3A_39 = arith.index_cast %get3A_37 : i32 to index
      %get3A_40 = arith.constant 32 : index
      %get3A_41 = tpu.vector_load %arg4[%get3A_38, %get3A_39, %get3A_40] {strides = array<i32>} : memref<79x2x128xi32, #tpu.memory_space<vmem>>, vector<16xi32>,
      tpu.vector_store_idx %arg5[%get3A_41], %broadcast_in_dim3A_16 {add = true} : memref<15360xf32, #tpu.memory_space<vmem>>[vector<16xi32>], vector<16xf32>,
      %get3A_42 = arith.constant 1 : i32
      %get3A_43 = arith.index_cast %add3A_27 : i32 to index
      %get3A_44 = arith.index_cast %get3A_42 : i32 to index
      %get3A_45 = arith.constant 48 : index
      %get3A_46 = tpu.vector_load %arg4[%get3A_43, %get3A_44, %get3A_45] {strides = array<i32>} : memref<79x2x128xi32, #tpu.memory_space<vmem>>, vector<16xi32>,
      tpu.vector_store_idx %arg5[%get3A_46], %broadcast_in_dim3A_16 {add = true} : memref<15360xf32, #tpu.memory_space<vmem>>[vector<16xi32>], vector<16xf32>,
      %get3A_47 = arith.constant 1 : i32
      %get3A_48 = arith.index_cast %add3A_27 : i32 to index
      %get3A_49 = arith.index_cast %get3A_47 : i32 to index
      %get3A_50 = arith.constant 64 : index
      %get3A_51 = tpu.vector_load %arg4[%get3A_48, %get3A_49, %get3A_50] {strides = array<i32>} : memref<79x2x128xi32, #tpu.memory_space<vmem>>, vector<16xi32>,
      tpu.vector_store_idx %arg5[%get3A_51], %broadcast_in_dim3A_16 {add = true} : memref<15360xf32, #tpu.memory_space<vmem>>[vector<16xi32>], vector<16xf32>,
      %get3A_52 = arith.constant 1 : i32
      %get3A_53 = arith.index_cast %add3A_27 : i32 to index
      %get3A_54 = arith.index_cast %get3A_52 : i32 to index
      %get3A_55 = arith.constant 80 : index
      %get3A_56 = tpu.vector_load %arg4[%get3A_53, %get3A_54, %get3A_55] {strides = array<i32>} : memref<79x2x128xi32, #tpu.memory_space<vmem>>, vector<16xi32>,
      tpu.vector_store_idx %arg5[%get3A_56], %broadcast_in_dim3A_16 {add = true} : memref<15360xf32, #tpu.memory_space<vmem>>[vector<16xi32>], vector<16xf32>,
      %get3A_57 = arith.constant 1 : i32
      %get3A_58 = arith.index_cast %add3A_27 : i32 to index
      %get3A_59 = arith.index_cast %get3A_57 : i32 to index
      %get3A_60 = arith.constant 96 : index
      %get3A_61 = tpu.vector_load %arg4[%get3A_58, %get3A_59, %get3A_60] {strides = array<i32>} : memref<79x2x128xi32, #tpu.memory_space<vmem>>, vector<16xi32>,
      tpu.vector_store_idx %arg5[%get3A_61], %broadcast_in_dim3A_16 {add = true} : memref<15360xf32, #tpu.memory_space<vmem>>[vector<16xi32>], vector<16xf32>,
      %get3A_62 = arith.constant 1 : i32
      %get3A_63 = arith.index_cast %add3A_27 : i32 to index
      %get3A_64 = arith.index_cast %get3A_62 : i32 to index
      %get3A_65 = arith.constant 112 : index
      %get3A_66 = tpu.vector_load %arg4[%get3A_63, %get3A_64, %get3A_65] {strides = array<i32>} : memref<79x2x128xi32, #tpu.memory_space<vmem>>, vector<16xi32>,
      tpu.vector_store_idx %arg5[%get3A_66], %broadcast_in_dim3A_16 {add = true} : memref<15360xf32, #tpu.memory_space<vmem>>[vector<16xi32>], vector<16xf32>,
    }
    %while3A_25 = arith.constant 1 : i32
    scf.for %while3A_26 = %while3A_23 to %while3A_19 step %while3A_25  : i32 {
      %add3A_27 = arith.addi %sub3A, %while3A_26 : i32
      %get3A = arith.constant 1 : i32
      %get3A_28 = arith.index_cast %add3A_27 : i32 to index
      %get3A_29 = arith.index_cast %get3A : i32 to index
      %get3A_30 = arith.constant 0 : index
      %get3A_31 = tpu.vector_load %arg4[%get3A_28, %get3A_29, %get3A_30] {strides = array<i32>} : memref<79x2x128xi32, #tpu.memory_space<vmem>>, vector<16xi32>,
      tpu.vector_store_idx %arg5[%get3A_31], %broadcast_in_dim3A_16 {add = true} : memref<15360xf32, #tpu.memory_space<vmem>>[vector<16xi32>], vector<16xf32>,
      %get3A_32 = arith.constant 1 : i32
      %get3A_33 = arith.index_cast %add3A_27 : i32 to index
      %get3A_34 = arith.index_cast %get3A_32 : i32 to index
      %get3A_35 = arith.constant 16 : index
      %get3A_36 = tpu.vector_load %arg4[%get3A_33, %get3A_34, %get3A_35] {strides = array<i32>} : memref<79x2x128xi32, #tpu.memory_space<vmem>>, vector<16xi32>,
      tpu.vector_store_idx %arg5[%get3A_36], %broadcast_in_dim3A_16 {add = true} : memref<15360xf32, #tpu.memory_space<vmem>>[vector<16xi32>], vector<16xf32>,
      %get3A_37 = arith.constant 1 : i32
      %get3A_38 = arith.index_cast %add3A_27 : i32 to index
      %get3A_39 = arith.index_cast %get3A_37 : i32 to index
      %get3A_40 = arith.constant 32 : index
      %get3A_41 = tpu.vector_load %arg4[%get3A_38, %get3A_39, %get3A_40] {strides = array<i32>} : memref<79x2x128xi32, #tpu.memory_space<vmem>>, vector<16xi32>,
      tpu.vector_store_idx %arg5[%get3A_41], %broadcast_in_dim3A_16 {add = true} : memref<15360xf32, #tpu.memory_space<vmem>>[vector<16xi32>], vector<16xf32>,
      %get3A_42 = arith.constant 1 : i32
      %get3A_43 = arith.index_cast %add3A_27 : i32 to index
      %get3A_44 = arith.index_cast %get3A_42 : i32 to index
      %get3A_45 = arith.constant 48 : index
      %get3A_46 = tpu.vector_load %arg4[%get3A_43, %get3A_44, %get3A_45] {strides = array<i32>} : memref<79x2x128xi32, #tpu.memory_space<vmem>>, vector<16xi32>,
      tpu.vector_store_idx %arg5[%get3A_46], %broadcast_in_dim3A_16 {add = true} : memref<15360xf32, #tpu.memory_space<vmem>>[vector<16xi32>], vector<16xf32>,
      %get3A_47 = arith.constant 1 : i32
      %get3A_48 = arith.index_cast %add3A_27 : i32 to index
      %get3A_49 = arith.index_cast %get3A_47 : i32 to index
      %get3A_50 = arith.constant 64 : index
      %get3A_51 = tpu.vector_load %arg4[%get3A_48, %get3A_49, %get3A_50] {strides = array<i32>} : memref<79x2x128xi32, #tpu.memory_space<vmem>>, vector<16xi32>,
      tpu.vector_store_idx %arg5[%get3A_51], %broadcast_in_dim3A_16 {add = true} : memref<15360xf32, #tpu.memory_space<vmem>>[vector<16xi32>], vector<16xf32>,
      %get3A_52 = arith.constant 1 : i32
      %get3A_53 = arith.index_cast %add3A_27 : i32 to index
      %get3A_54 = arith.index_cast %get3A_52 : i32 to index
      %get3A_55 = arith.constant 80 : index
      %get3A_56 = tpu.vector_load %arg4[%get3A_53, %get3A_54, %get3A_55] {strides = array<i32>} : memref<79x2x128xi32, #tpu.memory_space<vmem>>, vector<16xi32>,
      tpu.vector_store_idx %arg5[%get3A_56], %broadcast_in_dim3A_16 {add = true} : memref<15360xf32, #tpu.memory_space<vmem>>[vector<16xi32>], vector<16xf32>,
      %get3A_57 = arith.constant 1 : i32
      %get3A_58 = arith.index_cast %add3A_27 : i32 to index
      %get3A_59 = arith.index_cast %get3A_57 : i32 to index
      %get3A_60 = arith.constant 96 : index
      %get3A_61 = tpu.vector_load %arg4[%get3A_58, %get3A_59, %get3A_60] {strides = array<i32>} : memref<79x2x128xi32, #tpu.memory_space<vmem>>, vector<16xi32>,
      tpu.vector_store_idx %arg5[%get3A_61], %broadcast_in_dim3A_16 {add = true} : memref<15360xf32, #tpu.memory_space<vmem>>[vector<16xi32>], vector<16xf32>,
      %get3A_62 = arith.constant 1 : i32
      %get3A_63 = arith.index_cast %add3A_27 : i32 to index
      %get3A_64 = arith.index_cast %get3A_62 : i32 to index
      %get3A_65 = arith.constant 112 : index
      %get3A_66 = tpu.vector_load %arg4[%get3A_63, %get3A_64, %get3A_65] {strides = array<i32>} : memref<79x2x128xi32, #tpu.memory_space<vmem>>, vector<16xi32>,
      tpu.vector_store_idx %arg5[%get3A_66], %broadcast_in_dim3A_16 {add = true} : memref<15360xf32, #tpu.memory_space<vmem>>[vector<16xi32>], vector<16xf32>,
    }
    "tpu.region"() ({
      %run_scoped3A = tpu.sem_alloc : memref<!tpu.dma_semaphore, #tpu.memory_space<semaphore_mem>>
      %dma_start3A = arith.constant 0 : i32
      %dma_start3A_26 = tpu.memref_slice %arg3[%add3A, %dma_start3A] : memref<32x15360xf32, #tpu.memory_space<hbm>> -> memref<1x15360xf32, #tpu.memory_space<hbm>>
      %dma_start3A_27 = tpu.memref_squeeze %dma_start3A_26 : memref<1x15360xf32, #tpu.memory_space<hbm>> -> memref<15360xf32, #tpu.memory_space<hbm>>
      %dma_start3A_28 = arith.constant 0 : i32
      %dma_start3A_29 = tpu.memref_slice %arg3[%add3A, %dma_start3A_28] : memref<32x15360xf32, #tpu.memory_space<hbm>> -> memref<1x15360xf32, #tpu.memory_space<hbm>>
      %dma_start3A_30 = tpu.memref_squeeze %dma_start3A_29 : memref<1x15360xf32, #tpu.memory_space<hbm>> -> memref<15360xf32, #tpu.memory_space<hbm>>
      tpu.enqueue_dma source(%arg5 : memref<15360xf32, #tpu.memory_space<vmem>>) target(%dma_start3A_30 : memref<15360xf32, #tpu.memory_space<hbm>>) target_semaphore(%run_scoped3A : memref<!tpu.dma_semaphore, #tpu.memory_space<semaphore_mem>>)
      %dma_wait3A = arith.constant 0 : i32
      %dma_wait3A_31 = tpu.memref_slice %arg3[%add3A, %dma_wait3A] : memref<32x15360xf32, #tpu.memory_space<hbm>> -> memref<1x15360xf32, #tpu.memory_space<hbm>>
      %dma_wait3A_32 = tpu.memref_squeeze %dma_wait3A_31 : memref<1x15360xf32, #tpu.memory_space<hbm>> -> memref<15360xf32, #tpu.memory_space<hbm>>
      %dma_wait3A_33 = arith.constant 0 : i32
      %dma_wait3A_34 = tpu.memref_slice %arg3[%add3A, %dma_wait3A_33] : memref<32x15360xf32, #tpu.memory_space<hbm>> -> memref<1x15360xf32, #tpu.memory_space<hbm>>
      %dma_wait3A_35 = tpu.memref_squeeze %dma_wait3A_34 : memref<1x15360xf32, #tpu.memory_space<hbm>> -> memref<15360xf32, #tpu.memory_space<hbm>>
      tpu.wait_dma2 semaphore(%run_scoped3A : memref<!tpu.dma_semaphore, #tpu.memory_space<semaphore_mem>>) src(%arg5 : memref<15360xf32, #tpu.memory_space<vmem>>) dst(%dma_wait3A_35 : memref<15360xf32, #tpu.memory_space<hbm>>)
      tpu.yield
    }) : () -> ()
    return
  }
}

#map = affine_map<(d0, d1) -> (0, 0, 0)>
#map1 = affine_map<(d0, d1) -> (0, 0)>
#map2 = affine_map<(d0, d1) -> (0)>
module attributes {stable_mosaic.version = 14 : i64} {
  func.func @_sc_mid_body(%arg0: i32, %arg1: i32, %arg2: memref<2x15360x64xf32, #tpu.memory_space<hbm>>, %arg3: memref<15360x64xf32, #tpu.memory_space<hbm>>, %arg4: memref<15360xf32, #tpu.memory_space<hbm>>, %arg5: memref<64x16xf32, #tpu.memory_space<hbm>>, %arg6: memref<64x16xf32, #tpu.memory_space<hbm>>, %arg7: memref<15360xf32, #tpu.memory_space<hbm>>, %arg8: memref<480x64xf32, #tpu.memory_space<vmem>>, %arg9: memref<480x64xf32, #tpu.memory_space<vmem>>, %arg10: memref<480x64xf32, #tpu.memory_space<vmem>>, %arg11: memref<480xf32, #tpu.memory_space<vmem>>, %arg12: memref<480xf32, #tpu.memory_space<vmem>>, %arg13: memref<64x16xf32, #tpu.memory_space<vmem>>, %arg14: memref<64x16xf32, #tpu.memory_space<vmem>>) attributes {dimension_semantics = [#tpu.dimension_semantics<core_parallel>, #tpu.dimension_semantics<subcore_parallel>], iteration_bounds = array<i64: 2, 16>, scalar_prefetch = 0 : i64, scratch_operands = 7 : i64, tpu.core_type = #tpu.core_type<sc_vector_subcore>, window_params = [{transform_indices = #map}, {transform_indices = #map1}, {transform_indices = #map2}, {transform_indices = #map1}, {transform_indices = #map1}, {transform_indices = #map2}]} {
    %mul3A = arith.constant 2 : i32
    %mul3A_0 = arith.muli %arg1, %mul3A : i32
    %add3A = arith.addi %mul3A_0, %arg0 : i32
    %mul3A_1 = arith.constant 480 : i32
    %mul3A_2 = arith.muli %add3A, %mul3A_1 : i32
    %run_scoped3A = arith.constant 0 : i32
    "tpu.region"() ({
      %run_scoped3A_15 = tpu.sem_alloc : memref<!tpu.dma_semaphore, #tpu.memory_space<semaphore_mem>>
      %dma_start3A = arith.constant 0 : i32
      %dma_start3A_16 = tpu.memref_slice %arg2[%run_scoped3A, %mul3A_2, %dma_start3A] : memref<2x15360x64xf32, #tpu.memory_space<hbm>> -> memref<1x480x64xf32, #tpu.memory_space<hbm>>
      %dma_start3A_17 = tpu.memref_squeeze %dma_start3A_16 : memref<1x480x64xf32, #tpu.memory_space<hbm>> -> memref<480x64xf32, #tpu.memory_space<hbm>>
      %dma_start3A_18 = arith.constant 0 : i32
      %dma_start3A_19 = tpu.memref_slice %arg2[%run_scoped3A, %mul3A_2, %dma_start3A_18] : memref<2x15360x64xf32, #tpu.memory_space<hbm>> -> memref<1x480x64xf32, #tpu.memory_space<hbm>>
      %dma_start3A_20 = tpu.memref_squeeze %dma_start3A_19 : memref<1x480x64xf32, #tpu.memory_space<hbm>> -> memref<480x64xf32, #tpu.memory_space<hbm>>
      tpu.enqueue_dma source(%dma_start3A_20 : memref<480x64xf32, #tpu.memory_space<hbm>>) target(%arg8 : memref<480x64xf32, #tpu.memory_space<vmem>>) target_semaphore(%run_scoped3A_15 : memref<!tpu.dma_semaphore, #tpu.memory_space<semaphore_mem>>)
      %dma_wait3A = arith.constant 0 : i32
      %dma_wait3A_21 = tpu.memref_slice %arg2[%run_scoped3A, %mul3A_2, %dma_wait3A] : memref<2x15360x64xf32, #tpu.memory_space<hbm>> -> memref<1x480x64xf32, #tpu.memory_space<hbm>>
      %dma_wait3A_22 = tpu.memref_squeeze %dma_wait3A_21 : memref<1x480x64xf32, #tpu.memory_space<hbm>> -> memref<480x64xf32, #tpu.memory_space<hbm>>
      %dma_wait3A_23 = arith.constant 0 : i32
      %dma_wait3A_24 = tpu.memref_slice %arg2[%run_scoped3A, %mul3A_2, %dma_wait3A_23] : memref<2x15360x64xf32, #tpu.memory_space<hbm>> -> memref<1x480x64xf32, #tpu.memory_space<hbm>>
      %dma_wait3A_25 = tpu.memref_squeeze %dma_wait3A_24 : memref<1x480x64xf32, #tpu.memory_space<hbm>> -> memref<480x64xf32, #tpu.memory_space<hbm>>
      tpu.wait_dma2 semaphore(%run_scoped3A_15 : memref<!tpu.dma_semaphore, #tpu.memory_space<semaphore_mem>>) src(%dma_wait3A_25 : memref<480x64xf32, #tpu.memory_space<hbm>>) dst(%arg8 : memref<480x64xf32, #tpu.memory_space<vmem>>)
      tpu.yield
    }) : () -> ()
    %run_scoped3A_3 = arith.constant 1 : i32
    "tpu.region"() ({
      %run_scoped3A_15 = tpu.sem_alloc : memref<!tpu.dma_semaphore, #tpu.memory_space<semaphore_mem>>
      %dma_start3A = arith.constant 0 : i32
      %dma_start3A_16 = tpu.memref_slice %arg2[%run_scoped3A_3, %mul3A_2, %dma_start3A] : memref<2x15360x64xf32, #tpu.memory_space<hbm>> -> memref<1x480x64xf32, #tpu.memory_space<hbm>>
      %dma_start3A_17 = tpu.memref_squeeze %dma_start3A_16 : memref<1x480x64xf32, #tpu.memory_space<hbm>> -> memref<480x64xf32, #tpu.memory_space<hbm>>
      %dma_start3A_18 = arith.constant 0 : i32
      %dma_start3A_19 = tpu.memref_slice %arg2[%run_scoped3A_3, %mul3A_2, %dma_start3A_18] : memref<2x15360x64xf32, #tpu.memory_space<hbm>> -> memref<1x480x64xf32, #tpu.memory_space<hbm>>
      %dma_start3A_20 = tpu.memref_squeeze %dma_start3A_19 : memref<1x480x64xf32, #tpu.memory_space<hbm>> -> memref<480x64xf32, #tpu.memory_space<hbm>>
      tpu.enqueue_dma source(%dma_start3A_20 : memref<480x64xf32, #tpu.memory_space<hbm>>) target(%arg9 : memref<480x64xf32, #tpu.memory_space<vmem>>) target_semaphore(%run_scoped3A_15 : memref<!tpu.dma_semaphore, #tpu.memory_space<semaphore_mem>>)
      %dma_wait3A = arith.constant 0 : i32
      %dma_wait3A_21 = tpu.memref_slice %arg2[%run_scoped3A_3, %mul3A_2, %dma_wait3A] : memref<2x15360x64xf32, #tpu.memory_space<hbm>> -> memref<1x480x64xf32, #tpu.memory_space<hbm>>
      %dma_wait3A_22 = tpu.memref_squeeze %dma_wait3A_21 : memref<1x480x64xf32, #tpu.memory_space<hbm>> -> memref<480x64xf32, #tpu.memory_space<hbm>>
      %dma_wait3A_23 = arith.constant 0 : i32
      %dma_wait3A_24 = tpu.memref_slice %arg2[%run_scoped3A_3, %mul3A_2, %dma_wait3A_23] : memref<2x15360x64xf32, #tpu.memory_space<hbm>> -> memref<1x480x64xf32, #tpu.memory_space<hbm>>
      %dma_wait3A_25 = tpu.memref_squeeze %dma_wait3A_24 : memref<1x480x64xf32, #tpu.memory_space<hbm>> -> memref<480x64xf32, #tpu.memory_space<hbm>>
      tpu.wait_dma2 semaphore(%run_scoped3A_15 : memref<!tpu.dma_semaphore, #tpu.memory_space<semaphore_mem>>) src(%dma_wait3A_25 : memref<480x64xf32, #tpu.memory_space<hbm>>) dst(%arg9 : memref<480x64xf32, #tpu.memory_space<vmem>>)
      tpu.yield
    }) : () -> ()
    "tpu.region"() ({
      %run_scoped3A_15 = tpu.sem_alloc : memref<!tpu.dma_semaphore, #tpu.memory_space<semaphore_mem>>
      %dma_start3A = arith.constant 0 : i32
      %dma_start3A_16 = tpu.memref_slice %arg3[%mul3A_2, %dma_start3A] : memref<15360x64xf32, #tpu.memory_space<hbm>> -> memref<480x64xf32, #tpu.memory_space<hbm>>
      %dma_start3A_17 = arith.constant 0 : i32
      %dma_start3A_18 = tpu.memref_slice %arg3[%mul3A_2, %dma_start3A_17] : memref<15360x64xf32, #tpu.memory_space<hbm>> -> memref<480x64xf32, #tpu.memory_space<hbm>>
      tpu.enqueue_dma source(%dma_start3A_18 : memref<480x64xf32, #tpu.memory_space<hbm>>) target(%arg10 : memref<480x64xf32, #tpu.memory_space<vmem>>) target_semaphore(%run_scoped3A_15 : memref<!tpu.dma_semaphore, #tpu.memory_space<semaphore_mem>>)
      %dma_wait3A = arith.constant 0 : i32
      %dma_wait3A_19 = tpu.memref_slice %arg3[%mul3A_2, %dma_wait3A] : memref<15360x64xf32, #tpu.memory_space<hbm>> -> memref<480x64xf32, #tpu.memory_space<hbm>>
      %dma_wait3A_20 = arith.constant 0 : i32
      %dma_wait3A_21 = tpu.memref_slice %arg3[%mul3A_2, %dma_wait3A_20] : memref<15360x64xf32, #tpu.memory_space<hbm>> -> memref<480x64xf32, #tpu.memory_space<hbm>>
      tpu.wait_dma2 semaphore(%run_scoped3A_15 : memref<!tpu.dma_semaphore, #tpu.memory_space<semaphore_mem>>) src(%dma_wait3A_21 : memref<480x64xf32, #tpu.memory_space<hbm>>) dst(%arg10 : memref<480x64xf32, #tpu.memory_space<vmem>>)
      tpu.yield
    }) : () -> ()
    "tpu.region"() ({
      %run_scoped3A_15 = tpu.sem_alloc : memref<!tpu.dma_semaphore, #tpu.memory_space<semaphore_mem>>
      %dma_start3A = tpu.memref_slice %arg4[%mul3A_2] : memref<15360xf32, #tpu.memory_space<hbm>> -> memref<480xf32, #tpu.memory_space<hbm>>
      %dma_start3A_16 = tpu.memref_slice %arg4[%mul3A_2] : memref<15360xf32, #tpu.memory_space<hbm>> -> memref<480xf32, #tpu.memory_space<hbm>>
      tpu.enqueue_dma source(%dma_start3A_16 : memref<480xf32, #tpu.memory_space<hbm>>) target(%arg11 : memref<480xf32, #tpu.memory_space<vmem>>) target_semaphore(%run_scoped3A_15 : memref<!tpu.dma_semaphore, #tpu.memory_space<semaphore_mem>>)
      %dma_wait3A = tpu.memref_slice %arg4[%mul3A_2] : memref<15360xf32, #tpu.memory_space<hbm>> -> memref<480xf32, #tpu.memory_space<hbm>>
      %dma_wait3A_17 = tpu.memref_slice %arg4[%mul3A_2] : memref<15360xf32, #tpu.memory_space<hbm>> -> memref<480xf32, #tpu.memory_space<hbm>>
      tpu.wait_dma2 semaphore(%run_scoped3A_15 : memref<!tpu.dma_semaphore, #tpu.memory_space<semaphore_mem>>) src(%dma_wait3A_17 : memref<480xf32, #tpu.memory_space<hbm>>) dst(%arg11 : memref<480xf32, #tpu.memory_space<vmem>>)
      tpu.yield
    }) : () -> ()
    "tpu.region"() ({
      %run_scoped3A_15 = tpu.sem_alloc : memref<!tpu.dma_semaphore, #tpu.memory_space<semaphore_mem>>
      tpu.enqueue_dma source(%arg5 : memref<64x16xf32, #tpu.memory_space<hbm>>) target(%arg13 : memref<64x16xf32, #tpu.memory_space<vmem>>) target_semaphore(%run_scoped3A_15 : memref<!tpu.dma_semaphore, #tpu.memory_space<semaphore_mem>>)
      tpu.wait_dma2 semaphore(%run_scoped3A_15 : memref<!tpu.dma_semaphore, #tpu.memory_space<semaphore_mem>>) src(%arg5 : memref<64x16xf32, #tpu.memory_space<hbm>>) dst(%arg13 : memref<64x16xf32, #tpu.memory_space<vmem>>)
      tpu.yield
    }) : () -> ()
    "tpu.region"() ({
      %run_scoped3A_15 = tpu.sem_alloc : memref<!tpu.dma_semaphore, #tpu.memory_space<semaphore_mem>>
      tpu.enqueue_dma source(%arg6 : memref<64x16xf32, #tpu.memory_space<hbm>>) target(%arg14 : memref<64x16xf32, #tpu.memory_space<vmem>>) target_semaphore(%run_scoped3A_15 : memref<!tpu.dma_semaphore, #tpu.memory_space<semaphore_mem>>)
      tpu.wait_dma2 semaphore(%run_scoped3A_15 : memref<!tpu.dma_semaphore, #tpu.memory_space<semaphore_mem>>) src(%arg6 : memref<64x16xf32, #tpu.memory_space<hbm>>) dst(%arg14 : memref<64x16xf32, #tpu.memory_space<vmem>>)
      tpu.yield
    }) : () -> ()
    %iota3A = tpu.iota {dimensions = array<i32: 0>} : vector<16xi32>
    %scan3A = arith.constant 0 : i32
    %scan3A_4 = arith.constant 0 : i32
    %scan3A_5 = arith.constant 480 : i32
    %scan3A_6 = arith.addi %scan3A_4, %scan3A_5 : i32
    %scan3A_7 = arith.constant 1 : i32
    scf.for %scan3A_15 = %scan3A_4 to %scan3A_6 step %scan3A_7  : i32 {
      %get3A = arith.index_cast %scan3A_15 : i32 to index
      %get3A_16 = arith.constant 0 : index
      %get3A_17 = tpu.vector_load %arg8[%get3A, %get3A_16] {strides = array<i32>} : memref<480x64xf32, #tpu.memory_space<vmem>>, vector<16xf32>,
      %get3A_18 = arith.index_cast %scan3A_15 : i32 to index
      %get3A_19 = arith.constant 0 : index
      %get3A_20 = tpu.vector_load %arg9[%get3A_18, %get3A_19] {strides = array<i32>} : memref<480x64xf32, #tpu.memory_space<vmem>>, vector<16xf32>,
      %add3A_21 = arith.addf %get3A_17, %get3A_20 : vector<16xf32>
      %get3A_22 = arith.index_cast %scan3A_15 : i32 to index
      %get3A_23 = arith.constant 0 : index
      %get3A_24 = tpu.vector_load %arg10[%get3A_22, %get3A_23] {strides = array<i32>} : memref<480x64xf32, #tpu.memory_space<vmem>>, vector<16xf32>,
      %add3A_25 = arith.addf %add3A_21, %get3A_24 : vector<16xf32>
      %swap3A = arith.index_cast %scan3A_15 : i32 to index
      %swap3A_26 = arith.constant 0 : index
      %swap3A_27 = tpu.vector_load %arg8[%swap3A, %swap3A_26] {strides = array<i32>} : memref<480x64xf32, #tpu.memory_space<vmem>>, vector<16xf32>,
      tpu.vector_store %arg8[%swap3A, %swap3A_26], %add3A_25 {strides = array<i32>} : memref<480x64xf32, #tpu.memory_space<vmem>>, vector<16xf32>,
      %get3A_28 = arith.index_cast %scan3A_15 : i32 to index
      %get3A_29 = arith.constant 16 : index
      %get3A_30 = tpu.vector_load %arg8[%get3A_28, %get3A_29] {strides = array<i32>} : memref<480x64xf32, #tpu.memory_space<vmem>>, vector<16xf32>,
      %get3A_31 = arith.index_cast %scan3A_15 : i32 to index
      %get3A_32 = arith.constant 16 : index
      %get3A_33 = tpu.vector_load %arg9[%get3A_31, %get3A_32] {strides = array<i32>} : memref<480x64xf32, #tpu.memory_space<vmem>>, vector<16xf32>,
      %add3A_34 = arith.addf %get3A_30, %get3A_33 : vector<16xf32>
      %get3A_35 = arith.index_cast %scan3A_15 : i32 to index
      %get3A_36 = arith.constant 16 : index
      %get3A_37 = tpu.vector_load %arg10[%get3A_35, %get3A_36] {strides = array<i32>} : memref<480x64xf32, #tpu.memory_space<vmem>>, vector<16xf32>,
      %add3A_38 = arith.addf %add3A_34, %get3A_37 : vector<16xf32>
      %swap3A_39 = arith.index_cast %scan3A_15 : i32 to index
      %swap3A_40 = arith.constant 16 : index
      %swap3A_41 = tpu.vector_load %arg8[%swap3A_39, %swap3A_40] {strides = array<i32>} : memref<480x64xf32, #tpu.memory_space<vmem>>, vector<16xf32>,
      tpu.vector_store %arg8[%swap3A_39, %swap3A_40], %add3A_38 {strides = array<i32>} : memref<480x64xf32, #tpu.memory_space<vmem>>, vector<16xf32>,
      %get3A_42 = arith.index_cast %scan3A_15 : i32 to index
      %get3A_43 = arith.constant 32 : index
      %get3A_44 = tpu.vector_load %arg8[%get3A_42, %get3A_43] {strides = array<i32>} : memref<480x64xf32, #tpu.memory_space<vmem>>, vector<16xf32>,
      %get3A_45 = arith.index_cast %scan3A_15 : i32 to index
      %get3A_46 = arith.constant 32 : index
      %get3A_47 = tpu.vector_load %arg9[%get3A_45, %get3A_46] {strides = array<i32>} : memref<480x64xf32, #tpu.memory_space<vmem>>, vector<16xf32>,
      %add3A_48 = arith.addf %get3A_44, %get3A_47 : vector<16xf32>
      %get3A_49 = arith.index_cast %scan3A_15 : i32 to index
      %get3A_50 = arith.constant 32 : index
      %get3A_51 = tpu.vector_load %arg10[%get3A_49, %get3A_50] {strides = array<i32>} : memref<480x64xf32, #tpu.memory_space<vmem>>, vector<16xf32>,
      %add3A_52 = arith.addf %add3A_48, %get3A_51 : vector<16xf32>
      %swap3A_53 = arith.index_cast %scan3A_15 : i32 to index
      %swap3A_54 = arith.constant 32 : index
      %swap3A_55 = tpu.vector_load %arg8[%swap3A_53, %swap3A_54] {strides = array<i32>} : memref<480x64xf32, #tpu.memory_space<vmem>>, vector<16xf32>,
      tpu.vector_store %arg8[%swap3A_53, %swap3A_54], %add3A_52 {strides = array<i32>} : memref<480x64xf32, #tpu.memory_space<vmem>>, vector<16xf32>,
      %get3A_56 = arith.index_cast %scan3A_15 : i32 to index
      %get3A_57 = arith.constant 48 : index
      %get3A_58 = tpu.vector_load %arg8[%get3A_56, %get3A_57] {strides = array<i32>} : memref<480x64xf32, #tpu.memory_space<vmem>>, vector<16xf32>,
      %get3A_59 = arith.index_cast %scan3A_15 : i32 to index
      %get3A_60 = arith.constant 48 : index
      %get3A_61 = tpu.vector_load %arg9[%get3A_59, %get3A_60] {strides = array<i32>} : memref<480x64xf32, #tpu.memory_space<vmem>>, vector<16xf32>,
      %add3A_62 = arith.addf %get3A_58, %get3A_61 : vector<16xf32>
      %get3A_63 = arith.index_cast %scan3A_15 : i32 to index
      %get3A_64 = arith.constant 48 : index
      %get3A_65 = tpu.vector_load %arg10[%get3A_63, %get3A_64] {strides = array<i32>} : memref<480x64xf32, #tpu.memory_space<vmem>>, vector<16xf32>,
      %add3A_66 = arith.addf %add3A_62, %get3A_65 : vector<16xf32>
      %swap3A_67 = arith.index_cast %scan3A_15 : i32 to index
      %swap3A_68 = arith.constant 48 : index
      %swap3A_69 = tpu.vector_load %arg8[%swap3A_67, %swap3A_68] {strides = array<i32>} : memref<480x64xf32, #tpu.memory_space<vmem>>, vector<16xf32>,
      tpu.vector_store %arg8[%swap3A_67, %swap3A_68], %add3A_66 {strides = array<i32>} : memref<480x64xf32, #tpu.memory_space<vmem>>, vector<16xf32>,
    }
    %scan3A_8 = arith.constant 480 : i32
    %scan3A_9 = arith.constant 0 : i32
    %scan3A_10 = arith.constant 0 : i32
    %scan3A_11 = arith.constant 30 : i32
    %scan3A_12 = arith.addi %scan3A_10, %scan3A_11 : i32
    %scan3A_13 = arith.constant 1 : i32
    scf.for %scan3A_15 = %scan3A_10 to %scan3A_12 step %scan3A_13  : i32 {
      %mul3A_16 = arith.constant 16 : i32
      %mul3A_17 = arith.muli %scan3A_15, %mul3A_16 : i32
      %get3A = arith.index_cast %mul3A_17 : i32 to index
      %get3A_18 = tpu.vector_load %arg11[%get3A] {strides = array<i32>} : memref<480xf32, #tpu.memory_space<vmem>>, vector<16xf32>,
      %add3A_19 = vector.broadcast %mul3A_17 : i32 to vector<16xi32>
      %add3A_20 = arith.addi %iota3A, %add3A_19 : vector<16xi32>
      %broadcast_in_dim3A = arith.constant 0.000000e+00 : f32
      %broadcast_in_dim3A_21 = vector.broadcast %broadcast_in_dim3A : f32 to vector<16xf32>
      %broadcast_in_dim3A_22 = arith.constant 0.000000e+00 : f32
      %broadcast_in_dim3A_23 = vector.broadcast %broadcast_in_dim3A_22 : f32 to vector<16xf32>
      %broadcast_in_dim3A_24 = arith.constant 0.000000e+00 : f32
      %broadcast_in_dim3A_25 = vector.broadcast %broadcast_in_dim3A_24 : f32 to vector<16xf32>
      %broadcast_in_dim3A_26 = arith.constant 0.000000e+00 : f32
      %broadcast_in_dim3A_27 = vector.broadcast %broadcast_in_dim3A_26 : f32 to vector<16xf32>
      %broadcast_in_dim3A_28 = arith.constant 0 : i32
      %broadcast_in_dim3A_29 = vector.broadcast %broadcast_in_dim3A_28 : i32 to vector<16xi32>
      %gather3A = tpu.vector_load_idx %arg8[%add3A_20, %broadcast_in_dim3A_29] : memref<480x64xf32, #tpu.memory_space<vmem>>[vector<16xi32>, vector<16xi32>], vector<16xf32>,
      %mul3A_30 = arith.mulf %gather3A, %get3A_18 : vector<16xf32>
      %get3A_31 = arith.constant 0 : i32
      %get3A_32 = arith.index_cast %get3A_31 : i32 to index
      %get3A_33 = arith.constant 0 : index
      %get3A_34 = tpu.vector_load %arg13[%get3A_32, %get3A_33] {strides = array<i32>} : memref<64x16xf32, #tpu.memory_space<vmem>>, vector<16xf32>,
      %add3A_35 = arith.addf %mul3A_30, %get3A_34 : vector<16xf32>
      %max3A = arith.constant 0.000000e+00 : f32
      %max3A_36 = vector.broadcast %max3A : f32 to vector<16xf32>
      %max3A_37 = arith.maximumf %add3A_35, %max3A_36 : vector<16xf32>
      %get3A_38 = arith.constant 0 : i32
      %get3A_39 = arith.index_cast %get3A_38 : i32 to index
      %get3A_40 = arith.constant 0 : index
      %get3A_41 = tpu.vector_load %arg14[%get3A_39, %get3A_40] {strides = array<i32>} : memref<64x16xf32, #tpu.memory_space<vmem>>, vector<16xf32>,
      %mul3A_42 = arith.mulf %max3A_37, %get3A_41 : vector<16xf32>
      %add3A_43 = arith.addf %broadcast_in_dim3A_21, %mul3A_42 : vector<16xf32>
      %broadcast_in_dim3A_44 = arith.constant 1 : i32
      %broadcast_in_dim3A_45 = vector.broadcast %broadcast_in_dim3A_44 : i32 to vector<16xi32>
      %gather3A_46 = tpu.vector_load_idx %arg8[%add3A_20, %broadcast_in_dim3A_45] : memref<480x64xf32, #tpu.memory_space<vmem>>[vector<16xi32>, vector<16xi32>], vector<16xf32>,
      %mul3A_47 = arith.mulf %gather3A_46, %get3A_18 : vector<16xf32>
      %get3A_48 = arith.constant 1 : i32
      %get3A_49 = arith.index_cast %get3A_48 : i32 to index
      %get3A_50 = arith.constant 0 : index
      %get3A_51 = tpu.vector_load %arg13[%get3A_49, %get3A_50] {strides = array<i32>} : memref<64x16xf32, #tpu.memory_space<vmem>>, vector<16xf32>,
      %add3A_52 = arith.addf %mul3A_47, %get3A_51 : vector<16xf32>
      %max3A_53 = arith.constant 0.000000e+00 : f32
      %max3A_54 = vector.broadcast %max3A_53 : f32 to vector<16xf32>
      %max3A_55 = arith.maximumf %add3A_52, %max3A_54 : vector<16xf32>
      %get3A_56 = arith.constant 1 : i32
      %get3A_57 = arith.index_cast %get3A_56 : i32 to index
      %get3A_58 = arith.constant 0 : index
      %get3A_59 = tpu.vector_load %arg14[%get3A_57, %get3A_58] {strides = array<i32>} : memref<64x16xf32, #tpu.memory_space<vmem>>, vector<16xf32>,
      %mul3A_60 = arith.mulf %max3A_55, %get3A_59 : vector<16xf32>
      %add3A_61 = arith.addf %broadcast_in_dim3A_23, %mul3A_60 : vector<16xf32>
      %broadcast_in_dim3A_62 = arith.constant 2 : i32
      %broadcast_in_dim3A_63 = vector.broadcast %broadcast_in_dim3A_62 : i32 to vector<16xi32>
      %gather3A_64 = tpu.vector_load_idx %arg8[%add3A_20, %broadcast_in_dim3A_63] : memref<480x64xf32, #tpu.memory_space<vmem>>[vector<16xi32>, vector<16xi32>], vector<16xf32>,
      %mul3A_65 = arith.mulf %gather3A_64, %get3A_18 : vector<16xf32>
      %get3A_66 = arith.constant 2 : i32
      %get3A_67 = arith.index_cast %get3A_66 : i32 to index
      %get3A_68 = arith.constant 0 : index
      %get3A_69 = tpu.vector_load %arg13[%get3A_67, %get3A_68] {strides = array<i32>} : memref<64x16xf32, #tpu.memory_space<vmem>>, vector<16xf32>,
      %add3A_70 = arith.addf %mul3A_65, %get3A_69 : vector<16xf32>
      %max3A_71 = arith.constant 0.000000e+00 : f32
      %max3A_72 = vector.broadcast %max3A_71 : f32 to vector<16xf32>
      %max3A_73 = arith.maximumf %add3A_70, %max3A_72 : vector<16xf32>
      %get3A_74 = arith.constant 2 : i32
      %get3A_75 = arith.index_cast %get3A_74 : i32 to index
      %get3A_76 = arith.constant 0 : index
      %get3A_77 = tpu.vector_load %arg14[%get3A_75, %get3A_76] {strides = array<i32>} : memref<64x16xf32, #tpu.memory_space<vmem>>, vector<16xf32>,
      %mul3A_78 = arith.mulf %max3A_73, %get3A_77 : vector<16xf32>
      %add3A_79 = arith.addf %broadcast_in_dim3A_25, %mul3A_78 : vector<16xf32>
      %broadcast_in_dim3A_80 = arith.constant 3 : i32
      %broadcast_in_dim3A_81 = vector.broadcast %broadcast_in_dim3A_80 : i32 to vector<16xi32>
      %gather3A_82 = tpu.vector_load_idx %arg8[%add3A_20, %broadcast_in_dim3A_81] : memref<480x64xf32, #tpu.memory_space<vmem>>[vector<16xi32>, vector<16xi32>], vector<16xf32>,
      %mul3A_83 = arith.mulf %gather3A_82, %get3A_18 : vector<16xf32>
      %get3A_84 = arith.constant 3 : i32
      %get3A_85 = arith.index_cast %get3A_84 : i32 to index
      %get3A_86 = arith.constant 0 : index
      %get3A_87 = tpu.vector_load %arg13[%get3A_85, %get3A_86] {strides = array<i32>} : memref<64x16xf32, #tpu.memory_space<vmem>>, vector<16xf32>,
      %add3A_88 = arith.addf %mul3A_83, %get3A_87 : vector<16xf32>
      %max3A_89 = arith.constant 0.000000e+00 : f32
      %max3A_90 = vector.broadcast %max3A_89 : f32 to vector<16xf32>
      %max3A_91 = arith.maximumf %add3A_88, %max3A_90 : vector<16xf32>
      %get3A_92 = arith.constant 3 : i32
      %get3A_93 = arith.index_cast %get3A_92 : i32 to index
      %get3A_94 = arith.constant 0 : index
      %get3A_95 = tpu.vector_load %arg14[%get3A_93, %get3A_94] {strides = array<i32>} : memref<64x16xf32, #tpu.memory_space<vmem>>, vector<16xf32>,
      %mul3A_96 = arith.mulf %max3A_91, %get3A_95 : vector<16xf32>
      %add3A_97 = arith.addf %broadcast_in_dim3A_27, %mul3A_96 : vector<16xf32>
      %broadcast_in_dim3A_98 = arith.constant 4 : i32
      %broadcast_in_dim3A_99 = vector.broadcast %broadcast_in_dim3A_98 : i32 to vector<16xi32>
      %gather3A_100 = tpu.vector_load_idx %arg8[%add3A_20, %broadcast_in_dim3A_99] : memref<480x64xf32, #tpu.memory_space<vmem>>[vector<16xi32>, vector<16xi32>], vector<16xf32>,
      %mul3A_101 = arith.mulf %gather3A_100, %get3A_18 : vector<16xf32>
      %get3A_102 = arith.constant 4 : i32
      %get3A_103 = arith.index_cast %get3A_102 : i32 to index
      %get3A_104 = arith.constant 0 : index
      %get3A_105 = tpu.vector_load %arg13[%get3A_103, %get3A_104] {strides = array<i32>} : memref<64x16xf32, #tpu.memory_space<vmem>>, vector<16xf32>,
      %add3A_106 = arith.addf %mul3A_101, %get3A_105 : vector<16xf32>
      %max3A_107 = arith.constant 0.000000e+00 : f32
      %max3A_108 = vector.broadcast %max3A_107 : f32 to vector<16xf32>
      %max3A_109 = arith.maximumf %add3A_106, %max3A_108 : vector<16xf32>
      %get3A_110 = arith.constant 4 : i32
      %get3A_111 = arith.index_cast %get3A_110 : i32 to index
      %get3A_112 = arith.constant 0 : index
      %get3A_113 = tpu.vector_load %arg14[%get3A_111, %get3A_112] {strides = array<i32>} : memref<64x16xf32, #tpu.memory_space<vmem>>, vector<16xf32>,
      %mul3A_114 = arith.mulf %max3A_109, %get3A_113 : vector<16xf32>
      %add3A_115 = arith.addf %add3A_43, %mul3A_114 : vector<16xf32>
      %broadcast_in_dim3A_116 = arith.constant 5 : i32
      %broadcast_in_dim3A_117 = vector.broadcast %broadcast_in_dim3A_116 : i32 to vector<16xi32>
      %gather3A_118 = tpu.vector_load_idx %arg8[%add3A_20, %broadcast_in_dim3A_117] : memref<480x64xf32, #tpu.memory_space<vmem>>[vector<16xi32>, vector<16xi32>], vector<16xf32>,
      %mul3A_119 = arith.mulf %gather3A_118, %get3A_18 : vector<16xf32>
      %get3A_120 = arith.constant 5 : i32
      %get3A_121 = arith.index_cast %get3A_120 : i32 to index
      %get3A_122 = arith.constant 0 : index
      %get3A_123 = tpu.vector_load %arg13[%get3A_121, %get3A_122] {strides = array<i32>} : memref<64x16xf32, #tpu.memory_space<vmem>>, vector<16xf32>,
      %add3A_124 = arith.addf %mul3A_119, %get3A_123 : vector<16xf32>
      %max3A_125 = arith.constant 0.000000e+00 : f32
      %max3A_126 = vector.broadcast %max3A_125 : f32 to vector<16xf32>
      %max3A_127 = arith.maximumf %add3A_124, %max3A_126 : vector<16xf32>
      %get3A_128 = arith.constant 5 : i32
      %get3A_129 = arith.index_cast %get3A_128 : i32 to index
      %get3A_130 = arith.constant 0 : index
      %get3A_131 = tpu.vector_load %arg14[%get3A_129, %get3A_130] {strides = array<i32>} : memref<64x16xf32, #tpu.memory_space<vmem>>, vector<16xf32>,
      %mul3A_132 = arith.mulf %max3A_127, %get3A_131 : vector<16xf32>
      %add3A_133 = arith.addf %add3A_61, %mul3A_132 : vector<16xf32>
      %broadcast_in_dim3A_134 = arith.constant 6 : i32
      %broadcast_in_dim3A_135 = vector.broadcast %broadcast_in_dim3A_134 : i32 to vector<16xi32>
      %gather3A_136 = tpu.vector_load_idx %arg8[%add3A_20, %broadcast_in_dim3A_135] : memref<480x64xf32, #tpu.memory_space<vmem>>[vector<16xi32>, vector<16xi32>], vector<16xf32>,
      %mul3A_137 = arith.mulf %gather3A_136, %get3A_18 : vector<16xf32>
      %get3A_138 = arith.constant 6 : i32
      %get3A_139 = arith.index_cast %get3A_138 : i32 to index
      %get3A_140 = arith.constant 0 : index
      %get3A_141 = tpu.vector_load %arg13[%get3A_139, %get3A_140] {strides = array<i32>} : memref<64x16xf32, #tpu.memory_space<vmem>>, vector<16xf32>,
      %add3A_142 = arith.addf %mul3A_137, %get3A_141 : vector<16xf32>
      %max3A_143 = arith.constant 0.000000e+00 : f32
      %max3A_144 = vector.broadcast %max3A_143 : f32 to vector<16xf32>
      %max3A_145 = arith.maximumf %add3A_142, %max3A_144 : vector<16xf32>
      %get3A_146 = arith.constant 6 : i32
      %get3A_147 = arith.index_cast %get3A_146 : i32 to index
      %get3A_148 = arith.constant 0 : index
      %get3A_149 = tpu.vector_load %arg14[%get3A_147, %get3A_148] {strides = array<i32>} : memref<64x16xf32, #tpu.memory_space<vmem>>, vector<16xf32>,
      %mul3A_150 = arith.mulf %max3A_145, %get3A_149 : vector<16xf32>
      %add3A_151 = arith.addf %add3A_79, %mul3A_150 : vector<16xf32>
      %broadcast_in_dim3A_152 = arith.constant 7 : i32
      %broadcast_in_dim3A_153 = vector.broadcast %broadcast_in_dim3A_152 : i32 to vector<16xi32>
      %gather3A_154 = tpu.vector_load_idx %arg8[%add3A_20, %broadcast_in_dim3A_153] : memref<480x64xf32, #tpu.memory_space<vmem>>[vector<16xi32>, vector<16xi32>], vector<16xf32>,
      %mul3A_155 = arith.mulf %gather3A_154, %get3A_18 : vector<16xf32>
      %get3A_156 = arith.constant 7 : i32
      %get3A_157 = arith.index_cast %get3A_156 : i32 to index
      %get3A_158 = arith.constant 0 : index
      %get3A_159 = tpu.vector_load %arg13[%get3A_157, %get3A_158] {strides = array<i32>} : memref<64x16xf32, #tpu.memory_space<vmem>>, vector<16xf32>,
      %add3A_160 = arith.addf %mul3A_155, %get3A_159 : vector<16xf32>
      %max3A_161 = arith.constant 0.000000e+00 : f32
      %max3A_162 = vector.broadcast %max3A_161 : f32 to vector<16xf32>
      %max3A_163 = arith.maximumf %add3A_160, %max3A_162 : vector<16xf32>
      %get3A_164 = arith.constant 7 : i32
      %get3A_165 = arith.index_cast %get3A_164 : i32 to index
      %get3A_166 = arith.constant 0 : index
      %get3A_167 = tpu.vector_load %arg14[%get3A_165, %get3A_166] {strides = array<i32>} : memref<64x16xf32, #tpu.memory_space<vmem>>, vector<16xf32>,
      %mul3A_168 = arith.mulf %max3A_163, %get3A_167 : vector<16xf32>
      %add3A_169 = arith.addf %add3A_97, %mul3A_168 : vector<16xf32>
      %broadcast_in_dim3A_170 = arith.constant 8 : i32
      %broadcast_in_dim3A_171 = vector.broadcast %broadcast_in_dim3A_170 : i32 to vector<16xi32>
      %gather3A_172 = tpu.vector_load_idx %arg8[%add3A_20, %broadcast_in_dim3A_171] : memref<480x64xf32, #tpu.memory_space<vmem>>[vector<16xi32>, vector<16xi32>], vector<16xf32>,
      %mul3A_173 = arith.mulf %gather3A_172, %get3A_18 : vector<16xf32>
      %get3A_174 = arith.constant 8 : i32
      %get3A_175 = arith.index_cast %get3A_174 : i32 to index
      %get3A_176 = arith.constant 0 : index
      %get3A_177 = tpu.vector_load %arg13[%get3A_175, %get3A_176] {strides = array<i32>} : memref<64x16xf32, #tpu.memory_space<vmem>>, vector<16xf32>,
      %add3A_178 = arith.addf %mul3A_173, %get3A_177 : vector<16xf32>
      %max3A_179 = arith.constant 0.000000e+00 : f32
      %max3A_180 = vector.broadcast %max3A_179 : f32 to vector<16xf32>
      %max3A_181 = arith.maximumf %add3A_178, %max3A_180 : vector<16xf32>
      %get3A_182 = arith.constant 8 : i32
      %get3A_183 = arith.index_cast %get3A_182 : i32 to index
      %get3A_184 = arith.constant 0 : index
      %get3A_185 = tpu.vector_load %arg14[%get3A_183, %get3A_184] {strides = array<i32>} : memref<64x16xf32, #tpu.memory_space<vmem>>, vector<16xf32>,
      %mul3A_186 = arith.mulf %max3A_181, %get3A_185 : vector<16xf32>
      %add3A_187 = arith.addf %add3A_115, %mul3A_186 : vector<16xf32>
      %broadcast_in_dim3A_188 = arith.constant 9 : i32
      %broadcast_in_dim3A_189 = vector.broadcast %broadcast_in_dim3A_188 : i32 to vector<16xi32>
      %gather3A_190 = tpu.vector_load_idx %arg8[%add3A_20, %broadcast_in_dim3A_189] : memref<480x64xf32, #tpu.memory_space<vmem>>[vector<16xi32>, vector<16xi32>], vector<16xf32>,
      %mul3A_191 = arith.mulf %gather3A_190, %get3A_18 : vector<16xf32>
      %get3A_192 = arith.constant 9 : i32
      %get3A_193 = arith.index_cast %get3A_192 : i32 to index
      %get3A_194 = arith.constant 0 : index
      %get3A_195 = tpu.vector_load %arg13[%get3A_193, %get3A_194] {strides = array<i32>} : memref<64x16xf32, #tpu.memory_space<vmem>>, vector<16xf32>,
      %add3A_196 = arith.addf %mul3A_191, %get3A_195 : vector<16xf32>
      %max3A_197 = arith.constant 0.000000e+00 : f32
      %max3A_198 = vector.broadcast %max3A_197 : f32 to vector<16xf32>
      %max3A_199 = arith.maximumf %add3A_196, %max3A_198 : vector<16xf32>
      %get3A_200 = arith.constant 9 : i32
      %get3A_201 = arith.index_cast %get3A_200 : i32 to index
      %get3A_202 = arith.constant 0 : index
      %get3A_203 = tpu.vector_load %arg14[%get3A_201, %get3A_202] {strides = array<i32>} : memref<64x16xf32, #tpu.memory_space<vmem>>, vector<16xf32>,
      %mul3A_204 = arith.mulf %max3A_199, %get3A_203 : vector<16xf32>
      %add3A_205 = arith.addf %add3A_133, %mul3A_204 : vector<16xf32>
      %broadcast_in_dim3A_206 = arith.constant 10 : i32
      %broadcast_in_dim3A_207 = vector.broadcast %broadcast_in_dim3A_206 : i32 to vector<16xi32>
      %gather3A_208 = tpu.vector_load_idx %arg8[%add3A_20, %broadcast_in_dim3A_207] : memref<480x64xf32, #tpu.memory_space<vmem>>[vector<16xi32>, vector<16xi32>], vector<16xf32>,
      %mul3A_209 = arith.mulf %gather3A_208, %get3A_18 : vector<16xf32>
      %get3A_210 = arith.constant 10 : i32
      %get3A_211 = arith.index_cast %get3A_210 : i32 to index
      %get3A_212 = arith.constant 0 : index
      %get3A_213 = tpu.vector_load %arg13[%get3A_211, %get3A_212] {strides = array<i32>} : memref<64x16xf32, #tpu.memory_space<vmem>>, vector<16xf32>,
      %add3A_214 = arith.addf %mul3A_209, %get3A_213 : vector<16xf32>
      %max3A_215 = arith.constant 0.000000e+00 : f32
      %max3A_216 = vector.broadcast %max3A_215 : f32 to vector<16xf32>
      %max3A_217 = arith.maximumf %add3A_214, %max3A_216 : vector<16xf32>
      %get3A_218 = arith.constant 10 : i32
      %get3A_219 = arith.index_cast %get3A_218 : i32 to index
      %get3A_220 = arith.constant 0 : index
      %get3A_221 = tpu.vector_load %arg14[%get3A_219, %get3A_220] {strides = array<i32>} : memref<64x16xf32, #tpu.memory_space<vmem>>, vector<16xf32>,
      %mul3A_222 = arith.mulf %max3A_217, %get3A_221 : vector<16xf32>
      %add3A_223 = arith.addf %add3A_151, %mul3A_222 : vector<16xf32>
      %broadcast_in_dim3A_224 = arith.constant 11 : i32
      %broadcast_in_dim3A_225 = vector.broadcast %broadcast_in_dim3A_224 : i32 to vector<16xi32>
      %gather3A_226 = tpu.vector_load_idx %arg8[%add3A_20, %broadcast_in_dim3A_225] : memref<480x64xf32, #tpu.memory_space<vmem>>[vector<16xi32>, vector<16xi32>], vector<16xf32>,
      %mul3A_227 = arith.mulf %gather3A_226, %get3A_18 : vector<16xf32>
      %get3A_228 = arith.constant 11 : i32
      %get3A_229 = arith.index_cast %get3A_228 : i32 to index
      %get3A_230 = arith.constant 0 : index
      %get3A_231 = tpu.vector_load %arg13[%get3A_229, %get3A_230] {strides = array<i32>} : memref<64x16xf32, #tpu.memory_space<vmem>>, vector<16xf32>,
      %add3A_232 = arith.addf %mul3A_227, %get3A_231 : vector<16xf32>
      %max3A_233 = arith.constant 0.000000e+00 : f32
      %max3A_234 = vector.broadcast %max3A_233 : f32 to vector<16xf32>
      %max3A_235 = arith.maximumf %add3A_232, %max3A_234 : vector<16xf32>
      %get3A_236 = arith.constant 11 : i32
      %get3A_237 = arith.index_cast %get3A_236 : i32 to index
      %get3A_238 = arith.constant 0 : index
      %get3A_239 = tpu.vector_load %arg14[%get3A_237, %get3A_238] {strides = array<i32>} : memref<64x16xf32, #tpu.memory_space<vmem>>, vector<16xf32>,
      %mul3A_240 = arith.mulf %max3A_235, %get3A_239 : vector<16xf32>
      %add3A_241 = arith.addf %add3A_169, %mul3A_240 : vector<16xf32>
      %broadcast_in_dim3A_242 = arith.constant 12 : i32
      %broadcast_in_dim3A_243 = vector.broadcast %broadcast_in_dim3A_242 : i32 to vector<16xi32>
      %gather3A_244 = tpu.vector_load_idx %arg8[%add3A_20, %broadcast_in_dim3A_243] : memref<480x64xf32, #tpu.memory_space<vmem>>[vector<16xi32>, vector<16xi32>], vector<16xf32>,
      %mul3A_245 = arith.mulf %gather3A_244, %get3A_18 : vector<16xf32>
      %get3A_246 = arith.constant 12 : i32
      %get3A_247 = arith.index_cast %get3A_246 : i32 to index
      %get3A_248 = arith.constant 0 : index
      %get3A_249 = tpu.vector_load %arg13[%get3A_247, %get3A_248] {strides = array<i32>} : memref<64x16xf32, #tpu.memory_space<vmem>>, vector<16xf32>,
      %add3A_250 = arith.addf %mul3A_245, %get3A_249 : vector<16xf32>
      %max3A_251 = arith.constant 0.000000e+00 : f32
      %max3A_252 = vector.broadcast %max3A_251 : f32 to vector<16xf32>
      %max3A_253 = arith.maximumf %add3A_250, %max3A_252 : vector<16xf32>
      %get3A_254 = arith.constant 12 : i32
      %get3A_255 = arith.index_cast %get3A_254 : i32 to index
      %get3A_256 = arith.constant 0 : index
      %get3A_257 = tpu.vector_load %arg14[%get3A_255, %get3A_256] {strides = array<i32>} : memref<64x16xf32, #tpu.memory_space<vmem>>, vector<16xf32>,
      %mul3A_258 = arith.mulf %max3A_253, %get3A_257 : vector<16xf32>
      %add3A_259 = arith.addf %add3A_187, %mul3A_258 : vector<16xf32>
      %broadcast_in_dim3A_260 = arith.constant 13 : i32
      %broadcast_in_dim3A_261 = vector.broadcast %broadcast_in_dim3A_260 : i32 to vector<16xi32>
      %gather3A_262 = tpu.vector_load_idx %arg8[%add3A_20, %broadcast_in_dim3A_261] : memref<480x64xf32, #tpu.memory_space<vmem>>[vector<16xi32>, vector<16xi32>], vector<16xf32>,
      %mul3A_263 = arith.mulf %gather3A_262, %get3A_18 : vector<16xf32>
      %get3A_264 = arith.constant 13 : i32
      %get3A_265 = arith.index_cast %get3A_264 : i32 to index
      %get3A_266 = arith.constant 0 : index
      %get3A_267 = tpu.vector_load %arg13[%get3A_265, %get3A_266] {strides = array<i32>} : memref<64x16xf32, #tpu.memory_space<vmem>>, vector<16xf32>,
      %add3A_268 = arith.addf %mul3A_263, %get3A_267 : vector<16xf32>
      %max3A_269 = arith.constant 0.000000e+00 : f32
      %max3A_270 = vector.broadcast %max3A_269 : f32 to vector<16xf32>
      %max3A_271 = arith.maximumf %add3A_268, %max3A_270 : vector<16xf32>
      %get3A_272 = arith.constant 13 : i32
      %get3A_273 = arith.index_cast %get3A_272 : i32 to index
      %get3A_274 = arith.constant 0 : index
      %get3A_275 = tpu.vector_load %arg14[%get3A_273, %get3A_274] {strides = array<i32>} : memref<64x16xf32, #tpu.memory_space<vmem>>, vector<16xf32>,
      %mul3A_276 = arith.mulf %max3A_271, %get3A_275 : vector<16xf32>
      %add3A_277 = arith.addf %add3A_205, %mul3A_276 : vector<16xf32>
      %broadcast_in_dim3A_278 = arith.constant 14 : i32
      %broadcast_in_dim3A_279 = vector.broadcast %broadcast_in_dim3A_278 : i32 to vector<16xi32>
      %gather3A_280 = tpu.vector_load_idx %arg8[%add3A_20, %broadcast_in_dim3A_279] : memref<480x64xf32, #tpu.memory_space<vmem>>[vector<16xi32>, vector<16xi32>], vector<16xf32>,
      %mul3A_281 = arith.mulf %gather3A_280, %get3A_18 : vector<16xf32>
      %get3A_282 = arith.constant 14 : i32
      %get3A_283 = arith.index_cast %get3A_282 : i32 to index
      %get3A_284 = arith.constant 0 : index
      %get3A_285 = tpu.vector_load %arg13[%get3A_283, %get3A_284] {strides = array<i32>} : memref<64x16xf32, #tpu.memory_space<vmem>>, vector<16xf32>,
      %add3A_286 = arith.addf %mul3A_281, %get3A_285 : vector<16xf32>
      %max3A_287 = arith.constant 0.000000e+00 : f32
      %max3A_288 = vector.broadcast %max3A_287 : f32 to vector<16xf32>
      %max3A_289 = arith.maximumf %add3A_286, %max3A_288 : vector<16xf32>
      %get3A_290 = arith.constant 14 : i32
      %get3A_291 = arith.index_cast %get3A_290 : i32 to index
      %get3A_292 = arith.constant 0 : index
      %get3A_293 = tpu.vector_load %arg14[%get3A_291, %get3A_292] {strides = array<i32>} : memref<64x16xf32, #tpu.memory_space<vmem>>, vector<16xf32>,
      %mul3A_294 = arith.mulf %max3A_289, %get3A_293 : vector<16xf32>
      %add3A_295 = arith.addf %add3A_223, %mul3A_294 : vector<16xf32>
      %broadcast_in_dim3A_296 = arith.constant 15 : i32
      %broadcast_in_dim3A_297 = vector.broadcast %broadcast_in_dim3A_296 : i32 to vector<16xi32>
      %gather3A_298 = tpu.vector_load_idx %arg8[%add3A_20, %broadcast_in_dim3A_297] : memref<480x64xf32, #tpu.memory_space<vmem>>[vector<16xi32>, vector<16xi32>], vector<16xf32>,
      %mul3A_299 = arith.mulf %gather3A_298, %get3A_18 : vector<16xf32>
      %get3A_300 = arith.constant 15 : i32
      %get3A_301 = arith.index_cast %get3A_300 : i32 to index
      %get3A_302 = arith.constant 0 : index
      %get3A_303 = tpu.vector_load %arg13[%get3A_301, %get3A_302] {strides = array<i32>} : memref<64x16xf32, #tpu.memory_space<vmem>>, vector<16xf32>,
      %add3A_304 = arith.addf %mul3A_299, %get3A_303 : vector<16xf32>
      %max3A_305 = arith.constant 0.000000e+00 : f32
      %max3A_306 = vector.broadcast %max3A_305 : f32 to vector<16xf32>
      %max3A_307 = arith.maximumf %add3A_304, %max3A_306 : vector<16xf32>
      %get3A_308 = arith.constant 15 : i32
      %get3A_309 = arith.index_cast %get3A_308 : i32 to index
      %get3A_310 = arith.constant 0 : index
      %get3A_311 = tpu.vector_load %arg14[%get3A_309, %get3A_310] {strides = array<i32>} : memref<64x16xf32, #tpu.memory_space<vmem>>, vector<16xf32>,
      %mul3A_312 = arith.mulf %max3A_307, %get3A_311 : vector<16xf32>
      %add3A_313 = arith.addf %add3A_241, %mul3A_312 : vector<16xf32>
      %broadcast_in_dim3A_314 = arith.constant 16 : i32
      %broadcast_in_dim3A_315 = vector.broadcast %broadcast_in_dim3A_314 : i32 to vector<16xi32>
      %gather3A_316 = tpu.vector_load_idx %arg8[%add3A_20, %broadcast_in_dim3A_315] : memref<480x64xf32, #tpu.memory_space<vmem>>[vector<16xi32>, vector<16xi32>], vector<16xf32>,
      %mul3A_317 = arith.mulf %gather3A_316, %get3A_18 : vector<16xf32>
      %get3A_318 = arith.constant 16 : i32
      %get3A_319 = arith.index_cast %get3A_318 : i32 to index
      %get3A_320 = arith.constant 0 : index
      %get3A_321 = tpu.vector_load %arg13[%get3A_319, %get3A_320] {strides = array<i32>} : memref<64x16xf32, #tpu.memory_space<vmem>>, vector<16xf32>,
      %add3A_322 = arith.addf %mul3A_317, %get3A_321 : vector<16xf32>
      %max3A_323 = arith.constant 0.000000e+00 : f32
      %max3A_324 = vector.broadcast %max3A_323 : f32 to vector<16xf32>
      %max3A_325 = arith.maximumf %add3A_322, %max3A_324 : vector<16xf32>
      %get3A_326 = arith.constant 16 : i32
      %get3A_327 = arith.index_cast %get3A_326 : i32 to index
      %get3A_328 = arith.constant 0 : index
      %get3A_329 = tpu.vector_load %arg14[%get3A_327, %get3A_328] {strides = array<i32>} : memref<64x16xf32, #tpu.memory_space<vmem>>, vector<16xf32>,
      %mul3A_330 = arith.mulf %max3A_325, %get3A_329 : vector<16xf32>
      %add3A_331 = arith.addf %add3A_259, %mul3A_330 : vector<16xf32>
      %broadcast_in_dim3A_332 = arith.constant 17 : i32
      %broadcast_in_dim3A_333 = vector.broadcast %broadcast_in_dim3A_332 : i32 to vector<16xi32>
      %gather3A_334 = tpu.vector_load_idx %arg8[%add3A_20, %broadcast_in_dim3A_333] : memref<480x64xf32, #tpu.memory_space<vmem>>[vector<16xi32>, vector<16xi32>], vector<16xf32>,
      %mul3A_335 = arith.mulf %gather3A_334, %get3A_18 : vector<16xf32>
      %get3A_336 = arith.constant 17 : i32
      %get3A_337 = arith.index_cast %get3A_336 : i32 to index
      %get3A_338 = arith.constant 0 : index
      %get3A_339 = tpu.vector_load %arg13[%get3A_337, %get3A_338] {strides = array<i32>} : memref<64x16xf32, #tpu.memory_space<vmem>>, vector<16xf32>,
      %add3A_340 = arith.addf %mul3A_335, %get3A_339 : vector<16xf32>
      %max3A_341 = arith.constant 0.000000e+00 : f32
      %max3A_342 = vector.broadcast %max3A_341 : f32 to vector<16xf32>
      %max3A_343 = arith.maximumf %add3A_340, %max3A_342 : vector<16xf32>
      %get3A_344 = arith.constant 17 : i32
      %get3A_345 = arith.index_cast %get3A_344 : i32 to index
      %get3A_346 = arith.constant 0 : index
      %get3A_347 = tpu.vector_load %arg14[%get3A_345, %get3A_346] {strides = array<i32>} : memref<64x16xf32, #tpu.memory_space<vmem>>, vector<16xf32>,
      %mul3A_348 = arith.mulf %max3A_343, %get3A_347 : vector<16xf32>
      %add3A_349 = arith.addf %add3A_277, %mul3A_348 : vector<16xf32>
      %broadcast_in_dim3A_350 = arith.constant 18 : i32
      %broadcast_in_dim3A_351 = vector.broadcast %broadcast_in_dim3A_350 : i32 to vector<16xi32>
      %gather3A_352 = tpu.vector_load_idx %arg8[%add3A_20, %broadcast_in_dim3A_351] : memref<480x64xf32, #tpu.memory_space<vmem>>[vector<16xi32>, vector<16xi32>], vector<16xf32>,
      %mul3A_353 = arith.mulf %gather3A_352, %get3A_18 : vector<16xf32>
      %get3A_354 = arith.constant 18 : i32
      %get3A_355 = arith.index_cast %get3A_354 : i32 to index
      %get3A_356 = arith.constant 0 : index
      %get3A_357 = tpu.vector_load %arg13[%get3A_355, %get3A_356] {strides = array<i32>} : memref<64x16xf32, #tpu.memory_space<vmem>>, vector<16xf32>,
      %add3A_358 = arith.addf %mul3A_353, %get3A_357 : vector<16xf32>
      %max3A_359 = arith.constant 0.000000e+00 : f32
      %max3A_360 = vector.broadcast %max3A_359 : f32 to vector<16xf32>
      %max3A_361 = arith.maximumf %add3A_358, %max3A_360 : vector<16xf32>
      %get3A_362 = arith.constant 18 : i32
      %get3A_363 = arith.index_cast %get3A_362 : i32 to index
      %get3A_364 = arith.constant 0 : index
      %get3A_365 = tpu.vector_load %arg14[%get3A_363, %get3A_364] {strides = array<i32>} : memref<64x16xf32, #tpu.memory_space<vmem>>, vector<16xf32>,
      %mul3A_366 = arith.mulf %max3A_361, %get3A_365 : vector<16xf32>
      %add3A_367 = arith.addf %add3A_295, %mul3A_366 : vector<16xf32>
      %broadcast_in_dim3A_368 = arith.constant 19 : i32
      %broadcast_in_dim3A_369 = vector.broadcast %broadcast_in_dim3A_368 : i32 to vector<16xi32>
      %gather3A_370 = tpu.vector_load_idx %arg8[%add3A_20, %broadcast_in_dim3A_369] : memref<480x64xf32, #tpu.memory_space<vmem>>[vector<16xi32>, vector<16xi32>], vector<16xf32>,
      %mul3A_371 = arith.mulf %gather3A_370, %get3A_18 : vector<16xf32>
      %get3A_372 = arith.constant 19 : i32
      %get3A_373 = arith.index_cast %get3A_372 : i32 to index
      %get3A_374 = arith.constant 0 : index
      %get3A_375 = tpu.vector_load %arg13[%get3A_373, %get3A_374] {strides = array<i32>} : memref<64x16xf32, #tpu.memory_space<vmem>>, vector<16xf32>,
      %add3A_376 = arith.addf %mul3A_371, %get3A_375 : vector<16xf32>
      %max3A_377 = arith.constant 0.000000e+00 : f32
      %max3A_378 = vector.broadcast %max3A_377 : f32 to vector<16xf32>
      %max3A_379 = arith.maximumf %add3A_376, %max3A_378 : vector<16xf32>
      %get3A_380 = arith.constant 19 : i32
      %get3A_381 = arith.index_cast %get3A_380 : i32 to index
      %get3A_382 = arith.constant 0 : index
      %get3A_383 = tpu.vector_load %arg14[%get3A_381, %get3A_382] {strides = array<i32>} : memref<64x16xf32, #tpu.memory_space<vmem>>, vector<16xf32>,
      %mul3A_384 = arith.mulf %max3A_379, %get3A_383 : vector<16xf32>
      %add3A_385 = arith.addf %add3A_313, %mul3A_384 : vector<16xf32>
      %broadcast_in_dim3A_386 = arith.constant 20 : i32
      %broadcast_in_dim3A_387 = vector.broadcast %broadcast_in_dim3A_386 : i32 to vector<16xi32>
      %gather3A_388 = tpu.vector_load_idx %arg8[%add3A_20, %broadcast_in_dim3A_387] : memref<480x64xf32, #tpu.memory_space<vmem>>[vector<16xi32>, vector<16xi32>], vector<16xf32>,
      %mul3A_389 = arith.mulf %gather3A_388, %get3A_18 : vector<16xf32>
      %get3A_390 = arith.constant 20 : i32
      %get3A_391 = arith.index_cast %get3A_390 : i32 to index
      %get3A_392 = arith.constant 0 : index
      %get3A_393 = tpu.vector_load %arg13[%get3A_391, %get3A_392] {strides = array<i32>} : memref<64x16xf32, #tpu.memory_space<vmem>>, vector<16xf32>,
      %add3A_394 = arith.addf %mul3A_389, %get3A_393 : vector<16xf32>
      %max3A_395 = arith.constant 0.000000e+00 : f32
      %max3A_396 = vector.broadcast %max3A_395 : f32 to vector<16xf32>
      %max3A_397 = arith.maximumf %add3A_394, %max3A_396 : vector<16xf32>
      %get3A_398 = arith.constant 20 : i32
      %get3A_399 = arith.index_cast %get3A_398 : i32 to index
      %get3A_400 = arith.constant 0 : index
      %get3A_401 = tpu.vector_load %arg14[%get3A_399, %get3A_400] {strides = array<i32>} : memref<64x16xf32, #tpu.memory_space<vmem>>, vector<16xf32>,
      %mul3A_402 = arith.mulf %max3A_397, %get3A_401 : vector<16xf32>
      %add3A_403 = arith.addf %add3A_331, %mul3A_402 : vector<16xf32>
      %broadcast_in_dim3A_404 = arith.constant 21 : i32
      %broadcast_in_dim3A_405 = vector.broadcast %broadcast_in_dim3A_404 : i32 to vector<16xi32>
      %gather3A_406 = tpu.vector_load_idx %arg8[%add3A_20, %broadcast_in_dim3A_405] : memref<480x64xf32, #tpu.memory_space<vmem>>[vector<16xi32>, vector<16xi32>], vector<16xf32>,
      %mul3A_407 = arith.mulf %gather3A_406, %get3A_18 : vector<16xf32>
      %get3A_408 = arith.constant 21 : i32
      %get3A_409 = arith.index_cast %get3A_408 : i32 to index
      %get3A_410 = arith.constant 0 : index
      %get3A_411 = tpu.vector_load %arg13[%get3A_409, %get3A_410] {strides = array<i32>} : memref<64x16xf32, #tpu.memory_space<vmem>>, vector<16xf32>,
      %add3A_412 = arith.addf %mul3A_407, %get3A_411 : vector<16xf32>
      %max3A_413 = arith.constant 0.000000e+00 : f32
      %max3A_414 = vector.broadcast %max3A_413 : f32 to vector<16xf32>
      %max3A_415 = arith.maximumf %add3A_412, %max3A_414 : vector<16xf32>
      %get3A_416 = arith.constant 21 : i32
      %get3A_417 = arith.index_cast %get3A_416 : i32 to index
      %get3A_418 = arith.constant 0 : index
      %get3A_419 = tpu.vector_load %arg14[%get3A_417, %get3A_418] {strides = array<i32>} : memref<64x16xf32, #tpu.memory_space<vmem>>, vector<16xf32>,
      %mul3A_420 = arith.mulf %max3A_415, %get3A_419 : vector<16xf32>
      %add3A_421 = arith.addf %add3A_349, %mul3A_420 : vector<16xf32>
      %broadcast_in_dim3A_422 = arith.constant 22 : i32
      %broadcast_in_dim3A_423 = vector.broadcast %broadcast_in_dim3A_422 : i32 to vector<16xi32>
      %gather3A_424 = tpu.vector_load_idx %arg8[%add3A_20, %broadcast_in_dim3A_423] : memref<480x64xf32, #tpu.memory_space<vmem>>[vector<16xi32>, vector<16xi32>], vector<16xf32>,
      %mul3A_425 = arith.mulf %gather3A_424, %get3A_18 : vector<16xf32>
      %get3A_426 = arith.constant 22 : i32
      %get3A_427 = arith.index_cast %get3A_426 : i32 to index
      %get3A_428 = arith.constant 0 : index
      %get3A_429 = tpu.vector_load %arg13[%get3A_427, %get3A_428] {strides = array<i32>} : memref<64x16xf32, #tpu.memory_space<vmem>>, vector<16xf32>,
      %add3A_430 = arith.addf %mul3A_425, %get3A_429 : vector<16xf32>
      %max3A_431 = arith.constant 0.000000e+00 : f32
      %max3A_432 = vector.broadcast %max3A_431 : f32 to vector<16xf32>
      %max3A_433 = arith.maximumf %add3A_430, %max3A_432 : vector<16xf32>
      %get3A_434 = arith.constant 22 : i32
      %get3A_435 = arith.index_cast %get3A_434 : i32 to index
      %get3A_436 = arith.constant 0 : index
      %get3A_437 = tpu.vector_load %arg14[%get3A_435, %get3A_436] {strides = array<i32>} : memref<64x16xf32, #tpu.memory_space<vmem>>, vector<16xf32>,
      %mul3A_438 = arith.mulf %max3A_433, %get3A_437 : vector<16xf32>
      %add3A_439 = arith.addf %add3A_367, %mul3A_438 : vector<16xf32>
      %broadcast_in_dim3A_440 = arith.constant 23 : i32
      %broadcast_in_dim3A_441 = vector.broadcast %broadcast_in_dim3A_440 : i32 to vector<16xi32>
      %gather3A_442 = tpu.vector_load_idx %arg8[%add3A_20, %broadcast_in_dim3A_441] : memref<480x64xf32, #tpu.memory_space<vmem>>[vector<16xi32>, vector<16xi32>], vector<16xf32>,
      %mul3A_443 = arith.mulf %gather3A_442, %get3A_18 : vector<16xf32>
      %get3A_444 = arith.constant 23 : i32
      %get3A_445 = arith.index_cast %get3A_444 : i32 to index
      %get3A_446 = arith.constant 0 : index
      %get3A_447 = tpu.vector_load %arg13[%get3A_445, %get3A_446] {strides = array<i32>} : memref<64x16xf32, #tpu.memory_space<vmem>>, vector<16xf32>,
      %add3A_448 = arith.addf %mul3A_443, %get3A_447 : vector<16xf32>
      %max3A_449 = arith.constant 0.000000e+00 : f32
      %max3A_450 = vector.broadcast %max3A_449 : f32 to vector<16xf32>
      %max3A_451 = arith.maximumf %add3A_448, %max3A_450 : vector<16xf32>
      %get3A_452 = arith.constant 23 : i32
      %get3A_453 = arith.index_cast %get3A_452 : i32 to index
      %get3A_454 = arith.constant 0 : index
      %get3A_455 = tpu.vector_load %arg14[%get3A_453, %get3A_454] {strides = array<i32>} : memref<64x16xf32, #tpu.memory_space<vmem>>, vector<16xf32>,
      %mul3A_456 = arith.mulf %max3A_451, %get3A_455 : vector<16xf32>
      %add3A_457 = arith.addf %add3A_385, %mul3A_456 : vector<16xf32>
      %broadcast_in_dim3A_458 = arith.constant 24 : i32
      %broadcast_in_dim3A_459 = vector.broadcast %broadcast_in_dim3A_458 : i32 to vector<16xi32>
      %gather3A_460 = tpu.vector_load_idx %arg8[%add3A_20, %broadcast_in_dim3A_459] : memref<480x64xf32, #tpu.memory_space<vmem>>[vector<16xi32>, vector<16xi32>], vector<16xf32>,
      %mul3A_461 = arith.mulf %gather3A_460, %get3A_18 : vector<16xf32>
      %get3A_462 = arith.constant 24 : i32
      %get3A_463 = arith.index_cast %get3A_462 : i32 to index
      %get3A_464 = arith.constant 0 : index
      %get3A_465 = tpu.vector_load %arg13[%get3A_463, %get3A_464] {strides = array<i32>} : memref<64x16xf32, #tpu.memory_space<vmem>>, vector<16xf32>,
      %add3A_466 = arith.addf %mul3A_461, %get3A_465 : vector<16xf32>
      %max3A_467 = arith.constant 0.000000e+00 : f32
      %max3A_468 = vector.broadcast %max3A_467 : f32 to vector<16xf32>
      %max3A_469 = arith.maximumf %add3A_466, %max3A_468 : vector<16xf32>
      %get3A_470 = arith.constant 24 : i32
      %get3A_471 = arith.index_cast %get3A_470 : i32 to index
      %get3A_472 = arith.constant 0 : index
      %get3A_473 = tpu.vector_load %arg14[%get3A_471, %get3A_472] {strides = array<i32>} : memref<64x16xf32, #tpu.memory_space<vmem>>, vector<16xf32>,
      %mul3A_474 = arith.mulf %max3A_469, %get3A_473 : vector<16xf32>
      %add3A_475 = arith.addf %add3A_403, %mul3A_474 : vector<16xf32>
      %broadcast_in_dim3A_476 = arith.constant 25 : i32
      %broadcast_in_dim3A_477 = vector.broadcast %broadcast_in_dim3A_476 : i32 to vector<16xi32>
      %gather3A_478 = tpu.vector_load_idx %arg8[%add3A_20, %broadcast_in_dim3A_477] : memref<480x64xf32, #tpu.memory_space<vmem>>[vector<16xi32>, vector<16xi32>], vector<16xf32>,
      %mul3A_479 = arith.mulf %gather3A_478, %get3A_18 : vector<16xf32>
      %get3A_480 = arith.constant 25 : i32
      %get3A_481 = arith.index_cast %get3A_480 : i32 to index
      %get3A_482 = arith.constant 0 : index
      %get3A_483 = tpu.vector_load %arg13[%get3A_481, %get3A_482] {strides = array<i32>} : memref<64x16xf32, #tpu.memory_space<vmem>>, vector<16xf32>,
      %add3A_484 = arith.addf %mul3A_479, %get3A_483 : vector<16xf32>
      %max3A_485 = arith.constant 0.000000e+00 : f32
      %max3A_486 = vector.broadcast %max3A_485 : f32 to vector<16xf32>
      %max3A_487 = arith.maximumf %add3A_484, %max3A_486 : vector<16xf32>
      %get3A_488 = arith.constant 25 : i32
      %get3A_489 = arith.index_cast %get3A_488 : i32 to index
      %get3A_490 = arith.constant 0 : index
      %get3A_491 = tpu.vector_load %arg14[%get3A_489, %get3A_490] {strides = array<i32>} : memref<64x16xf32, #tpu.memory_space<vmem>>, vector<16xf32>,
      %mul3A_492 = arith.mulf %max3A_487, %get3A_491 : vector<16xf32>
      %add3A_493 = arith.addf %add3A_421, %mul3A_492 : vector<16xf32>
      %broadcast_in_dim3A_494 = arith.constant 26 : i32
      %broadcast_in_dim3A_495 = vector.broadcast %broadcast_in_dim3A_494 : i32 to vector<16xi32>
      %gather3A_496 = tpu.vector_load_idx %arg8[%add3A_20, %broadcast_in_dim3A_495] : memref<480x64xf32, #tpu.memory_space<vmem>>[vector<16xi32>, vector<16xi32>], vector<16xf32>,
      %mul3A_497 = arith.mulf %gather3A_496, %get3A_18 : vector<16xf32>
      %get3A_498 = arith.constant 26 : i32
      %get3A_499 = arith.index_cast %get3A_498 : i32 to index
      %get3A_500 = arith.constant 0 : index
      %get3A_501 = tpu.vector_load %arg13[%get3A_499, %get3A_500] {strides = array<i32>} : memref<64x16xf32, #tpu.memory_space<vmem>>, vector<16xf32>,
      %add3A_502 = arith.addf %mul3A_497, %get3A_501 : vector<16xf32>
      %max3A_503 = arith.constant 0.000000e+00 : f32
      %max3A_504 = vector.broadcast %max3A_503 : f32 to vector<16xf32>
      %max3A_505 = arith.maximumf %add3A_502, %max3A_504 : vector<16xf32>
      %get3A_506 = arith.constant 26 : i32
      %get3A_507 = arith.index_cast %get3A_506 : i32 to index
      %get3A_508 = arith.constant 0 : index
      %get3A_509 = tpu.vector_load %arg14[%get3A_507, %get3A_508] {strides = array<i32>} : memref<64x16xf32, #tpu.memory_space<vmem>>, vector<16xf32>,
      %mul3A_510 = arith.mulf %max3A_505, %get3A_509 : vector<16xf32>
      %add3A_511 = arith.addf %add3A_439, %mul3A_510 : vector<16xf32>
      %broadcast_in_dim3A_512 = arith.constant 27 : i32
      %broadcast_in_dim3A_513 = vector.broadcast %broadcast_in_dim3A_512 : i32 to vector<16xi32>
      %gather3A_514 = tpu.vector_load_idx %arg8[%add3A_20, %broadcast_in_dim3A_513] : memref<480x64xf32, #tpu.memory_space<vmem>>[vector<16xi32>, vector<16xi32>], vector<16xf32>,
      %mul3A_515 = arith.mulf %gather3A_514, %get3A_18 : vector<16xf32>
      %get3A_516 = arith.constant 27 : i32
      %get3A_517 = arith.index_cast %get3A_516 : i32 to index
      %get3A_518 = arith.constant 0 : index
      %get3A_519 = tpu.vector_load %arg13[%get3A_517, %get3A_518] {strides = array<i32>} : memref<64x16xf32, #tpu.memory_space<vmem>>, vector<16xf32>,
      %add3A_520 = arith.addf %mul3A_515, %get3A_519 : vector<16xf32>
      %max3A_521 = arith.constant 0.000000e+00 : f32
      %max3A_522 = vector.broadcast %max3A_521 : f32 to vector<16xf32>
      %max3A_523 = arith.maximumf %add3A_520, %max3A_522 : vector<16xf32>
      %get3A_524 = arith.constant 27 : i32
      %get3A_525 = arith.index_cast %get3A_524 : i32 to index
      %get3A_526 = arith.constant 0 : index
      %get3A_527 = tpu.vector_load %arg14[%get3A_525, %get3A_526] {strides = array<i32>} : memref<64x16xf32, #tpu.memory_space<vmem>>, vector<16xf32>,
      %mul3A_528 = arith.mulf %max3A_523, %get3A_527 : vector<16xf32>
      %add3A_529 = arith.addf %add3A_457, %mul3A_528 : vector<16xf32>
      %broadcast_in_dim3A_530 = arith.constant 28 : i32
      %broadcast_in_dim3A_531 = vector.broadcast %broadcast_in_dim3A_530 : i32 to vector<16xi32>
      %gather3A_532 = tpu.vector_load_idx %arg8[%add3A_20, %broadcast_in_dim3A_531] : memref<480x64xf32, #tpu.memory_space<vmem>>[vector<16xi32>, vector<16xi32>], vector<16xf32>,
      %mul3A_533 = arith.mulf %gather3A_532, %get3A_18 : vector<16xf32>
      %get3A_534 = arith.constant 28 : i32
      %get3A_535 = arith.index_cast %get3A_534 : i32 to index
      %get3A_536 = arith.constant 0 : index
      %get3A_537 = tpu.vector_load %arg13[%get3A_535, %get3A_536] {strides = array<i32>} : memref<64x16xf32, #tpu.memory_space<vmem>>, vector<16xf32>,
      %add3A_538 = arith.addf %mul3A_533, %get3A_537 : vector<16xf32>
      %max3A_539 = arith.constant 0.000000e+00 : f32
      %max3A_540 = vector.broadcast %max3A_539 : f32 to vector<16xf32>
      %max3A_541 = arith.maximumf %add3A_538, %max3A_540 : vector<16xf32>
      %get3A_542 = arith.constant 28 : i32
      %get3A_543 = arith.index_cast %get3A_542 : i32 to index
      %get3A_544 = arith.constant 0 : index
      %get3A_545 = tpu.vector_load %arg14[%get3A_543, %get3A_544] {strides = array<i32>} : memref<64x16xf32, #tpu.memory_space<vmem>>, vector<16xf32>,
      %mul3A_546 = arith.mulf %max3A_541, %get3A_545 : vector<16xf32>
      %add3A_547 = arith.addf %add3A_475, %mul3A_546 : vector<16xf32>
      %broadcast_in_dim3A_548 = arith.constant 29 : i32
      %broadcast_in_dim3A_549 = vector.broadcast %broadcast_in_dim3A_548 : i32 to vector<16xi32>
      %gather3A_550 = tpu.vector_load_idx %arg8[%add3A_20, %broadcast_in_dim3A_549] : memref<480x64xf32, #tpu.memory_space<vmem>>[vector<16xi32>, vector<16xi32>], vector<16xf32>,
      %mul3A_551 = arith.mulf %gather3A_550, %get3A_18 : vector<16xf32>
      %get3A_552 = arith.constant 29 : i32
      %get3A_553 = arith.index_cast %get3A_552 : i32 to index
      %get3A_554 = arith.constant 0 : index
      %get3A_555 = tpu.vector_load %arg13[%get3A_553, %get3A_554] {strides = array<i32>} : memref<64x16xf32, #tpu.memory_space<vmem>>, vector<16xf32>,
      %add3A_556 = arith.addf %mul3A_551, %get3A_555 : vector<16xf32>
      %max3A_557 = arith.constant 0.000000e+00 : f32
      %max3A_558 = vector.broadcast %max3A_557 : f32 to vector<16xf32>
      %max3A_559 = arith.maximumf %add3A_556, %max3A_558 : vector<16xf32>
      %get3A_560 = arith.constant 29 : i32
      %get3A_561 = arith.index_cast %get3A_560 : i32 to index
      %get3A_562 = arith.constant 0 : index
      %get3A_563 = tpu.vector_load %arg14[%get3A_561, %get3A_562] {strides = array<i32>} : memref<64x16xf32, #tpu.memory_space<vmem>>, vector<16xf32>,
      %mul3A_564 = arith.mulf %max3A_559, %get3A_563 : vector<16xf32>
      %add3A_565 = arith.addf %add3A_493, %mul3A_564 : vector<16xf32>
      %broadcast_in_dim3A_566 = arith.constant 30 : i32
      %broadcast_in_dim3A_567 = vector.broadcast %broadcast_in_dim3A_566 : i32 to vector<16xi32>
      %gather3A_568 = tpu.vector_load_idx %arg8[%add3A_20, %broadcast_in_dim3A_567] : memref<480x64xf32, #tpu.memory_space<vmem>>[vector<16xi32>, vector<16xi32>], vector<16xf32>,
      %mul3A_569 = arith.mulf %gather3A_568, %get3A_18 : vector<16xf32>
      %get3A_570 = arith.constant 30 : i32
      %get3A_571 = arith.index_cast %get3A_570 : i32 to index
      %get3A_572 = arith.constant 0 : index
      %get3A_573 = tpu.vector_load %arg13[%get3A_571, %get3A_572] {strides = array<i32>} : memref<64x16xf32, #tpu.memory_space<vmem>>, vector<16xf32>,
      %add3A_574 = arith.addf %mul3A_569, %get3A_573 : vector<16xf32>
      %max3A_575 = arith.constant 0.000000e+00 : f32
      %max3A_576 = vector.broadcast %max3A_575 : f32 to vector<16xf32>
      %max3A_577 = arith.maximumf %add3A_574, %max3A_576 : vector<16xf32>
      %get3A_578 = arith.constant 30 : i32
      %get3A_579 = arith.index_cast %get3A_578 : i32 to index
      %get3A_580 = arith.constant 0 : index
      %get3A_581 = tpu.vector_load %arg14[%get3A_579, %get3A_580] {strides = array<i32>} : memref<64x16xf32, #tpu.memory_space<vmem>>, vector<16xf32>,
      %mul3A_582 = arith.mulf %max3A_577, %get3A_581 : vector<16xf32>
      %add3A_583 = arith.addf %add3A_511, %mul3A_582 : vector<16xf32>
      %broadcast_in_dim3A_584 = arith.constant 31 : i32
      %broadcast_in_dim3A_585 = vector.broadcast %broadcast_in_dim3A_584 : i32 to vector<16xi32>
      %gather3A_586 = tpu.vector_load_idx %arg8[%add3A_20, %broadcast_in_dim3A_585] : memref<480x64xf32, #tpu.memory_space<vmem>>[vector<16xi32>, vector<16xi32>], vector<16xf32>,
      %mul3A_587 = arith.mulf %gather3A_586, %get3A_18 : vector<16xf32>
      %get3A_588 = arith.constant 31 : i32
      %get3A_589 = arith.index_cast %get3A_588 : i32 to index
      %get3A_590 = arith.constant 0 : index
      %get3A_591 = tpu.vector_load %arg13[%get3A_589, %get3A_590] {strides = array<i32>} : memref<64x16xf32, #tpu.memory_space<vmem>>, vector<16xf32>,
      %add3A_592 = arith.addf %mul3A_587, %get3A_591 : vector<16xf32>
      %max3A_593 = arith.constant 0.000000e+00 : f32
      %max3A_594 = vector.broadcast %max3A_593 : f32 to vector<16xf32>
      %max3A_595 = arith.maximumf %add3A_592, %max3A_594 : vector<16xf32>
      %get3A_596 = arith.constant 31 : i32
      %get3A_597 = arith.index_cast %get3A_596 : i32 to index
      %get3A_598 = arith.constant 0 : index
      %get3A_599 = tpu.vector_load %arg14[%get3A_597, %get3A_598] {strides = array<i32>} : memref<64x16xf32, #tpu.memory_space<vmem>>, vector<16xf32>,
      %mul3A_600 = arith.mulf %max3A_595, %get3A_599 : vector<16xf32>
      %add3A_601 = arith.addf %add3A_529, %mul3A_600 : vector<16xf32>
      %broadcast_in_dim3A_602 = arith.constant 32 : i32
      %broadcast_in_dim3A_603 = vector.broadcast %broadcast_in_dim3A_602 : i32 to vector<16xi32>
      %gather3A_604 = tpu.vector_load_idx %arg8[%add3A_20, %broadcast_in_dim3A_603] : memref<480x64xf32, #tpu.memory_space<vmem>>[vector<16xi32>, vector<16xi32>], vector<16xf32>,
      %mul3A_605 = arith.mulf %gather3A_604, %get3A_18 : vector<16xf32>
      %get3A_606 = arith.constant 32 : i32
      %get3A_607 = arith.index_cast %get3A_606 : i32 to index
      %get3A_608 = arith.constant 0 : index
      %get3A_609 = tpu.vector_load %arg13[%get3A_607, %get3A_608] {strides = array<i32>} : memref<64x16xf32, #tpu.memory_space<vmem>>, vector<16xf32>,
      %add3A_610 = arith.addf %mul3A_605, %get3A_609 : vector<16xf32>
      %max3A_611 = arith.constant 0.000000e+00 : f32
      %max3A_612 = vector.broadcast %max3A_611 : f32 to vector<16xf32>
      %max3A_613 = arith.maximumf %add3A_610, %max3A_612 : vector<16xf32>
      %get3A_614 = arith.constant 32 : i32
      %get3A_615 = arith.index_cast %get3A_614 : i32 to index
      %get3A_616 = arith.constant 0 : index
      %get3A_617 = tpu.vector_load %arg14[%get3A_615, %get3A_616] {strides = array<i32>} : memref<64x16xf32, #tpu.memory_space<vmem>>, vector<16xf32>,
      %mul3A_618 = arith.mulf %max3A_613, %get3A_617 : vector<16xf32>
      %add3A_619 = arith.addf %add3A_547, %mul3A_618 : vector<16xf32>
      %broadcast_in_dim3A_620 = arith.constant 33 : i32
      %broadcast_in_dim3A_621 = vector.broadcast %broadcast_in_dim3A_620 : i32 to vector<16xi32>
      %gather3A_622 = tpu.vector_load_idx %arg8[%add3A_20, %broadcast_in_dim3A_621] : memref<480x64xf32, #tpu.memory_space<vmem>>[vector<16xi32>, vector<16xi32>], vector<16xf32>,
      %mul3A_623 = arith.mulf %gather3A_622, %get3A_18 : vector<16xf32>
      %get3A_624 = arith.constant 33 : i32
      %get3A_625 = arith.index_cast %get3A_624 : i32 to index
      %get3A_626 = arith.constant 0 : index
      %get3A_627 = tpu.vector_load %arg13[%get3A_625, %get3A_626] {strides = array<i32>} : memref<64x16xf32, #tpu.memory_space<vmem>>, vector<16xf32>,
      %add3A_628 = arith.addf %mul3A_623, %get3A_627 : vector<16xf32>
      %max3A_629 = arith.constant 0.000000e+00 : f32
      %max3A_630 = vector.broadcast %max3A_629 : f32 to vector<16xf32>
      %max3A_631 = arith.maximumf %add3A_628, %max3A_630 : vector<16xf32>
      %get3A_632 = arith.constant 33 : i32
      %get3A_633 = arith.index_cast %get3A_632 : i32 to index
      %get3A_634 = arith.constant 0 : index
      %get3A_635 = tpu.vector_load %arg14[%get3A_633, %get3A_634] {strides = array<i32>} : memref<64x16xf32, #tpu.memory_space<vmem>>, vector<16xf32>,
      %mul3A_636 = arith.mulf %max3A_631, %get3A_635 : vector<16xf32>
      %add3A_637 = arith.addf %add3A_565, %mul3A_636 : vector<16xf32>
      %broadcast_in_dim3A_638 = arith.constant 34 : i32
      %broadcast_in_dim3A_639 = vector.broadcast %broadcast_in_dim3A_638 : i32 to vector<16xi32>
      %gather3A_640 = tpu.vector_load_idx %arg8[%add3A_20, %broadcast_in_dim3A_639] : memref<480x64xf32, #tpu.memory_space<vmem>>[vector<16xi32>, vector<16xi32>], vector<16xf32>,
      %mul3A_641 = arith.mulf %gather3A_640, %get3A_18 : vector<16xf32>
      %get3A_642 = arith.constant 34 : i32
      %get3A_643 = arith.index_cast %get3A_642 : i32 to index
      %get3A_644 = arith.constant 0 : index
      %get3A_645 = tpu.vector_load %arg13[%get3A_643, %get3A_644] {strides = array<i32>} : memref<64x16xf32, #tpu.memory_space<vmem>>, vector<16xf32>,
      %add3A_646 = arith.addf %mul3A_641, %get3A_645 : vector<16xf32>
      %max3A_647 = arith.constant 0.000000e+00 : f32
      %max3A_648 = vector.broadcast %max3A_647 : f32 to vector<16xf32>
      %max3A_649 = arith.maximumf %add3A_646, %max3A_648 : vector<16xf32>
      %get3A_650 = arith.constant 34 : i32
      %get3A_651 = arith.index_cast %get3A_650 : i32 to index
      %get3A_652 = arith.constant 0 : index
      %get3A_653 = tpu.vector_load %arg14[%get3A_651, %get3A_652] {strides = array<i32>} : memref<64x16xf32, #tpu.memory_space<vmem>>, vector<16xf32>,
      %mul3A_654 = arith.mulf %max3A_649, %get3A_653 : vector<16xf32>
      %add3A_655 = arith.addf %add3A_583, %mul3A_654 : vector<16xf32>
      %broadcast_in_dim3A_656 = arith.constant 35 : i32
      %broadcast_in_dim3A_657 = vector.broadcast %broadcast_in_dim3A_656 : i32 to vector<16xi32>
      %gather3A_658 = tpu.vector_load_idx %arg8[%add3A_20, %broadcast_in_dim3A_657] : memref<480x64xf32, #tpu.memory_space<vmem>>[vector<16xi32>, vector<16xi32>], vector<16xf32>,
      %mul3A_659 = arith.mulf %gather3A_658, %get3A_18 : vector<16xf32>
      %get3A_660 = arith.constant 35 : i32
      %get3A_661 = arith.index_cast %get3A_660 : i32 to index
      %get3A_662 = arith.constant 0 : index
      %get3A_663 = tpu.vector_load %arg13[%get3A_661, %get3A_662] {strides = array<i32>} : memref<64x16xf32, #tpu.memory_space<vmem>>, vector<16xf32>,
      %add3A_664 = arith.addf %mul3A_659, %get3A_663 : vector<16xf32>
      %max3A_665 = arith.constant 0.000000e+00 : f32
      %max3A_666 = vector.broadcast %max3A_665 : f32 to vector<16xf32>
      %max3A_667 = arith.maximumf %add3A_664, %max3A_666 : vector<16xf32>
      %get3A_668 = arith.constant 35 : i32
      %get3A_669 = arith.index_cast %get3A_668 : i32 to index
      %get3A_670 = arith.constant 0 : index
      %get3A_671 = tpu.vector_load %arg14[%get3A_669, %get3A_670] {strides = array<i32>} : memref<64x16xf32, #tpu.memory_space<vmem>>, vector<16xf32>,
      %mul3A_672 = arith.mulf %max3A_667, %get3A_671 : vector<16xf32>
      %add3A_673 = arith.addf %add3A_601, %mul3A_672 : vector<16xf32>
      %broadcast_in_dim3A_674 = arith.constant 36 : i32
      %broadcast_in_dim3A_675 = vector.broadcast %broadcast_in_dim3A_674 : i32 to vector<16xi32>
      %gather3A_676 = tpu.vector_load_idx %arg8[%add3A_20, %broadcast_in_dim3A_675] : memref<480x64xf32, #tpu.memory_space<vmem>>[vector<16xi32>, vector<16xi32>], vector<16xf32>,
      %mul3A_677 = arith.mulf %gather3A_676, %get3A_18 : vector<16xf32>
      %get3A_678 = arith.constant 36 : i32
      %get3A_679 = arith.index_cast %get3A_678 : i32 to index
      %get3A_680 = arith.constant 0 : index
      %get3A_681 = tpu.vector_load %arg13[%get3A_679, %get3A_680] {strides = array<i32>} : memref<64x16xf32, #tpu.memory_space<vmem>>, vector<16xf32>,
      %add3A_682 = arith.addf %mul3A_677, %get3A_681 : vector<16xf32>
      %max3A_683 = arith.constant 0.000000e+00 : f32
      %max3A_684 = vector.broadcast %max3A_683 : f32 to vector<16xf32>
      %max3A_685 = arith.maximumf %add3A_682, %max3A_684 : vector<16xf32>
      %get3A_686 = arith.constant 36 : i32
      %get3A_687 = arith.index_cast %get3A_686 : i32 to index
      %get3A_688 = arith.constant 0 : index
      %get3A_689 = tpu.vector_load %arg14[%get3A_687, %get3A_688] {strides = array<i32>} : memref<64x16xf32, #tpu.memory_space<vmem>>, vector<16xf32>,
      %mul3A_690 = arith.mulf %max3A_685, %get3A_689 : vector<16xf32>
      %add3A_691 = arith.addf %add3A_619, %mul3A_690 : vector<16xf32>
      %broadcast_in_dim3A_692 = arith.constant 37 : i32
      %broadcast_in_dim3A_693 = vector.broadcast %broadcast_in_dim3A_692 : i32 to vector<16xi32>
      %gather3A_694 = tpu.vector_load_idx %arg8[%add3A_20, %broadcast_in_dim3A_693] : memref<480x64xf32, #tpu.memory_space<vmem>>[vector<16xi32>, vector<16xi32>], vector<16xf32>,
      %mul3A_695 = arith.mulf %gather3A_694, %get3A_18 : vector<16xf32>
      %get3A_696 = arith.constant 37 : i32
      %get3A_697 = arith.index_cast %get3A_696 : i32 to index
      %get3A_698 = arith.constant 0 : index
      %get3A_699 = tpu.vector_load %arg13[%get3A_697, %get3A_698] {strides = array<i32>} : memref<64x16xf32, #tpu.memory_space<vmem>>, vector<16xf32>,
      %add3A_700 = arith.addf %mul3A_695, %get3A_699 : vector<16xf32>
      %max3A_701 = arith.constant 0.000000e+00 : f32
      %max3A_702 = vector.broadcast %max3A_701 : f32 to vector<16xf32>
      %max3A_703 = arith.maximumf %add3A_700, %max3A_702 : vector<16xf32>
      %get3A_704 = arith.constant 37 : i32
      %get3A_705 = arith.index_cast %get3A_704 : i32 to index
      %get3A_706 = arith.constant 0 : index
      %get3A_707 = tpu.vector_load %arg14[%get3A_705, %get3A_706] {strides = array<i32>} : memref<64x16xf32, #tpu.memory_space<vmem>>, vector<16xf32>,
      %mul3A_708 = arith.mulf %max3A_703, %get3A_707 : vector<16xf32>
      %add3A_709 = arith.addf %add3A_637, %mul3A_708 : vector<16xf32>
      %broadcast_in_dim3A_710 = arith.constant 38 : i32
      %broadcast_in_dim3A_711 = vector.broadcast %broadcast_in_dim3A_710 : i32 to vector<16xi32>
      %gather3A_712 = tpu.vector_load_idx %arg8[%add3A_20, %broadcast_in_dim3A_711] : memref<480x64xf32, #tpu.memory_space<vmem>>[vector<16xi32>, vector<16xi32>], vector<16xf32>,
      %mul3A_713 = arith.mulf %gather3A_712, %get3A_18 : vector<16xf32>
      %get3A_714 = arith.constant 38 : i32
      %get3A_715 = arith.index_cast %get3A_714 : i32 to index
      %get3A_716 = arith.constant 0 : index
      %get3A_717 = tpu.vector_load %arg13[%get3A_715, %get3A_716] {strides = array<i32>} : memref<64x16xf32, #tpu.memory_space<vmem>>, vector<16xf32>,
      %add3A_718 = arith.addf %mul3A_713, %get3A_717 : vector<16xf32>
      %max3A_719 = arith.constant 0.000000e+00 : f32
      %max3A_720 = vector.broadcast %max3A_719 : f32 to vector<16xf32>
      %max3A_721 = arith.maximumf %add3A_718, %max3A_720 : vector<16xf32>
      %get3A_722 = arith.constant 38 : i32
      %get3A_723 = arith.index_cast %get3A_722 : i32 to index
      %get3A_724 = arith.constant 0 : index
      %get3A_725 = tpu.vector_load %arg14[%get3A_723, %get3A_724] {strides = array<i32>} : memref<64x16xf32, #tpu.memory_space<vmem>>, vector<16xf32>,
      %mul3A_726 = arith.mulf %max3A_721, %get3A_725 : vector<16xf32>
      %add3A_727 = arith.addf %add3A_655, %mul3A_726 : vector<16xf32>
      %broadcast_in_dim3A_728 = arith.constant 39 : i32
      %broadcast_in_dim3A_729 = vector.broadcast %broadcast_in_dim3A_728 : i32 to vector<16xi32>
      %gather3A_730 = tpu.vector_load_idx %arg8[%add3A_20, %broadcast_in_dim3A_729] : memref<480x64xf32, #tpu.memory_space<vmem>>[vector<16xi32>, vector<16xi32>], vector<16xf32>,
      %mul3A_731 = arith.mulf %gather3A_730, %get3A_18 : vector<16xf32>
      %get3A_732 = arith.constant 39 : i32
      %get3A_733 = arith.index_cast %get3A_732 : i32 to index
      %get3A_734 = arith.constant 0 : index
      %get3A_735 = tpu.vector_load %arg13[%get3A_733, %get3A_734] {strides = array<i32>} : memref<64x16xf32, #tpu.memory_space<vmem>>, vector<16xf32>,
      %add3A_736 = arith.addf %mul3A_731, %get3A_735 : vector<16xf32>
      %max3A_737 = arith.constant 0.000000e+00 : f32
      %max3A_738 = vector.broadcast %max3A_737 : f32 to vector<16xf32>
      %max3A_739 = arith.maximumf %add3A_736, %max3A_738 : vector<16xf32>
      %get3A_740 = arith.constant 39 : i32
      %get3A_741 = arith.index_cast %get3A_740 : i32 to index
      %get3A_742 = arith.constant 0 : index
      %get3A_743 = tpu.vector_load %arg14[%get3A_741, %get3A_742] {strides = array<i32>} : memref<64x16xf32, #tpu.memory_space<vmem>>, vector<16xf32>,
      %mul3A_744 = arith.mulf %max3A_739, %get3A_743 : vector<16xf32>
      %add3A_745 = arith.addf %add3A_673, %mul3A_744 : vector<16xf32>
      %broadcast_in_dim3A_746 = arith.constant 40 : i32
      %broadcast_in_dim3A_747 = vector.broadcast %broadcast_in_dim3A_746 : i32 to vector<16xi32>
      %gather3A_748 = tpu.vector_load_idx %arg8[%add3A_20, %broadcast_in_dim3A_747] : memref<480x64xf32, #tpu.memory_space<vmem>>[vector<16xi32>, vector<16xi32>], vector<16xf32>,
      %mul3A_749 = arith.mulf %gather3A_748, %get3A_18 : vector<16xf32>
      %get3A_750 = arith.constant 40 : i32
      %get3A_751 = arith.index_cast %get3A_750 : i32 to index
      %get3A_752 = arith.constant 0 : index
      %get3A_753 = tpu.vector_load %arg13[%get3A_751, %get3A_752] {strides = array<i32>} : memref<64x16xf32, #tpu.memory_space<vmem>>, vector<16xf32>,
      %add3A_754 = arith.addf %mul3A_749, %get3A_753 : vector<16xf32>
      %max3A_755 = arith.constant 0.000000e+00 : f32
      %max3A_756 = vector.broadcast %max3A_755 : f32 to vector<16xf32>
      %max3A_757 = arith.maximumf %add3A_754, %max3A_756 : vector<16xf32>
      %get3A_758 = arith.constant 40 : i32
      %get3A_759 = arith.index_cast %get3A_758 : i32 to index
      %get3A_760 = arith.constant 0 : index
      %get3A_761 = tpu.vector_load %arg14[%get3A_759, %get3A_760] {strides = array<i32>} : memref<64x16xf32, #tpu.memory_space<vmem>>, vector<16xf32>,
      %mul3A_762 = arith.mulf %max3A_757, %get3A_761 : vector<16xf32>
      %add3A_763 = arith.addf %add3A_691, %mul3A_762 : vector<16xf32>
      %broadcast_in_dim3A_764 = arith.constant 41 : i32
      %broadcast_in_dim3A_765 = vector.broadcast %broadcast_in_dim3A_764 : i32 to vector<16xi32>
      %gather3A_766 = tpu.vector_load_idx %arg8[%add3A_20, %broadcast_in_dim3A_765] : memref<480x64xf32, #tpu.memory_space<vmem>>[vector<16xi32>, vector<16xi32>], vector<16xf32>,
      %mul3A_767 = arith.mulf %gather3A_766, %get3A_18 : vector<16xf32>
      %get3A_768 = arith.constant 41 : i32
      %get3A_769 = arith.index_cast %get3A_768 : i32 to index
      %get3A_770 = arith.constant 0 : index
      %get3A_771 = tpu.vector_load %arg13[%get3A_769, %get3A_770] {strides = array<i32>} : memref<64x16xf32, #tpu.memory_space<vmem>>, vector<16xf32>,
      %add3A_772 = arith.addf %mul3A_767, %get3A_771 : vector<16xf32>
      %max3A_773 = arith.constant 0.000000e+00 : f32
      %max3A_774 = vector.broadcast %max3A_773 : f32 to vector<16xf32>
      %max3A_775 = arith.maximumf %add3A_772, %max3A_774 : vector<16xf32>
      %get3A_776 = arith.constant 41 : i32
      %get3A_777 = arith.index_cast %get3A_776 : i32 to index
      %get3A_778 = arith.constant 0 : index
      %get3A_779 = tpu.vector_load %arg14[%get3A_777, %get3A_778] {strides = array<i32>} : memref<64x16xf32, #tpu.memory_space<vmem>>, vector<16xf32>,
      %mul3A_780 = arith.mulf %max3A_775, %get3A_779 : vector<16xf32>
      %add3A_781 = arith.addf %add3A_709, %mul3A_780 : vector<16xf32>
      %broadcast_in_dim3A_782 = arith.constant 42 : i32
      %broadcast_in_dim3A_783 = vector.broadcast %broadcast_in_dim3A_782 : i32 to vector<16xi32>
      %gather3A_784 = tpu.vector_load_idx %arg8[%add3A_20, %broadcast_in_dim3A_783] : memref<480x64xf32, #tpu.memory_space<vmem>>[vector<16xi32>, vector<16xi32>], vector<16xf32>,
      %mul3A_785 = arith.mulf %gather3A_784, %get3A_18 : vector<16xf32>
      %get3A_786 = arith.constant 42 : i32
      %get3A_787 = arith.index_cast %get3A_786 : i32 to index
      %get3A_788 = arith.constant 0 : index
      %get3A_789 = tpu.vector_load %arg13[%get3A_787, %get3A_788] {strides = array<i32>} : memref<64x16xf32, #tpu.memory_space<vmem>>, vector<16xf32>,
      %add3A_790 = arith.addf %mul3A_785, %get3A_789 : vector<16xf32>
      %max3A_791 = arith.constant 0.000000e+00 : f32
      %max3A_792 = vector.broadcast %max3A_791 : f32 to vector<16xf32>
      %max3A_793 = arith.maximumf %add3A_790, %max3A_792 : vector<16xf32>
      %get3A_794 = arith.constant 42 : i32
      %get3A_795 = arith.index_cast %get3A_794 : i32 to index
      %get3A_796 = arith.constant 0 : index
      %get3A_797 = tpu.vector_load %arg14[%get3A_795, %get3A_796] {strides = array<i32>} : memref<64x16xf32, #tpu.memory_space<vmem>>, vector<16xf32>,
      %mul3A_798 = arith.mulf %max3A_793, %get3A_797 : vector<16xf32>
      %add3A_799 = arith.addf %add3A_727, %mul3A_798 : vector<16xf32>
      %broadcast_in_dim3A_800 = arith.constant 43 : i32
      %broadcast_in_dim3A_801 = vector.broadcast %broadcast_in_dim3A_800 : i32 to vector<16xi32>
      %gather3A_802 = tpu.vector_load_idx %arg8[%add3A_20, %broadcast_in_dim3A_801] : memref<480x64xf32, #tpu.memory_space<vmem>>[vector<16xi32>, vector<16xi32>], vector<16xf32>,
      %mul3A_803 = arith.mulf %gather3A_802, %get3A_18 : vector<16xf32>
      %get3A_804 = arith.constant 43 : i32
      %get3A_805 = arith.index_cast %get3A_804 : i32 to index
      %get3A_806 = arith.constant 0 : index
      %get3A_807 = tpu.vector_load %arg13[%get3A_805, %get3A_806] {strides = array<i32>} : memref<64x16xf32, #tpu.memory_space<vmem>>, vector<16xf32>,
      %add3A_808 = arith.addf %mul3A_803, %get3A_807 : vector<16xf32>
      %max3A_809 = arith.constant 0.000000e+00 : f32
      %max3A_810 = vector.broadcast %max3A_809 : f32 to vector<16xf32>
      %max3A_811 = arith.maximumf %add3A_808, %max3A_810 : vector<16xf32>
      %get3A_812 = arith.constant 43 : i32
      %get3A_813 = arith.index_cast %get3A_812 : i32 to index
      %get3A_814 = arith.constant 0 : index
      %get3A_815 = tpu.vector_load %arg14[%get3A_813, %get3A_814] {strides = array<i32>} : memref<64x16xf32, #tpu.memory_space<vmem>>, vector<16xf32>,
      %mul3A_816 = arith.mulf %max3A_811, %get3A_815 : vector<16xf32>
      %add3A_817 = arith.addf %add3A_745, %mul3A_816 : vector<16xf32>
      %broadcast_in_dim3A_818 = arith.constant 44 : i32
      %broadcast_in_dim3A_819 = vector.broadcast %broadcast_in_dim3A_818 : i32 to vector<16xi32>
      %gather3A_820 = tpu.vector_load_idx %arg8[%add3A_20, %broadcast_in_dim3A_819] : memref<480x64xf32, #tpu.memory_space<vmem>>[vector<16xi32>, vector<16xi32>], vector<16xf32>,
      %mul3A_821 = arith.mulf %gather3A_820, %get3A_18 : vector<16xf32>
      %get3A_822 = arith.constant 44 : i32
      %get3A_823 = arith.index_cast %get3A_822 : i32 to index
      %get3A_824 = arith.constant 0 : index
      %get3A_825 = tpu.vector_load %arg13[%get3A_823, %get3A_824] {strides = array<i32>} : memref<64x16xf32, #tpu.memory_space<vmem>>, vector<16xf32>,
      %add3A_826 = arith.addf %mul3A_821, %get3A_825 : vector<16xf32>
      %max3A_827 = arith.constant 0.000000e+00 : f32
      %max3A_828 = vector.broadcast %max3A_827 : f32 to vector<16xf32>
      %max3A_829 = arith.maximumf %add3A_826, %max3A_828 : vector<16xf32>
      %get3A_830 = arith.constant 44 : i32
      %get3A_831 = arith.index_cast %get3A_830 : i32 to index
      %get3A_832 = arith.constant 0 : index
      %get3A_833 = tpu.vector_load %arg14[%get3A_831, %get3A_832] {strides = array<i32>} : memref<64x16xf32, #tpu.memory_space<vmem>>, vector<16xf32>,
      %mul3A_834 = arith.mulf %max3A_829, %get3A_833 : vector<16xf32>
      %add3A_835 = arith.addf %add3A_763, %mul3A_834 : vector<16xf32>
      %broadcast_in_dim3A_836 = arith.constant 45 : i32
      %broadcast_in_dim3A_837 = vector.broadcast %broadcast_in_dim3A_836 : i32 to vector<16xi32>
      %gather3A_838 = tpu.vector_load_idx %arg8[%add3A_20, %broadcast_in_dim3A_837] : memref<480x64xf32, #tpu.memory_space<vmem>>[vector<16xi32>, vector<16xi32>], vector<16xf32>,
      %mul3A_839 = arith.mulf %gather3A_838, %get3A_18 : vector<16xf32>
      %get3A_840 = arith.constant 45 : i32
      %get3A_841 = arith.index_cast %get3A_840 : i32 to index
      %get3A_842 = arith.constant 0 : index
      %get3A_843 = tpu.vector_load %arg13[%get3A_841, %get3A_842] {strides = array<i32>} : memref<64x16xf32, #tpu.memory_space<vmem>>, vector<16xf32>,
      %add3A_844 = arith.addf %mul3A_839, %get3A_843 : vector<16xf32>
      %max3A_845 = arith.constant 0.000000e+00 : f32
      %max3A_846 = vector.broadcast %max3A_845 : f32 to vector<16xf32>
      %max3A_847 = arith.maximumf %add3A_844, %max3A_846 : vector<16xf32>
      %get3A_848 = arith.constant 45 : i32
      %get3A_849 = arith.index_cast %get3A_848 : i32 to index
      %get3A_850 = arith.constant 0 : index
      %get3A_851 = tpu.vector_load %arg14[%get3A_849, %get3A_850] {strides = array<i32>} : memref<64x16xf32, #tpu.memory_space<vmem>>, vector<16xf32>,
      %mul3A_852 = arith.mulf %max3A_847, %get3A_851 : vector<16xf32>
      %add3A_853 = arith.addf %add3A_781, %mul3A_852 : vector<16xf32>
      %broadcast_in_dim3A_854 = arith.constant 46 : i32
      %broadcast_in_dim3A_855 = vector.broadcast %broadcast_in_dim3A_854 : i32 to vector<16xi32>
      %gather3A_856 = tpu.vector_load_idx %arg8[%add3A_20, %broadcast_in_dim3A_855] : memref<480x64xf32, #tpu.memory_space<vmem>>[vector<16xi32>, vector<16xi32>], vector<16xf32>,
      %mul3A_857 = arith.mulf %gather3A_856, %get3A_18 : vector<16xf32>
      %get3A_858 = arith.constant 46 : i32
      %get3A_859 = arith.index_cast %get3A_858 : i32 to index
      %get3A_860 = arith.constant 0 : index
      %get3A_861 = tpu.vector_load %arg13[%get3A_859, %get3A_860] {strides = array<i32>} : memref<64x16xf32, #tpu.memory_space<vmem>>, vector<16xf32>,
      %add3A_862 = arith.addf %mul3A_857, %get3A_861 : vector<16xf32>
      %max3A_863 = arith.constant 0.000000e+00 : f32
      %max3A_864 = vector.broadcast %max3A_863 : f32 to vector<16xf32>
      %max3A_865 = arith.maximumf %add3A_862, %max3A_864 : vector<16xf32>
      %get3A_866 = arith.constant 46 : i32
      %get3A_867 = arith.index_cast %get3A_866 : i32 to index
      %get3A_868 = arith.constant 0 : index
      %get3A_869 = tpu.vector_load %arg14[%get3A_867, %get3A_868] {strides = array<i32>} : memref<64x16xf32, #tpu.memory_space<vmem>>, vector<16xf32>,
      %mul3A_870 = arith.mulf %max3A_865, %get3A_869 : vector<16xf32>
      %add3A_871 = arith.addf %add3A_799, %mul3A_870 : vector<16xf32>
      %broadcast_in_dim3A_872 = arith.constant 47 : i32
      %broadcast_in_dim3A_873 = vector.broadcast %broadcast_in_dim3A_872 : i32 to vector<16xi32>
      %gather3A_874 = tpu.vector_load_idx %arg8[%add3A_20, %broadcast_in_dim3A_873] : memref<480x64xf32, #tpu.memory_space<vmem>>[vector<16xi32>, vector<16xi32>], vector<16xf32>,
      %mul3A_875 = arith.mulf %gather3A_874, %get3A_18 : vector<16xf32>
      %get3A_876 = arith.constant 47 : i32
      %get3A_877 = arith.index_cast %get3A_876 : i32 to index
      %get3A_878 = arith.constant 0 : index
      %get3A_879 = tpu.vector_load %arg13[%get3A_877, %get3A_878] {strides = array<i32>} : memref<64x16xf32, #tpu.memory_space<vmem>>, vector<16xf32>,
      %add3A_880 = arith.addf %mul3A_875, %get3A_879 : vector<16xf32>
      %max3A_881 = arith.constant 0.000000e+00 : f32
      %max3A_882 = vector.broadcast %max3A_881 : f32 to vector<16xf32>
      %max3A_883 = arith.maximumf %add3A_880, %max3A_882 : vector<16xf32>
      %get3A_884 = arith.constant 47 : i32
      %get3A_885 = arith.index_cast %get3A_884 : i32 to index
      %get3A_886 = arith.constant 0 : index
      %get3A_887 = tpu.vector_load %arg14[%get3A_885, %get3A_886] {strides = array<i32>} : memref<64x16xf32, #tpu.memory_space<vmem>>, vector<16xf32>,
      %mul3A_888 = arith.mulf %max3A_883, %get3A_887 : vector<16xf32>
      %add3A_889 = arith.addf %add3A_817, %mul3A_888 : vector<16xf32>
      %broadcast_in_dim3A_890 = arith.constant 48 : i32
      %broadcast_in_dim3A_891 = vector.broadcast %broadcast_in_dim3A_890 : i32 to vector<16xi32>
      %gather3A_892 = tpu.vector_load_idx %arg8[%add3A_20, %broadcast_in_dim3A_891] : memref<480x64xf32, #tpu.memory_space<vmem>>[vector<16xi32>, vector<16xi32>], vector<16xf32>,
      %mul3A_893 = arith.mulf %gather3A_892, %get3A_18 : vector<16xf32>
      %get3A_894 = arith.constant 48 : i32
      %get3A_895 = arith.index_cast %get3A_894 : i32 to index
      %get3A_896 = arith.constant 0 : index
      %get3A_897 = tpu.vector_load %arg13[%get3A_895, %get3A_896] {strides = array<i32>} : memref<64x16xf32, #tpu.memory_space<vmem>>, vector<16xf32>,
      %add3A_898 = arith.addf %mul3A_893, %get3A_897 : vector<16xf32>
      %max3A_899 = arith.constant 0.000000e+00 : f32
      %max3A_900 = vector.broadcast %max3A_899 : f32 to vector<16xf32>
      %max3A_901 = arith.maximumf %add3A_898, %max3A_900 : vector<16xf32>
      %get3A_902 = arith.constant 48 : i32
      %get3A_903 = arith.index_cast %get3A_902 : i32 to index
      %get3A_904 = arith.constant 0 : index
      %get3A_905 = tpu.vector_load %arg14[%get3A_903, %get3A_904] {strides = array<i32>} : memref<64x16xf32, #tpu.memory_space<vmem>>, vector<16xf32>,
      %mul3A_906 = arith.mulf %max3A_901, %get3A_905 : vector<16xf32>
      %add3A_907 = arith.addf %add3A_835, %mul3A_906 : vector<16xf32>
      %broadcast_in_dim3A_908 = arith.constant 49 : i32
      %broadcast_in_dim3A_909 = vector.broadcast %broadcast_in_dim3A_908 : i32 to vector<16xi32>
      %gather3A_910 = tpu.vector_load_idx %arg8[%add3A_20, %broadcast_in_dim3A_909] : memref<480x64xf32, #tpu.memory_space<vmem>>[vector<16xi32>, vector<16xi32>], vector<16xf32>,
      %mul3A_911 = arith.mulf %gather3A_910, %get3A_18 : vector<16xf32>
      %get3A_912 = arith.constant 49 : i32
      %get3A_913 = arith.index_cast %get3A_912 : i32 to index
      %get3A_914 = arith.constant 0 : index
      %get3A_915 = tpu.vector_load %arg13[%get3A_913, %get3A_914] {strides = array<i32>} : memref<64x16xf32, #tpu.memory_space<vmem>>, vector<16xf32>,
      %add3A_916 = arith.addf %mul3A_911, %get3A_915 : vector<16xf32>
      %max3A_917 = arith.constant 0.000000e+00 : f32
      %max3A_918 = vector.broadcast %max3A_917 : f32 to vector<16xf32>
      %max3A_919 = arith.maximumf %add3A_916, %max3A_918 : vector<16xf32>
      %get3A_920 = arith.constant 49 : i32
      %get3A_921 = arith.index_cast %get3A_920 : i32 to index
      %get3A_922 = arith.constant 0 : index
      %get3A_923 = tpu.vector_load %arg14[%get3A_921, %get3A_922] {strides = array<i32>} : memref<64x16xf32, #tpu.memory_space<vmem>>, vector<16xf32>,
      %mul3A_924 = arith.mulf %max3A_919, %get3A_923 : vector<16xf32>
      %add3A_925 = arith.addf %add3A_853, %mul3A_924 : vector<16xf32>
      %broadcast_in_dim3A_926 = arith.constant 50 : i32
      %broadcast_in_dim3A_927 = vector.broadcast %broadcast_in_dim3A_926 : i32 to vector<16xi32>
      %gather3A_928 = tpu.vector_load_idx %arg8[%add3A_20, %broadcast_in_dim3A_927] : memref<480x64xf32, #tpu.memory_space<vmem>>[vector<16xi32>, vector<16xi32>], vector<16xf32>,
      %mul3A_929 = arith.mulf %gather3A_928, %get3A_18 : vector<16xf32>
      %get3A_930 = arith.constant 50 : i32
      %get3A_931 = arith.index_cast %get3A_930 : i32 to index
      %get3A_932 = arith.constant 0 : index
      %get3A_933 = tpu.vector_load %arg13[%get3A_931, %get3A_932] {strides = array<i32>} : memref<64x16xf32, #tpu.memory_space<vmem>>, vector<16xf32>,
      %add3A_934 = arith.addf %mul3A_929, %get3A_933 : vector<16xf32>
      %max3A_935 = arith.constant 0.000000e+00 : f32
      %max3A_936 = vector.broadcast %max3A_935 : f32 to vector<16xf32>
      %max3A_937 = arith.maximumf %add3A_934, %max3A_936 : vector<16xf32>
      %get3A_938 = arith.constant 50 : i32
      %get3A_939 = arith.index_cast %get3A_938 : i32 to index
      %get3A_940 = arith.constant 0 : index
      %get3A_941 = tpu.vector_load %arg14[%get3A_939, %get3A_940] {strides = array<i32>} : memref<64x16xf32, #tpu.memory_space<vmem>>, vector<16xf32>,
      %mul3A_942 = arith.mulf %max3A_937, %get3A_941 : vector<16xf32>
      %add3A_943 = arith.addf %add3A_871, %mul3A_942 : vector<16xf32>
      %broadcast_in_dim3A_944 = arith.constant 51 : i32
      %broadcast_in_dim3A_945 = vector.broadcast %broadcast_in_dim3A_944 : i32 to vector<16xi32>
      %gather3A_946 = tpu.vector_load_idx %arg8[%add3A_20, %broadcast_in_dim3A_945] : memref<480x64xf32, #tpu.memory_space<vmem>>[vector<16xi32>, vector<16xi32>], vector<16xf32>,
      %mul3A_947 = arith.mulf %gather3A_946, %get3A_18 : vector<16xf32>
      %get3A_948 = arith.constant 51 : i32
      %get3A_949 = arith.index_cast %get3A_948 : i32 to index
      %get3A_950 = arith.constant 0 : index
      %get3A_951 = tpu.vector_load %arg13[%get3A_949, %get3A_950] {strides = array<i32>} : memref<64x16xf32, #tpu.memory_space<vmem>>, vector<16xf32>,
      %add3A_952 = arith.addf %mul3A_947, %get3A_951 : vector<16xf32>
      %max3A_953 = arith.constant 0.000000e+00 : f32
      %max3A_954 = vector.broadcast %max3A_953 : f32 to vector<16xf32>
      %max3A_955 = arith.maximumf %add3A_952, %max3A_954 : vector<16xf32>
      %get3A_956 = arith.constant 51 : i32
      %get3A_957 = arith.index_cast %get3A_956 : i32 to index
      %get3A_958 = arith.constant 0 : index
      %get3A_959 = tpu.vector_load %arg14[%get3A_957, %get3A_958] {strides = array<i32>} : memref<64x16xf32, #tpu.memory_space<vmem>>, vector<16xf32>,
      %mul3A_960 = arith.mulf %max3A_955, %get3A_959 : vector<16xf32>
      %add3A_961 = arith.addf %add3A_889, %mul3A_960 : vector<16xf32>
      %broadcast_in_dim3A_962 = arith.constant 52 : i32
      %broadcast_in_dim3A_963 = vector.broadcast %broadcast_in_dim3A_962 : i32 to vector<16xi32>
      %gather3A_964 = tpu.vector_load_idx %arg8[%add3A_20, %broadcast_in_dim3A_963] : memref<480x64xf32, #tpu.memory_space<vmem>>[vector<16xi32>, vector<16xi32>], vector<16xf32>,
      %mul3A_965 = arith.mulf %gather3A_964, %get3A_18 : vector<16xf32>
      %get3A_966 = arith.constant 52 : i32
      %get3A_967 = arith.index_cast %get3A_966 : i32 to index
      %get3A_968 = arith.constant 0 : index
      %get3A_969 = tpu.vector_load %arg13[%get3A_967, %get3A_968] {strides = array<i32>} : memref<64x16xf32, #tpu.memory_space<vmem>>, vector<16xf32>,
      %add3A_970 = arith.addf %mul3A_965, %get3A_969 : vector<16xf32>
      %max3A_971 = arith.constant 0.000000e+00 : f32
      %max3A_972 = vector.broadcast %max3A_971 : f32 to vector<16xf32>
      %max3A_973 = arith.maximumf %add3A_970, %max3A_972 : vector<16xf32>
      %get3A_974 = arith.constant 52 : i32
      %get3A_975 = arith.index_cast %get3A_974 : i32 to index
      %get3A_976 = arith.constant 0 : index
      %get3A_977 = tpu.vector_load %arg14[%get3A_975, %get3A_976] {strides = array<i32>} : memref<64x16xf32, #tpu.memory_space<vmem>>, vector<16xf32>,
      %mul3A_978 = arith.mulf %max3A_973, %get3A_977 : vector<16xf32>
      %add3A_979 = arith.addf %add3A_907, %mul3A_978 : vector<16xf32>
      %broadcast_in_dim3A_980 = arith.constant 53 : i32
      %broadcast_in_dim3A_981 = vector.broadcast %broadcast_in_dim3A_980 : i32 to vector<16xi32>
      %gather3A_982 = tpu.vector_load_idx %arg8[%add3A_20, %broadcast_in_dim3A_981] : memref<480x64xf32, #tpu.memory_space<vmem>>[vector<16xi32>, vector<16xi32>], vector<16xf32>,
      %mul3A_983 = arith.mulf %gather3A_982, %get3A_18 : vector<16xf32>
      %get3A_984 = arith.constant 53 : i32
      %get3A_985 = arith.index_cast %get3A_984 : i32 to index
      %get3A_986 = arith.constant 0 : index
      %get3A_987 = tpu.vector_load %arg13[%get3A_985, %get3A_986] {strides = array<i32>} : memref<64x16xf32, #tpu.memory_space<vmem>>, vector<16xf32>,
      %add3A_988 = arith.addf %mul3A_983, %get3A_987 : vector<16xf32>
      %max3A_989 = arith.constant 0.000000e+00 : f32
      %max3A_990 = vector.broadcast %max3A_989 : f32 to vector<16xf32>
      %max3A_991 = arith.maximumf %add3A_988, %max3A_990 : vector<16xf32>
      %get3A_992 = arith.constant 53 : i32
      %get3A_993 = arith.index_cast %get3A_992 : i32 to index
      %get3A_994 = arith.constant 0 : index
      %get3A_995 = tpu.vector_load %arg14[%get3A_993, %get3A_994] {strides = array<i32>} : memref<64x16xf32, #tpu.memory_space<vmem>>, vector<16xf32>,
      %mul3A_996 = arith.mulf %max3A_991, %get3A_995 : vector<16xf32>
      %add3A_997 = arith.addf %add3A_925, %mul3A_996 : vector<16xf32>
      %broadcast_in_dim3A_998 = arith.constant 54 : i32
      %broadcast_in_dim3A_999 = vector.broadcast %broadcast_in_dim3A_998 : i32 to vector<16xi32>
      %gather3A_1000 = tpu.vector_load_idx %arg8[%add3A_20, %broadcast_in_dim3A_999] : memref<480x64xf32, #tpu.memory_space<vmem>>[vector<16xi32>, vector<16xi32>], vector<16xf32>,
      %mul3A_1001 = arith.mulf %gather3A_1000, %get3A_18 : vector<16xf32>
      %get3A_1002 = arith.constant 54 : i32
      %get3A_1003 = arith.index_cast %get3A_1002 : i32 to index
      %get3A_1004 = arith.constant 0 : index
      %get3A_1005 = tpu.vector_load %arg13[%get3A_1003, %get3A_1004] {strides = array<i32>} : memref<64x16xf32, #tpu.memory_space<vmem>>, vector<16xf32>,
      %add3A_1006 = arith.addf %mul3A_1001, %get3A_1005 : vector<16xf32>
      %max3A_1007 = arith.constant 0.000000e+00 : f32
      %max3A_1008 = vector.broadcast %max3A_1007 : f32 to vector<16xf32>
      %max3A_1009 = arith.maximumf %add3A_1006, %max3A_1008 : vector<16xf32>
      %get3A_1010 = arith.constant 54 : i32
      %get3A_1011 = arith.index_cast %get3A_1010 : i32 to index
      %get3A_1012 = arith.constant 0 : index
      %get3A_1013 = tpu.vector_load %arg14[%get3A_1011, %get3A_1012] {strides = array<i32>} : memref<64x16xf32, #tpu.memory_space<vmem>>, vector<16xf32>,
      %mul3A_1014 = arith.mulf %max3A_1009, %get3A_1013 : vector<16xf32>
      %add3A_1015 = arith.addf %add3A_943, %mul3A_1014 : vector<16xf32>
      %broadcast_in_dim3A_1016 = arith.constant 55 : i32
      %broadcast_in_dim3A_1017 = vector.broadcast %broadcast_in_dim3A_1016 : i32 to vector<16xi32>
      %gather3A_1018 = tpu.vector_load_idx %arg8[%add3A_20, %broadcast_in_dim3A_1017] : memref<480x64xf32, #tpu.memory_space<vmem>>[vector<16xi32>, vector<16xi32>], vector<16xf32>,
      %mul3A_1019 = arith.mulf %gather3A_1018, %get3A_18 : vector<16xf32>
      %get3A_1020 = arith.constant 55 : i32
      %get3A_1021 = arith.index_cast %get3A_1020 : i32 to index
      %get3A_1022 = arith.constant 0 : index
      %get3A_1023 = tpu.vector_load %arg13[%get3A_1021, %get3A_1022] {strides = array<i32>} : memref<64x16xf32, #tpu.memory_space<vmem>>, vector<16xf32>,
      %add3A_1024 = arith.addf %mul3A_1019, %get3A_1023 : vector<16xf32>
      %max3A_1025 = arith.constant 0.000000e+00 : f32
      %max3A_1026 = vector.broadcast %max3A_1025 : f32 to vector<16xf32>
      %max3A_1027 = arith.maximumf %add3A_1024, %max3A_1026 : vector<16xf32>
      %get3A_1028 = arith.constant 55 : i32
      %get3A_1029 = arith.index_cast %get3A_1028 : i32 to index
      %get3A_1030 = arith.constant 0 : index
      %get3A_1031 = tpu.vector_load %arg14[%get3A_1029, %get3A_1030] {strides = array<i32>} : memref<64x16xf32, #tpu.memory_space<vmem>>, vector<16xf32>,
      %mul3A_1032 = arith.mulf %max3A_1027, %get3A_1031 : vector<16xf32>
      %add3A_1033 = arith.addf %add3A_961, %mul3A_1032 : vector<16xf32>
      %broadcast_in_dim3A_1034 = arith.constant 56 : i32
      %broadcast_in_dim3A_1035 = vector.broadcast %broadcast_in_dim3A_1034 : i32 to vector<16xi32>
      %gather3A_1036 = tpu.vector_load_idx %arg8[%add3A_20, %broadcast_in_dim3A_1035] : memref<480x64xf32, #tpu.memory_space<vmem>>[vector<16xi32>, vector<16xi32>], vector<16xf32>,
      %mul3A_1037 = arith.mulf %gather3A_1036, %get3A_18 : vector<16xf32>
      %get3A_1038 = arith.constant 56 : i32
      %get3A_1039 = arith.index_cast %get3A_1038 : i32 to index
      %get3A_1040 = arith.constant 0 : index
      %get3A_1041 = tpu.vector_load %arg13[%get3A_1039, %get3A_1040] {strides = array<i32>} : memref<64x16xf32, #tpu.memory_space<vmem>>, vector<16xf32>,
      %add3A_1042 = arith.addf %mul3A_1037, %get3A_1041 : vector<16xf32>
      %max3A_1043 = arith.constant 0.000000e+00 : f32
      %max3A_1044 = vector.broadcast %max3A_1043 : f32 to vector<16xf32>
      %max3A_1045 = arith.maximumf %add3A_1042, %max3A_1044 : vector<16xf32>
      %get3A_1046 = arith.constant 56 : i32
      %get3A_1047 = arith.index_cast %get3A_1046 : i32 to index
      %get3A_1048 = arith.constant 0 : index
      %get3A_1049 = tpu.vector_load %arg14[%get3A_1047, %get3A_1048] {strides = array<i32>} : memref<64x16xf32, #tpu.memory_space<vmem>>, vector<16xf32>,
      %mul3A_1050 = arith.mulf %max3A_1045, %get3A_1049 : vector<16xf32>
      %add3A_1051 = arith.addf %add3A_979, %mul3A_1050 : vector<16xf32>
      %broadcast_in_dim3A_1052 = arith.constant 57 : i32
      %broadcast_in_dim3A_1053 = vector.broadcast %broadcast_in_dim3A_1052 : i32 to vector<16xi32>
      %gather3A_1054 = tpu.vector_load_idx %arg8[%add3A_20, %broadcast_in_dim3A_1053] : memref<480x64xf32, #tpu.memory_space<vmem>>[vector<16xi32>, vector<16xi32>], vector<16xf32>,
      %mul3A_1055 = arith.mulf %gather3A_1054, %get3A_18 : vector<16xf32>
      %get3A_1056 = arith.constant 57 : i32
      %get3A_1057 = arith.index_cast %get3A_1056 : i32 to index
      %get3A_1058 = arith.constant 0 : index
      %get3A_1059 = tpu.vector_load %arg13[%get3A_1057, %get3A_1058] {strides = array<i32>} : memref<64x16xf32, #tpu.memory_space<vmem>>, vector<16xf32>,
      %add3A_1060 = arith.addf %mul3A_1055, %get3A_1059 : vector<16xf32>
      %max3A_1061 = arith.constant 0.000000e+00 : f32
      %max3A_1062 = vector.broadcast %max3A_1061 : f32 to vector<16xf32>
      %max3A_1063 = arith.maximumf %add3A_1060, %max3A_1062 : vector<16xf32>
      %get3A_1064 = arith.constant 57 : i32
      %get3A_1065 = arith.index_cast %get3A_1064 : i32 to index
      %get3A_1066 = arith.constant 0 : index
      %get3A_1067 = tpu.vector_load %arg14[%get3A_1065, %get3A_1066] {strides = array<i32>} : memref<64x16xf32, #tpu.memory_space<vmem>>, vector<16xf32>,
      %mul3A_1068 = arith.mulf %max3A_1063, %get3A_1067 : vector<16xf32>
      %add3A_1069 = arith.addf %add3A_997, %mul3A_1068 : vector<16xf32>
      %broadcast_in_dim3A_1070 = arith.constant 58 : i32
      %broadcast_in_dim3A_1071 = vector.broadcast %broadcast_in_dim3A_1070 : i32 to vector<16xi32>
      %gather3A_1072 = tpu.vector_load_idx %arg8[%add3A_20, %broadcast_in_dim3A_1071] : memref<480x64xf32, #tpu.memory_space<vmem>>[vector<16xi32>, vector<16xi32>], vector<16xf32>,
      %mul3A_1073 = arith.mulf %gather3A_1072, %get3A_18 : vector<16xf32>
      %get3A_1074 = arith.constant 58 : i32
      %get3A_1075 = arith.index_cast %get3A_1074 : i32 to index
      %get3A_1076 = arith.constant 0 : index
      %get3A_1077 = tpu.vector_load %arg13[%get3A_1075, %get3A_1076] {strides = array<i32>} : memref<64x16xf32, #tpu.memory_space<vmem>>, vector<16xf32>,
      %add3A_1078 = arith.addf %mul3A_1073, %get3A_1077 : vector<16xf32>
      %max3A_1079 = arith.constant 0.000000e+00 : f32
      %max3A_1080 = vector.broadcast %max3A_1079 : f32 to vector<16xf32>
      %max3A_1081 = arith.maximumf %add3A_1078, %max3A_1080 : vector<16xf32>
      %get3A_1082 = arith.constant 58 : i32
      %get3A_1083 = arith.index_cast %get3A_1082 : i32 to index
      %get3A_1084 = arith.constant 0 : index
      %get3A_1085 = tpu.vector_load %arg14[%get3A_1083, %get3A_1084] {strides = array<i32>} : memref<64x16xf32, #tpu.memory_space<vmem>>, vector<16xf32>,
      %mul3A_1086 = arith.mulf %max3A_1081, %get3A_1085 : vector<16xf32>
      %add3A_1087 = arith.addf %add3A_1015, %mul3A_1086 : vector<16xf32>
      %broadcast_in_dim3A_1088 = arith.constant 59 : i32
      %broadcast_in_dim3A_1089 = vector.broadcast %broadcast_in_dim3A_1088 : i32 to vector<16xi32>
      %gather3A_1090 = tpu.vector_load_idx %arg8[%add3A_20, %broadcast_in_dim3A_1089] : memref<480x64xf32, #tpu.memory_space<vmem>>[vector<16xi32>, vector<16xi32>], vector<16xf32>,
      %mul3A_1091 = arith.mulf %gather3A_1090, %get3A_18 : vector<16xf32>
      %get3A_1092 = arith.constant 59 : i32
      %get3A_1093 = arith.index_cast %get3A_1092 : i32 to index
      %get3A_1094 = arith.constant 0 : index
      %get3A_1095 = tpu.vector_load %arg13[%get3A_1093, %get3A_1094] {strides = array<i32>} : memref<64x16xf32, #tpu.memory_space<vmem>>, vector<16xf32>,
      %add3A_1096 = arith.addf %mul3A_1091, %get3A_1095 : vector<16xf32>
      %max3A_1097 = arith.constant 0.000000e+00 : f32
      %max3A_1098 = vector.broadcast %max3A_1097 : f32 to vector<16xf32>
      %max3A_1099 = arith.maximumf %add3A_1096, %max3A_1098 : vector<16xf32>
      %get3A_1100 = arith.constant 59 : i32
      %get3A_1101 = arith.index_cast %get3A_1100 : i32 to index
      %get3A_1102 = arith.constant 0 : index
      %get3A_1103 = tpu.vector_load %arg14[%get3A_1101, %get3A_1102] {strides = array<i32>} : memref<64x16xf32, #tpu.memory_space<vmem>>, vector<16xf32>,
      %mul3A_1104 = arith.mulf %max3A_1099, %get3A_1103 : vector<16xf32>
      %add3A_1105 = arith.addf %add3A_1033, %mul3A_1104 : vector<16xf32>
      %broadcast_in_dim3A_1106 = arith.constant 60 : i32
      %broadcast_in_dim3A_1107 = vector.broadcast %broadcast_in_dim3A_1106 : i32 to vector<16xi32>
      %gather3A_1108 = tpu.vector_load_idx %arg8[%add3A_20, %broadcast_in_dim3A_1107] : memref<480x64xf32, #tpu.memory_space<vmem>>[vector<16xi32>, vector<16xi32>], vector<16xf32>,
      %mul3A_1109 = arith.mulf %gather3A_1108, %get3A_18 : vector<16xf32>
      %get3A_1110 = arith.constant 60 : i32
      %get3A_1111 = arith.index_cast %get3A_1110 : i32 to index
      %get3A_1112 = arith.constant 0 : index
      %get3A_1113 = tpu.vector_load %arg13[%get3A_1111, %get3A_1112] {strides = array<i32>} : memref<64x16xf32, #tpu.memory_space<vmem>>, vector<16xf32>,
      %add3A_1114 = arith.addf %mul3A_1109, %get3A_1113 : vector<16xf32>
      %max3A_1115 = arith.constant 0.000000e+00 : f32
      %max3A_1116 = vector.broadcast %max3A_1115 : f32 to vector<16xf32>
      %max3A_1117 = arith.maximumf %add3A_1114, %max3A_1116 : vector<16xf32>
      %get3A_1118 = arith.constant 60 : i32
      %get3A_1119 = arith.index_cast %get3A_1118 : i32 to index
      %get3A_1120 = arith.constant 0 : index
      %get3A_1121 = tpu.vector_load %arg14[%get3A_1119, %get3A_1120] {strides = array<i32>} : memref<64x16xf32, #tpu.memory_space<vmem>>, vector<16xf32>,
      %mul3A_1122 = arith.mulf %max3A_1117, %get3A_1121 : vector<16xf32>
      %add3A_1123 = arith.addf %add3A_1051, %mul3A_1122 : vector<16xf32>
      %broadcast_in_dim3A_1124 = arith.constant 61 : i32
      %broadcast_in_dim3A_1125 = vector.broadcast %broadcast_in_dim3A_1124 : i32 to vector<16xi32>
      %gather3A_1126 = tpu.vector_load_idx %arg8[%add3A_20, %broadcast_in_dim3A_1125] : memref<480x64xf32, #tpu.memory_space<vmem>>[vector<16xi32>, vector<16xi32>], vector<16xf32>,
      %mul3A_1127 = arith.mulf %gather3A_1126, %get3A_18 : vector<16xf32>
      %get3A_1128 = arith.constant 61 : i32
      %get3A_1129 = arith.index_cast %get3A_1128 : i32 to index
      %get3A_1130 = arith.constant 0 : index
      %get3A_1131 = tpu.vector_load %arg13[%get3A_1129, %get3A_1130] {strides = array<i32>} : memref<64x16xf32, #tpu.memory_space<vmem>>, vector<16xf32>,
      %add3A_1132 = arith.addf %mul3A_1127, %get3A_1131 : vector<16xf32>
      %max3A_1133 = arith.constant 0.000000e+00 : f32
      %max3A_1134 = vector.broadcast %max3A_1133 : f32 to vector<16xf32>
      %max3A_1135 = arith.maximumf %add3A_1132, %max3A_1134 : vector<16xf32>
      %get3A_1136 = arith.constant 61 : i32
      %get3A_1137 = arith.index_cast %get3A_1136 : i32 to index
      %get3A_1138 = arith.constant 0 : index
      %get3A_1139 = tpu.vector_load %arg14[%get3A_1137, %get3A_1138] {strides = array<i32>} : memref<64x16xf32, #tpu.memory_space<vmem>>, vector<16xf32>,
      %mul3A_1140 = arith.mulf %max3A_1135, %get3A_1139 : vector<16xf32>
      %add3A_1141 = arith.addf %add3A_1069, %mul3A_1140 : vector<16xf32>
      %broadcast_in_dim3A_1142 = arith.constant 62 : i32
      %broadcast_in_dim3A_1143 = vector.broadcast %broadcast_in_dim3A_1142 : i32 to vector<16xi32>
      %gather3A_1144 = tpu.vector_load_idx %arg8[%add3A_20, %broadcast_in_dim3A_1143] : memref<480x64xf32, #tpu.memory_space<vmem>>[vector<16xi32>, vector<16xi32>], vector<16xf32>,
      %mul3A_1145 = arith.mulf %gather3A_1144, %get3A_18 : vector<16xf32>
      %get3A_1146 = arith.constant 62 : i32
      %get3A_1147 = arith.index_cast %get3A_1146 : i32 to index
      %get3A_1148 = arith.constant 0 : index
      %get3A_1149 = tpu.vector_load %arg13[%get3A_1147, %get3A_1148] {strides = array<i32>} : memref<64x16xf32, #tpu.memory_space<vmem>>, vector<16xf32>,
      %add3A_1150 = arith.addf %mul3A_1145, %get3A_1149 : vector<16xf32>
      %max3A_1151 = arith.constant 0.000000e+00 : f32
      %max3A_1152 = vector.broadcast %max3A_1151 : f32 to vector<16xf32>
      %max3A_1153 = arith.maximumf %add3A_1150, %max3A_1152 : vector<16xf32>
      %get3A_1154 = arith.constant 62 : i32
      %get3A_1155 = arith.index_cast %get3A_1154 : i32 to index
      %get3A_1156 = arith.constant 0 : index
      %get3A_1157 = tpu.vector_load %arg14[%get3A_1155, %get3A_1156] {strides = array<i32>} : memref<64x16xf32, #tpu.memory_space<vmem>>, vector<16xf32>,
      %mul3A_1158 = arith.mulf %max3A_1153, %get3A_1157 : vector<16xf32>
      %add3A_1159 = arith.addf %add3A_1087, %mul3A_1158 : vector<16xf32>
      %broadcast_in_dim3A_1160 = arith.constant 63 : i32
      %broadcast_in_dim3A_1161 = vector.broadcast %broadcast_in_dim3A_1160 : i32 to vector<16xi32>
      %gather3A_1162 = tpu.vector_load_idx %arg8[%add3A_20, %broadcast_in_dim3A_1161] : memref<480x64xf32, #tpu.memory_space<vmem>>[vector<16xi32>, vector<16xi32>], vector<16xf32>,
      %mul3A_1163 = arith.mulf %gather3A_1162, %get3A_18 : vector<16xf32>
      %get3A_1164 = arith.constant 63 : i32
      %get3A_1165 = arith.index_cast %get3A_1164 : i32 to index
      %get3A_1166 = arith.constant 0 : index
      %get3A_1167 = tpu.vector_load %arg13[%get3A_1165, %get3A_1166] {strides = array<i32>} : memref<64x16xf32, #tpu.memory_space<vmem>>, vector<16xf32>,
      %add3A_1168 = arith.addf %mul3A_1163, %get3A_1167 : vector<16xf32>
      %max3A_1169 = arith.constant 0.000000e+00 : f32
      %max3A_1170 = vector.broadcast %max3A_1169 : f32 to vector<16xf32>
      %max3A_1171 = arith.maximumf %add3A_1168, %max3A_1170 : vector<16xf32>
      %get3A_1172 = arith.constant 63 : i32
      %get3A_1173 = arith.index_cast %get3A_1172 : i32 to index
      %get3A_1174 = arith.constant 0 : index
      %get3A_1175 = tpu.vector_load %arg14[%get3A_1173, %get3A_1174] {strides = array<i32>} : memref<64x16xf32, #tpu.memory_space<vmem>>, vector<16xf32>,
      %mul3A_1176 = arith.mulf %max3A_1171, %get3A_1175 : vector<16xf32>
      %add3A_1177 = arith.addf %add3A_1105, %mul3A_1176 : vector<16xf32>
      %add3A_1178 = arith.addf %add3A_1123, %add3A_1141 : vector<16xf32>
      %add3A_1179 = arith.addf %add3A_1159, %add3A_1177 : vector<16xf32>
      %add3A_1180 = arith.addf %add3A_1178, %add3A_1179 : vector<16xf32>
      %mul3A_1181 = arith.mulf %add3A_1180, %get3A_18 : vector<16xf32>
      %swap3A = arith.index_cast %mul3A_17 : i32 to index
      %swap3A_1182 = tpu.vector_load %arg12[%swap3A] {strides = array<i32>} : memref<480xf32, #tpu.memory_space<vmem>>, vector<16xf32>,
      tpu.vector_store %arg12[%swap3A], %mul3A_1181 {strides = array<i32>} : memref<480xf32, #tpu.memory_space<vmem>>, vector<16xf32>,
    }
    %scan3A_14 = arith.constant 30 : i32
    "tpu.region"() ({
      %run_scoped3A_15 = tpu.sem_alloc : memref<!tpu.dma_semaphore, #tpu.memory_space<semaphore_mem>>
      %dma_start3A = tpu.memref_slice %arg7[%mul3A_2] : memref<15360xf32, #tpu.memory_space<hbm>> -> memref<480xf32, #tpu.memory_space<hbm>>
      %dma_start3A_16 = tpu.memref_slice %arg7[%mul3A_2] : memref<15360xf32, #tpu.memory_space<hbm>> -> memref<480xf32, #tpu.memory_space<hbm>>
      tpu.enqueue_dma source(%arg12 : memref<480xf32, #tpu.memory_space<vmem>>) target(%dma_start3A_16 : memref<480xf32, #tpu.memory_space<hbm>>) target_semaphore(%run_scoped3A_15 : memref<!tpu.dma_semaphore, #tpu.memory_space<semaphore_mem>>)
      %dma_wait3A = tpu.memref_slice %arg7[%mul3A_2] : memref<15360xf32, #tpu.memory_space<hbm>> -> memref<480xf32, #tpu.memory_space<hbm>>
      %dma_wait3A_17 = tpu.memref_slice %arg7[%mul3A_2] : memref<15360xf32, #tpu.memory_space<hbm>> -> memref<480xf32, #tpu.memory_space<hbm>>
      tpu.wait_dma2 semaphore(%run_scoped3A_15 : memref<!tpu.dma_semaphore, #tpu.memory_space<semaphore_mem>>) src(%arg12 : memref<480xf32, #tpu.memory_space<vmem>>) dst(%dma_wait3A_17 : memref<480xf32, #tpu.memory_space<hbm>>)
      tpu.yield
    }) : () -> ()
    return
  }
}

#map = affine_map<(d0, d1) -> (0)>
#map1 = affine_map<(d0, d1) -> (0, 0, 0)>
#map2 = affine_map<(d0, d1) -> (0, 0)>
module attributes {stable_mosaic.version = 14 : i64} {
  func.func @_sc_scalar_body(%arg0: i32, %arg1: i32, %arg2: memref<15360xf32, #tpu.memory_space<hbm>>, %arg3: memref<2500x2x128xi32, #tpu.memory_space<hbm>>, %arg4: memref<40x128xi32, #tpu.memory_space<hbm>>, %arg5: memref<32x15360xf32, #tpu.memory_space<hbm>>, %arg6: memref<79x2x128xi32, #tpu.memory_space<vmem>>, %arg7: memref<40x128xi32, #tpu.memory_space<vmem>>, %arg8: memref<15360xf32, #tpu.memory_space<vmem>>, %arg9: memref<15360xf32, #tpu.memory_space<vmem>>) attributes {dimension_semantics = [#tpu.dimension_semantics<core_parallel>, #tpu.dimension_semantics<subcore_parallel>], iteration_bounds = array<i64: 2, 16>, scalar_prefetch = 0 : i64, scratch_operands = 4 : i64, tpu.core_type = #tpu.core_type<sc_vector_subcore>, window_params = [{transform_indices = #map}, {transform_indices = #map1}, {transform_indices = #map2}, {transform_indices = #map2}]} {
    %mul3A = arith.constant 2 : i32
    %mul3A_0 = arith.muli %arg1, %mul3A : i32
    %add3A = arith.addi %mul3A_0, %arg0 : i32
    %mul3A_1 = arith.constant 78 : i32
    %mul3A_2 = arith.muli %add3A, %mul3A_1 : i32
    %min3A = arith.constant 4 : i32
    %min3A_3 = arith.minsi %add3A, %min3A : i32
    %add3A_4 = arith.addi %mul3A_2, %min3A_3 : i32
    %lt3A = arith.constant 4 : i32
    %lt3A_5 = arith.cmpi slt, %add3A, %lt3A : i32
    %jit3A = arith.constant 1 : i32
    %jit3A_6 = arith.constant 0 : i32
    %select_n3A = arith.select %lt3A_5, %jit3A, %jit3A_6 : i32
    %add3A_7 = arith.constant 78 : i32
    %add3A_8 = arith.addi %add3A_7, %select_n3A : i32
    %min3A_9 = arith.constant 2421 : i32
    %min3A_10 = arith.minsi %add3A_4, %min3A_9 : i32
    %sub3A = arith.subi %add3A_4, %min3A_10 : i32
    "tpu.region"() ({
      %run_scoped3A = tpu.sem_alloc : memref<!tpu.dma_semaphore, #tpu.memory_space<semaphore_mem>>
      %dma_start3A = arith.constant 0 : i32
      %dma_start3A_37 = arith.constant 0 : i32
      %dma_start3A_38 = tpu.memref_slice %arg3[%min3A_10, %dma_start3A, %dma_start3A_37] : memref<2500x2x128xi32, #tpu.memory_space<hbm>> -> memref<79x2x128xi32, #tpu.memory_space<hbm>>
      %dma_start3A_39 = arith.constant 0 : i32
      %dma_start3A_40 = arith.constant 0 : i32
      %dma_start3A_41 = tpu.memref_slice %arg3[%min3A_10, %dma_start3A_39, %dma_start3A_40] : memref<2500x2x128xi32, #tpu.memory_space<hbm>> -> memref<79x2x128xi32, #tpu.memory_space<hbm>>
      tpu.enqueue_dma source(%dma_start3A_41 : memref<79x2x128xi32, #tpu.memory_space<hbm>>) target(%arg6 : memref<79x2x128xi32, #tpu.memory_space<vmem>>) target_semaphore(%run_scoped3A : memref<!tpu.dma_semaphore, #tpu.memory_space<semaphore_mem>>)
      %dma_wait3A = arith.constant 0 : i32
      %dma_wait3A_42 = arith.constant 0 : i32
      %dma_wait3A_43 = tpu.memref_slice %arg3[%min3A_10, %dma_wait3A, %dma_wait3A_42] : memref<2500x2x128xi32, #tpu.memory_space<hbm>> -> memref<79x2x128xi32, #tpu.memory_space<hbm>>
      %dma_wait3A_44 = arith.constant 0 : i32
      %dma_wait3A_45 = arith.constant 0 : i32
      %dma_wait3A_46 = tpu.memref_slice %arg3[%min3A_10, %dma_wait3A_44, %dma_wait3A_45] : memref<2500x2x128xi32, #tpu.memory_space<hbm>> -> memref<79x2x128xi32, #tpu.memory_space<hbm>>
      tpu.wait_dma2 semaphore(%run_scoped3A : memref<!tpu.dma_semaphore, #tpu.memory_space<semaphore_mem>>) src(%dma_wait3A_46 : memref<79x2x128xi32, #tpu.memory_space<hbm>>) dst(%arg6 : memref<79x2x128xi32, #tpu.memory_space<vmem>>)
      tpu.yield
    }) : () -> ()
    "tpu.region"() ({
      %run_scoped3A = tpu.sem_alloc : memref<!tpu.dma_semaphore, #tpu.memory_space<semaphore_mem>>
      tpu.enqueue_dma source(%arg4 : memref<40x128xi32, #tpu.memory_space<hbm>>) target(%arg7 : memref<40x128xi32, #tpu.memory_space<vmem>>) target_semaphore(%run_scoped3A : memref<!tpu.dma_semaphore, #tpu.memory_space<semaphore_mem>>)
      tpu.wait_dma2 semaphore(%run_scoped3A : memref<!tpu.dma_semaphore, #tpu.memory_space<semaphore_mem>>) src(%arg4 : memref<40x128xi32, #tpu.memory_space<hbm>>) dst(%arg7 : memref<40x128xi32, #tpu.memory_space<vmem>>)
      tpu.yield
    }) : () -> ()
    "tpu.region"() ({
      %run_scoped3A = tpu.sem_alloc : memref<!tpu.dma_semaphore, #tpu.memory_space<semaphore_mem>>
      tpu.enqueue_dma source(%arg2 : memref<15360xf32, #tpu.memory_space<hbm>>) target(%arg8 : memref<15360xf32, #tpu.memory_space<vmem>>) target_semaphore(%run_scoped3A : memref<!tpu.dma_semaphore, #tpu.memory_space<semaphore_mem>>)
      tpu.wait_dma2 semaphore(%run_scoped3A : memref<!tpu.dma_semaphore, #tpu.memory_space<semaphore_mem>>) src(%arg2 : memref<15360xf32, #tpu.memory_space<hbm>>) dst(%arg8 : memref<15360xf32, #tpu.memory_space<vmem>>)
      tpu.yield
    }) : () -> ()
    %scan3A = arith.constant 0 : i32
    %scan3A_11 = arith.constant 0 : i32
    %scan3A_12 = arith.constant 960 : i32
    %scan3A_13 = arith.addi %scan3A_11, %scan3A_12 : i32
    %scan3A_14 = arith.constant 1 : i32
    scf.for %scan3A_37 = %scan3A_11 to %scan3A_13 step %scan3A_14  : i32 {
      %broadcast_in_dim3A = arith.constant 0.000000e+00 : f32
      %broadcast_in_dim3A_38 = vector.broadcast %broadcast_in_dim3A : f32 to vector<16xf32>
      %mul3A_39 = arith.constant 16 : i32
      %mul3A_40 = arith.muli %scan3A_37, %mul3A_39 : i32
      %swap3A = arith.index_cast %mul3A_40 : i32 to index
      %swap3A_41 = tpu.vector_load %arg9[%swap3A] {strides = array<i32>} : memref<15360xf32, #tpu.memory_space<vmem>>, vector<16xf32>,
      tpu.vector_store %arg9[%swap3A], %broadcast_in_dim3A_38 {strides = array<i32>} : memref<15360xf32, #tpu.memory_space<vmem>>, vector<16xf32>,
    }
    %scan3A_15 = arith.constant 960 : i32
    %while3A = arith.constant 0 : i32
    %while3A_16 = arith.constant 0 : i32
    %while3A_17 = arith.subi %add3A_8, %while3A_16 : i32
    %while3A_18 = arith.addi %while3A_16, %while3A_17 : i32
    %while3A_19 = arith.constant 1 : i32
    %while3A_20 = arith.divsi %while3A_17, %while3A_19 : i32
    %while3A_21 = arith.muli %while3A_20, %while3A_19 : i32
    %while3A_22 = arith.addi %while3A_16, %while3A_21 : i32
    %while3A_23 = arith.constant 1 : i32
    scf.for %while3A_37 = %while3A_16 to %while3A_22 step %while3A_23  : i32 {
      %add3A_38 = arith.addi %sub3A, %while3A_37 : i32
      %get3A = arith.constant 0 : i32
      %get3A_39 = arith.index_cast %add3A_38 : i32 to index
      %get3A_40 = arith.index_cast %get3A : i32 to index
      %get3A_41 = arith.constant 0 : index
      %get3A_42 = tpu.vector_load %arg6[%get3A_39, %get3A_40, %get3A_41] {strides = array<i32>} : memref<79x2x128xi32, #tpu.memory_space<vmem>>, vector<16xi32>,
      %gather3A = tpu.vector_load_idx %arg8[%get3A_42] : memref<15360xf32, #tpu.memory_space<vmem>>[vector<16xi32>], vector<16xf32>,
      %get3A_43 = arith.constant 1 : i32
      %get3A_44 = arith.index_cast %add3A_38 : i32 to index
      %get3A_45 = arith.index_cast %get3A_43 : i32 to index
      %get3A_46 = arith.constant 0 : index
      %get3A_47 = tpu.vector_load %arg6[%get3A_44, %get3A_45, %get3A_46] {strides = array<i32>} : memref<79x2x128xi32, #tpu.memory_space<vmem>>, vector<16xi32>,
      tpu.vector_store_idx %arg9[%get3A_47], %gather3A {add = true} : memref<15360xf32, #tpu.memory_space<vmem>>[vector<16xi32>], vector<16xf32>,
      %get3A_48 = arith.constant 0 : i32
      %get3A_49 = arith.index_cast %add3A_38 : i32 to index
      %get3A_50 = arith.index_cast %get3A_48 : i32 to index
      %get3A_51 = arith.constant 16 : index
      %get3A_52 = tpu.vector_load %arg6[%get3A_49, %get3A_50, %get3A_51] {strides = array<i32>} : memref<79x2x128xi32, #tpu.memory_space<vmem>>, vector<16xi32>,
      %gather3A_53 = tpu.vector_load_idx %arg8[%get3A_52] : memref<15360xf32, #tpu.memory_space<vmem>>[vector<16xi32>], vector<16xf32>,
      %get3A_54 = arith.constant 1 : i32
      %get3A_55 = arith.index_cast %add3A_38 : i32 to index
      %get3A_56 = arith.index_cast %get3A_54 : i32 to index
      %get3A_57 = arith.constant 16 : index
      %get3A_58 = tpu.vector_load %arg6[%get3A_55, %get3A_56, %get3A_57] {strides = array<i32>} : memref<79x2x128xi32, #tpu.memory_space<vmem>>, vector<16xi32>,
      tpu.vector_store_idx %arg9[%get3A_58], %gather3A_53 {add = true} : memref<15360xf32, #tpu.memory_space<vmem>>[vector<16xi32>], vector<16xf32>,
      %get3A_59 = arith.constant 0 : i32
      %get3A_60 = arith.index_cast %add3A_38 : i32 to index
      %get3A_61 = arith.index_cast %get3A_59 : i32 to index
      %get3A_62 = arith.constant 32 : index
      %get3A_63 = tpu.vector_load %arg6[%get3A_60, %get3A_61, %get3A_62] {strides = array<i32>} : memref<79x2x128xi32, #tpu.memory_space<vmem>>, vector<16xi32>,
      %gather3A_64 = tpu.vector_load_idx %arg8[%get3A_63] : memref<15360xf32, #tpu.memory_space<vmem>>[vector<16xi32>], vector<16xf32>,
      %get3A_65 = arith.constant 1 : i32
      %get3A_66 = arith.index_cast %add3A_38 : i32 to index
      %get3A_67 = arith.index_cast %get3A_65 : i32 to index
      %get3A_68 = arith.constant 32 : index
      %get3A_69 = tpu.vector_load %arg6[%get3A_66, %get3A_67, %get3A_68] {strides = array<i32>} : memref<79x2x128xi32, #tpu.memory_space<vmem>>, vector<16xi32>,
      tpu.vector_store_idx %arg9[%get3A_69], %gather3A_64 {add = true} : memref<15360xf32, #tpu.memory_space<vmem>>[vector<16xi32>], vector<16xf32>,
      %get3A_70 = arith.constant 0 : i32
      %get3A_71 = arith.index_cast %add3A_38 : i32 to index
      %get3A_72 = arith.index_cast %get3A_70 : i32 to index
      %get3A_73 = arith.constant 48 : index
      %get3A_74 = tpu.vector_load %arg6[%get3A_71, %get3A_72, %get3A_73] {strides = array<i32>} : memref<79x2x128xi32, #tpu.memory_space<vmem>>, vector<16xi32>,
      %gather3A_75 = tpu.vector_load_idx %arg8[%get3A_74] : memref<15360xf32, #tpu.memory_space<vmem>>[vector<16xi32>], vector<16xf32>,
      %get3A_76 = arith.constant 1 : i32
      %get3A_77 = arith.index_cast %add3A_38 : i32 to index
      %get3A_78 = arith.index_cast %get3A_76 : i32 to index
      %get3A_79 = arith.constant 48 : index
      %get3A_80 = tpu.vector_load %arg6[%get3A_77, %get3A_78, %get3A_79] {strides = array<i32>} : memref<79x2x128xi32, #tpu.memory_space<vmem>>, vector<16xi32>,
      tpu.vector_store_idx %arg9[%get3A_80], %gather3A_75 {add = true} : memref<15360xf32, #tpu.memory_space<vmem>>[vector<16xi32>], vector<16xf32>,
      %get3A_81 = arith.constant 0 : i32
      %get3A_82 = arith.index_cast %add3A_38 : i32 to index
      %get3A_83 = arith.index_cast %get3A_81 : i32 to index
      %get3A_84 = arith.constant 64 : index
      %get3A_85 = tpu.vector_load %arg6[%get3A_82, %get3A_83, %get3A_84] {strides = array<i32>} : memref<79x2x128xi32, #tpu.memory_space<vmem>>, vector<16xi32>,
      %gather3A_86 = tpu.vector_load_idx %arg8[%get3A_85] : memref<15360xf32, #tpu.memory_space<vmem>>[vector<16xi32>], vector<16xf32>,
      %get3A_87 = arith.constant 1 : i32
      %get3A_88 = arith.index_cast %add3A_38 : i32 to index
      %get3A_89 = arith.index_cast %get3A_87 : i32 to index
      %get3A_90 = arith.constant 64 : index
      %get3A_91 = tpu.vector_load %arg6[%get3A_88, %get3A_89, %get3A_90] {strides = array<i32>} : memref<79x2x128xi32, #tpu.memory_space<vmem>>, vector<16xi32>,
      tpu.vector_store_idx %arg9[%get3A_91], %gather3A_86 {add = true} : memref<15360xf32, #tpu.memory_space<vmem>>[vector<16xi32>], vector<16xf32>,
      %get3A_92 = arith.constant 0 : i32
      %get3A_93 = arith.index_cast %add3A_38 : i32 to index
      %get3A_94 = arith.index_cast %get3A_92 : i32 to index
      %get3A_95 = arith.constant 80 : index
      %get3A_96 = tpu.vector_load %arg6[%get3A_93, %get3A_94, %get3A_95] {strides = array<i32>} : memref<79x2x128xi32, #tpu.memory_space<vmem>>, vector<16xi32>,
      %gather3A_97 = tpu.vector_load_idx %arg8[%get3A_96] : memref<15360xf32, #tpu.memory_space<vmem>>[vector<16xi32>], vector<16xf32>,
      %get3A_98 = arith.constant 1 : i32
      %get3A_99 = arith.index_cast %add3A_38 : i32 to index
      %get3A_100 = arith.index_cast %get3A_98 : i32 to index
      %get3A_101 = arith.constant 80 : index
      %get3A_102 = tpu.vector_load %arg6[%get3A_99, %get3A_100, %get3A_101] {strides = array<i32>} : memref<79x2x128xi32, #tpu.memory_space<vmem>>, vector<16xi32>,
      tpu.vector_store_idx %arg9[%get3A_102], %gather3A_97 {add = true} : memref<15360xf32, #tpu.memory_space<vmem>>[vector<16xi32>], vector<16xf32>,
      %get3A_103 = arith.constant 0 : i32
      %get3A_104 = arith.index_cast %add3A_38 : i32 to index
      %get3A_105 = arith.index_cast %get3A_103 : i32 to index
      %get3A_106 = arith.constant 96 : index
      %get3A_107 = tpu.vector_load %arg6[%get3A_104, %get3A_105, %get3A_106] {strides = array<i32>} : memref<79x2x128xi32, #tpu.memory_space<vmem>>, vector<16xi32>,
      %gather3A_108 = tpu.vector_load_idx %arg8[%get3A_107] : memref<15360xf32, #tpu.memory_space<vmem>>[vector<16xi32>], vector<16xf32>,
      %get3A_109 = arith.constant 1 : i32
      %get3A_110 = arith.index_cast %add3A_38 : i32 to index
      %get3A_111 = arith.index_cast %get3A_109 : i32 to index
      %get3A_112 = arith.constant 96 : index
      %get3A_113 = tpu.vector_load %arg6[%get3A_110, %get3A_111, %get3A_112] {strides = array<i32>} : memref<79x2x128xi32, #tpu.memory_space<vmem>>, vector<16xi32>,
      tpu.vector_store_idx %arg9[%get3A_113], %gather3A_108 {add = true} : memref<15360xf32, #tpu.memory_space<vmem>>[vector<16xi32>], vector<16xf32>,
      %get3A_114 = arith.constant 0 : i32
      %get3A_115 = arith.index_cast %add3A_38 : i32 to index
      %get3A_116 = arith.index_cast %get3A_114 : i32 to index
      %get3A_117 = arith.constant 112 : index
      %get3A_118 = tpu.vector_load %arg6[%get3A_115, %get3A_116, %get3A_117] {strides = array<i32>} : memref<79x2x128xi32, #tpu.memory_space<vmem>>, vector<16xi32>,
      %gather3A_119 = tpu.vector_load_idx %arg8[%get3A_118] : memref<15360xf32, #tpu.memory_space<vmem>>[vector<16xi32>], vector<16xf32>,
      %get3A_120 = arith.constant 1 : i32
      %get3A_121 = arith.index_cast %add3A_38 : i32 to index
      %get3A_122 = arith.index_cast %get3A_120 : i32 to index
      %get3A_123 = arith.constant 112 : index
      %get3A_124 = tpu.vector_load %arg6[%get3A_121, %get3A_122, %get3A_123] {strides = array<i32>} : memref<79x2x128xi32, #tpu.memory_space<vmem>>, vector<16xi32>,
      tpu.vector_store_idx %arg9[%get3A_124], %gather3A_119 {add = true} : memref<15360xf32, #tpu.memory_space<vmem>>[vector<16xi32>], vector<16xf32>,
    }
    %while3A_24 = arith.constant 1 : i32
    scf.for %while3A_37 = %while3A_22 to %while3A_18 step %while3A_24  : i32 {
      %add3A_38 = arith.addi %sub3A, %while3A_37 : i32
      %get3A = arith.constant 0 : i32
      %get3A_39 = arith.index_cast %add3A_38 : i32 to index
      %get3A_40 = arith.index_cast %get3A : i32 to index
      %get3A_41 = arith.constant 0 : index
      %get3A_42 = tpu.vector_load %arg6[%get3A_39, %get3A_40, %get3A_41] {strides = array<i32>} : memref<79x2x128xi32, #tpu.memory_space<vmem>>, vector<16xi32>,
      %gather3A = tpu.vector_load_idx %arg8[%get3A_42] : memref<15360xf32, #tpu.memory_space<vmem>>[vector<16xi32>], vector<16xf32>,
      %get3A_43 = arith.constant 1 : i32
      %get3A_44 = arith.index_cast %add3A_38 : i32 to index
      %get3A_45 = arith.index_cast %get3A_43 : i32 to index
      %get3A_46 = arith.constant 0 : index
      %get3A_47 = tpu.vector_load %arg6[%get3A_44, %get3A_45, %get3A_46] {strides = array<i32>} : memref<79x2x128xi32, #tpu.memory_space<vmem>>, vector<16xi32>,
      tpu.vector_store_idx %arg9[%get3A_47], %gather3A {add = true} : memref<15360xf32, #tpu.memory_space<vmem>>[vector<16xi32>], vector<16xf32>,
      %get3A_48 = arith.constant 0 : i32
      %get3A_49 = arith.index_cast %add3A_38 : i32 to index
      %get3A_50 = arith.index_cast %get3A_48 : i32 to index
      %get3A_51 = arith.constant 16 : index
      %get3A_52 = tpu.vector_load %arg6[%get3A_49, %get3A_50, %get3A_51] {strides = array<i32>} : memref<79x2x128xi32, #tpu.memory_space<vmem>>, vector<16xi32>,
      %gather3A_53 = tpu.vector_load_idx %arg8[%get3A_52] : memref<15360xf32, #tpu.memory_space<vmem>>[vector<16xi32>], vector<16xf32>,
      %get3A_54 = arith.constant 1 : i32
      %get3A_55 = arith.index_cast %add3A_38 : i32 to index
      %get3A_56 = arith.index_cast %get3A_54 : i32 to index
      %get3A_57 = arith.constant 16 : index
      %get3A_58 = tpu.vector_load %arg6[%get3A_55, %get3A_56, %get3A_57] {strides = array<i32>} : memref<79x2x128xi32, #tpu.memory_space<vmem>>, vector<16xi32>,
      tpu.vector_store_idx %arg9[%get3A_58], %gather3A_53 {add = true} : memref<15360xf32, #tpu.memory_space<vmem>>[vector<16xi32>], vector<16xf32>,
      %get3A_59 = arith.constant 0 : i32
      %get3A_60 = arith.index_cast %add3A_38 : i32 to index
      %get3A_61 = arith.index_cast %get3A_59 : i32 to index
      %get3A_62 = arith.constant 32 : index
      %get3A_63 = tpu.vector_load %arg6[%get3A_60, %get3A_61, %get3A_62] {strides = array<i32>} : memref<79x2x128xi32, #tpu.memory_space<vmem>>, vector<16xi32>,
      %gather3A_64 = tpu.vector_load_idx %arg8[%get3A_63] : memref<15360xf32, #tpu.memory_space<vmem>>[vector<16xi32>], vector<16xf32>,
      %get3A_65 = arith.constant 1 : i32
      %get3A_66 = arith.index_cast %add3A_38 : i32 to index
      %get3A_67 = arith.index_cast %get3A_65 : i32 to index
      %get3A_68 = arith.constant 32 : index
      %get3A_69 = tpu.vector_load %arg6[%get3A_66, %get3A_67, %get3A_68] {strides = array<i32>} : memref<79x2x128xi32, #tpu.memory_space<vmem>>, vector<16xi32>,
      tpu.vector_store_idx %arg9[%get3A_69], %gather3A_64 {add = true} : memref<15360xf32, #tpu.memory_space<vmem>>[vector<16xi32>], vector<16xf32>,
      %get3A_70 = arith.constant 0 : i32
      %get3A_71 = arith.index_cast %add3A_38 : i32 to index
      %get3A_72 = arith.index_cast %get3A_70 : i32 to index
      %get3A_73 = arith.constant 48 : index
      %get3A_74 = tpu.vector_load %arg6[%get3A_71, %get3A_72, %get3A_73] {strides = array<i32>} : memref<79x2x128xi32, #tpu.memory_space<vmem>>, vector<16xi32>,
      %gather3A_75 = tpu.vector_load_idx %arg8[%get3A_74] : memref<15360xf32, #tpu.memory_space<vmem>>[vector<16xi32>], vector<16xf32>,
      %get3A_76 = arith.constant 1 : i32
      %get3A_77 = arith.index_cast %add3A_38 : i32 to index
      %get3A_78 = arith.index_cast %get3A_76 : i32 to index
      %get3A_79 = arith.constant 48 : index
      %get3A_80 = tpu.vector_load %arg6[%get3A_77, %get3A_78, %get3A_79] {strides = array<i32>} : memref<79x2x128xi32, #tpu.memory_space<vmem>>, vector<16xi32>,
      tpu.vector_store_idx %arg9[%get3A_80], %gather3A_75 {add = true} : memref<15360xf32, #tpu.memory_space<vmem>>[vector<16xi32>], vector<16xf32>,
      %get3A_81 = arith.constant 0 : i32
      %get3A_82 = arith.index_cast %add3A_38 : i32 to index
      %get3A_83 = arith.index_cast %get3A_81 : i32 to index
      %get3A_84 = arith.constant 64 : index
      %get3A_85 = tpu.vector_load %arg6[%get3A_82, %get3A_83, %get3A_84] {strides = array<i32>} : memref<79x2x128xi32, #tpu.memory_space<vmem>>, vector<16xi32>,
      %gather3A_86 = tpu.vector_load_idx %arg8[%get3A_85] : memref<15360xf32, #tpu.memory_space<vmem>>[vector<16xi32>], vector<16xf32>,
      %get3A_87 = arith.constant 1 : i32
      %get3A_88 = arith.index_cast %add3A_38 : i32 to index
      %get3A_89 = arith.index_cast %get3A_87 : i32 to index
      %get3A_90 = arith.constant 64 : index
      %get3A_91 = tpu.vector_load %arg6[%get3A_88, %get3A_89, %get3A_90] {strides = array<i32>} : memref<79x2x128xi32, #tpu.memory_space<vmem>>, vector<16xi32>,
      tpu.vector_store_idx %arg9[%get3A_91], %gather3A_86 {add = true} : memref<15360xf32, #tpu.memory_space<vmem>>[vector<16xi32>], vector<16xf32>,
      %get3A_92 = arith.constant 0 : i32
      %get3A_93 = arith.index_cast %add3A_38 : i32 to index
      %get3A_94 = arith.index_cast %get3A_92 : i32 to index
      %get3A_95 = arith.constant 80 : index
      %get3A_96 = tpu.vector_load %arg6[%get3A_93, %get3A_94, %get3A_95] {strides = array<i32>} : memref<79x2x128xi32, #tpu.memory_space<vmem>>, vector<16xi32>,
      %gather3A_97 = tpu.vector_load_idx %arg8[%get3A_96] : memref<15360xf32, #tpu.memory_space<vmem>>[vector<16xi32>], vector<16xf32>,
      %get3A_98 = arith.constant 1 : i32
      %get3A_99 = arith.index_cast %add3A_38 : i32 to index
      %get3A_100 = arith.index_cast %get3A_98 : i32 to index
      %get3A_101 = arith.constant 80 : index
      %get3A_102 = tpu.vector_load %arg6[%get3A_99, %get3A_100, %get3A_101] {strides = array<i32>} : memref<79x2x128xi32, #tpu.memory_space<vmem>>, vector<16xi32>,
      tpu.vector_store_idx %arg9[%get3A_102], %gather3A_97 {add = true} : memref<15360xf32, #tpu.memory_space<vmem>>[vector<16xi32>], vector<16xf32>,
      %get3A_103 = arith.constant 0 : i32
      %get3A_104 = arith.index_cast %add3A_38 : i32 to index
      %get3A_105 = arith.index_cast %get3A_103 : i32 to index
      %get3A_106 = arith.constant 96 : index
      %get3A_107 = tpu.vector_load %arg6[%get3A_104, %get3A_105, %get3A_106] {strides = array<i32>} : memref<79x2x128xi32, #tpu.memory_space<vmem>>, vector<16xi32>,
      %gather3A_108 = tpu.vector_load_idx %arg8[%get3A_107] : memref<15360xf32, #tpu.memory_space<vmem>>[vector<16xi32>], vector<16xf32>,
      %get3A_109 = arith.constant 1 : i32
      %get3A_110 = arith.index_cast %add3A_38 : i32 to index
      %get3A_111 = arith.index_cast %get3A_109 : i32 to index
      %get3A_112 = arith.constant 96 : index
      %get3A_113 = tpu.vector_load %arg6[%get3A_110, %get3A_111, %get3A_112] {strides = array<i32>} : memref<79x2x128xi32, #tpu.memory_space<vmem>>, vector<16xi32>,
      tpu.vector_store_idx %arg9[%get3A_113], %gather3A_108 {add = true} : memref<15360xf32, #tpu.memory_space<vmem>>[vector<16xi32>], vector<16xf32>,
      %get3A_114 = arith.constant 0 : i32
      %get3A_115 = arith.index_cast %add3A_38 : i32 to index
      %get3A_116 = arith.index_cast %get3A_114 : i32 to index
      %get3A_117 = arith.constant 112 : index
      %get3A_118 = tpu.vector_load %arg6[%get3A_115, %get3A_116, %get3A_117] {strides = array<i32>} : memref<79x2x128xi32, #tpu.memory_space<vmem>>, vector<16xi32>,
      %gather3A_119 = tpu.vector_load_idx %arg8[%get3A_118] : memref<15360xf32, #tpu.memory_space<vmem>>[vector<16xi32>], vector<16xf32>,
      %get3A_120 = arith.constant 1 : i32
      %get3A_121 = arith.index_cast %add3A_38 : i32 to index
      %get3A_122 = arith.index_cast %get3A_120 : i32 to index
      %get3A_123 = arith.constant 112 : index
      %get3A_124 = tpu.vector_load %arg6[%get3A_121, %get3A_122, %get3A_123] {strides = array<i32>} : memref<79x2x128xi32, #tpu.memory_space<vmem>>, vector<16xi32>,
      tpu.vector_store_idx %arg9[%get3A_124], %gather3A_119 {add = true} : memref<15360xf32, #tpu.memory_space<vmem>>[vector<16xi32>], vector<16xf32>,
    }
    %add3A_25 = arith.constant 0 : i32
    %add3A_26 = arith.addi %add3A, %add3A_25 : i32
    %lt3A_27 = arith.constant 40 : i32
    %lt3A_28 = arith.cmpi slt, %add3A_26, %lt3A_27 : i32
    %convert_element_type3A = arith.extui %lt3A_28 : i1 to i32
    %cond3A = arith.constant 0 : i32
    %cond3A_29 = arith.cmpi ne, %convert_element_type3A, %cond3A : i32
    scf.if %cond3A_29 {
      %get3A = arith.index_cast %add3A_26 : i32 to index
      %get3A_37 = arith.constant 0 : index
      %get3A_38 = tpu.vector_load %arg7[%get3A, %get3A_37] {strides = array<i32>} : memref<40x128xi32, #tpu.memory_space<vmem>>, vector<16xi32>,
      %gather3A = tpu.vector_load_idx %arg8[%get3A_38] : memref<15360xf32, #tpu.memory_space<vmem>>[vector<16xi32>], vector<16xf32>,
      %mul3A_39 = arith.constant 128 : i32
      %mul3A_40 = arith.muli %add3A_26, %mul3A_39 : i32
      %add3A_41 = arith.constant 10000 : i32
      %add3A_42 = arith.addi %add3A_41, %mul3A_40 : i32
      %add3A_43 = arith.constant 0 : i32
      %add3A_44 = arith.addi %add3A_42, %add3A_43 : i32
      %swap3A = arith.index_cast %add3A_44 : i32 to index
      %swap3A_45 = tpu.vector_load %arg9[%swap3A] {strides = array<i32>} : memref<15360xf32, #tpu.memory_space<vmem>>, vector<16xf32>,
      tpu.vector_store %arg9[%swap3A], %gather3A {strides = array<i32>} : memref<15360xf32, #tpu.memory_space<vmem>>, vector<16xf32>,
      %get3A_46 = arith.index_cast %add3A_26 : i32 to index
      %get3A_47 = arith.constant 16 : index
      %get3A_48 = tpu.vector_load %arg7[%get3A_46, %get3A_47] {strides = array<i32>} : memref<40x128xi32, #tpu.memory_space<vmem>>, vector<16xi32>,
      %gather3A_49 = tpu.vector_load_idx %arg8[%get3A_48] : memref<15360xf32, #tpu.memory_space<vmem>>[vector<16xi32>], vector<16xf32>,
      %mul3A_50 = arith.constant 128 : i32
      %mul3A_51 = arith.muli %add3A_26, %mul3A_50 : i32
      %add3A_52 = arith.constant 10000 : i32
      %add3A_53 = arith.addi %add3A_52, %mul3A_51 : i32
      %add3A_54 = arith.constant 16 : i32
      %add3A_55 = arith.addi %add3A_53, %add3A_54 : i32
      %swap3A_56 = arith.index_cast %add3A_55 : i32 to index
      %swap3A_57 = tpu.vector_load %arg9[%swap3A_56] {strides = array<i32>} : memref<15360xf32, #tpu.memory_space<vmem>>, vector<16xf32>,
      tpu.vector_store %arg9[%swap3A_56], %gather3A_49 {strides = array<i32>} : memref<15360xf32, #tpu.memory_space<vmem>>, vector<16xf32>,
      %get3A_58 = arith.index_cast %add3A_26 : i32 to index
      %get3A_59 = arith.constant 32 : index
      %get3A_60 = tpu.vector_load %arg7[%get3A_58, %get3A_59] {strides = array<i32>} : memref<40x128xi32, #tpu.memory_space<vmem>>, vector<16xi32>,
      %gather3A_61 = tpu.vector_load_idx %arg8[%get3A_60] : memref<15360xf32, #tpu.memory_space<vmem>>[vector<16xi32>], vector<16xf32>,
      %mul3A_62 = arith.constant 128 : i32
      %mul3A_63 = arith.muli %add3A_26, %mul3A_62 : i32
      %add3A_64 = arith.constant 10000 : i32
      %add3A_65 = arith.addi %add3A_64, %mul3A_63 : i32
      %add3A_66 = arith.constant 32 : i32
      %add3A_67 = arith.addi %add3A_65, %add3A_66 : i32
      %swap3A_68 = arith.index_cast %add3A_67 : i32 to index
      %swap3A_69 = tpu.vector_load %arg9[%swap3A_68] {strides = array<i32>} : memref<15360xf32, #tpu.memory_space<vmem>>, vector<16xf32>,
      tpu.vector_store %arg9[%swap3A_68], %gather3A_61 {strides = array<i32>} : memref<15360xf32, #tpu.memory_space<vmem>>, vector<16xf32>,
      %get3A_70 = arith.index_cast %add3A_26 : i32 to index
      %get3A_71 = arith.constant 48 : index
      %get3A_72 = tpu.vector_load %arg7[%get3A_70, %get3A_71] {strides = array<i32>} : memref<40x128xi32, #tpu.memory_space<vmem>>, vector<16xi32>,
      %gather3A_73 = tpu.vector_load_idx %arg8[%get3A_72] : memref<15360xf32, #tpu.memory_space<vmem>>[vector<16xi32>], vector<16xf32>,
      %mul3A_74 = arith.constant 128 : i32
      %mul3A_75 = arith.muli %add3A_26, %mul3A_74 : i32
      %add3A_76 = arith.constant 10000 : i32
      %add3A_77 = arith.addi %add3A_76, %mul3A_75 : i32
      %add3A_78 = arith.constant 48 : i32
      %add3A_79 = arith.addi %add3A_77, %add3A_78 : i32
      %swap3A_80 = arith.index_cast %add3A_79 : i32 to index
      %swap3A_81 = tpu.vector_load %arg9[%swap3A_80] {strides = array<i32>} : memref<15360xf32, #tpu.memory_space<vmem>>, vector<16xf32>,
      tpu.vector_store %arg9[%swap3A_80], %gather3A_73 {strides = array<i32>} : memref<15360xf32, #tpu.memory_space<vmem>>, vector<16xf32>,
      %get3A_82 = arith.index_cast %add3A_26 : i32 to index
      %get3A_83 = arith.constant 64 : index
      %get3A_84 = tpu.vector_load %arg7[%get3A_82, %get3A_83] {strides = array<i32>} : memref<40x128xi32, #tpu.memory_space<vmem>>, vector<16xi32>,
      %gather3A_85 = tpu.vector_load_idx %arg8[%get3A_84] : memref<15360xf32, #tpu.memory_space<vmem>>[vector<16xi32>], vector<16xf32>,
      %mul3A_86 = arith.constant 128 : i32
      %mul3A_87 = arith.muli %add3A_26, %mul3A_86 : i32
      %add3A_88 = arith.constant 10000 : i32
      %add3A_89 = arith.addi %add3A_88, %mul3A_87 : i32
      %add3A_90 = arith.constant 64 : i32
      %add3A_91 = arith.addi %add3A_89, %add3A_90 : i32
      %swap3A_92 = arith.index_cast %add3A_91 : i32 to index
      %swap3A_93 = tpu.vector_load %arg9[%swap3A_92] {strides = array<i32>} : memref<15360xf32, #tpu.memory_space<vmem>>, vector<16xf32>,
      tpu.vector_store %arg9[%swap3A_92], %gather3A_85 {strides = array<i32>} : memref<15360xf32, #tpu.memory_space<vmem>>, vector<16xf32>,
      %get3A_94 = arith.index_cast %add3A_26 : i32 to index
      %get3A_95 = arith.constant 80 : index
      %get3A_96 = tpu.vector_load %arg7[%get3A_94, %get3A_95] {strides = array<i32>} : memref<40x128xi32, #tpu.memory_space<vmem>>, vector<16xi32>,
      %gather3A_97 = tpu.vector_load_idx %arg8[%get3A_96] : memref<15360xf32, #tpu.memory_space<vmem>>[vector<16xi32>], vector<16xf32>,
      %mul3A_98 = arith.constant 128 : i32
      %mul3A_99 = arith.muli %add3A_26, %mul3A_98 : i32
      %add3A_100 = arith.constant 10000 : i32
      %add3A_101 = arith.addi %add3A_100, %mul3A_99 : i32
      %add3A_102 = arith.constant 80 : i32
      %add3A_103 = arith.addi %add3A_101, %add3A_102 : i32
      %swap3A_104 = arith.index_cast %add3A_103 : i32 to index
      %swap3A_105 = tpu.vector_load %arg9[%swap3A_104] {strides = array<i32>} : memref<15360xf32, #tpu.memory_space<vmem>>, vector<16xf32>,
      tpu.vector_store %arg9[%swap3A_104], %gather3A_97 {strides = array<i32>} : memref<15360xf32, #tpu.memory_space<vmem>>, vector<16xf32>,
      %get3A_106 = arith.index_cast %add3A_26 : i32 to index
      %get3A_107 = arith.constant 96 : index
      %get3A_108 = tpu.vector_load %arg7[%get3A_106, %get3A_107] {strides = array<i32>} : memref<40x128xi32, #tpu.memory_space<vmem>>, vector<16xi32>,
      %gather3A_109 = tpu.vector_load_idx %arg8[%get3A_108] : memref<15360xf32, #tpu.memory_space<vmem>>[vector<16xi32>], vector<16xf32>,
      %mul3A_110 = arith.constant 128 : i32
      %mul3A_111 = arith.muli %add3A_26, %mul3A_110 : i32
      %add3A_112 = arith.constant 10000 : i32
      %add3A_113 = arith.addi %add3A_112, %mul3A_111 : i32
      %add3A_114 = arith.constant 96 : i32
      %add3A_115 = arith.addi %add3A_113, %add3A_114 : i32
      %swap3A_116 = arith.index_cast %add3A_115 : i32 to index
      %swap3A_117 = tpu.vector_load %arg9[%swap3A_116] {strides = array<i32>} : memref<15360xf32, #tpu.memory_space<vmem>>, vector<16xf32>,
      tpu.vector_store %arg9[%swap3A_116], %gather3A_109 {strides = array<i32>} : memref<15360xf32, #tpu.memory_space<vmem>>, vector<16xf32>,
      %get3A_118 = arith.index_cast %add3A_26 : i32 to index
      %get3A_119 = arith.constant 112 : index
      %get3A_120 = tpu.vector_load %arg7[%get3A_118, %get3A_119] {strides = array<i32>} : memref<40x128xi32, #tpu.memory_space<vmem>>, vector<16xi32>,
      %gather3A_121 = tpu.vector_load_idx %arg8[%get3A_120] : memref<15360xf32, #tpu.memory_space<vmem>>[vector<16xi32>], vector<16xf32>,
      %mul3A_122 = arith.constant 128 : i32
      %mul3A_123 = arith.muli %add3A_26, %mul3A_122 : i32
      %add3A_124 = arith.constant 10000 : i32
      %add3A_125 = arith.addi %add3A_124, %mul3A_123 : i32
      %add3A_126 = arith.constant 112 : i32
      %add3A_127 = arith.addi %add3A_125, %add3A_126 : i32
      %swap3A_128 = arith.index_cast %add3A_127 : i32 to index
      %swap3A_129 = tpu.vector_load %arg9[%swap3A_128] {strides = array<i32>} : memref<15360xf32, #tpu.memory_space<vmem>>, vector<16xf32>,
      tpu.vector_store %arg9[%swap3A_128], %gather3A_121 {strides = array<i32>} : memref<15360xf32, #tpu.memory_space<vmem>>, vector<16xf32>,
    } else {
    }
    %add3A_30 = arith.constant 32 : i32
    %add3A_31 = arith.addi %add3A, %add3A_30 : i32
    %lt3A_32 = arith.constant 40 : i32
    %lt3A_33 = arith.cmpi slt, %add3A_31, %lt3A_32 : i32
    %convert_element_type3A_34 = arith.extui %lt3A_33 : i1 to i32
    %cond3A_35 = arith.constant 0 : i32
    %cond3A_36 = arith.cmpi ne, %convert_element_type3A_34, %cond3A_35 : i32
    scf.if %cond3A_36 {
      %get3A = arith.index_cast %add3A_31 : i32 to index
      %get3A_37 = arith.constant 0 : index
      %get3A_38 = tpu.vector_load %arg7[%get3A, %get3A_37] {strides = array<i32>} : memref<40x128xi32, #tpu.memory_space<vmem>>, vector<16xi32>,
      %gather3A = tpu.vector_load_idx %arg8[%get3A_38] : memref<15360xf32, #tpu.memory_space<vmem>>[vector<16xi32>], vector<16xf32>,
      %mul3A_39 = arith.constant 128 : i32
      %mul3A_40 = arith.muli %add3A_31, %mul3A_39 : i32
      %add3A_41 = arith.constant 10000 : i32
      %add3A_42 = arith.addi %add3A_41, %mul3A_40 : i32
      %add3A_43 = arith.constant 0 : i32
      %add3A_44 = arith.addi %add3A_42, %add3A_43 : i32
      %swap3A = arith.index_cast %add3A_44 : i32 to index
      %swap3A_45 = tpu.vector_load %arg9[%swap3A] {strides = array<i32>} : memref<15360xf32, #tpu.memory_space<vmem>>, vector<16xf32>,
      tpu.vector_store %arg9[%swap3A], %gather3A {strides = array<i32>} : memref<15360xf32, #tpu.memory_space<vmem>>, vector<16xf32>,
      %get3A_46 = arith.index_cast %add3A_31 : i32 to index
      %get3A_47 = arith.constant 16 : index
      %get3A_48 = tpu.vector_load %arg7[%get3A_46, %get3A_47] {strides = array<i32>} : memref<40x128xi32, #tpu.memory_space<vmem>>, vector<16xi32>,
      %gather3A_49 = tpu.vector_load_idx %arg8[%get3A_48] : memref<15360xf32, #tpu.memory_space<vmem>>[vector<16xi32>], vector<16xf32>,
      %mul3A_50 = arith.constant 128 : i32
      %mul3A_51 = arith.muli %add3A_31, %mul3A_50 : i32
      %add3A_52 = arith.constant 10000 : i32
      %add3A_53 = arith.addi %add3A_52, %mul3A_51 : i32
      %add3A_54 = arith.constant 16 : i32
      %add3A_55 = arith.addi %add3A_53, %add3A_54 : i32
      %swap3A_56 = arith.index_cast %add3A_55 : i32 to index
      %swap3A_57 = tpu.vector_load %arg9[%swap3A_56] {strides = array<i32>} : memref<15360xf32, #tpu.memory_space<vmem>>, vector<16xf32>,
      tpu.vector_store %arg9[%swap3A_56], %gather3A_49 {strides = array<i32>} : memref<15360xf32, #tpu.memory_space<vmem>>, vector<16xf32>,
      %get3A_58 = arith.index_cast %add3A_31 : i32 to index
      %get3A_59 = arith.constant 32 : index
      %get3A_60 = tpu.vector_load %arg7[%get3A_58, %get3A_59] {strides = array<i32>} : memref<40x128xi32, #tpu.memory_space<vmem>>, vector<16xi32>,
      %gather3A_61 = tpu.vector_load_idx %arg8[%get3A_60] : memref<15360xf32, #tpu.memory_space<vmem>>[vector<16xi32>], vector<16xf32>,
      %mul3A_62 = arith.constant 128 : i32
      %mul3A_63 = arith.muli %add3A_31, %mul3A_62 : i32
      %add3A_64 = arith.constant 10000 : i32
      %add3A_65 = arith.addi %add3A_64, %mul3A_63 : i32
      %add3A_66 = arith.constant 32 : i32
      %add3A_67 = arith.addi %add3A_65, %add3A_66 : i32
      %swap3A_68 = arith.index_cast %add3A_67 : i32 to index
      %swap3A_69 = tpu.vector_load %arg9[%swap3A_68] {strides = array<i32>} : memref<15360xf32, #tpu.memory_space<vmem>>, vector<16xf32>,
      tpu.vector_store %arg9[%swap3A_68], %gather3A_61 {strides = array<i32>} : memref<15360xf32, #tpu.memory_space<vmem>>, vector<16xf32>,
      %get3A_70 = arith.index_cast %add3A_31 : i32 to index
      %get3A_71 = arith.constant 48 : index
      %get3A_72 = tpu.vector_load %arg7[%get3A_70, %get3A_71] {strides = array<i32>} : memref<40x128xi32, #tpu.memory_space<vmem>>, vector<16xi32>,
      %gather3A_73 = tpu.vector_load_idx %arg8[%get3A_72] : memref<15360xf32, #tpu.memory_space<vmem>>[vector<16xi32>], vector<16xf32>,
      %mul3A_74 = arith.constant 128 : i32
      %mul3A_75 = arith.muli %add3A_31, %mul3A_74 : i32
      %add3A_76 = arith.constant 10000 : i32
      %add3A_77 = arith.addi %add3A_76, %mul3A_75 : i32
      %add3A_78 = arith.constant 48 : i32
      %add3A_79 = arith.addi %add3A_77, %add3A_78 : i32
      %swap3A_80 = arith.index_cast %add3A_79 : i32 to index
      %swap3A_81 = tpu.vector_load %arg9[%swap3A_80] {strides = array<i32>} : memref<15360xf32, #tpu.memory_space<vmem>>, vector<16xf32>,
      tpu.vector_store %arg9[%swap3A_80], %gather3A_73 {strides = array<i32>} : memref<15360xf32, #tpu.memory_space<vmem>>, vector<16xf32>,
      %get3A_82 = arith.index_cast %add3A_31 : i32 to index
      %get3A_83 = arith.constant 64 : index
      %get3A_84 = tpu.vector_load %arg7[%get3A_82, %get3A_83] {strides = array<i32>} : memref<40x128xi32, #tpu.memory_space<vmem>>, vector<16xi32>,
      %gather3A_85 = tpu.vector_load_idx %arg8[%get3A_84] : memref<15360xf32, #tpu.memory_space<vmem>>[vector<16xi32>], vector<16xf32>,
      %mul3A_86 = arith.constant 128 : i32
      %mul3A_87 = arith.muli %add3A_31, %mul3A_86 : i32
      %add3A_88 = arith.constant 10000 : i32
      %add3A_89 = arith.addi %add3A_88, %mul3A_87 : i32
      %add3A_90 = arith.constant 64 : i32
      %add3A_91 = arith.addi %add3A_89, %add3A_90 : i32
      %swap3A_92 = arith.index_cast %add3A_91 : i32 to index
      %swap3A_93 = tpu.vector_load %arg9[%swap3A_92] {strides = array<i32>} : memref<15360xf32, #tpu.memory_space<vmem>>, vector<16xf32>,
      tpu.vector_store %arg9[%swap3A_92], %gather3A_85 {strides = array<i32>} : memref<15360xf32, #tpu.memory_space<vmem>>, vector<16xf32>,
      %get3A_94 = arith.index_cast %add3A_31 : i32 to index
      %get3A_95 = arith.constant 80 : index
      %get3A_96 = tpu.vector_load %arg7[%get3A_94, %get3A_95] {strides = array<i32>} : memref<40x128xi32, #tpu.memory_space<vmem>>, vector<16xi32>,
      %gather3A_97 = tpu.vector_load_idx %arg8[%get3A_96] : memref<15360xf32, #tpu.memory_space<vmem>>[vector<16xi32>], vector<16xf32>,
      %mul3A_98 = arith.constant 128 : i32
      %mul3A_99 = arith.muli %add3A_31, %mul3A_98 : i32
      %add3A_100 = arith.constant 10000 : i32
      %add3A_101 = arith.addi %add3A_100, %mul3A_99 : i32
      %add3A_102 = arith.constant 80 : i32
      %add3A_103 = arith.addi %add3A_101, %add3A_102 : i32
      %swap3A_104 = arith.index_cast %add3A_103 : i32 to index
      %swap3A_105 = tpu.vector_load %arg9[%swap3A_104] {strides = array<i32>} : memref<15360xf32, #tpu.memory_space<vmem>>, vector<16xf32>,
      tpu.vector_store %arg9[%swap3A_104], %gather3A_97 {strides = array<i32>} : memref<15360xf32, #tpu.memory_space<vmem>>, vector<16xf32>,
      %get3A_106 = arith.index_cast %add3A_31 : i32 to index
      %get3A_107 = arith.constant 96 : index
      %get3A_108 = tpu.vector_load %arg7[%get3A_106, %get3A_107] {strides = array<i32>} : memref<40x128xi32, #tpu.memory_space<vmem>>, vector<16xi32>,
      %gather3A_109 = tpu.vector_load_idx %arg8[%get3A_108] : memref<15360xf32, #tpu.memory_space<vmem>>[vector<16xi32>], vector<16xf32>,
      %mul3A_110 = arith.constant 128 : i32
      %mul3A_111 = arith.muli %add3A_31, %mul3A_110 : i32
      %add3A_112 = arith.constant 10000 : i32
      %add3A_113 = arith.addi %add3A_112, %mul3A_111 : i32
      %add3A_114 = arith.constant 96 : i32
      %add3A_115 = arith.addi %add3A_113, %add3A_114 : i32
      %swap3A_116 = arith.index_cast %add3A_115 : i32 to index
      %swap3A_117 = tpu.vector_load %arg9[%swap3A_116] {strides = array<i32>} : memref<15360xf32, #tpu.memory_space<vmem>>, vector<16xf32>,
      tpu.vector_store %arg9[%swap3A_116], %gather3A_109 {strides = array<i32>} : memref<15360xf32, #tpu.memory_space<vmem>>, vector<16xf32>,
      %get3A_118 = arith.index_cast %add3A_31 : i32 to index
      %get3A_119 = arith.constant 112 : index
      %get3A_120 = tpu.vector_load %arg7[%get3A_118, %get3A_119] {strides = array<i32>} : memref<40x128xi32, #tpu.memory_space<vmem>>, vector<16xi32>,
      %gather3A_121 = tpu.vector_load_idx %arg8[%get3A_120] : memref<15360xf32, #tpu.memory_space<vmem>>[vector<16xi32>], vector<16xf32>,
      %mul3A_122 = arith.constant 128 : i32
      %mul3A_123 = arith.muli %add3A_31, %mul3A_122 : i32
      %add3A_124 = arith.constant 10000 : i32
      %add3A_125 = arith.addi %add3A_124, %mul3A_123 : i32
      %add3A_126 = arith.constant 112 : i32
      %add3A_127 = arith.addi %add3A_125, %add3A_126 : i32
      %swap3A_128 = arith.index_cast %add3A_127 : i32 to index
      %swap3A_129 = tpu.vector_load %arg9[%swap3A_128] {strides = array<i32>} : memref<15360xf32, #tpu.memory_space<vmem>>, vector<16xf32>,
      tpu.vector_store %arg9[%swap3A_128], %gather3A_121 {strides = array<i32>} : memref<15360xf32, #tpu.memory_space<vmem>>, vector<16xf32>,
    } else {
    }
    "tpu.region"() ({
      %run_scoped3A = tpu.sem_alloc : memref<!tpu.dma_semaphore, #tpu.memory_space<semaphore_mem>>
      %dma_start3A = arith.constant 0 : i32
      %dma_start3A_37 = tpu.memref_slice %arg5[%add3A, %dma_start3A] : memref<32x15360xf32, #tpu.memory_space<hbm>> -> memref<1x15360xf32, #tpu.memory_space<hbm>>
      %dma_start3A_38 = tpu.memref_squeeze %dma_start3A_37 : memref<1x15360xf32, #tpu.memory_space<hbm>> -> memref<15360xf32, #tpu.memory_space<hbm>>
      %dma_start3A_39 = arith.constant 0 : i32
      %dma_start3A_40 = tpu.memref_slice %arg5[%add3A, %dma_start3A_39] : memref<32x15360xf32, #tpu.memory_space<hbm>> -> memref<1x15360xf32, #tpu.memory_space<hbm>>
      %dma_start3A_41 = tpu.memref_squeeze %dma_start3A_40 : memref<1x15360xf32, #tpu.memory_space<hbm>> -> memref<15360xf32, #tpu.memory_space<hbm>>
      tpu.enqueue_dma source(%arg9 : memref<15360xf32, #tpu.memory_space<vmem>>) target(%dma_start3A_41 : memref<15360xf32, #tpu.memory_space<hbm>>) target_semaphore(%run_scoped3A : memref<!tpu.dma_semaphore, #tpu.memory_space<semaphore_mem>>)
      %dma_wait3A = arith.constant 0 : i32
      %dma_wait3A_42 = tpu.memref_slice %arg5[%add3A, %dma_wait3A] : memref<32x15360xf32, #tpu.memory_space<hbm>> -> memref<1x15360xf32, #tpu.memory_space<hbm>>
      %dma_wait3A_43 = tpu.memref_squeeze %dma_wait3A_42 : memref<1x15360xf32, #tpu.memory_space<hbm>> -> memref<15360xf32, #tpu.memory_space<hbm>>
      %dma_wait3A_44 = arith.constant 0 : i32
      %dma_wait3A_45 = tpu.memref_slice %arg5[%add3A, %dma_wait3A_44] : memref<32x15360xf32, #tpu.memory_space<hbm>> -> memref<1x15360xf32, #tpu.memory_space<hbm>>
      %dma_wait3A_46 = tpu.memref_squeeze %dma_wait3A_45 : memref<1x15360xf32, #tpu.memory_space<hbm>> -> memref<15360xf32, #tpu.memory_space<hbm>>
      tpu.wait_dma2 semaphore(%run_scoped3A : memref<!tpu.dma_semaphore, #tpu.memory_space<semaphore_mem>>) src(%arg9 : memref<15360xf32, #tpu.memory_space<vmem>>) dst(%dma_wait3A_46 : memref<15360xf32, #tpu.memory_space<hbm>>)
      tpu.yield
    }) : () -> ()
    return
  }
}

#map = affine_map<(d0, d1) -> (0, 0)>
#map1 = affine_map<(d0, d1) -> (0, 0, 0)>
module attributes {stable_mosaic.version = 14 : i64} {
  func.func @_sc_rows_body(%arg0: i32, %arg1: i32, %arg2: memref<15360x64xf32, #tpu.memory_space<hbm>>, %arg3: memref<2500x2x128xi32, #tpu.memory_space<hbm>>, %arg4: memref<40x128xi32, #tpu.memory_space<hbm>>, %arg5: memref<2x15360x64xf32, #tpu.memory_space<hbm>>, %arg6: memref<78x2x128xi32, #tpu.memory_space<vmem>>, %arg7: memref<80x2x128xi32, #tpu.memory_space<vmem>>, %arg8: memref<40x128xi32, #tpu.memory_space<vmem>>, %arg9: memref<128x64xf32, #tpu.memory_space<vmem>>, %arg10: memref<128x64xf32, #tpu.memory_space<vmem>>, %arg11: memref<!tpu.dma_semaphore, #tpu.memory_space<semaphore_mem>>, %arg12: memref<!tpu.dma_semaphore, #tpu.memory_space<semaphore_mem>>, %arg13: memref<15360x64xf32, #tpu.memory_space<vmem_shared>>) attributes {dimension_semantics = [#tpu.dimension_semantics<core_parallel>, #tpu.dimension_semantics<subcore_parallel>], iteration_bounds = array<i64: 2, 16>, scalar_prefetch = 0 : i64, scratch_operands = 8 : i64, tpu.core_type = #tpu.core_type<sc_vector_subcore>, window_params = [{transform_indices = #map}, {transform_indices = #map1}, {transform_indices = #map}, {transform_indices = #map1}]} {
    %lt3A = arith.constant 7 : i32
    %lt3A_0 = arith.cmpi slt, %arg1, %lt3A : i32
    %mul3A = arith.constant 78 : i32
    %mul3A_1 = arith.muli %arg1, %mul3A : i32
    %sub3A = arith.constant 7 : i32
    %sub3A_2 = arith.subi %arg1, %sub3A : i32
    %mul3A_3 = arith.constant 76 : i32
    %mul3A_4 = arith.muli %sub3A_2, %mul3A_3 : i32
    %add3A = arith.constant 546 : i32
    %add3A_5 = arith.addi %add3A, %mul3A_4 : i32
    %select_n3A = arith.select %lt3A_0, %mul3A_1, %add3A_5 : i32
    %jit3A = arith.constant 39 : i32
    %jit3A_6 = arith.constant 38 : i32
    %select_n3A_7 = arith.select %lt3A_0, %jit3A, %jit3A_6 : i32
    %min3A = arith.constant 1152 : i32
    %min3A_8 = arith.minsi %select_n3A, %min3A : i32
    %sub3A_9 = arith.subi %select_n3A, %min3A_8 : i32
    %lt3A_10 = arith.constant 11 : i32
    %lt3A_11 = arith.cmpi slt, %arg1, %lt3A_10 : i32
    %mul3A_12 = arith.constant 80 : i32
    %mul3A_13 = arith.muli %arg1, %mul3A_12 : i32
    %add3A_14 = arith.constant 1230 : i32
    %add3A_15 = arith.addi %add3A_14, %mul3A_13 : i32
    %sub3A_16 = arith.constant 11 : i32
    %sub3A_17 = arith.subi %arg1, %sub3A_16 : i32
    %mul3A_18 = arith.constant 78 : i32
    %mul3A_19 = arith.muli %sub3A_17, %mul3A_18 : i32
    %add3A_20 = arith.constant 2110 : i32
    %add3A_21 = arith.addi %add3A_20, %mul3A_19 : i32
    %select_n3A_22 = arith.select %lt3A_11, %add3A_15, %add3A_21 : i32
    %jit3A_23 = arith.constant 40 : i32
    %jit3A_24 = arith.constant 39 : i32
    %select_n3A_25 = arith.select %lt3A_11, %jit3A_23, %jit3A_24 : i32
    %min3A_26 = arith.constant 2420 : i32
    %min3A_27 = arith.minsi %select_n3A_22, %min3A_26 : i32
    %sub3A_28 = arith.subi %select_n3A_22, %min3A_27 : i32
    %eq3A = arith.constant 0 : i32
    %eq3A_29 = arith.cmpi eq, %arg0, %eq3A : i32
    %convert_element_type3A = arith.extui %eq3A_29 : i1 to i32
    %cond3A = arith.constant 0 : i32
    %cond3A_30 = arith.cmpi ne, %convert_element_type3A, %cond3A : i32
    scf.if %cond3A_30 {
      "tpu.region"() ({
        %run_scoped3A = tpu.sem_alloc : memref<!tpu.dma_semaphore, #tpu.memory_space<semaphore_mem>>
        %dma_start3A = arith.constant 0 : i32
        %dma_start3A_75 = arith.constant 0 : i32
        %dma_start3A_76 = tpu.memref_slice %arg3[%min3A_8, %dma_start3A, %dma_start3A_75] : memref<2500x2x128xi32, #tpu.memory_space<hbm>> -> memref<78x2x128xi32, #tpu.memory_space<hbm>>
        %dma_start3A_77 = arith.constant 0 : i32
        %dma_start3A_78 = arith.constant 0 : i32
        %dma_start3A_79 = tpu.memref_slice %arg3[%min3A_8, %dma_start3A_77, %dma_start3A_78] : memref<2500x2x128xi32, #tpu.memory_space<hbm>> -> memref<78x2x128xi32, #tpu.memory_space<hbm>>
        tpu.enqueue_dma source(%dma_start3A_79 : memref<78x2x128xi32, #tpu.memory_space<hbm>>) target(%arg6 : memref<78x2x128xi32, #tpu.memory_space<vmem>>) target_semaphore(%run_scoped3A : memref<!tpu.dma_semaphore, #tpu.memory_space<semaphore_mem>>)
        %dma_wait3A = arith.constant 0 : i32
        %dma_wait3A_80 = arith.constant 0 : i32
        %dma_wait3A_81 = tpu.memref_slice %arg3[%min3A_8, %dma_wait3A, %dma_wait3A_80] : memref<2500x2x128xi32, #tpu.memory_space<hbm>> -> memref<78x2x128xi32, #tpu.memory_space<hbm>>
        %dma_wait3A_82 = arith.constant 0 : i32
        %dma_wait3A_83 = arith.constant 0 : i32
        %dma_wait3A_84 = tpu.memref_slice %arg3[%min3A_8, %dma_wait3A_82, %dma_wait3A_83] : memref<2500x2x128xi32, #tpu.memory_space<hbm>> -> memref<78x2x128xi32, #tpu.memory_space<hbm>>
        tpu.wait_dma2 semaphore(%run_scoped3A : memref<!tpu.dma_semaphore, #tpu.memory_space<semaphore_mem>>) src(%dma_wait3A_84 : memref<78x2x128xi32, #tpu.memory_space<hbm>>) dst(%arg6 : memref<78x2x128xi32, #tpu.memory_space<vmem>>)
        tpu.yield
      }) : () -> ()
      "tpu.region"() ({
        %run_scoped3A = tpu.sem_alloc : memref<!tpu.dma_semaphore, #tpu.memory_space<semaphore_mem>>
        tpu.enqueue_dma source(%arg4 : memref<40x128xi32, #tpu.memory_space<hbm>>) target(%arg8 : memref<40x128xi32, #tpu.memory_space<vmem>>) target_semaphore(%run_scoped3A : memref<!tpu.dma_semaphore, #tpu.memory_space<semaphore_mem>>)
        tpu.wait_dma2 semaphore(%run_scoped3A : memref<!tpu.dma_semaphore, #tpu.memory_space<semaphore_mem>>) src(%arg4 : memref<40x128xi32, #tpu.memory_space<hbm>>) dst(%arg8 : memref<40x128xi32, #tpu.memory_space<vmem>>)
        tpu.yield
      }) : () -> ()
    } else {
    }
    %eq3A_31 = arith.constant 1 : i32
    %eq3A_32 = arith.cmpi eq, %arg0, %eq3A_31 : i32
    %convert_element_type3A_33 = arith.extui %eq3A_32 : i1 to i32
    %cond3A_34 = arith.constant 0 : i32
    %cond3A_35 = arith.cmpi ne, %convert_element_type3A_33, %cond3A_34 : i32
    scf.if %cond3A_35 {
      "tpu.region"() ({
        %run_scoped3A = tpu.sem_alloc : memref<!tpu.dma_semaphore, #tpu.memory_space<semaphore_mem>>
        %dma_start3A = arith.constant 0 : i32
        %dma_start3A_75 = arith.constant 0 : i32
        %dma_start3A_76 = tpu.memref_slice %arg3[%min3A_27, %dma_start3A, %dma_start3A_75] : memref<2500x2x128xi32, #tpu.memory_space<hbm>> -> memref<80x2x128xi32, #tpu.memory_space<hbm>>
        %dma_start3A_77 = arith.constant 0 : i32
        %dma_start3A_78 = arith.constant 0 : i32
        %dma_start3A_79 = tpu.memref_slice %arg3[%min3A_27, %dma_start3A_77, %dma_start3A_78] : memref<2500x2x128xi32, #tpu.memory_space<hbm>> -> memref<80x2x128xi32, #tpu.memory_space<hbm>>
        tpu.enqueue_dma source(%dma_start3A_79 : memref<80x2x128xi32, #tpu.memory_space<hbm>>) target(%arg7 : memref<80x2x128xi32, #tpu.memory_space<vmem>>) target_semaphore(%run_scoped3A : memref<!tpu.dma_semaphore, #tpu.memory_space<semaphore_mem>>)
        %dma_wait3A = arith.constant 0 : i32
        %dma_wait3A_80 = arith.constant 0 : i32
        %dma_wait3A_81 = tpu.memref_slice %arg3[%min3A_27, %dma_wait3A, %dma_wait3A_80] : memref<2500x2x128xi32, #tpu.memory_space<hbm>> -> memref<80x2x128xi32, #tpu.memory_space<hbm>>
        %dma_wait3A_82 = arith.constant 0 : i32
        %dma_wait3A_83 = arith.constant 0 : i32
        %dma_wait3A_84 = tpu.memref_slice %arg3[%min3A_27, %dma_wait3A_82, %dma_wait3A_83] : memref<2500x2x128xi32, #tpu.memory_space<hbm>> -> memref<80x2x128xi32, #tpu.memory_space<hbm>>
        tpu.wait_dma2 semaphore(%run_scoped3A : memref<!tpu.dma_semaphore, #tpu.memory_space<semaphore_mem>>) src(%dma_wait3A_84 : memref<80x2x128xi32, #tpu.memory_space<hbm>>) dst(%arg7 : memref<80x2x128xi32, #tpu.memory_space<vmem>>)
        tpu.yield
      }) : () -> ()
    } else {
    }
    %scan3A = arith.constant 0 : i32
    %scan3A_36 = arith.constant 0 : i32
    %scan3A_37 = arith.constant 128 : i32
    %scan3A_38 = arith.addi %scan3A_36, %scan3A_37 : i32
    %scan3A_39 = arith.constant 1 : i32
    scf.for %scan3A_75 = %scan3A_36 to %scan3A_38 step %scan3A_39  : i32 {
      %broadcast_in_dim3A = arith.constant 0.000000e+00 : f32
      %broadcast_in_dim3A_76 = vector.broadcast %broadcast_in_dim3A : f32 to vector<16xf32>
      %swap3A = arith.index_cast %scan3A_75 : i32 to index
      %swap3A_77 = arith.constant 0 : index
      %swap3A_78 = tpu.vector_load %arg9[%swap3A, %swap3A_77] {strides = array<i32>} : memref<128x64xf32, #tpu.memory_space<vmem>>, vector<16xf32>,
      tpu.vector_store %arg9[%swap3A, %swap3A_77], %broadcast_in_dim3A_76 {strides = array<i32>} : memref<128x64xf32, #tpu.memory_space<vmem>>, vector<16xf32>,
      %broadcast_in_dim3A_79 = arith.constant 0.000000e+00 : f32
      %broadcast_in_dim3A_80 = vector.broadcast %broadcast_in_dim3A_79 : f32 to vector<16xf32>
      %swap3A_81 = arith.index_cast %scan3A_75 : i32 to index
      %swap3A_82 = arith.constant 16 : index
      %swap3A_83 = tpu.vector_load %arg9[%swap3A_81, %swap3A_82] {strides = array<i32>} : memref<128x64xf32, #tpu.memory_space<vmem>>, vector<16xf32>,
      tpu.vector_store %arg9[%swap3A_81, %swap3A_82], %broadcast_in_dim3A_80 {strides = array<i32>} : memref<128x64xf32, #tpu.memory_space<vmem>>, vector<16xf32>,
      %broadcast_in_dim3A_84 = arith.constant 0.000000e+00 : f32
      %broadcast_in_dim3A_85 = vector.broadcast %broadcast_in_dim3A_84 : f32 to vector<16xf32>
      %swap3A_86 = arith.index_cast %scan3A_75 : i32 to index
      %swap3A_87 = arith.constant 32 : index
      %swap3A_88 = tpu.vector_load %arg9[%swap3A_86, %swap3A_87] {strides = array<i32>} : memref<128x64xf32, #tpu.memory_space<vmem>>, vector<16xf32>,
      tpu.vector_store %arg9[%swap3A_86, %swap3A_87], %broadcast_in_dim3A_85 {strides = array<i32>} : memref<128x64xf32, #tpu.memory_space<vmem>>, vector<16xf32>,
      %broadcast_in_dim3A_89 = arith.constant 0.000000e+00 : f32
      %broadcast_in_dim3A_90 = vector.broadcast %broadcast_in_dim3A_89 : f32 to vector<16xf32>
      %swap3A_91 = arith.index_cast %scan3A_75 : i32 to index
      %swap3A_92 = arith.constant 48 : index
      %swap3A_93 = tpu.vector_load %arg9[%swap3A_91, %swap3A_92] {strides = array<i32>} : memref<128x64xf32, #tpu.memory_space<vmem>>, vector<16xf32>,
      tpu.vector_store %arg9[%swap3A_91, %swap3A_92], %broadcast_in_dim3A_90 {strides = array<i32>} : memref<128x64xf32, #tpu.memory_space<vmem>>, vector<16xf32>,
    }
    %scan3A_40 = arith.constant 128 : i32
    %mul3A_41 = arith.constant 960 : i32
    %mul3A_42 = arith.muli %arg1, %mul3A_41 : i32
    %add3A_43 = arith.constant 0 : i32
    %add3A_44 = arith.addi %mul3A_42, %add3A_43 : i32
    "tpu.region"() ({
      %run_scoped3A = tpu.sem_alloc : memref<!tpu.dma_semaphore, #tpu.memory_space<semaphore_mem>>
      %dma_start3A = arith.constant 0 : i32
      %dma_start3A_75 = tpu.memref_slice %arg13[%add3A_44, %dma_start3A] : memref<15360x64xf32, #tpu.memory_space<vmem_shared>> -> memref<128x64xf32, #tpu.memory_space<vmem_shared>>
      %dma_start3A_76 = arith.constant 0 : i32
      %dma_start3A_77 = tpu.memref_slice %arg13[%add3A_44, %dma_start3A_76] : memref<15360x64xf32, #tpu.memory_space<vmem_shared>> -> memref<128x64xf32, #tpu.memory_space<vmem_shared>>
      tpu.enqueue_dma source(%arg9 : memref<128x64xf32, #tpu.memory_space<vmem>>) target(%dma_start3A_77 : memref<128x64xf32, #tpu.memory_space<vmem_shared>>) target_semaphore(%run_scoped3A : memref<!tpu.dma_semaphore, #tpu.memory_space<semaphore_mem>>)
      %dma_wait3A = arith.constant 0 : i32
      %dma_wait3A_78 = tpu.memref_slice %arg13[%add3A_44, %dma_wait3A] : memref<15360x64xf32, #tpu.memory_space<vmem_shared>> -> memref<128x64xf32, #tpu.memory_space<vmem_shared>>
      %dma_wait3A_79 = arith.constant 0 : i32
      %dma_wait3A_80 = tpu.memref_slice %arg13[%add3A_44, %dma_wait3A_79] : memref<15360x64xf32, #tpu.memory_space<vmem_shared>> -> memref<128x64xf32, #tpu.memory_space<vmem_shared>>
      tpu.wait_dma2 semaphore(%run_scoped3A : memref<!tpu.dma_semaphore, #tpu.memory_space<semaphore_mem>>) src(%arg9 : memref<128x64xf32, #tpu.memory_space<vmem>>) dst(%dma_wait3A_80 : memref<128x64xf32, #tpu.memory_space<vmem_shared>>)
      tpu.yield
    }) : () -> ()
    %add3A_45 = arith.constant 128 : i32
    %add3A_46 = arith.addi %mul3A_42, %add3A_45 : i32
    "tpu.region"() ({
      %run_scoped3A = tpu.sem_alloc : memref<!tpu.dma_semaphore, #tpu.memory_space<semaphore_mem>>
      %dma_start3A = arith.constant 0 : i32
      %dma_start3A_75 = tpu.memref_slice %arg13[%add3A_46, %dma_start3A] : memref<15360x64xf32, #tpu.memory_space<vmem_shared>> -> memref<128x64xf32, #tpu.memory_space<vmem_shared>>
      %dma_start3A_76 = arith.constant 0 : i32
      %dma_start3A_77 = tpu.memref_slice %arg13[%add3A_46, %dma_start3A_76] : memref<15360x64xf32, #tpu.memory_space<vmem_shared>> -> memref<128x64xf32, #tpu.memory_space<vmem_shared>>
      tpu.enqueue_dma source(%arg9 : memref<128x64xf32, #tpu.memory_space<vmem>>) target(%dma_start3A_77 : memref<128x64xf32, #tpu.memory_space<vmem_shared>>) target_semaphore(%run_scoped3A : memref<!tpu.dma_semaphore, #tpu.memory_space<semaphore_mem>>)
      %dma_wait3A = arith.constant 0 : i32
      %dma_wait3A_78 = tpu.memref_slice %arg13[%add3A_46, %dma_wait3A] : memref<15360x64xf32, #tpu.memory_space<vmem_shared>> -> memref<128x64xf32, #tpu.memory_space<vmem_shared>>
      %dma_wait3A_79 = arith.constant 0 : i32
      %dma_wait3A_80 = tpu.memref_slice %arg13[%add3A_46, %dma_wait3A_79] : memref<15360x64xf32, #tpu.memory_space<vmem_shared>> -> memref<128x64xf32, #tpu.memory_space<vmem_shared>>
      tpu.wait_dma2 semaphore(%run_scoped3A : memref<!tpu.dma_semaphore, #tpu.memory_space<semaphore_mem>>) src(%arg9 : memref<128x64xf32, #tpu.memory_space<vmem>>) dst(%dma_wait3A_80 : memref<128x64xf32, #tpu.memory_space<vmem_shared>>)
      tpu.yield
    }) : () -> ()
    %add3A_47 = arith.constant 256 : i32
    %add3A_48 = arith.addi %mul3A_42, %add3A_47 : i32
    "tpu.region"() ({
      %run_scoped3A = tpu.sem_alloc : memref<!tpu.dma_semaphore, #tpu.memory_space<semaphore_mem>>
      %dma_start3A = arith.constant 0 : i32
      %dma_start3A_75 = tpu.memref_slice %arg13[%add3A_48, %dma_start3A] : memref<15360x64xf32, #tpu.memory_space<vmem_shared>> -> memref<128x64xf32, #tpu.memory_space<vmem_shared>>
      %dma_start3A_76 = arith.constant 0 : i32
      %dma_start3A_77 = tpu.memref_slice %arg13[%add3A_48, %dma_start3A_76] : memref<15360x64xf32, #tpu.memory_space<vmem_shared>> -> memref<128x64xf32, #tpu.memory_space<vmem_shared>>
      tpu.enqueue_dma source(%arg9 : memref<128x64xf32, #tpu.memory_space<vmem>>) target(%dma_start3A_77 : memref<128x64xf32, #tpu.memory_space<vmem_shared>>) target_semaphore(%run_scoped3A : memref<!tpu.dma_semaphore, #tpu.memory_space<semaphore_mem>>)
      %dma_wait3A = arith.constant 0 : i32
      %dma_wait3A_78 = tpu.memref_slice %arg13[%add3A_48, %dma_wait3A] : memref<15360x64xf32, #tpu.memory_space<vmem_shared>> -> memref<128x64xf32, #tpu.memory_space<vmem_shared>>
      %dma_wait3A_79 = arith.constant 0 : i32
      %dma_wait3A_80 = tpu.memref_slice %arg13[%add3A_48, %dma_wait3A_79] : memref<15360x64xf32, #tpu.memory_space<vmem_shared>> -> memref<128x64xf32, #tpu.memory_space<vmem_shared>>
      tpu.wait_dma2 semaphore(%run_scoped3A : memref<!tpu.dma_semaphore, #tpu.memory_space<semaphore_mem>>) src(%arg9 : memref<128x64xf32, #tpu.memory_space<vmem>>) dst(%dma_wait3A_80 : memref<128x64xf32, #tpu.memory_space<vmem_shared>>)
      tpu.yield
    }) : () -> ()
    %add3A_49 = arith.constant 384 : i32
    %add3A_50 = arith.addi %mul3A_42, %add3A_49 : i32
    "tpu.region"() ({
      %run_scoped3A = tpu.sem_alloc : memref<!tpu.dma_semaphore, #tpu.memory_space<semaphore_mem>>
      %dma_start3A = arith.constant 0 : i32
      %dma_start3A_75 = tpu.memref_slice %arg13[%add3A_50, %dma_start3A] : memref<15360x64xf32, #tpu.memory_space<vmem_shared>> -> memref<128x64xf32, #tpu.memory_space<vmem_shared>>
      %dma_start3A_76 = arith.constant 0 : i32
      %dma_start3A_77 = tpu.memref_slice %arg13[%add3A_50, %dma_start3A_76] : memref<15360x64xf32, #tpu.memory_space<vmem_shared>> -> memref<128x64xf32, #tpu.memory_space<vmem_shared>>
      tpu.enqueue_dma source(%arg9 : memref<128x64xf32, #tpu.memory_space<vmem>>) target(%dma_start3A_77 : memref<128x64xf32, #tpu.memory_space<vmem_shared>>) target_semaphore(%run_scoped3A : memref<!tpu.dma_semaphore, #tpu.memory_space<semaphore_mem>>)
      %dma_wait3A = arith.constant 0 : i32
      %dma_wait3A_78 = tpu.memref_slice %arg13[%add3A_50, %dma_wait3A] : memref<15360x64xf32, #tpu.memory_space<vmem_shared>> -> memref<128x64xf32, #tpu.memory_space<vmem_shared>>
      %dma_wait3A_79 = arith.constant 0 : i32
      %dma_wait3A_80 = tpu.memref_slice %arg13[%add3A_50, %dma_wait3A_79] : memref<15360x64xf32, #tpu.memory_space<vmem_shared>> -> memref<128x64xf32, #tpu.memory_space<vmem_shared>>
      tpu.wait_dma2 semaphore(%run_scoped3A : memref<!tpu.dma_semaphore, #tpu.memory_space<semaphore_mem>>) src(%arg9 : memref<128x64xf32, #tpu.memory_space<vmem>>) dst(%dma_wait3A_80 : memref<128x64xf32, #tpu.memory_space<vmem_shared>>)
      tpu.yield
    }) : () -> ()
    %add3A_51 = arith.constant 512 : i32
    %add3A_52 = arith.addi %mul3A_42, %add3A_51 : i32
    "tpu.region"() ({
      %run_scoped3A = tpu.sem_alloc : memref<!tpu.dma_semaphore, #tpu.memory_space<semaphore_mem>>
      %dma_start3A = arith.constant 0 : i32
      %dma_start3A_75 = tpu.memref_slice %arg13[%add3A_52, %dma_start3A] : memref<15360x64xf32, #tpu.memory_space<vmem_shared>> -> memref<128x64xf32, #tpu.memory_space<vmem_shared>>
      %dma_start3A_76 = arith.constant 0 : i32
      %dma_start3A_77 = tpu.memref_slice %arg13[%add3A_52, %dma_start3A_76] : memref<15360x64xf32, #tpu.memory_space<vmem_shared>> -> memref<128x64xf32, #tpu.memory_space<vmem_shared>>
      tpu.enqueue_dma source(%arg9 : memref<128x64xf32, #tpu.memory_space<vmem>>) target(%dma_start3A_77 : memref<128x64xf32, #tpu.memory_space<vmem_shared>>) target_semaphore(%run_scoped3A : memref<!tpu.dma_semaphore, #tpu.memory_space<semaphore_mem>>)
      %dma_wait3A = arith.constant 0 : i32
      %dma_wait3A_78 = tpu.memref_slice %arg13[%add3A_52, %dma_wait3A] : memref<15360x64xf32, #tpu.memory_space<vmem_shared>> -> memref<128x64xf32, #tpu.memory_space<vmem_shared>>
      %dma_wait3A_79 = arith.constant 0 : i32
      %dma_wait3A_80 = tpu.memref_slice %arg13[%add3A_52, %dma_wait3A_79] : memref<15360x64xf32, #tpu.memory_space<vmem_shared>> -> memref<128x64xf32, #tpu.memory_space<vmem_shared>>
      tpu.wait_dma2 semaphore(%run_scoped3A : memref<!tpu.dma_semaphore, #tpu.memory_space<semaphore_mem>>) src(%arg9 : memref<128x64xf32, #tpu.memory_space<vmem>>) dst(%dma_wait3A_80 : memref<128x64xf32, #tpu.memory_space<vmem_shared>>)
      tpu.yield
    }) : () -> ()
    %add3A_53 = arith.constant 640 : i32
    %add3A_54 = arith.addi %mul3A_42, %add3A_53 : i32
    "tpu.region"() ({
      %run_scoped3A = tpu.sem_alloc : memref<!tpu.dma_semaphore, #tpu.memory_space<semaphore_mem>>
      %dma_start3A = arith.constant 0 : i32
      %dma_start3A_75 = tpu.memref_slice %arg13[%add3A_54, %dma_start3A] : memref<15360x64xf32, #tpu.memory_space<vmem_shared>> -> memref<128x64xf32, #tpu.memory_space<vmem_shared>>
      %dma_start3A_76 = arith.constant 0 : i32
      %dma_start3A_77 = tpu.memref_slice %arg13[%add3A_54, %dma_start3A_76] : memref<15360x64xf32, #tpu.memory_space<vmem_shared>> -> memref<128x64xf32, #tpu.memory_space<vmem_shared>>
      tpu.enqueue_dma source(%arg9 : memref<128x64xf32, #tpu.memory_space<vmem>>) target(%dma_start3A_77 : memref<128x64xf32, #tpu.memory_space<vmem_shared>>) target_semaphore(%run_scoped3A : memref<!tpu.dma_semaphore, #tpu.memory_space<semaphore_mem>>)
      %dma_wait3A = arith.constant 0 : i32
      %dma_wait3A_78 = tpu.memref_slice %arg13[%add3A_54, %dma_wait3A] : memref<15360x64xf32, #tpu.memory_space<vmem_shared>> -> memref<128x64xf32, #tpu.memory_space<vmem_shared>>
      %dma_wait3A_79 = arith.constant 0 : i32
      %dma_wait3A_80 = tpu.memref_slice %arg13[%add3A_54, %dma_wait3A_79] : memref<15360x64xf32, #tpu.memory_space<vmem_shared>> -> memref<128x64xf32, #tpu.memory_space<vmem_shared>>
      tpu.wait_dma2 semaphore(%run_scoped3A : memref<!tpu.dma_semaphore, #tpu.memory_space<semaphore_mem>>) src(%arg9 : memref<128x64xf32, #tpu.memory_space<vmem>>) dst(%dma_wait3A_80 : memref<128x64xf32, #tpu.memory_space<vmem_shared>>)
      tpu.yield
    }) : () -> ()
    %add3A_55 = arith.constant 768 : i32
    %add3A_56 = arith.addi %mul3A_42, %add3A_55 : i32
    "tpu.region"() ({
      %run_scoped3A = tpu.sem_alloc : memref<!tpu.dma_semaphore, #tpu.memory_space<semaphore_mem>>
      %dma_start3A = arith.constant 0 : i32
      %dma_start3A_75 = tpu.memref_slice %arg13[%add3A_56, %dma_start3A] : memref<15360x64xf32, #tpu.memory_space<vmem_shared>> -> memref<128x64xf32, #tpu.memory_space<vmem_shared>>
      %dma_start3A_76 = arith.constant 0 : i32
      %dma_start3A_77 = tpu.memref_slice %arg13[%add3A_56, %dma_start3A_76] : memref<15360x64xf32, #tpu.memory_space<vmem_shared>> -> memref<128x64xf32, #tpu.memory_space<vmem_shared>>
      tpu.enqueue_dma source(%arg9 : memref<128x64xf32, #tpu.memory_space<vmem>>) target(%dma_start3A_77 : memref<128x64xf32, #tpu.memory_space<vmem_shared>>) target_semaphore(%run_scoped3A : memref<!tpu.dma_semaphore, #tpu.memory_space<semaphore_mem>>)
      %dma_wait3A = arith.constant 0 : i32
      %dma_wait3A_78 = tpu.memref_slice %arg13[%add3A_56, %dma_wait3A] : memref<15360x64xf32, #tpu.memory_space<vmem_shared>> -> memref<128x64xf32, #tpu.memory_space<vmem_shared>>
      %dma_wait3A_79 = arith.constant 0 : i32
      %dma_wait3A_80 = tpu.memref_slice %arg13[%add3A_56, %dma_wait3A_79] : memref<15360x64xf32, #tpu.memory_space<vmem_shared>> -> memref<128x64xf32, #tpu.memory_space<vmem_shared>>
      tpu.wait_dma2 semaphore(%run_scoped3A : memref<!tpu.dma_semaphore, #tpu.memory_space<semaphore_mem>>) src(%arg9 : memref<128x64xf32, #tpu.memory_space<vmem>>) dst(%dma_wait3A_80 : memref<128x64xf32, #tpu.memory_space<vmem_shared>>)
      tpu.yield
    }) : () -> ()
    %add3A_57 = arith.constant 896 : i32
    %add3A_58 = arith.addi %mul3A_42, %add3A_57 : i32
    "tpu.region"() ({
      %run_scoped3A = tpu.sem_alloc : memref<!tpu.dma_semaphore, #tpu.memory_space<semaphore_mem>>
      %dma_start3A = arith.constant 0 : i32
      %dma_start3A_75 = arith.constant 0 : i32
      %dma_start3A_76 = tpu.memref_slice %arg9[%dma_start3A, %dma_start3A_75] : memref<128x64xf32, #tpu.memory_space<vmem>> -> memref<64x64xf32, #tpu.memory_space<vmem>>
      %dma_start3A_77 = arith.constant 0 : i32
      %dma_start3A_78 = tpu.memref_slice %arg13[%add3A_58, %dma_start3A_77] : memref<15360x64xf32, #tpu.memory_space<vmem_shared>> -> memref<64x64xf32, #tpu.memory_space<vmem_shared>>
      %dma_start3A_79 = arith.constant 0 : i32
      %dma_start3A_80 = tpu.memref_slice %arg13[%add3A_58, %dma_start3A_79] : memref<15360x64xf32, #tpu.memory_space<vmem_shared>> -> memref<64x64xf32, #tpu.memory_space<vmem_shared>>
      %dma_start3A_81 = arith.constant 0 : i32
      %dma_start3A_82 = arith.constant 0 : i32
      %dma_start3A_83 = tpu.memref_slice %arg9[%dma_start3A_81, %dma_start3A_82] : memref<128x64xf32, #tpu.memory_space<vmem>> -> memref<64x64xf32, #tpu.memory_space<vmem>>
      tpu.enqueue_dma source(%dma_start3A_83 : memref<64x64xf32, #tpu.memory_space<vmem>>) target(%dma_start3A_80 : memref<64x64xf32, #tpu.memory_space<vmem_shared>>) target_semaphore(%run_scoped3A : memref<!tpu.dma_semaphore, #tpu.memory_space<semaphore_mem>>)
      %dma_wait3A = arith.constant 0 : i32
      %dma_wait3A_84 = arith.constant 0 : i32
      %dma_wait3A_85 = tpu.memref_slice %arg9[%dma_wait3A, %dma_wait3A_84] : memref<128x64xf32, #tpu.memory_space<vmem>> -> memref<64x64xf32, #tpu.memory_space<vmem>>
      %dma_wait3A_86 = arith.constant 0 : i32
      %dma_wait3A_87 = tpu.memref_slice %arg13[%add3A_58, %dma_wait3A_86] : memref<15360x64xf32, #tpu.memory_space<vmem_shared>> -> memref<64x64xf32, #tpu.memory_space<vmem_shared>>
      %dma_wait3A_88 = arith.constant 0 : i32
      %dma_wait3A_89 = tpu.memref_slice %arg13[%add3A_58, %dma_wait3A_88] : memref<15360x64xf32, #tpu.memory_space<vmem_shared>> -> memref<64x64xf32, #tpu.memory_space<vmem_shared>>
      %dma_wait3A_90 = arith.constant 0 : i32
      %dma_wait3A_91 = arith.constant 0 : i32
      %dma_wait3A_92 = tpu.memref_slice %arg9[%dma_wait3A_90, %dma_wait3A_91] : memref<128x64xf32, #tpu.memory_space<vmem>> -> memref<64x64xf32, #tpu.memory_space<vmem>>
      tpu.wait_dma2 semaphore(%run_scoped3A : memref<!tpu.dma_semaphore, #tpu.memory_space<semaphore_mem>>) src(%dma_wait3A_92 : memref<64x64xf32, #tpu.memory_space<vmem>>) dst(%dma_wait3A_89 : memref<64x64xf32, #tpu.memory_space<vmem_shared>>)
      tpu.yield
    }) : () -> ()
    %barrier3A = arith.constant 0 : index
    tpu.barrier barrier_id(%barrier3A)
    %eq3A_59 = arith.constant 0 : i32
    %eq3A_60 = arith.cmpi eq, %arg0, %eq3A_59 : i32
    %convert_element_type3A_61 = arith.extui %eq3A_60 : i1 to i32
    %cond3A_62 = arith.constant 0 : i32
    %cond3A_63 = arith.cmpi ne, %convert_element_type3A_61, %cond3A_62 : i32
    scf.if %cond3A_63 {
      %add3A_75 = arith.constant 0 : i32
      %add3A_76 = arith.addi %add3A_75, %arg1 : i32
      %lt3A_77 = arith.constant 40 : i32
      %lt3A_78 = arith.cmpi slt, %add3A_76, %lt3A_77 : i32
      %convert_element_type3A_79 = arith.extui %lt3A_78 : i1 to i32
      %cond3A_80 = arith.constant 0 : i32
      %cond3A_81 = arith.cmpi ne, %convert_element_type3A_79, %cond3A_80 : i32
      scf.if %cond3A_81 {
        %dma_start3A = arith.constant 0 : i32
        %dma_start3A_96 = tpu.memref_slice %arg8[%add3A_76, %dma_start3A] : memref<40x128xi32, #tpu.memory_space<vmem>> -> memref<1x128xi32, #tpu.memory_space<vmem>>
        %dma_start3A_97 = tpu.memref_squeeze %dma_start3A_96 : memref<1x128xi32, #tpu.memory_space<vmem>> -> memref<128xi32, #tpu.memory_space<vmem>>
        %dma_start3A_98 = arith.constant 0 : i32
        %dma_start3A_99 = arith.constant 0 : i32
        %dma_start3A_100 = tpu.memref_slice %arg2[%dma_start3A_98, %dma_start3A_99] : memref<15360x64xf32, #tpu.memory_space<hbm>> -> memref<15360x64xf32, #tpu.memory_space<hbm>>
        tpu.enqueue_indirect_dma source(%dma_start3A_100 : memref<15360x64xf32, #tpu.memory_space<hbm>>) target(%arg9 : memref<128x64xf32, #tpu.memory_space<vmem>>) offsets(%dma_start3A_97 : memref<128xi32, #tpu.memory_space<vmem>>) semaphore(%arg11 : memref<!tpu.dma_semaphore, #tpu.memory_space<semaphore_mem>>)
        %dma_wait3A = arith.constant 0 : i32
        %dma_wait3A_101 = tpu.memref_slice %arg8[%add3A_76, %dma_wait3A] : memref<40x128xi32, #tpu.memory_space<vmem>> -> memref<1x128xi32, #tpu.memory_space<vmem>>
        %dma_wait3A_102 = tpu.memref_squeeze %dma_wait3A_101 : memref<1x128xi32, #tpu.memory_space<vmem>> -> memref<128xi32, #tpu.memory_space<vmem>>
        %dma_wait3A_103 = arith.constant 0 : i32
        %dma_wait3A_104 = arith.constant 0 : i32
        %dma_wait3A_105 = tpu.memref_slice %arg2[%dma_wait3A_103, %dma_wait3A_104] : memref<15360x64xf32, #tpu.memory_space<hbm>> -> memref<15360x64xf32, #tpu.memory_space<hbm>>
        tpu.wait_indirect_dma semaphore(%arg11 : memref<!tpu.dma_semaphore, #tpu.memory_space<semaphore_mem>>) src(%dma_wait3A_105 : memref<15360x64xf32, #tpu.memory_space<hbm>>) dst(%arg9 : memref<128x64xf32, #tpu.memory_space<vmem>>)
        %mul3A_106 = arith.constant 128 : i32
        %mul3A_107 = arith.muli %add3A_76, %mul3A_106 : i32
        %add3A_108 = arith.constant 10000 : i32
        %add3A_109 = arith.addi %add3A_108, %mul3A_107 : i32
        "tpu.region"() ({
          %run_scoped3A = tpu.sem_alloc : memref<!tpu.dma_semaphore, #tpu.memory_space<semaphore_mem>>
          %dma_start3A_110 = arith.constant 0 : i32
          %dma_start3A_111 = tpu.memref_slice %arg13[%add3A_109, %dma_start3A_110] : memref<15360x64xf32, #tpu.memory_space<vmem_shared>> -> memref<128x64xf32, #tpu.memory_space<vmem_shared>>
          %dma_start3A_112 = arith.constant 0 : i32
          %dma_start3A_113 = tpu.memref_slice %arg13[%add3A_109, %dma_start3A_112] : memref<15360x64xf32, #tpu.memory_space<vmem_shared>> -> memref<128x64xf32, #tpu.memory_space<vmem_shared>>
          tpu.enqueue_dma source(%arg9 : memref<128x64xf32, #tpu.memory_space<vmem>>) target(%dma_start3A_113 : memref<128x64xf32, #tpu.memory_space<vmem_shared>>) target_semaphore(%run_scoped3A : memref<!tpu.dma_semaphore, #tpu.memory_space<semaphore_mem>>)
          %dma_wait3A_114 = arith.constant 0 : i32
          %dma_wait3A_115 = tpu.memref_slice %arg13[%add3A_109, %dma_wait3A_114] : memref<15360x64xf32, #tpu.memory_space<vmem_shared>> -> memref<128x64xf32, #tpu.memory_space<vmem_shared>>
          %dma_wait3A_116 = arith.constant 0 : i32
          %dma_wait3A_117 = tpu.memref_slice %arg13[%add3A_109, %dma_wait3A_116] : memref<15360x64xf32, #tpu.memory_space<vmem_shared>> -> memref<128x64xf32, #tpu.memory_space<vmem_shared>>
          tpu.wait_dma2 semaphore(%run_scoped3A : memref<!tpu.dma_semaphore, #tpu.memory_space<semaphore_mem>>) src(%arg9 : memref<128x64xf32, #tpu.memory_space<vmem>>) dst(%dma_wait3A_117 : memref<128x64xf32, #tpu.memory_space<vmem_shared>>)
          tpu.yield
        }) : () -> ()
      } else {
      }
      %add3A_82 = arith.constant 16 : i32
      %add3A_83 = arith.addi %add3A_82, %arg1 : i32
      %lt3A_84 = arith.constant 40 : i32
      %lt3A_85 = arith.cmpi slt, %add3A_83, %lt3A_84 : i32
      %convert_element_type3A_86 = arith.extui %lt3A_85 : i1 to i32
      %cond3A_87 = arith.constant 0 : i32
      %cond3A_88 = arith.cmpi ne, %convert_element_type3A_86, %cond3A_87 : i32
      scf.if %cond3A_88 {
        %dma_start3A = arith.constant 0 : i32
        %dma_start3A_96 = tpu.memref_slice %arg8[%add3A_83, %dma_start3A] : memref<40x128xi32, #tpu.memory_space<vmem>> -> memref<1x128xi32, #tpu.memory_space<vmem>>
        %dma_start3A_97 = tpu.memref_squeeze %dma_start3A_96 : memref<1x128xi32, #tpu.memory_space<vmem>> -> memref<128xi32, #tpu.memory_space<vmem>>
        %dma_start3A_98 = arith.constant 0 : i32
        %dma_start3A_99 = arith.constant 0 : i32
        %dma_start3A_100 = tpu.memref_slice %arg2[%dma_start3A_98, %dma_start3A_99] : memref<15360x64xf32, #tpu.memory_space<hbm>> -> memref<15360x64xf32, #tpu.memory_space<hbm>>
        tpu.enqueue_indirect_dma source(%dma_start3A_100 : memref<15360x64xf32, #tpu.memory_space<hbm>>) target(%arg9 : memref<128x64xf32, #tpu.memory_space<vmem>>) offsets(%dma_start3A_97 : memref<128xi32, #tpu.memory_space<vmem>>) semaphore(%arg11 : memref<!tpu.dma_semaphore, #tpu.memory_space<semaphore_mem>>)
        %dma_wait3A = arith.constant 0 : i32
        %dma_wait3A_101 = tpu.memref_slice %arg8[%add3A_83, %dma_wait3A] : memref<40x128xi32, #tpu.memory_space<vmem>> -> memref<1x128xi32, #tpu.memory_space<vmem>>
        %dma_wait3A_102 = tpu.memref_squeeze %dma_wait3A_101 : memref<1x128xi32, #tpu.memory_space<vmem>> -> memref<128xi32, #tpu.memory_space<vmem>>
        %dma_wait3A_103 = arith.constant 0 : i32
        %dma_wait3A_104 = arith.constant 0 : i32
        %dma_wait3A_105 = tpu.memref_slice %arg2[%dma_wait3A_103, %dma_wait3A_104] : memref<15360x64xf32, #tpu.memory_space<hbm>> -> memref<15360x64xf32, #tpu.memory_space<hbm>>
        tpu.wait_indirect_dma semaphore(%arg11 : memref<!tpu.dma_semaphore, #tpu.memory_space<semaphore_mem>>) src(%dma_wait3A_105 : memref<15360x64xf32, #tpu.memory_space<hbm>>) dst(%arg9 : memref<128x64xf32, #tpu.memory_space<vmem>>)
        %mul3A_106 = arith.constant 128 : i32
        %mul3A_107 = arith.muli %add3A_83, %mul3A_106 : i32
        %add3A_108 = arith.constant 10000 : i32
        %add3A_109 = arith.addi %add3A_108, %mul3A_107 : i32
        "tpu.region"() ({
          %run_scoped3A = tpu.sem_alloc : memref<!tpu.dma_semaphore, #tpu.memory_space<semaphore_mem>>
          %dma_start3A_110 = arith.constant 0 : i32
          %dma_start3A_111 = tpu.memref_slice %arg13[%add3A_109, %dma_start3A_110] : memref<15360x64xf32, #tpu.memory_space<vmem_shared>> -> memref<128x64xf32, #tpu.memory_space<vmem_shared>>
          %dma_start3A_112 = arith.constant 0 : i32
          %dma_start3A_113 = tpu.memref_slice %arg13[%add3A_109, %dma_start3A_112] : memref<15360x64xf32, #tpu.memory_space<vmem_shared>> -> memref<128x64xf32, #tpu.memory_space<vmem_shared>>
          tpu.enqueue_dma source(%arg9 : memref<128x64xf32, #tpu.memory_space<vmem>>) target(%dma_start3A_113 : memref<128x64xf32, #tpu.memory_space<vmem_shared>>) target_semaphore(%run_scoped3A : memref<!tpu.dma_semaphore, #tpu.memory_space<semaphore_mem>>)
          %dma_wait3A_114 = arith.constant 0 : i32
          %dma_wait3A_115 = tpu.memref_slice %arg13[%add3A_109, %dma_wait3A_114] : memref<15360x64xf32, #tpu.memory_space<vmem_shared>> -> memref<128x64xf32, #tpu.memory_space<vmem_shared>>
          %dma_wait3A_116 = arith.constant 0 : i32
          %dma_wait3A_117 = tpu.memref_slice %arg13[%add3A_109, %dma_wait3A_116] : memref<15360x64xf32, #tpu.memory_space<vmem_shared>> -> memref<128x64xf32, #tpu.memory_space<vmem_shared>>
          tpu.wait_dma2 semaphore(%run_scoped3A : memref<!tpu.dma_semaphore, #tpu.memory_space<semaphore_mem>>) src(%arg9 : memref<128x64xf32, #tpu.memory_space<vmem>>) dst(%dma_wait3A_117 : memref<128x64xf32, #tpu.memory_space<vmem_shared>>)
          tpu.yield
        }) : () -> ()
      } else {
      }
      %add3A_89 = arith.constant 32 : i32
      %add3A_90 = arith.addi %add3A_89, %arg1 : i32
      %lt3A_91 = arith.constant 40 : i32
      %lt3A_92 = arith.cmpi slt, %add3A_90, %lt3A_91 : i32
      %convert_element_type3A_93 = arith.extui %lt3A_92 : i1 to i32
      %cond3A_94 = arith.constant 0 : i32
      %cond3A_95 = arith.cmpi ne, %convert_element_type3A_93, %cond3A_94 : i32
      scf.if %cond3A_95 {
        %dma_start3A = arith.constant 0 : i32
        %dma_start3A_96 = tpu.memref_slice %arg8[%add3A_90, %dma_start3A] : memref<40x128xi32, #tpu.memory_space<vmem>> -> memref<1x128xi32, #tpu.memory_space<vmem>>
        %dma_start3A_97 = tpu.memref_squeeze %dma_start3A_96 : memref<1x128xi32, #tpu.memory_space<vmem>> -> memref<128xi32, #tpu.memory_space<vmem>>
        %dma_start3A_98 = arith.constant 0 : i32
        %dma_start3A_99 = arith.constant 0 : i32
        %dma_start3A_100 = tpu.memref_slice %arg2[%dma_start3A_98, %dma_start3A_99] : memref<15360x64xf32, #tpu.memory_space<hbm>> -> memref<15360x64xf32, #tpu.memory_space<hbm>>
        tpu.enqueue_indirect_dma source(%dma_start3A_100 : memref<15360x64xf32, #tpu.memory_space<hbm>>) target(%arg9 : memref<128x64xf32, #tpu.memory_space<vmem>>) offsets(%dma_start3A_97 : memref<128xi32, #tpu.memory_space<vmem>>) semaphore(%arg11 : memref<!tpu.dma_semaphore, #tpu.memory_space<semaphore_mem>>)
        %dma_wait3A = arith.constant 0 : i32
        %dma_wait3A_101 = tpu.memref_slice %arg8[%add3A_90, %dma_wait3A] : memref<40x128xi32, #tpu.memory_space<vmem>> -> memref<1x128xi32, #tpu.memory_space<vmem>>
        %dma_wait3A_102 = tpu.memref_squeeze %dma_wait3A_101 : memref<1x128xi32, #tpu.memory_space<vmem>> -> memref<128xi32, #tpu.memory_space<vmem>>
        %dma_wait3A_103 = arith.constant 0 : i32
        %dma_wait3A_104 = arith.constant 0 : i32
        %dma_wait3A_105 = tpu.memref_slice %arg2[%dma_wait3A_103, %dma_wait3A_104] : memref<15360x64xf32, #tpu.memory_space<hbm>> -> memref<15360x64xf32, #tpu.memory_space<hbm>>
        tpu.wait_indirect_dma semaphore(%arg11 : memref<!tpu.dma_semaphore, #tpu.memory_space<semaphore_mem>>) src(%dma_wait3A_105 : memref<15360x64xf32, #tpu.memory_space<hbm>>) dst(%arg9 : memref<128x64xf32, #tpu.memory_space<vmem>>)
        %mul3A_106 = arith.constant 128 : i32
        %mul3A_107 = arith.muli %add3A_90, %mul3A_106 : i32
        %add3A_108 = arith.constant 10000 : i32
        %add3A_109 = arith.addi %add3A_108, %mul3A_107 : i32
        "tpu.region"() ({
          %run_scoped3A = tpu.sem_alloc : memref<!tpu.dma_semaphore, #tpu.memory_space<semaphore_mem>>
          %dma_start3A_110 = arith.constant 0 : i32
          %dma_start3A_111 = tpu.memref_slice %arg13[%add3A_109, %dma_start3A_110] : memref<15360x64xf32, #tpu.memory_space<vmem_shared>> -> memref<128x64xf32, #tpu.memory_space<vmem_shared>>
          %dma_start3A_112 = arith.constant 0 : i32
          %dma_start3A_113 = tpu.memref_slice %arg13[%add3A_109, %dma_start3A_112] : memref<15360x64xf32, #tpu.memory_space<vmem_shared>> -> memref<128x64xf32, #tpu.memory_space<vmem_shared>>
          tpu.enqueue_dma source(%arg9 : memref<128x64xf32, #tpu.memory_space<vmem>>) target(%dma_start3A_113 : memref<128x64xf32, #tpu.memory_space<vmem_shared>>) target_semaphore(%run_scoped3A : memref<!tpu.dma_semaphore, #tpu.memory_space<semaphore_mem>>)
          %dma_wait3A_114 = arith.constant 0 : i32
          %dma_wait3A_115 = tpu.memref_slice %arg13[%add3A_109, %dma_wait3A_114] : memref<15360x64xf32, #tpu.memory_space<vmem_shared>> -> memref<128x64xf32, #tpu.memory_space<vmem_shared>>
          %dma_wait3A_116 = arith.constant 0 : i32
          %dma_wait3A_117 = tpu.memref_slice %arg13[%add3A_109, %dma_wait3A_116] : memref<15360x64xf32, #tpu.memory_space<vmem_shared>> -> memref<128x64xf32, #tpu.memory_space<vmem_shared>>
          tpu.wait_dma2 semaphore(%run_scoped3A : memref<!tpu.dma_semaphore, #tpu.memory_space<semaphore_mem>>) src(%arg9 : memref<128x64xf32, #tpu.memory_space<vmem>>) dst(%dma_wait3A_117 : memref<128x64xf32, #tpu.memory_space<vmem_shared>>)
          tpu.yield
        }) : () -> ()
      } else {
      }
    } else {
    }
    %eq3A_64 = arith.constant 0 : i32
    %eq3A_65 = arith.cmpi eq, %arg0, %eq3A_64 : i32
    %convert_element_type3A_66 = arith.extui %eq3A_65 : i1 to i32
    %cond3A_67 = arith.constant 0 : i32
    %cond3A_68 = arith.cmpi ne, %convert_element_type3A_66, %cond3A_67 : i32
    scf.if %cond3A_68 {
      %dma_start3A = arith.constant 0 : i32
      %dma_start3A_75 = arith.constant 0 : i32
      %dma_start3A_76 = tpu.memref_slice %arg6[%sub3A_9, %dma_start3A, %dma_start3A_75] : memref<78x2x128xi32, #tpu.memory_space<vmem>> -> memref<1x1x128xi32, #tpu.memory_space<vmem>>
      %dma_start3A_77 = tpu.memref_squeeze %dma_start3A_76 : memref<1x1x128xi32, #tpu.memory_space<vmem>> -> memref<128xi32, #tpu.memory_space<vmem>>
      %dma_start3A_78 = arith.constant 0 : i32
      %dma_start3A_79 = arith.constant 0 : i32
      %dma_start3A_80 = tpu.memref_slice %arg2[%dma_start3A_78, %dma_start3A_79] : memref<15360x64xf32, #tpu.memory_space<hbm>> -> memref<15360x64xf32, #tpu.memory_space<hbm>>
      tpu.enqueue_indirect_dma source(%dma_start3A_80 : memref<15360x64xf32, #tpu.memory_space<hbm>>) target(%arg9 : memref<128x64xf32, #tpu.memory_space<vmem>>) offsets(%dma_start3A_77 : memref<128xi32, #tpu.memory_space<vmem>>) semaphore(%arg11 : memref<!tpu.dma_semaphore, #tpu.memory_space<semaphore_mem>>)
      %add3A_81 = arith.constant 1 : i32
      %add3A_82 = arith.addi %sub3A_9, %add3A_81 : i32
      %dma_start3A_83 = arith.constant 0 : i32
      %dma_start3A_84 = arith.constant 0 : i32
      %dma_start3A_85 = tpu.memref_slice %arg6[%add3A_82, %dma_start3A_83, %dma_start3A_84] : memref<78x2x128xi32, #tpu.memory_space<vmem>> -> memref<1x1x128xi32, #tpu.memory_space<vmem>>
      %dma_start3A_86 = tpu.memref_squeeze %dma_start3A_85 : memref<1x1x128xi32, #tpu.memory_space<vmem>> -> memref<128xi32, #tpu.memory_space<vmem>>
      %dma_start3A_87 = arith.constant 0 : i32
      %dma_start3A_88 = arith.constant 0 : i32
      %dma_start3A_89 = tpu.memref_slice %arg2[%dma_start3A_87, %dma_start3A_88] : memref<15360x64xf32, #tpu.memory_space<hbm>> -> memref<15360x64xf32, #tpu.memory_space<hbm>>
      tpu.enqueue_indirect_dma source(%dma_start3A_89 : memref<15360x64xf32, #tpu.memory_space<hbm>>) target(%arg10 : memref<128x64xf32, #tpu.memory_space<vmem>>) offsets(%dma_start3A_86 : memref<128xi32, #tpu.memory_space<vmem>>) semaphore(%arg12 : memref<!tpu.dma_semaphore, #tpu.memory_space<semaphore_mem>>)
      %while3A = arith.constant 0 : i32
      %while3A_90 = arith.constant 0 : i32
      %while3A_91 = arith.subi %select_n3A_7, %while3A_90 : i32
      %while3A_92 = arith.addi %while3A_90, %while3A_91 : i32
      %while3A_93 = arith.constant 1 : i32
      %while3A_94 = arith.divsi %while3A_91, %while3A_93 : i32
      %while3A_95 = arith.muli %while3A_94, %while3A_93 : i32
      %while3A_96 = arith.addi %while3A_90, %while3A_95 : i32
      %while3A_97 = arith.constant 1 : i32
      scf.for %while3A_99 = %while3A_90 to %while3A_96 step %while3A_97  : i32 {
        %mul3A_100 = arith.constant 2 : i32
        %mul3A_101 = arith.muli %mul3A_100, %while3A_99 : i32
        %add3A_102 = arith.addi %sub3A_9, %mul3A_101 : i32
        %add3A_103 = arith.constant 0 : i32
        %add3A_104 = arith.addi %add3A_102, %add3A_103 : i32
        %dma_wait3A = arith.constant 0 : i32
        %dma_wait3A_105 = arith.constant 0 : i32
        %dma_wait3A_106 = tpu.memref_slice %arg6[%add3A_104, %dma_wait3A, %dma_wait3A_105] : memref<78x2x128xi32, #tpu.memory_space<vmem>> -> memref<1x1x128xi32, #tpu.memory_space<vmem>>
        %dma_wait3A_107 = tpu.memref_squeeze %dma_wait3A_106 : memref<1x1x128xi32, #tpu.memory_space<vmem>> -> memref<128xi32, #tpu.memory_space<vmem>>
        %dma_wait3A_108 = arith.constant 0 : i32
        %dma_wait3A_109 = arith.constant 0 : i32
        %dma_wait3A_110 = tpu.memref_slice %arg2[%dma_wait3A_108, %dma_wait3A_109] : memref<15360x64xf32, #tpu.memory_space<hbm>> -> memref<15360x64xf32, #tpu.memory_space<hbm>>
        tpu.wait_indirect_dma semaphore(%arg11 : memref<!tpu.dma_semaphore, #tpu.memory_space<semaphore_mem>>) src(%dma_wait3A_110 : memref<15360x64xf32, #tpu.memory_space<hbm>>) dst(%arg9 : memref<128x64xf32, #tpu.memory_space<vmem>>)
        %run_scoped3A = arith.constant 1 : i32
        "tpu.region"() ({
          %run_scoped3A_148 = tpu.sem_alloc : memref<!tpu.dma_semaphore, #tpu.memory_space<semaphore_mem>>
          %dma_start3A_149 = arith.constant 0 : i32
          %dma_start3A_150 = tpu.memref_slice %arg6[%add3A_104, %run_scoped3A, %dma_start3A_149] : memref<78x2x128xi32, #tpu.memory_space<vmem>> -> memref<1x1x128xi32, #tpu.memory_space<vmem>>
          %dma_start3A_151 = tpu.memref_squeeze %dma_start3A_150 : memref<1x1x128xi32, #tpu.memory_space<vmem>> -> memref<128xi32, #tpu.memory_space<vmem>>
          %dma_start3A_152 = arith.constant 0 : i32
          %dma_start3A_153 = arith.constant 0 : i32
          %dma_start3A_154 = tpu.memref_slice %arg13[%dma_start3A_152, %dma_start3A_153] : memref<15360x64xf32, #tpu.memory_space<vmem_shared>> -> memref<15360x64xf32, #tpu.memory_space<vmem_shared>>
          tpu.enqueue_indirect_dma source(%arg9 : memref<128x64xf32, #tpu.memory_space<vmem>>) target(%dma_start3A_154 : memref<15360x64xf32, #tpu.memory_space<vmem_shared>>) offsets(%dma_start3A_151 : memref<128xi32, #tpu.memory_space<vmem>>) semaphore(%run_scoped3A_148 : memref<!tpu.dma_semaphore, #tpu.memory_space<semaphore_mem>>) {add = true}
          %dma_wait3A_155 = arith.constant 0 : i32
          %dma_wait3A_156 = tpu.memref_slice %arg6[%add3A_104, %run_scoped3A, %dma_wait3A_155] : memref<78x2x128xi32, #tpu.memory_space<vmem>> -> memref<1x1x128xi32, #tpu.memory_space<vmem>>
          %dma_wait3A_157 = tpu.memref_squeeze %dma_wait3A_156 : memref<1x1x128xi32, #tpu.memory_space<vmem>> -> memref<128xi32, #tpu.memory_space<vmem>>
          %dma_wait3A_158 = arith.constant 0 : i32
          %dma_wait3A_159 = arith.constant 0 : i32
          %dma_wait3A_160 = tpu.memref_slice %arg13[%dma_wait3A_158, %dma_wait3A_159] : memref<15360x64xf32, #tpu.memory_space<vmem_shared>> -> memref<15360x64xf32, #tpu.memory_space<vmem_shared>>
          tpu.wait_indirect_dma semaphore(%run_scoped3A_148 : memref<!tpu.dma_semaphore, #tpu.memory_space<semaphore_mem>>) src(%arg9 : memref<128x64xf32, #tpu.memory_space<vmem>>) dst(%dma_wait3A_160 : memref<15360x64xf32, #tpu.memory_space<vmem_shared>>)
          tpu.yield
        }) : () -> ()
        %mul3A_111 = arith.constant 2 : i32
        %mul3A_112 = arith.muli %mul3A_111, %while3A_99 : i32
        %add3A_113 = arith.constant 0 : i32
        %add3A_114 = arith.addi %mul3A_112, %add3A_113 : i32
        %add3A_115 = arith.constant 2 : i32
        %add3A_116 = arith.addi %add3A_114, %add3A_115 : i32
        %mul3A_117 = arith.constant 2 : i32
        %mul3A_118 = arith.muli %mul3A_117, %select_n3A_7 : i32
        %lt3A_119 = arith.cmpi slt, %add3A_116, %mul3A_118 : i32
        %convert_element_type3A_120 = arith.extui %lt3A_119 : i1 to i32
        %cond3A_121 = arith.constant 0 : i32
        %cond3A_122 = arith.cmpi ne, %convert_element_type3A_120, %cond3A_121 : i32
        scf.if %cond3A_122 {
          %add3A_148 = arith.constant 2 : i32
          %add3A_149 = arith.addi %add3A_104, %add3A_148 : i32
          %dma_start3A_150 = arith.constant 0 : i32
          %dma_start3A_151 = arith.constant 0 : i32
          %dma_start3A_152 = tpu.memref_slice %arg6[%add3A_149, %dma_start3A_150, %dma_start3A_151] : memref<78x2x128xi32, #tpu.memory_space<vmem>> -> memref<1x1x128xi32, #tpu.memory_space<vmem>>
          %dma_start3A_153 = tpu.memref_squeeze %dma_start3A_152 : memref<1x1x128xi32, #tpu.memory_space<vmem>> -> memref<128xi32, #tpu.memory_space<vmem>>
          %dma_start3A_154 = arith.constant 0 : i32
          %dma_start3A_155 = arith.constant 0 : i32
          %dma_start3A_156 = tpu.memref_slice %arg2[%dma_start3A_154, %dma_start3A_155] : memref<15360x64xf32, #tpu.memory_space<hbm>> -> memref<15360x64xf32, #tpu.memory_space<hbm>>
          tpu.enqueue_indirect_dma source(%dma_start3A_156 : memref<15360x64xf32, #tpu.memory_space<hbm>>) target(%arg9 : memref<128x64xf32, #tpu.memory_space<vmem>>) offsets(%dma_start3A_153 : memref<128xi32, #tpu.memory_space<vmem>>) semaphore(%arg11 : memref<!tpu.dma_semaphore, #tpu.memory_space<semaphore_mem>>)
        } else {
        }
        %mul3A_123 = arith.constant 2 : i32
        %mul3A_124 = arith.muli %mul3A_123, %while3A_99 : i32
        %add3A_125 = arith.addi %sub3A_9, %mul3A_124 : i32
        %add3A_126 = arith.constant 1 : i32
        %add3A_127 = arith.addi %add3A_125, %add3A_126 : i32
        %dma_wait3A_128 = arith.constant 0 : i32
        %dma_wait3A_129 = arith.constant 0 : i32
        %dma_wait3A_130 = tpu.memref_slice %arg6[%add3A_127, %dma_wait3A_128, %dma_wait3A_129] : memref<78x2x128xi32, #tpu.memory_space<vmem>> -> memref<1x1x128xi32, #tpu.memory_space<vmem>>
        %dma_wait3A_131 = tpu.memref_squeeze %dma_wait3A_130 : memref<1x1x128xi32, #tpu.memory_space<vmem>> -> memref<128xi32, #tpu.memory_space<vmem>>
        %dma_wait3A_132 = arith.constant 0 : i32
        %dma_wait3A_133 = arith.constant 0 : i32
        %dma_wait3A_134 = tpu.memref_slice %arg2[%dma_wait3A_132, %dma_wait3A_133] : memref<15360x64xf32, #tpu.memory_space<hbm>> -> memref<15360x64xf32, #tpu.memory_space<hbm>>
        tpu.wait_indirect_dma semaphore(%arg12 : memref<!tpu.dma_semaphore, #tpu.memory_space<semaphore_mem>>) src(%dma_wait3A_134 : memref<15360x64xf32, #tpu.memory_space<hbm>>) dst(%arg10 : memref<128x64xf32, #tpu.memory_space<vmem>>)
        %run_scoped3A_135 = arith.constant 1 : i32
        "tpu.region"() ({
          %run_scoped3A_148 = tpu.sem_alloc : memref<!tpu.dma_semaphore, #tpu.memory_space<semaphore_mem>>
          %dma_start3A_149 = arith.constant 0 : i32
          %dma_start3A_150 = tpu.memref_slice %arg6[%add3A_127, %run_scoped3A_135, %dma_start3A_149] : memref<78x2x128xi32, #tpu.memory_space<vmem>> -> memref<1x1x128xi32, #tpu.memory_space<vmem>>
          %dma_start3A_151 = tpu.memref_squeeze %dma_start3A_150 : memref<1x1x128xi32, #tpu.memory_space<vmem>> -> memref<128xi32, #tpu.memory_space<vmem>>
          %dma_start3A_152 = arith.constant 0 : i32
          %dma_start3A_153 = arith.constant 0 : i32
          %dma_start3A_154 = tpu.memref_slice %arg13[%dma_start3A_152, %dma_start3A_153] : memref<15360x64xf32, #tpu.memory_space<vmem_shared>> -> memref<15360x64xf32, #tpu.memory_space<vmem_shared>>
          tpu.enqueue_indirect_dma source(%arg10 : memref<128x64xf32, #tpu.memory_space<vmem>>) target(%dma_start3A_154 : memref<15360x64xf32, #tpu.memory_space<vmem_shared>>) offsets(%dma_start3A_151 : memref<128xi32, #tpu.memory_space<vmem>>) semaphore(%run_scoped3A_148 : memref<!tpu.dma_semaphore, #tpu.memory_space<semaphore_mem>>) {add = true}
          %dma_wait3A_155 = arith.constant 0 : i32
          %dma_wait3A_156 = tpu.memref_slice %arg6[%add3A_127, %run_scoped3A_135, %dma_wait3A_155] : memref<78x2x128xi32, #tpu.memory_space<vmem>> -> memref<1x1x128xi32, #tpu.memory_space<vmem>>
          %dma_wait3A_157 = tpu.memref_squeeze %dma_wait3A_156 : memref<1x1x128xi32, #tpu.memory_space<vmem>> -> memref<128xi32, #tpu.memory_space<vmem>>
          %dma_wait3A_158 = arith.constant 0 : i32
          %dma_wait3A_159 = arith.constant 0 : i32
          %dma_wait3A_160 = tpu.memref_slice %arg13[%dma_wait3A_158, %dma_wait3A_159] : memref<15360x64xf32, #tpu.memory_space<vmem_shared>> -> memref<15360x64xf32, #tpu.memory_space<vmem_shared>>
          tpu.wait_indirect_dma semaphore(%run_scoped3A_148 : memref<!tpu.dma_semaphore, #tpu.memory_space<semaphore_mem>>) src(%arg10 : memref<128x64xf32, #tpu.memory_space<vmem>>) dst(%dma_wait3A_160 : memref<15360x64xf32, #tpu.memory_space<vmem_shared>>)
          tpu.yield
        }) : () -> ()
        %mul3A_136 = arith.constant 2 : i32
        %mul3A_137 = arith.muli %mul3A_136, %while3A_99 : i32
        %add3A_138 = arith.constant 1 : i32
        %add3A_139 = arith.addi %mul3A_137, %add3A_138 : i32
        %add3A_140 = arith.constant 2 : i32
        %add3A_141 = arith.addi %add3A_139, %add3A_140 : i32
        %mul3A_142 = arith.constant 2 : i32
        %mul3A_143 = arith.muli %mul3A_142, %select_n3A_7 : i32
        %lt3A_144 = arith.cmpi slt, %add3A_141, %mul3A_143 : i32
        %convert_element_type3A_145 = arith.extui %lt3A_144 : i1 to i32
        %cond3A_146 = arith.constant 0 : i32
        %cond3A_147 = arith.cmpi ne, %convert_element_type3A_145, %cond3A_146 : i32
        scf.if %cond3A_147 {
          %add3A_148 = arith.constant 2 : i32
          %add3A_149 = arith.addi %add3A_127, %add3A_148 : i32
          %dma_start3A_150 = arith.constant 0 : i32
          %dma_start3A_151 = arith.constant 0 : i32
          %dma_start3A_152 = tpu.memref_slice %arg6[%add3A_149, %dma_start3A_150, %dma_start3A_151] : memref<78x2x128xi32, #tpu.memory_space<vmem>> -> memref<1x1x128xi32, #tpu.memory_space<vmem>>
          %dma_start3A_153 = tpu.memref_squeeze %dma_start3A_152 : memref<1x1x128xi32, #tpu.memory_space<vmem>> -> memref<128xi32, #tpu.memory_space<vmem>>
          %dma_start3A_154 = arith.constant 0 : i32
          %dma_start3A_155 = arith.constant 0 : i32
          %dma_start3A_156 = tpu.memref_slice %arg2[%dma_start3A_154, %dma_start3A_155] : memref<15360x64xf32, #tpu.memory_space<hbm>> -> memref<15360x64xf32, #tpu.memory_space<hbm>>
          tpu.enqueue_indirect_dma source(%dma_start3A_156 : memref<15360x64xf32, #tpu.memory_space<hbm>>) target(%arg10 : memref<128x64xf32, #tpu.memory_space<vmem>>) offsets(%dma_start3A_153 : memref<128xi32, #tpu.memory_space<vmem>>) semaphore(%arg12 : memref<!tpu.dma_semaphore, #tpu.memory_space<semaphore_mem>>)
        } else {
        }
      }
      %while3A_98 = arith.constant 1 : i32
      scf.for %while3A_99 = %while3A_96 to %while3A_92 step %while3A_98  : i32 {
        %mul3A_100 = arith.constant 2 : i32
        %mul3A_101 = arith.muli %mul3A_100, %while3A_99 : i32
        %add3A_102 = arith.addi %sub3A_9, %mul3A_101 : i32
        %add3A_103 = arith.constant 0 : i32
        %add3A_104 = arith.addi %add3A_102, %add3A_103 : i32
        %dma_wait3A = arith.constant 0 : i32
        %dma_wait3A_105 = arith.constant 0 : i32
        %dma_wait3A_106 = tpu.memref_slice %arg6[%add3A_104, %dma_wait3A, %dma_wait3A_105] : memref<78x2x128xi32, #tpu.memory_space<vmem>> -> memref<1x1x128xi32, #tpu.memory_space<vmem>>
        %dma_wait3A_107 = tpu.memref_squeeze %dma_wait3A_106 : memref<1x1x128xi32, #tpu.memory_space<vmem>> -> memref<128xi32, #tpu.memory_space<vmem>>
        %dma_wait3A_108 = arith.constant 0 : i32
        %dma_wait3A_109 = arith.constant 0 : i32
        %dma_wait3A_110 = tpu.memref_slice %arg2[%dma_wait3A_108, %dma_wait3A_109] : memref<15360x64xf32, #tpu.memory_space<hbm>> -> memref<15360x64xf32, #tpu.memory_space<hbm>>
        tpu.wait_indirect_dma semaphore(%arg11 : memref<!tpu.dma_semaphore, #tpu.memory_space<semaphore_mem>>) src(%dma_wait3A_110 : memref<15360x64xf32, #tpu.memory_space<hbm>>) dst(%arg9 : memref<128x64xf32, #tpu.memory_space<vmem>>)
        %run_scoped3A = arith.constant 1 : i32
        "tpu.region"() ({
          %run_scoped3A_148 = tpu.sem_alloc : memref<!tpu.dma_semaphore, #tpu.memory_space<semaphore_mem>>
          %dma_start3A_149 = arith.constant 0 : i32
          %dma_start3A_150 = tpu.memref_slice %arg6[%add3A_104, %run_scoped3A, %dma_start3A_149] : memref<78x2x128xi32, #tpu.memory_space<vmem>> -> memref<1x1x128xi32, #tpu.memory_space<vmem>>
          %dma_start3A_151 = tpu.memref_squeeze %dma_start3A_150 : memref<1x1x128xi32, #tpu.memory_space<vmem>> -> memref<128xi32, #tpu.memory_space<vmem>>
          %dma_start3A_152 = arith.constant 0 : i32
          %dma_start3A_153 = arith.constant 0 : i32
          %dma_start3A_154 = tpu.memref_slice %arg13[%dma_start3A_152, %dma_start3A_153] : memref<15360x64xf32, #tpu.memory_space<vmem_shared>> -> memref<15360x64xf32, #tpu.memory_space<vmem_shared>>
          tpu.enqueue_indirect_dma source(%arg9 : memref<128x64xf32, #tpu.memory_space<vmem>>) target(%dma_start3A_154 : memref<15360x64xf32, #tpu.memory_space<vmem_shared>>) offsets(%dma_start3A_151 : memref<128xi32, #tpu.memory_space<vmem>>) semaphore(%run_scoped3A_148 : memref<!tpu.dma_semaphore, #tpu.memory_space<semaphore_mem>>) {add = true}
          %dma_wait3A_155 = arith.constant 0 : i32
          %dma_wait3A_156 = tpu.memref_slice %arg6[%add3A_104, %run_scoped3A, %dma_wait3A_155] : memref<78x2x128xi32, #tpu.memory_space<vmem>> -> memref<1x1x128xi32, #tpu.memory_space<vmem>>
          %dma_wait3A_157 = tpu.memref_squeeze %dma_wait3A_156 : memref<1x1x128xi32, #tpu.memory_space<vmem>> -> memref<128xi32, #tpu.memory_space<vmem>>
          %dma_wait3A_158 = arith.constant 0 : i32
          %dma_wait3A_159 = arith.constant 0 : i32
          %dma_wait3A_160 = tpu.memref_slice %arg13[%dma_wait3A_158, %dma_wait3A_159] : memref<15360x64xf32, #tpu.memory_space<vmem_shared>> -> memref<15360x64xf32, #tpu.memory_space<vmem_shared>>
          tpu.wait_indirect_dma semaphore(%run_scoped3A_148 : memref<!tpu.dma_semaphore, #tpu.memory_space<semaphore_mem>>) src(%arg9 : memref<128x64xf32, #tpu.memory_space<vmem>>) dst(%dma_wait3A_160 : memref<15360x64xf32, #tpu.memory_space<vmem_shared>>)
          tpu.yield
        }) : () -> ()
        %mul3A_111 = arith.constant 2 : i32
        %mul3A_112 = arith.muli %mul3A_111, %while3A_99 : i32
        %add3A_113 = arith.constant 0 : i32
        %add3A_114 = arith.addi %mul3A_112, %add3A_113 : i32
        %add3A_115 = arith.constant 2 : i32
        %add3A_116 = arith.addi %add3A_114, %add3A_115 : i32
        %mul3A_117 = arith.constant 2 : i32
        %mul3A_118 = arith.muli %mul3A_117, %select_n3A_7 : i32
        %lt3A_119 = arith.cmpi slt, %add3A_116, %mul3A_118 : i32
        %convert_element_type3A_120 = arith.extui %lt3A_119 : i1 to i32
        %cond3A_121 = arith.constant 0 : i32
        %cond3A_122 = arith.cmpi ne, %convert_element_type3A_120, %cond3A_121 : i32
        scf.if %cond3A_122 {
          %add3A_148 = arith.constant 2 : i32
          %add3A_149 = arith.addi %add3A_104, %add3A_148 : i32
          %dma_start3A_150 = arith.constant 0 : i32
          %dma_start3A_151 = arith.constant 0 : i32
          %dma_start3A_152 = tpu.memref_slice %arg6[%add3A_149, %dma_start3A_150, %dma_start3A_151] : memref<78x2x128xi32, #tpu.memory_space<vmem>> -> memref<1x1x128xi32, #tpu.memory_space<vmem>>
          %dma_start3A_153 = tpu.memref_squeeze %dma_start3A_152 : memref<1x1x128xi32, #tpu.memory_space<vmem>> -> memref<128xi32, #tpu.memory_space<vmem>>
          %dma_start3A_154 = arith.constant 0 : i32
          %dma_start3A_155 = arith.constant 0 : i32
          %dma_start3A_156 = tpu.memref_slice %arg2[%dma_start3A_154, %dma_start3A_155] : memref<15360x64xf32, #tpu.memory_space<hbm>> -> memref<15360x64xf32, #tpu.memory_space<hbm>>
          tpu.enqueue_indirect_dma source(%dma_start3A_156 : memref<15360x64xf32, #tpu.memory_space<hbm>>) target(%arg9 : memref<128x64xf32, #tpu.memory_space<vmem>>) offsets(%dma_start3A_153 : memref<128xi32, #tpu.memory_space<vmem>>) semaphore(%arg11 : memref<!tpu.dma_semaphore, #tpu.memory_space<semaphore_mem>>)
        } else {
        }
        %mul3A_123 = arith.constant 2 : i32
        %mul3A_124 = arith.muli %mul3A_123, %while3A_99 : i32
        %add3A_125 = arith.addi %sub3A_9, %mul3A_124 : i32
        %add3A_126 = arith.constant 1 : i32
        %add3A_127 = arith.addi %add3A_125, %add3A_126 : i32
        %dma_wait3A_128 = arith.constant 0 : i32
        %dma_wait3A_129 = arith.constant 0 : i32
        %dma_wait3A_130 = tpu.memref_slice %arg6[%add3A_127, %dma_wait3A_128, %dma_wait3A_129] : memref<78x2x128xi32, #tpu.memory_space<vmem>> -> memref<1x1x128xi32, #tpu.memory_space<vmem>>
        %dma_wait3A_131 = tpu.memref_squeeze %dma_wait3A_130 : memref<1x1x128xi32, #tpu.memory_space<vmem>> -> memref<128xi32, #tpu.memory_space<vmem>>
        %dma_wait3A_132 = arith.constant 0 : i32
        %dma_wait3A_133 = arith.constant 0 : i32
        %dma_wait3A_134 = tpu.memref_slice %arg2[%dma_wait3A_132, %dma_wait3A_133] : memref<15360x64xf32, #tpu.memory_space<hbm>> -> memref<15360x64xf32, #tpu.memory_space<hbm>>
        tpu.wait_indirect_dma semaphore(%arg12 : memref<!tpu.dma_semaphore, #tpu.memory_space<semaphore_mem>>) src(%dma_wait3A_134 : memref<15360x64xf32, #tpu.memory_space<hbm>>) dst(%arg10 : memref<128x64xf32, #tpu.memory_space<vmem>>)
        %run_scoped3A_135 = arith.constant 1 : i32
        "tpu.region"() ({
          %run_scoped3A_148 = tpu.sem_alloc : memref<!tpu.dma_semaphore, #tpu.memory_space<semaphore_mem>>
          %dma_start3A_149 = arith.constant 0 : i32
          %dma_start3A_150 = tpu.memref_slice %arg6[%add3A_127, %run_scoped3A_135, %dma_start3A_149] : memref<78x2x128xi32, #tpu.memory_space<vmem>> -> memref<1x1x128xi32, #tpu.memory_space<vmem>>
          %dma_start3A_151 = tpu.memref_squeeze %dma_start3A_150 : memref<1x1x128xi32, #tpu.memory_space<vmem>> -> memref<128xi32, #tpu.memory_space<vmem>>
          %dma_start3A_152 = arith.constant 0 : i32
          %dma_start3A_153 = arith.constant 0 : i32
          %dma_start3A_154 = tpu.memref_slice %arg13[%dma_start3A_152, %dma_start3A_153] : memref<15360x64xf32, #tpu.memory_space<vmem_shared>> -> memref<15360x64xf32, #tpu.memory_space<vmem_shared>>
          tpu.enqueue_indirect_dma source(%arg10 : memref<128x64xf32, #tpu.memory_space<vmem>>) target(%dma_start3A_154 : memref<15360x64xf32, #tpu.memory_space<vmem_shared>>) offsets(%dma_start3A_151 : memref<128xi32, #tpu.memory_space<vmem>>) semaphore(%run_scoped3A_148 : memref<!tpu.dma_semaphore, #tpu.memory_space<semaphore_mem>>) {add = true}
          %dma_wait3A_155 = arith.constant 0 : i32
          %dma_wait3A_156 = tpu.memref_slice %arg6[%add3A_127, %run_scoped3A_135, %dma_wait3A_155] : memref<78x2x128xi32, #tpu.memory_space<vmem>> -> memref<1x1x128xi32, #tpu.memory_space<vmem>>
          %dma_wait3A_157 = tpu.memref_squeeze %dma_wait3A_156 : memref<1x1x128xi32, #tpu.memory_space<vmem>> -> memref<128xi32, #tpu.memory_space<vmem>>
          %dma_wait3A_158 = arith.constant 0 : i32
          %dma_wait3A_159 = arith.constant 0 : i32
          %dma_wait3A_160 = tpu.memref_slice %arg13[%dma_wait3A_158, %dma_wait3A_159] : memref<15360x64xf32, #tpu.memory_space<vmem_shared>> -> memref<15360x64xf32, #tpu.memory_space<vmem_shared>>
          tpu.wait_indirect_dma semaphore(%run_scoped3A_148 : memref<!tpu.dma_semaphore, #tpu.memory_space<semaphore_mem>>) src(%arg10 : memref<128x64xf32, #tpu.memory_space<vmem>>) dst(%dma_wait3A_160 : memref<15360x64xf32, #tpu.memory_space<vmem_shared>>)
          tpu.yield
        }) : () -> ()
        %mul3A_136 = arith.constant 2 : i32
        %mul3A_137 = arith.muli %mul3A_136, %while3A_99 : i32
        %add3A_138 = arith.constant 1 : i32
        %add3A_139 = arith.addi %mul3A_137, %add3A_138 : i32
        %add3A_140 = arith.constant 2 : i32
        %add3A_141 = arith.addi %add3A_139, %add3A_140 : i32
        %mul3A_142 = arith.constant 2 : i32
        %mul3A_143 = arith.muli %mul3A_142, %select_n3A_7 : i32
        %lt3A_144 = arith.cmpi slt, %add3A_141, %mul3A_143 : i32
        %convert_element_type3A_145 = arith.extui %lt3A_144 : i1 to i32
        %cond3A_146 = arith.constant 0 : i32
        %cond3A_147 = arith.cmpi ne, %convert_element_type3A_145, %cond3A_146 : i32
        scf.if %cond3A_147 {
          %add3A_148 = arith.constant 2 : i32
          %add3A_149 = arith.addi %add3A_127, %add3A_148 : i32
          %dma_start3A_150 = arith.constant 0 : i32
          %dma_start3A_151 = arith.constant 0 : i32
          %dma_start3A_152 = tpu.memref_slice %arg6[%add3A_149, %dma_start3A_150, %dma_start3A_151] : memref<78x2x128xi32, #tpu.memory_space<vmem>> -> memref<1x1x128xi32, #tpu.memory_space<vmem>>
          %dma_start3A_153 = tpu.memref_squeeze %dma_start3A_152 : memref<1x1x128xi32, #tpu.memory_space<vmem>> -> memref<128xi32, #tpu.memory_space<vmem>>
          %dma_start3A_154 = arith.constant 0 : i32
          %dma_start3A_155 = arith.constant 0 : i32
          %dma_start3A_156 = tpu.memref_slice %arg2[%dma_start3A_154, %dma_start3A_155] : memref<15360x64xf32, #tpu.memory_space<hbm>> -> memref<15360x64xf32, #tpu.memory_space<hbm>>
          tpu.enqueue_indirect_dma source(%dma_start3A_156 : memref<15360x64xf32, #tpu.memory_space<hbm>>) target(%arg10 : memref<128x64xf32, #tpu.memory_space<vmem>>) offsets(%dma_start3A_153 : memref<128xi32, #tpu.memory_space<vmem>>) semaphore(%arg12 : memref<!tpu.dma_semaphore, #tpu.memory_space<semaphore_mem>>)
        } else {
        }
      }
    } else {
    }
    %eq3A_69 = arith.constant 1 : i32
    %eq3A_70 = arith.cmpi eq, %arg0, %eq3A_69 : i32
    %convert_element_type3A_71 = arith.extui %eq3A_70 : i1 to i32
    %cond3A_72 = arith.constant 0 : i32
    %cond3A_73 = arith.cmpi ne, %convert_element_type3A_71, %cond3A_72 : i32
    scf.if %cond3A_73 {
      %dma_start3A = arith.constant 0 : i32
      %dma_start3A_75 = arith.constant 0 : i32
      %dma_start3A_76 = tpu.memref_slice %arg7[%sub3A_28, %dma_start3A, %dma_start3A_75] : memref<80x2x128xi32, #tpu.memory_space<vmem>> -> memref<1x1x128xi32, #tpu.memory_space<vmem>>
      %dma_start3A_77 = tpu.memref_squeeze %dma_start3A_76 : memref<1x1x128xi32, #tpu.memory_space<vmem>> -> memref<128xi32, #tpu.memory_space<vmem>>
      %dma_start3A_78 = arith.constant 0 : i32
      %dma_start3A_79 = arith.constant 0 : i32
      %dma_start3A_80 = tpu.memref_slice %arg2[%dma_start3A_78, %dma_start3A_79] : memref<15360x64xf32, #tpu.memory_space<hbm>> -> memref<15360x64xf32, #tpu.memory_space<hbm>>
      tpu.enqueue_indirect_dma source(%dma_start3A_80 : memref<15360x64xf32, #tpu.memory_space<hbm>>) target(%arg9 : memref<128x64xf32, #tpu.memory_space<vmem>>) offsets(%dma_start3A_77 : memref<128xi32, #tpu.memory_space<vmem>>) semaphore(%arg11 : memref<!tpu.dma_semaphore, #tpu.memory_space<semaphore_mem>>)
      %add3A_81 = arith.constant 1 : i32
      %add3A_82 = arith.addi %sub3A_28, %add3A_81 : i32
      %dma_start3A_83 = arith.constant 0 : i32
      %dma_start3A_84 = arith.constant 0 : i32
      %dma_start3A_85 = tpu.memref_slice %arg7[%add3A_82, %dma_start3A_83, %dma_start3A_84] : memref<80x2x128xi32, #tpu.memory_space<vmem>> -> memref<1x1x128xi32, #tpu.memory_space<vmem>>
      %dma_start3A_86 = tpu.memref_squeeze %dma_start3A_85 : memref<1x1x128xi32, #tpu.memory_space<vmem>> -> memref<128xi32, #tpu.memory_space<vmem>>
      %dma_start3A_87 = arith.constant 0 : i32
      %dma_start3A_88 = arith.constant 0 : i32
      %dma_start3A_89 = tpu.memref_slice %arg2[%dma_start3A_87, %dma_start3A_88] : memref<15360x64xf32, #tpu.memory_space<hbm>> -> memref<15360x64xf32, #tpu.memory_space<hbm>>
      tpu.enqueue_indirect_dma source(%dma_start3A_89 : memref<15360x64xf32, #tpu.memory_space<hbm>>) target(%arg10 : memref<128x64xf32, #tpu.memory_space<vmem>>) offsets(%dma_start3A_86 : memref<128xi32, #tpu.memory_space<vmem>>) semaphore(%arg12 : memref<!tpu.dma_semaphore, #tpu.memory_space<semaphore_mem>>)
      %while3A = arith.constant 0 : i32
      %while3A_90 = arith.constant 0 : i32
      %while3A_91 = arith.subi %select_n3A_25, %while3A_90 : i32
      %while3A_92 = arith.addi %while3A_90, %while3A_91 : i32
      %while3A_93 = arith.constant 1 : i32
      %while3A_94 = arith.divsi %while3A_91, %while3A_93 : i32
      %while3A_95 = arith.muli %while3A_94, %while3A_93 : i32
      %while3A_96 = arith.addi %while3A_90, %while3A_95 : i32
      %while3A_97 = arith.constant 1 : i32
      scf.for %while3A_99 = %while3A_90 to %while3A_96 step %while3A_97  : i32 {
        %mul3A_100 = arith.constant 2 : i32
        %mul3A_101 = arith.muli %mul3A_100, %while3A_99 : i32
        %add3A_102 = arith.addi %sub3A_28, %mul3A_101 : i32
        %add3A_103 = arith.constant 0 : i32
        %add3A_104 = arith.addi %add3A_102, %add3A_103 : i32
        %dma_wait3A = arith.constant 0 : i32
        %dma_wait3A_105 = arith.constant 0 : i32
        %dma_wait3A_106 = tpu.memref_slice %arg7[%add3A_104, %dma_wait3A, %dma_wait3A_105] : memref<80x2x128xi32, #tpu.memory_space<vmem>> -> memref<1x1x128xi32, #tpu.memory_space<vmem>>
        %dma_wait3A_107 = tpu.memref_squeeze %dma_wait3A_106 : memref<1x1x128xi32, #tpu.memory_space<vmem>> -> memref<128xi32, #tpu.memory_space<vmem>>
        %dma_wait3A_108 = arith.constant 0 : i32
        %dma_wait3A_109 = arith.constant 0 : i32
        %dma_wait3A_110 = tpu.memref_slice %arg2[%dma_wait3A_108, %dma_wait3A_109] : memref<15360x64xf32, #tpu.memory_space<hbm>> -> memref<15360x64xf32, #tpu.memory_space<hbm>>
        tpu.wait_indirect_dma semaphore(%arg11 : memref<!tpu.dma_semaphore, #tpu.memory_space<semaphore_mem>>) src(%dma_wait3A_110 : memref<15360x64xf32, #tpu.memory_space<hbm>>) dst(%arg9 : memref<128x64xf32, #tpu.memory_space<vmem>>)
        %run_scoped3A = arith.constant 1 : i32
        "tpu.region"() ({
          %run_scoped3A_148 = tpu.sem_alloc : memref<!tpu.dma_semaphore, #tpu.memory_space<semaphore_mem>>
          %dma_start3A_149 = arith.constant 0 : i32
          %dma_start3A_150 = tpu.memref_slice %arg7[%add3A_104, %run_scoped3A, %dma_start3A_149] : memref<80x2x128xi32, #tpu.memory_space<vmem>> -> memref<1x1x128xi32, #tpu.memory_space<vmem>>
          %dma_start3A_151 = tpu.memref_squeeze %dma_start3A_150 : memref<1x1x128xi32, #tpu.memory_space<vmem>> -> memref<128xi32, #tpu.memory_space<vmem>>
          %dma_start3A_152 = arith.constant 0 : i32
          %dma_start3A_153 = arith.constant 0 : i32
          %dma_start3A_154 = tpu.memref_slice %arg13[%dma_start3A_152, %dma_start3A_153] : memref<15360x64xf32, #tpu.memory_space<vmem_shared>> -> memref<15360x64xf32, #tpu.memory_space<vmem_shared>>
          tpu.enqueue_indirect_dma source(%arg9 : memref<128x64xf32, #tpu.memory_space<vmem>>) target(%dma_start3A_154 : memref<15360x64xf32, #tpu.memory_space<vmem_shared>>) offsets(%dma_start3A_151 : memref<128xi32, #tpu.memory_space<vmem>>) semaphore(%run_scoped3A_148 : memref<!tpu.dma_semaphore, #tpu.memory_space<semaphore_mem>>) {add = true}
          %dma_wait3A_155 = arith.constant 0 : i32
          %dma_wait3A_156 = tpu.memref_slice %arg7[%add3A_104, %run_scoped3A, %dma_wait3A_155] : memref<80x2x128xi32, #tpu.memory_space<vmem>> -> memref<1x1x128xi32, #tpu.memory_space<vmem>>
          %dma_wait3A_157 = tpu.memref_squeeze %dma_wait3A_156 : memref<1x1x128xi32, #tpu.memory_space<vmem>> -> memref<128xi32, #tpu.memory_space<vmem>>
          %dma_wait3A_158 = arith.constant 0 : i32
          %dma_wait3A_159 = arith.constant 0 : i32
          %dma_wait3A_160 = tpu.memref_slice %arg13[%dma_wait3A_158, %dma_wait3A_159] : memref<15360x64xf32, #tpu.memory_space<vmem_shared>> -> memref<15360x64xf32, #tpu.memory_space<vmem_shared>>
          tpu.wait_indirect_dma semaphore(%run_scoped3A_148 : memref<!tpu.dma_semaphore, #tpu.memory_space<semaphore_mem>>) src(%arg9 : memref<128x64xf32, #tpu.memory_space<vmem>>) dst(%dma_wait3A_160 : memref<15360x64xf32, #tpu.memory_space<vmem_shared>>)
          tpu.yield
        }) : () -> ()
        %mul3A_111 = arith.constant 2 : i32
        %mul3A_112 = arith.muli %mul3A_111, %while3A_99 : i32
        %add3A_113 = arith.constant 0 : i32
        %add3A_114 = arith.addi %mul3A_112, %add3A_113 : i32
        %add3A_115 = arith.constant 2 : i32
        %add3A_116 = arith.addi %add3A_114, %add3A_115 : i32
        %mul3A_117 = arith.constant 2 : i32
        %mul3A_118 = arith.muli %mul3A_117, %select_n3A_25 : i32
        %lt3A_119 = arith.cmpi slt, %add3A_116, %mul3A_118 : i32
        %convert_element_type3A_120 = arith.extui %lt3A_119 : i1 to i32
        %cond3A_121 = arith.constant 0 : i32
        %cond3A_122 = arith.cmpi ne, %convert_element_type3A_120, %cond3A_121 : i32
        scf.if %cond3A_122 {
          %add3A_148 = arith.constant 2 : i32
          %add3A_149 = arith.addi %add3A_104, %add3A_148 : i32
          %dma_start3A_150 = arith.constant 0 : i32
          %dma_start3A_151 = arith.constant 0 : i32
          %dma_start3A_152 = tpu.memref_slice %arg7[%add3A_149, %dma_start3A_150, %dma_start3A_151] : memref<80x2x128xi32, #tpu.memory_space<vmem>> -> memref<1x1x128xi32, #tpu.memory_space<vmem>>
          %dma_start3A_153 = tpu.memref_squeeze %dma_start3A_152 : memref<1x1x128xi32, #tpu.memory_space<vmem>> -> memref<128xi32, #tpu.memory_space<vmem>>
          %dma_start3A_154 = arith.constant 0 : i32
          %dma_start3A_155 = arith.constant 0 : i32
          %dma_start3A_156 = tpu.memref_slice %arg2[%dma_start3A_154, %dma_start3A_155] : memref<15360x64xf32, #tpu.memory_space<hbm>> -> memref<15360x64xf32, #tpu.memory_space<hbm>>
          tpu.enqueue_indirect_dma source(%dma_start3A_156 : memref<15360x64xf32, #tpu.memory_space<hbm>>) target(%arg9 : memref<128x64xf32, #tpu.memory_space<vmem>>) offsets(%dma_start3A_153 : memref<128xi32, #tpu.memory_space<vmem>>) semaphore(%arg11 : memref<!tpu.dma_semaphore, #tpu.memory_space<semaphore_mem>>)
        } else {
        }
        %mul3A_123 = arith.constant 2 : i32
        %mul3A_124 = arith.muli %mul3A_123, %while3A_99 : i32
        %add3A_125 = arith.addi %sub3A_28, %mul3A_124 : i32
        %add3A_126 = arith.constant 1 : i32
        %add3A_127 = arith.addi %add3A_125, %add3A_126 : i32
        %dma_wait3A_128 = arith.constant 0 : i32
        %dma_wait3A_129 = arith.constant 0 : i32
        %dma_wait3A_130 = tpu.memref_slice %arg7[%add3A_127, %dma_wait3A_128, %dma_wait3A_129] : memref<80x2x128xi32, #tpu.memory_space<vmem>> -> memref<1x1x128xi32, #tpu.memory_space<vmem>>
        %dma_wait3A_131 = tpu.memref_squeeze %dma_wait3A_130 : memref<1x1x128xi32, #tpu.memory_space<vmem>> -> memref<128xi32, #tpu.memory_space<vmem>>
        %dma_wait3A_132 = arith.constant 0 : i32
        %dma_wait3A_133 = arith.constant 0 : i32
        %dma_wait3A_134 = tpu.memref_slice %arg2[%dma_wait3A_132, %dma_wait3A_133] : memref<15360x64xf32, #tpu.memory_space<hbm>> -> memref<15360x64xf32, #tpu.memory_space<hbm>>
        tpu.wait_indirect_dma semaphore(%arg12 : memref<!tpu.dma_semaphore, #tpu.memory_space<semaphore_mem>>) src(%dma_wait3A_134 : memref<15360x64xf32, #tpu.memory_space<hbm>>) dst(%arg10 : memref<128x64xf32, #tpu.memory_space<vmem>>)
        %run_scoped3A_135 = arith.constant 1 : i32
        "tpu.region"() ({
          %run_scoped3A_148 = tpu.sem_alloc : memref<!tpu.dma_semaphore, #tpu.memory_space<semaphore_mem>>
          %dma_start3A_149 = arith.constant 0 : i32
          %dma_start3A_150 = tpu.memref_slice %arg7[%add3A_127, %run_scoped3A_135, %dma_start3A_149] : memref<80x2x128xi32, #tpu.memory_space<vmem>> -> memref<1x1x128xi32, #tpu.memory_space<vmem>>
          %dma_start3A_151 = tpu.memref_squeeze %dma_start3A_150 : memref<1x1x128xi32, #tpu.memory_space<vmem>> -> memref<128xi32, #tpu.memory_space<vmem>>
          %dma_start3A_152 = arith.constant 0 : i32
          %dma_start3A_153 = arith.constant 0 : i32
          %dma_start3A_154 = tpu.memref_slice %arg13[%dma_start3A_152, %dma_start3A_153] : memref<15360x64xf32, #tpu.memory_space<vmem_shared>> -> memref<15360x64xf32, #tpu.memory_space<vmem_shared>>
          tpu.enqueue_indirect_dma source(%arg10 : memref<128x64xf32, #tpu.memory_space<vmem>>) target(%dma_start3A_154 : memref<15360x64xf32, #tpu.memory_space<vmem_shared>>) offsets(%dma_start3A_151 : memref<128xi32, #tpu.memory_space<vmem>>) semaphore(%run_scoped3A_148 : memref<!tpu.dma_semaphore, #tpu.memory_space<semaphore_mem>>) {add = true}
          %dma_wait3A_155 = arith.constant 0 : i32
          %dma_wait3A_156 = tpu.memref_slice %arg7[%add3A_127, %run_scoped3A_135, %dma_wait3A_155] : memref<80x2x128xi32, #tpu.memory_space<vmem>> -> memref<1x1x128xi32, #tpu.memory_space<vmem>>
          %dma_wait3A_157 = tpu.memref_squeeze %dma_wait3A_156 : memref<1x1x128xi32, #tpu.memory_space<vmem>> -> memref<128xi32, #tpu.memory_space<vmem>>
          %dma_wait3A_158 = arith.constant 0 : i32
          %dma_wait3A_159 = arith.constant 0 : i32
          %dma_wait3A_160 = tpu.memref_slice %arg13[%dma_wait3A_158, %dma_wait3A_159] : memref<15360x64xf32, #tpu.memory_space<vmem_shared>> -> memref<15360x64xf32, #tpu.memory_space<vmem_shared>>
          tpu.wait_indirect_dma semaphore(%run_scoped3A_148 : memref<!tpu.dma_semaphore, #tpu.memory_space<semaphore_mem>>) src(%arg10 : memref<128x64xf32, #tpu.memory_space<vmem>>) dst(%dma_wait3A_160 : memref<15360x64xf32, #tpu.memory_space<vmem_shared>>)
          tpu.yield
        }) : () -> ()
        %mul3A_136 = arith.constant 2 : i32
        %mul3A_137 = arith.muli %mul3A_136, %while3A_99 : i32
        %add3A_138 = arith.constant 1 : i32
        %add3A_139 = arith.addi %mul3A_137, %add3A_138 : i32
        %add3A_140 = arith.constant 2 : i32
        %add3A_141 = arith.addi %add3A_139, %add3A_140 : i32
        %mul3A_142 = arith.constant 2 : i32
        %mul3A_143 = arith.muli %mul3A_142, %select_n3A_25 : i32
        %lt3A_144 = arith.cmpi slt, %add3A_141, %mul3A_143 : i32
        %convert_element_type3A_145 = arith.extui %lt3A_144 : i1 to i32
        %cond3A_146 = arith.constant 0 : i32
        %cond3A_147 = arith.cmpi ne, %convert_element_type3A_145, %cond3A_146 : i32
        scf.if %cond3A_147 {
          %add3A_148 = arith.constant 2 : i32
          %add3A_149 = arith.addi %add3A_127, %add3A_148 : i32
          %dma_start3A_150 = arith.constant 0 : i32
          %dma_start3A_151 = arith.constant 0 : i32
          %dma_start3A_152 = tpu.memref_slice %arg7[%add3A_149, %dma_start3A_150, %dma_start3A_151] : memref<80x2x128xi32, #tpu.memory_space<vmem>> -> memref<1x1x128xi32, #tpu.memory_space<vmem>>
          %dma_start3A_153 = tpu.memref_squeeze %dma_start3A_152 : memref<1x1x128xi32, #tpu.memory_space<vmem>> -> memref<128xi32, #tpu.memory_space<vmem>>
          %dma_start3A_154 = arith.constant 0 : i32
          %dma_start3A_155 = arith.constant 0 : i32
          %dma_start3A_156 = tpu.memref_slice %arg2[%dma_start3A_154, %dma_start3A_155] : memref<15360x64xf32, #tpu.memory_space<hbm>> -> memref<15360x64xf32, #tpu.memory_space<hbm>>
          tpu.enqueue_indirect_dma source(%dma_start3A_156 : memref<15360x64xf32, #tpu.memory_space<hbm>>) target(%arg10 : memref<128x64xf32, #tpu.memory_space<vmem>>) offsets(%dma_start3A_153 : memref<128xi32, #tpu.memory_space<vmem>>) semaphore(%arg12 : memref<!tpu.dma_semaphore, #tpu.memory_space<semaphore_mem>>)
        } else {
        }
      }
      %while3A_98 = arith.constant 1 : i32
      scf.for %while3A_99 = %while3A_96 to %while3A_92 step %while3A_98  : i32 {
        %mul3A_100 = arith.constant 2 : i32
        %mul3A_101 = arith.muli %mul3A_100, %while3A_99 : i32
        %add3A_102 = arith.addi %sub3A_28, %mul3A_101 : i32
        %add3A_103 = arith.constant 0 : i32
        %add3A_104 = arith.addi %add3A_102, %add3A_103 : i32
        %dma_wait3A = arith.constant 0 : i32
        %dma_wait3A_105 = arith.constant 0 : i32
        %dma_wait3A_106 = tpu.memref_slice %arg7[%add3A_104, %dma_wait3A, %dma_wait3A_105] : memref<80x2x128xi32, #tpu.memory_space<vmem>> -> memref<1x1x128xi32, #tpu.memory_space<vmem>>
        %dma_wait3A_107 = tpu.memref_squeeze %dma_wait3A_106 : memref<1x1x128xi32, #tpu.memory_space<vmem>> -> memref<128xi32, #tpu.memory_space<vmem>>
        %dma_wait3A_108 = arith.constant 0 : i32
        %dma_wait3A_109 = arith.constant 0 : i32
        %dma_wait3A_110 = tpu.memref_slice %arg2[%dma_wait3A_108, %dma_wait3A_109] : memref<15360x64xf32, #tpu.memory_space<hbm>> -> memref<15360x64xf32, #tpu.memory_space<hbm>>
        tpu.wait_indirect_dma semaphore(%arg11 : memref<!tpu.dma_semaphore, #tpu.memory_space<semaphore_mem>>) src(%dma_wait3A_110 : memref<15360x64xf32, #tpu.memory_space<hbm>>) dst(%arg9 : memref<128x64xf32, #tpu.memory_space<vmem>>)
        %run_scoped3A = arith.constant 1 : i32
        "tpu.region"() ({
          %run_scoped3A_148 = tpu.sem_alloc : memref<!tpu.dma_semaphore, #tpu.memory_space<semaphore_mem>>
          %dma_start3A_149 = arith.constant 0 : i32
          %dma_start3A_150 = tpu.memref_slice %arg7[%add3A_104, %run_scoped3A, %dma_start3A_149] : memref<80x2x128xi32, #tpu.memory_space<vmem>> -> memref<1x1x128xi32, #tpu.memory_space<vmem>>
          %dma_start3A_151 = tpu.memref_squeeze %dma_start3A_150 : memref<1x1x128xi32, #tpu.memory_space<vmem>> -> memref<128xi32, #tpu.memory_space<vmem>>
          %dma_start3A_152 = arith.constant 0 : i32
          %dma_start3A_153 = arith.constant 0 : i32
          %dma_start3A_154 = tpu.memref_slice %arg13[%dma_start3A_152, %dma_start3A_153] : memref<15360x64xf32, #tpu.memory_space<vmem_shared>> -> memref<15360x64xf32, #tpu.memory_space<vmem_shared>>
          tpu.enqueue_indirect_dma source(%arg9 : memref<128x64xf32, #tpu.memory_space<vmem>>) target(%dma_start3A_154 : memref<15360x64xf32, #tpu.memory_space<vmem_shared>>) offsets(%dma_start3A_151 : memref<128xi32, #tpu.memory_space<vmem>>) semaphore(%run_scoped3A_148 : memref<!tpu.dma_semaphore, #tpu.memory_space<semaphore_mem>>) {add = true}
          %dma_wait3A_155 = arith.constant 0 : i32
          %dma_wait3A_156 = tpu.memref_slice %arg7[%add3A_104, %run_scoped3A, %dma_wait3A_155] : memref<80x2x128xi32, #tpu.memory_space<vmem>> -> memref<1x1x128xi32, #tpu.memory_space<vmem>>
          %dma_wait3A_157 = tpu.memref_squeeze %dma_wait3A_156 : memref<1x1x128xi32, #tpu.memory_space<vmem>> -> memref<128xi32, #tpu.memory_space<vmem>>
          %dma_wait3A_158 = arith.constant 0 : i32
          %dma_wait3A_159 = arith.constant 0 : i32
          %dma_wait3A_160 = tpu.memref_slice %arg13[%dma_wait3A_158, %dma_wait3A_159] : memref<15360x64xf32, #tpu.memory_space<vmem_shared>> -> memref<15360x64xf32, #tpu.memory_space<vmem_shared>>
          tpu.wait_indirect_dma semaphore(%run_scoped3A_148 : memref<!tpu.dma_semaphore, #tpu.memory_space<semaphore_mem>>) src(%arg9 : memref<128x64xf32, #tpu.memory_space<vmem>>) dst(%dma_wait3A_160 : memref<15360x64xf32, #tpu.memory_space<vmem_shared>>)
          tpu.yield
        }) : () -> ()
        %mul3A_111 = arith.constant 2 : i32
        %mul3A_112 = arith.muli %mul3A_111, %while3A_99 : i32
        %add3A_113 = arith.constant 0 : i32
        %add3A_114 = arith.addi %mul3A_112, %add3A_113 : i32
        %add3A_115 = arith.constant 2 : i32
        %add3A_116 = arith.addi %add3A_114, %add3A_115 : i32
        %mul3A_117 = arith.constant 2 : i32
        %mul3A_118 = arith.muli %mul3A_117, %select_n3A_25 : i32
        %lt3A_119 = arith.cmpi slt, %add3A_116, %mul3A_118 : i32
        %convert_element_type3A_120 = arith.extui %lt3A_119 : i1 to i32
        %cond3A_121 = arith.constant 0 : i32
        %cond3A_122 = arith.cmpi ne, %convert_element_type3A_120, %cond3A_121 : i32
        scf.if %cond3A_122 {
          %add3A_148 = arith.constant 2 : i32
          %add3A_149 = arith.addi %add3A_104, %add3A_148 : i32
          %dma_start3A_150 = arith.constant 0 : i32
          %dma_start3A_151 = arith.constant 0 : i32
          %dma_start3A_152 = tpu.memref_slice %arg7[%add3A_149, %dma_start3A_150, %dma_start3A_151] : memref<80x2x128xi32, #tpu.memory_space<vmem>> -> memref<1x1x128xi32, #tpu.memory_space<vmem>>
          %dma_start3A_153 = tpu.memref_squeeze %dma_start3A_152 : memref<1x1x128xi32, #tpu.memory_space<vmem>> -> memref<128xi32, #tpu.memory_space<vmem>>
          %dma_start3A_154 = arith.constant 0 : i32
          %dma_start3A_155 = arith.constant 0 : i32
          %dma_start3A_156 = tpu.memref_slice %arg2[%dma_start3A_154, %dma_start3A_155] : memref<15360x64xf32, #tpu.memory_space<hbm>> -> memref<15360x64xf32, #tpu.memory_space<hbm>>
          tpu.enqueue_indirect_dma source(%dma_start3A_156 : memref<15360x64xf32, #tpu.memory_space<hbm>>) target(%arg9 : memref<128x64xf32, #tpu.memory_space<vmem>>) offsets(%dma_start3A_153 : memref<128xi32, #tpu.memory_space<vmem>>) semaphore(%arg11 : memref<!tpu.dma_semaphore, #tpu.memory_space<semaphore_mem>>)
        } else {
        }
        %mul3A_123 = arith.constant 2 : i32
        %mul3A_124 = arith.muli %mul3A_123, %while3A_99 : i32
        %add3A_125 = arith.addi %sub3A_28, %mul3A_124 : i32
        %add3A_126 = arith.constant 1 : i32
        %add3A_127 = arith.addi %add3A_125, %add3A_126 : i32
        %dma_wait3A_128 = arith.constant 0 : i32
        %dma_wait3A_129 = arith.constant 0 : i32
        %dma_wait3A_130 = tpu.memref_slice %arg7[%add3A_127, %dma_wait3A_128, %dma_wait3A_129] : memref<80x2x128xi32, #tpu.memory_space<vmem>> -> memref<1x1x128xi32, #tpu.memory_space<vmem>>
        %dma_wait3A_131 = tpu.memref_squeeze %dma_wait3A_130 : memref<1x1x128xi32, #tpu.memory_space<vmem>> -> memref<128xi32, #tpu.memory_space<vmem>>
        %dma_wait3A_132 = arith.constant 0 : i32
        %dma_wait3A_133 = arith.constant 0 : i32
        %dma_wait3A_134 = tpu.memref_slice %arg2[%dma_wait3A_132, %dma_wait3A_133] : memref<15360x64xf32, #tpu.memory_space<hbm>> -> memref<15360x64xf32, #tpu.memory_space<hbm>>
        tpu.wait_indirect_dma semaphore(%arg12 : memref<!tpu.dma_semaphore, #tpu.memory_space<semaphore_mem>>) src(%dma_wait3A_134 : memref<15360x64xf32, #tpu.memory_space<hbm>>) dst(%arg10 : memref<128x64xf32, #tpu.memory_space<vmem>>)
        %run_scoped3A_135 = arith.constant 1 : i32
        "tpu.region"() ({
          %run_scoped3A_148 = tpu.sem_alloc : memref<!tpu.dma_semaphore, #tpu.memory_space<semaphore_mem>>
          %dma_start3A_149 = arith.constant 0 : i32
          %dma_start3A_150 = tpu.memref_slice %arg7[%add3A_127, %run_scoped3A_135, %dma_start3A_149] : memref<80x2x128xi32, #tpu.memory_space<vmem>> -> memref<1x1x128xi32, #tpu.memory_space<vmem>>
          %dma_start3A_151 = tpu.memref_squeeze %dma_start3A_150 : memref<1x1x128xi32, #tpu.memory_space<vmem>> -> memref<128xi32, #tpu.memory_space<vmem>>
          %dma_start3A_152 = arith.constant 0 : i32
          %dma_start3A_153 = arith.constant 0 : i32
          %dma_start3A_154 = tpu.memref_slice %arg13[%dma_start3A_152, %dma_start3A_153] : memref<15360x64xf32, #tpu.memory_space<vmem_shared>> -> memref<15360x64xf32, #tpu.memory_space<vmem_shared>>
          tpu.enqueue_indirect_dma source(%arg10 : memref<128x64xf32, #tpu.memory_space<vmem>>) target(%dma_start3A_154 : memref<15360x64xf32, #tpu.memory_space<vmem_shared>>) offsets(%dma_start3A_151 : memref<128xi32, #tpu.memory_space<vmem>>) semaphore(%run_scoped3A_148 : memref<!tpu.dma_semaphore, #tpu.memory_space<semaphore_mem>>) {add = true}
          %dma_wait3A_155 = arith.constant 0 : i32
          %dma_wait3A_156 = tpu.memref_slice %arg7[%add3A_127, %run_scoped3A_135, %dma_wait3A_155] : memref<80x2x128xi32, #tpu.memory_space<vmem>> -> memref<1x1x128xi32, #tpu.memory_space<vmem>>
          %dma_wait3A_157 = tpu.memref_squeeze %dma_wait3A_156 : memref<1x1x128xi32, #tpu.memory_space<vmem>> -> memref<128xi32, #tpu.memory_space<vmem>>
          %dma_wait3A_158 = arith.constant 0 : i32
          %dma_wait3A_159 = arith.constant 0 : i32
          %dma_wait3A_160 = tpu.memref_slice %arg13[%dma_wait3A_158, %dma_wait3A_159] : memref<15360x64xf32, #tpu.memory_space<vmem_shared>> -> memref<15360x64xf32, #tpu.memory_space<vmem_shared>>
          tpu.wait_indirect_dma semaphore(%run_scoped3A_148 : memref<!tpu.dma_semaphore, #tpu.memory_space<semaphore_mem>>) src(%arg10 : memref<128x64xf32, #tpu.memory_space<vmem>>) dst(%dma_wait3A_160 : memref<15360x64xf32, #tpu.memory_space<vmem_shared>>)
          tpu.yield
        }) : () -> ()
        %mul3A_136 = arith.constant 2 : i32
        %mul3A_137 = arith.muli %mul3A_136, %while3A_99 : i32
        %add3A_138 = arith.constant 1 : i32
        %add3A_139 = arith.addi %mul3A_137, %add3A_138 : i32
        %add3A_140 = arith.constant 2 : i32
        %add3A_141 = arith.addi %add3A_139, %add3A_140 : i32
        %mul3A_142 = arith.constant 2 : i32
        %mul3A_143 = arith.muli %mul3A_142, %select_n3A_25 : i32
        %lt3A_144 = arith.cmpi slt, %add3A_141, %mul3A_143 : i32
        %convert_element_type3A_145 = arith.extui %lt3A_144 : i1 to i32
        %cond3A_146 = arith.constant 0 : i32
        %cond3A_147 = arith.cmpi ne, %convert_element_type3A_145, %cond3A_146 : i32
        scf.if %cond3A_147 {
          %add3A_148 = arith.constant 2 : i32
          %add3A_149 = arith.addi %add3A_127, %add3A_148 : i32
          %dma_start3A_150 = arith.constant 0 : i32
          %dma_start3A_151 = arith.constant 0 : i32
          %dma_start3A_152 = tpu.memref_slice %arg7[%add3A_149, %dma_start3A_150, %dma_start3A_151] : memref<80x2x128xi32, #tpu.memory_space<vmem>> -> memref<1x1x128xi32, #tpu.memory_space<vmem>>
          %dma_start3A_153 = tpu.memref_squeeze %dma_start3A_152 : memref<1x1x128xi32, #tpu.memory_space<vmem>> -> memref<128xi32, #tpu.memory_space<vmem>>
          %dma_start3A_154 = arith.constant 0 : i32
          %dma_start3A_155 = arith.constant 0 : i32
          %dma_start3A_156 = tpu.memref_slice %arg2[%dma_start3A_154, %dma_start3A_155] : memref<15360x64xf32, #tpu.memory_space<hbm>> -> memref<15360x64xf32, #tpu.memory_space<hbm>>
          tpu.enqueue_indirect_dma source(%dma_start3A_156 : memref<15360x64xf32, #tpu.memory_space<hbm>>) target(%arg10 : memref<128x64xf32, #tpu.memory_space<vmem>>) offsets(%dma_start3A_153 : memref<128xi32, #tpu.memory_space<vmem>>) semaphore(%arg12 : memref<!tpu.dma_semaphore, #tpu.memory_space<semaphore_mem>>)
        } else {
        }
      }
    } else {
    }
    %barrier3A_74 = arith.constant 0 : index
    tpu.barrier barrier_id(%barrier3A_74)
    "tpu.region"() ({
      %run_scoped3A = tpu.sem_alloc : memref<!tpu.dma_semaphore, #tpu.memory_space<semaphore_mem>>
      %dma_start3A = arith.constant 0 : i32
      %dma_start3A_75 = tpu.memref_slice %arg5[%arg0, %mul3A_42, %dma_start3A] : memref<2x15360x64xf32, #tpu.memory_space<hbm>> -> memref<1x960x64xf32, #tpu.memory_space<hbm>>
      %dma_start3A_76 = tpu.memref_squeeze %dma_start3A_75 : memref<1x960x64xf32, #tpu.memory_space<hbm>> -> memref<960x64xf32, #tpu.memory_space<hbm>>
      %dma_start3A_77 = arith.constant 0 : i32
      %dma_start3A_78 = tpu.memref_slice %arg13[%mul3A_42, %dma_start3A_77] : memref<15360x64xf32, #tpu.memory_space<vmem_shared>> -> memref<960x64xf32, #tpu.memory_space<vmem_shared>>
      tpu.enqueue_dma source(%dma_start3A_78 : memref<960x64xf32, #tpu.memory_space<vmem_shared>>) target(%dma_start3A_76 : memref<960x64xf32, #tpu.memory_space<hbm>>) target_semaphore(%run_scoped3A : memref<!tpu.dma_semaphore, #tpu.memory_space<semaphore_mem>>)
      %dma_wait3A = arith.constant 0 : i32
      %dma_wait3A_79 = tpu.memref_slice %arg5[%arg0, %mul3A_42, %dma_wait3A] : memref<2x15360x64xf32, #tpu.memory_space<hbm>> -> memref<1x960x64xf32, #tpu.memory_space<hbm>>
      %dma_wait3A_80 = tpu.memref_squeeze %dma_wait3A_79 : memref<1x960x64xf32, #tpu.memory_space<hbm>> -> memref<960x64xf32, #tpu.memory_space<hbm>>
      %dma_wait3A_81 = arith.constant 0 : i32
      %dma_wait3A_82 = tpu.memref_slice %arg13[%mul3A_42, %dma_wait3A_81] : memref<15360x64xf32, #tpu.memory_space<vmem_shared>> -> memref<960x64xf32, #tpu.memory_space<vmem_shared>>
      tpu.wait_dma2 semaphore(%run_scoped3A : memref<!tpu.dma_semaphore, #tpu.memory_space<semaphore_mem>>) src(%dma_wait3A_82 : memref<960x64xf32, #tpu.memory_space<vmem_shared>>) dst(%dma_wait3A_80 : memref<960x64xf32, #tpu.memory_space<hbm>>)
      tpu.yield
    }) : () -> ()
    return
  }
}

module attributes {stable_mosaic.version = 14 : i64} {
  func.func @_mlp_body(%arg0: memref<1000x128xf32, #tpu.memory_space<vmem>>, %arg1: memref<128x512xf32, #tpu.memory_space<vmem>>, %arg2: memref<1x512xf32, #tpu.memory_space<vmem>>, %arg3: memref<512x256xf32, #tpu.memory_space<vmem>>, %arg4: memref<1x256xf32, #tpu.memory_space<vmem>>, %arg5: memref<256x640xf32, #tpu.memory_space<vmem>>, %arg6: memref<1x640xf32, #tpu.memory_space<vmem>>, %arg7: memref<128x64xf32, #tpu.memory_space<vmem>>, %arg8: memref<1000x640xf32, #tpu.memory_space<vmem>>, %arg9: memref<1000x320xf32, #tpu.memory_space<vmem>>) attributes {dimension_semantics = [], scalar_prefetch = 0 : i64, scratch_operands = 0 : i64, tpu.core_type = #tpu.core_type<tc>} {
    %get3A = arith.constant 0 : index
    %get3A_0 = arith.constant 0 : index
    %get3A_1 = vector.load %arg0[%get3A, %get3A_0] : memref<1000x128xf32, #tpu.memory_space<vmem>>, vector<1000x128xf32>
    %get3A_2 = arith.constant 0 : index
    %get3A_3 = arith.constant 0 : index
    %get3A_4 = vector.load %arg1[%get3A_2, %get3A_3] : memref<128x512xf32, #tpu.memory_space<vmem>>, vector<128x512xf32>
    %dot_general3A = arith.constant dense<0.000000e+00> : vector<1000x512xf32>
    %dot_general3A_5 = tpu.matmul %get3A_1, %get3A_4, %dot_general3A {dimension_numbers = #tpu.dot_dimension_numbers<[1], [0], [0], [1], [0, 0, 1, 1], [], []>, transpose_lhs_hint = false} : vector<1000x128xf32>, vector<128x512xf32>, vector<1000x512xf32> -> vector<1000x512xf32>
    %get3A_6 = arith.constant 0 : index
    %get3A_7 = arith.constant 0 : index
    %get3A_8 = vector.load %arg2[%get3A_6, %get3A_7] : memref<1x512xf32, #tpu.memory_space<vmem>>, vector<1x512xf32>
    %add3A = vector.broadcast %get3A_8 : vector<1x512xf32> to vector<1000x512xf32>
    %add3A_9 = arith.addf %dot_general3A_5, %add3A : vector<1000x512xf32>
    %max3A = arith.constant 0.000000e+00 : f32
    %max3A_10 = vector.broadcast %max3A : f32 to vector<1000x512xf32>
    %max3A_11 = arith.maximumf %add3A_9, %max3A_10 : vector<1000x512xf32>
    %get3A_12 = arith.constant 0 : index
    %get3A_13 = arith.constant 0 : index
    %get3A_14 = vector.load %arg3[%get3A_12, %get3A_13] : memref<512x256xf32, #tpu.memory_space<vmem>>, vector<512x256xf32>
    %dot_general3A_15 = arith.constant dense<0.000000e+00> : vector<1000x256xf32>
    %dot_general3A_16 = tpu.matmul %max3A_11, %get3A_14, %dot_general3A_15 {dimension_numbers = #tpu.dot_dimension_numbers<[1], [0], [0], [1], [0, 0, 1, 1], [], []>, transpose_lhs_hint = false} : vector<1000x512xf32>, vector<512x256xf32>, vector<1000x256xf32> -> vector<1000x256xf32>
    %get3A_17 = arith.constant 0 : index
    %get3A_18 = arith.constant 0 : index
    %get3A_19 = vector.load %arg4[%get3A_17, %get3A_18] : memref<1x256xf32, #tpu.memory_space<vmem>>, vector<1x256xf32>
    %add3A_20 = vector.broadcast %get3A_19 : vector<1x256xf32> to vector<1000x256xf32>
    %add3A_21 = arith.addf %dot_general3A_16, %add3A_20 : vector<1000x256xf32>
    %max3A_22 = arith.constant 0.000000e+00 : f32
    %max3A_23 = vector.broadcast %max3A_22 : f32 to vector<1000x256xf32>
    %max3A_24 = arith.maximumf %add3A_21, %max3A_23 : vector<1000x256xf32>
    %get3A_25 = arith.constant 0 : index
    %get3A_26 = arith.constant 0 : index
    %get3A_27 = vector.load %arg5[%get3A_25, %get3A_26] : memref<256x640xf32, #tpu.memory_space<vmem>>, vector<256x640xf32>
    %dot_general3A_28 = arith.constant dense<0.000000e+00> : vector<1000x640xf32>
    %dot_general3A_29 = tpu.matmul %max3A_24, %get3A_27, %dot_general3A_28 {dimension_numbers = #tpu.dot_dimension_numbers<[1], [0], [0], [1], [0, 0, 1, 1], [], []>, transpose_lhs_hint = false} : vector<1000x256xf32>, vector<256x640xf32>, vector<1000x640xf32> -> vector<1000x640xf32>
    %get3A_30 = arith.constant 0 : index
    %get3A_31 = arith.constant 0 : index
    %get3A_32 = vector.load %arg6[%get3A_30, %get3A_31] : memref<1x640xf32, #tpu.memory_space<vmem>>, vector<1x640xf32>
    %add3A_33 = vector.broadcast %get3A_32 : vector<1x640xf32> to vector<1000x640xf32>
    %add3A_34 = arith.addf %dot_general3A_29, %add3A_33 : vector<1000x640xf32>
    %tanh3A = math.tanh %add3A_34 : vector<1000x640xf32>
    %swap3A = arith.constant 0 : index
    %swap3A_35 = arith.constant 0 : index
    %swap3A_36 = vector.load %arg8[%swap3A, %swap3A_35] : memref<1000x640xf32, #tpu.memory_space<vmem>>, vector<1000x640xf32>
    tpu.vector_store %arg8[%swap3A, %swap3A_35], %tanh3A {strides = array<i32>} : memref<1000x640xf32, #tpu.memory_space<vmem>>, vector<1000x640xf32>,
    %get3A_37 = arith.constant 0 : index
    %get3A_38 = arith.constant 0 : index
    %get3A_39 = vector.load %arg7[%get3A_37, %get3A_38] : memref<128x64xf32, #tpu.memory_space<vmem>>, vector<128x64xf32>
    %slice3A = vector.extract_strided_slice %tanh3A {offsets = [0, 0], sizes = [1000, 128], strides = [1, 1]} : vector<1000x640xf32> to vector<1000x128xf32>
    %dot_general3A_40 = arith.constant dense<0.000000e+00> : vector<1000x64xf32>
    %dot_general3A_41 = tpu.matmul %slice3A, %get3A_39, %dot_general3A_40 {dimension_numbers = #tpu.dot_dimension_numbers<[1], [0], [0], [1], [0, 0, 1, 1], [], []>, transpose_lhs_hint = false} : vector<1000x128xf32>, vector<128x64xf32>, vector<1000x64xf32> -> vector<1000x64xf32>
    %slice3A_42 = vector.extract_strided_slice %tanh3A {offsets = [0, 128], sizes = [1000, 128], strides = [1, 1]} : vector<1000x640xf32> to vector<1000x128xf32>
    %dot_general3A_43 = arith.constant dense<0.000000e+00> : vector<1000x64xf32>
    %dot_general3A_44 = tpu.matmul %slice3A_42, %get3A_39, %dot_general3A_43 {dimension_numbers = #tpu.dot_dimension_numbers<[1], [0], [0], [1], [0, 0, 1, 1], [], []>, transpose_lhs_hint = false} : vector<1000x128xf32>, vector<128x64xf32>, vector<1000x64xf32> -> vector<1000x64xf32>
    %slice3A_45 = vector.extract_strided_slice %tanh3A {offsets = [0, 256], sizes = [1000, 128], strides = [1, 1]} : vector<1000x640xf32> to vector<1000x128xf32>
    %dot_general3A_46 = arith.constant dense<0.000000e+00> : vector<1000x64xf32>
    %dot_general3A_47 = tpu.matmul %slice3A_45, %get3A_39, %dot_general3A_46 {dimension_numbers = #tpu.dot_dimension_numbers<[1], [0], [0], [1], [0, 0, 1, 1], [], []>, transpose_lhs_hint = false} : vector<1000x128xf32>, vector<128x64xf32>, vector<1000x64xf32> -> vector<1000x64xf32>
    %slice3A_48 = vector.extract_strided_slice %tanh3A {offsets = [0, 384], sizes = [1000, 128], strides = [1, 1]} : vector<1000x640xf32> to vector<1000x128xf32>
    %dot_general3A_49 = arith.constant dense<0.000000e+00> : vector<1000x64xf32>
    %dot_general3A_50 = tpu.matmul %slice3A_48, %get3A_39, %dot_general3A_49 {dimension_numbers = #tpu.dot_dimension_numbers<[1], [0], [0], [1], [0, 0, 1, 1], [], []>, transpose_lhs_hint = false} : vector<1000x128xf32>, vector<128x64xf32>, vector<1000x64xf32> -> vector<1000x64xf32>
    %slice3A_51 = vector.extract_strided_slice %tanh3A {offsets = [0, 512], sizes = [1000, 128], strides = [1, 1]} : vector<1000x640xf32> to vector<1000x128xf32>
    %dot_general3A_52 = arith.constant dense<0.000000e+00> : vector<1000x64xf32>
    %dot_general3A_53 = tpu.matmul %slice3A_51, %get3A_39, %dot_general3A_52 {dimension_numbers = #tpu.dot_dimension_numbers<[1], [0], [0], [1], [0, 0, 1, 1], [], []>, transpose_lhs_hint = false} : vector<1000x128xf32>, vector<128x64xf32>, vector<1000x64xf32> -> vector<1000x64xf32>
    %concatenate3A = tpu.concatenate %dot_general3A_41, %dot_general3A_44, %dot_general3A_47, %dot_general3A_50, %dot_general3A_53 in 1 : vector<1000x64xf32>, vector<1000x64xf32>, vector<1000x64xf32>, vector<1000x64xf32>, vector<1000x64xf32> -> vector<1000x320xf32>
    %swap3A_54 = arith.constant 0 : index
    %swap3A_55 = arith.constant 0 : index
    %swap3A_56 = vector.load %arg9[%swap3A_54, %swap3A_55] : memref<1000x320xf32, #tpu.memory_space<vmem>>, vector<1000x320xf32>
    tpu.vector_store %arg9[%swap3A_54, %swap3A_55], %concatenate3A {strides = array<i32>} : memref<1000x320xf32, #tpu.memory_space<vmem>>, vector<1000x320xf32>,
    return
  }
}

module attributes {stable_mosaic.version = 14 : i64} {
  func.func @_deg_body(%arg0: memref<32x15360xf32, #tpu.memory_space<vmem>>, %arg1: memref<1x15360xf32, #tpu.memory_space<vmem>>) attributes {dimension_semantics = [], scalar_prefetch = 0 : i64, scratch_operands = 0 : i64, tpu.core_type = #tpu.core_type<tc>} {
    %get3A = arith.constant 0 : index
    %get3A_0 = arith.constant 0 : index
    %get3A_1 = vector.load %arg0[%get3A, %get3A_0] : memref<32x15360xf32, #tpu.memory_space<vmem>>, vector<32x15360xf32>
    %reduce_sum3A = arith.constant dense<0.000000e+00> : vector<15360xf32>
    %reduce_sum3A_2 = vector.multi_reduction <add>, %get3A_1, %reduce_sum3A [0] : vector<32x15360xf32> to vector<15360xf32>
    %broadcast_in_dim3A = vector.shape_cast %reduce_sum3A_2 : vector<15360xf32> to vector<1x15360xf32>
    %add3A = arith.constant 1.000000e+00 : f32
    %add3A_3 = vector.broadcast %add3A : f32 to vector<1x15360xf32>
    %add3A_4 = arith.addf %broadcast_in_dim3A, %add3A_3 : vector<1x15360xf32>
    %iota3A = tpu.iota {dimensions = array<i32: 1>} : vector<1x15360xi32>
    %lt3A = arith.constant 10000 : i32
    %lt3A_5 = vector.broadcast %lt3A : i32 to vector<1x15360xi32>
    %lt3A_6 = arith.cmpi slt, %iota3A, %lt3A_5 : vector<1x15360xi32>
    %jit3A = arith.constant 2.000000e+00 : f32
    %broadcast_in_dim3A_7 = vector.broadcast %jit3A : f32 to vector<1x15360xf32>
    %select_n3A = arith.select %lt3A_6, %add3A_4, %broadcast_in_dim3A_7 : vector<1x15360xi1>, vector<1x15360xf32>
    %rsqrt3A = math.rsqrt %select_n3A : vector<1x15360xf32>
    %swap3A = arith.constant 0 : index
    %swap3A_8 = arith.constant 0 : index
    %swap3A_9 = vector.load %arg1[%swap3A, %swap3A_8] : memref<1x15360xf32, #tpu.memory_space<vmem>>, vector<1x15360xf32>
    tpu.vector_store %arg1[%swap3A, %swap3A_8], %rsqrt3A {strides = array<i32>} : memref<1x15360xf32, #tpu.memory_space<vmem>>, vector<1x15360xf32>,
    return
  }
}

module attributes {stable_mosaic.version = 14 : i64} {
  func.func @_prep_body(%arg0: memref<10000x128xf32, #tpu.memory_space<vmem>>, %arg1: memref<128x64xf32, #tpu.memory_space<vmem>>, %arg2: memref<5000x64xf32, #tpu.memory_space<vmem>>, %arg3: memref<1x15360xf32, #tpu.memory_space<vmem>>, %arg4: memref<15360x64xf32, #tpu.memory_space<vmem>>) attributes {dimension_semantics = [], scalar_prefetch = 0 : i64, scratch_operands = 0 : i64, tpu.core_type = #tpu.core_type<tc>} {
    %get3A = arith.constant 0 : index
    %get3A_0 = arith.constant 0 : index
    %get3A_1 = vector.load %arg3[%get3A, %get3A_0] : memref<1x15360xf32, #tpu.memory_space<vmem>>, vector<1x15360xf32>
    %transpose3A = tpu.transpose %get3A_1, [1, 0] : vector<1x15360xf32> -> vector<15360x1xf32>
    %get3A_2 = arith.constant 0 : index
    %get3A_3 = arith.constant 0 : index
    %get3A_4 = vector.load %arg0[%get3A_2, %get3A_3] : memref<10000x128xf32, #tpu.memory_space<vmem>>, vector<10000x128xf32>
    %get3A_5 = arith.constant 0 : index
    %get3A_6 = arith.constant 0 : index
    %get3A_7 = vector.load %arg1[%get3A_5, %get3A_6] : memref<128x64xf32, #tpu.memory_space<vmem>>, vector<128x64xf32>
    %dot_general3A = arith.constant dense<0.000000e+00> : vector<10000x64xf32>
    %dot_general3A_8 = tpu.matmul %get3A_4, %get3A_7, %dot_general3A {dimension_numbers = #tpu.dot_dimension_numbers<[1], [0], [0], [1], [0, 0, 1, 1], [], []>, transpose_lhs_hint = false} : vector<10000x128xf32>, vector<128x64xf32>, vector<10000x64xf32> -> vector<10000x64xf32>
    %slice3A = vector.extract_strided_slice %transpose3A {offsets = [0, 0], sizes = [10000, 1], strides = [1, 1]} : vector<15360x1xf32> to vector<10000x1xf32>
    %mul3A = vector.broadcast %slice3A : vector<10000x1xf32> to vector<10000x64xf32>
    %mul3A_9 = arith.mulf %dot_general3A_8, %mul3A : vector<10000x64xf32>
    %swap3A = arith.constant 0 : index
    %swap3A_10 = arith.constant 0 : index
    %swap3A_11 = vector.load %arg4[%swap3A, %swap3A_10] : memref<15360x64xf32, #tpu.memory_space<vmem>>, vector<10000x64xf32>
    tpu.vector_store %arg4[%swap3A, %swap3A_10], %mul3A_9 {strides = array<i32>} : memref<15360x64xf32, #tpu.memory_space<vmem>>, vector<10000x64xf32>,
    %get3A_12 = arith.constant 0 : index
    %get3A_13 = arith.constant 0 : index
    %get3A_14 = vector.load %arg2[%get3A_12, %get3A_13] : memref<5000x64xf32, #tpu.memory_space<vmem>>, vector<5000x64xf32>
    %slice3A_15 = vector.extract_strided_slice %transpose3A {offsets = [10000, 0], sizes = [5000, 1], strides = [1, 1]} : vector<15360x1xf32> to vector<5000x1xf32>
    %mul3A_16 = vector.broadcast %slice3A_15 : vector<5000x1xf32> to vector<5000x64xf32>
    %mul3A_17 = arith.mulf %get3A_14, %mul3A_16 : vector<5000x64xf32>
    %swap3A_18 = arith.constant 10000 : index
    %swap3A_19 = arith.constant 0 : index
    %swap3A_20 = vector.load %arg4[%swap3A_18, %swap3A_19] : memref<15360x64xf32, #tpu.memory_space<vmem>>, vector<5000x64xf32>
    tpu.vector_store %arg4[%swap3A_18, %swap3A_19], %mul3A_17 {strides = array<i32>} : memref<15360x64xf32, #tpu.memory_space<vmem>>, vector<5000x64xf32>,
    %broadcast_in_dim3A = arith.constant 0.000000e+00 : f32
    %broadcast_in_dim3A_21 = vector.broadcast %broadcast_in_dim3A : f32 to vector<360x64xf32>
    %swap3A_22 = arith.constant 15000 : index
    %swap3A_23 = arith.constant 0 : index
    %swap3A_24 = vector.load %arg4[%swap3A_22, %swap3A_23] : memref<15360x64xf32, #tpu.memory_space<vmem>>, vector<360x64xf32>
    tpu.vector_store %arg4[%swap3A_22, %swap3A_23], %broadcast_in_dim3A_21 {strides = array<i32>} : memref<15360x64xf32, #tpu.memory_space<vmem>>, vector<360x64xf32>,
    return
  }
}

module attributes {stable_mosaic.version = 14 : i64} {
  func.func @_final_body(%arg0: memref<32x15360xf32, #tpu.memory_space<vmem>>, %arg1: memref<1x15360xf32, #tpu.memory_space<vmem>>, %arg2: memref<1x15360xf32, #tpu.memory_space<vmem>>, %arg3: memref<1x1xf32, #tpu.memory_space<vmem>>, %arg4: memref<1x15360xf32, #tpu.memory_space<vmem>>) attributes {dimension_semantics = [], scalar_prefetch = 0 : i64, scratch_operands = 0 : i64, tpu.core_type = #tpu.core_type<tc>} {
    %get3A = arith.constant 0 : index
    %get3A_0 = arith.constant 0 : index
    %get3A_1 = vector.load %arg0[%get3A, %get3A_0] : memref<32x15360xf32, #tpu.memory_space<vmem>>, vector<32x15360xf32>
    %reduce_sum3A = arith.constant dense<0.000000e+00> : vector<15360xf32>
    %reduce_sum3A_2 = vector.multi_reduction <add>, %get3A_1, %reduce_sum3A [0] : vector<32x15360xf32> to vector<15360xf32>
    %broadcast_in_dim3A = vector.shape_cast %reduce_sum3A_2 : vector<15360xf32> to vector<1x15360xf32>
    %get3A_3 = arith.constant 0 : index
    %get3A_4 = arith.constant 0 : index
    %get3A_5 = vector.load %arg2[%get3A_3, %get3A_4] : memref<1x15360xf32, #tpu.memory_space<vmem>>, vector<1x15360xf32>
    %get3A_6 = arith.constant 0 : index
    %get3A_7 = arith.constant 0 : index
    %get3A_8 = vector.load %arg1[%get3A_6, %get3A_7] : memref<1x15360xf32, #tpu.memory_space<vmem>>, vector<1x15360xf32>
    %add3A = arith.addf %broadcast_in_dim3A, %get3A_8 : vector<1x15360xf32>
    %mul3A = arith.mulf %get3A_5, %add3A : vector<1x15360xf32>
    %get3A_9 = arith.constant 0 : index
    %get3A_10 = arith.constant 0 : index
    %get3A_11 = vector.load %arg3[%get3A_9, %get3A_10] : memref<1x1xf32, #tpu.memory_space<vmem>>, vector<1x1xf32>
    %add3A_12 = vector.broadcast %get3A_11 : vector<1x1xf32> to vector<1x15360xf32>
    %add3A_13 = arith.addf %mul3A, %add3A_12 : vector<1x15360xf32>
    %neg3A = arith.constant 0.000000e+00 : f32
    %neg3A_14 = vector.broadcast %neg3A : f32 to vector<1x15360xf32>
    %neg3A_15 = arith.subf %neg3A_14, %add3A_13 : vector<1x15360xf32>
    %exp3A = math.exp %neg3A_15 : vector<1x15360xf32>
    %add3A_16 = arith.constant 1.000000e+00 : f32
    %add3A_17 = vector.broadcast %add3A_16 : f32 to vector<1x15360xf32>
    %add3A_18 = arith.addf %add3A_17, %exp3A : vector<1x15360xf32>
    %div3A = arith.constant 1.000000e+00 : f32
    %div3A_19 = vector.broadcast %div3A : f32 to vector<1x15360xf32>
    %div3A_20 = arith.divf %div3A_19, %add3A_18 : vector<1x15360xf32>
    %swap3A = arith.constant 0 : index
    %swap3A_21 = arith.constant 0 : index
    %swap3A_22 = vector.load %arg4[%swap3A, %swap3A_21] : memref<1x15360xf32, #tpu.memory_space<vmem>>, vector<1x15360xf32>
    tpu.vector_store %arg4[%swap3A, %swap3A_21], %div3A_20 {strides = array<i32>} : memref<1x15360xf32, #tpu.memory_space<vmem>>, vector<1x15360xf32>,
    return
  }
}

</mosaic_0001>

<sc_bundles>
// kernel: kernel.10.cloned.1.call-start
scs
__scs_entry_jumppad:
0x0: {  	(pc) =	sbr.rel $0x88, $3  }
0x1: {  	(tag) =	ssettag $0x0;
	lr =	simm.s32 $0x1  }
0x2: {  	[smem:$0x3F93] =	sst lr;
	_ =	strace $0xD0000000  }
0x3: {  	_ = 	snop  }
0x4: {  	_ = 	snop  }
0x5: {  	_ = 	snop  }
0x6: {  	_ = 	snop  }
0x7: {  	_ = 	snop  }
__scs_overlays_trampoline_lowered:
0x8: {  	[smem:$0x3FA2] =	sst s0  }
0x9: {  	[smem:$0x3FA3] =	sst s1  }
0xa: {  	[smem:$0x3FA4] =	sst s2  }
0xb: {  	[smem:$0x3FA5] =	sst s3  }
0xc: {  	[smem:$0x3FA6] =	sst s4  }
0xd: {  	[smem:$0x3FA7] =	sst s5  }
0xe: {  	[smem:$0x3FA8] =	sst s6  }
0xf: {  	[smem:$0x3FA9] =	sst s7  }
0x10: {  	[smem:$0x3FAA] =	sst s8  }
0x11: {  	[smem:$0x3FAB] =	sst s9;
	s0 =	simm.s32 @!p0 $0x0  }
0x12: {  	s1 =	sld [smem:$0x3F91];
	s0 =	simm.s32 @p0 $0x1  }
0x13: {  	[smem:$0x3FAC] =	sst s0;
	s0 =	simm.s32 @!p1 $0x0  }
0x14: {  	s2 =	sld [smem:$0x3F90];
	s0 =	simm.s32 @p1 $0x1  }
0x15: {  	[smem:$0x3FAD] =	sst s0;
	s0 =	simm.s32 @!p2 $0x0  }
0x16: {  	s3 =	sld [smem:$0x3FDB];
	s0 =	simm.s32 @p2 $0x1  }
0x17: {  	s4 =	simm.s32 $0x1BF5;
	[smem:$0x3FAF] =	sst s0  }
0x18: {  	s0 =	sld [smem:$0x3F92];
	_ =	swait.ge [sflag:s4], $0x0  }
0x19: {  	s7 =	sld [smem:$0x3F93]  }
0x1a: {  	s8 =	sadd.s32 $0xFFFFE003, lr  }
0x1b: {  	s9 =	sadd.s32 $0xFFFFFEF7, lr;
	s5 =	simm.s32 $0xFFFFFFFF;
	p2 =	slt.u32 s8, $0xFFFFF086  }
0x1c: {  	p1 =	slt.u32 s9, $0xF7A;
	s5 =	simm.s32 @!p2 $0x0  }
0x1d: {  	s5 =	simm.s32 @p1 $0x1;
	p0 =	seq.s32 s7, s2  }
0x1e: {  	s7 =	smul.u32 @!p0 $0xF7A, s2;
	p2 =	seq.s32 @!p0 s5, $0x0  }
0x1f: {  	s9 =	smul.u32 $0xF7A, s1;
	s8 =	simm.s32 @!p0 $0x1BF5;
	p2 =	por !p2, p0  }
0x20: {  	[sflag:s8] =	ssyncset.s32 @!p0 $0xFFFFF086;
	s6 =	sadd.s32 @!p0 s3, s7;
	s7 =	simm.s32 @!p0 $0x108  }
0x21: {  	s3 =	sadd.s32 s3, s9;
	s6 =	sadd.s32 @!p0 $0x88, s6;
	s7 =	simm.s32 @p2 $0x1082  }
0x22: {  	[simem:s7], [sflag:s8] =	dma.local @!p0 [hbm:s6], $0xF7A  }
0x23: {  	s9 =	sor.u32 $0xD0000000, s2;
	s6 =	simm.s32 $0x108;
	_ =	swait.ge @!p0 [sflag:s8], $0x0  }
0x24: {  	s3 =	sadd.s32 $0x88, s3;
	s6 =	simm.s32 @!p1 $0x1082;
	[sflag:s4] =	ssyncset.s32 $0xFFFFF086  }
0x25: {  	[simem:s6], [sflag:s4] =	dma.local [hbm:s3], $0xF7A  }
0x26: {  	[smem:$0x3F93] =	sst s1;
	(tag) =	ssettag s2;
	_ =	strace s9  }
0x27: {  	s1 =	sld [smem:$0x3FA3]  }
0x28: {  	s2 =	sld [smem:$0x3FA4]  }
0x29: {  	s4 =	sld [smem:$0x3FA6]  }
0x2a: {  	p0 =	seq.s32 s5, $0x0;
	s5 =	sld [smem:$0x3FA7]  }
0x2b: {  	s6 =	sld [smem:$0x3FA8]  }
0x2c: {  	s7 =	sld [smem:$0x3FA9]  }
0x2d: {  	s3 =	simm.s32 $0x108;
	s8 =	sld [smem:$0x3FAA]  }
0x2e: {  	s3 =	simm.s32 @!p0 $0x1082;
	s9 =	sld [smem:$0x3FAB]  }
0x2f: {  	lr =	sadd.s32 s0, s3;
	s0 =	sld [smem:$0x3FA2]  }
0x30: {  	s3 =	sld [smem:$0x3FA5]  }
0x31: {  	[smem:$0x3FAE] =	sst s10  }
0x32: {  	s10 =	sld [smem:$0x3FAC];
	_ =	sdelay $0x3  }
0x33: {  	p0 =	seq.s32 s10, $0x1;
	s10 =	sld [smem:$0x3FAE];
	_ =	sdelay $0x3  }
0x34: {  	[smem:$0x3FAE] =	sst s10  }
0x35: {  	s10 =	sld [smem:$0x3FAD];
	_ =	sdelay $0x3  }
0x36: {  	p1 =	seq.s32 s10, $0x1;
	s10 =	sld [smem:$0x3FAE];
	_ =	sdelay $0x3  }
0x37: {  	[smem:$0x3FAE] =	sst s10  }
0x38: {  	s10 =	sld [smem:$0x3FAF]  }
0x39: {  	_ = 	snop;
	(pc) =	sbr.ind lr, $3  }
0x3a: {  	_ = 	snop  }
0x3b: {  	_ = 	snop  }
0x3c: {  	p2 =	seq.s32 s10, $0x1;
	s10 =	sld [smem:$0x3FAE]  }
0x3d: {  	_ =	shalt  }
0x3e: {  	_ =	shalt  }
0x3f: {  	_ =	shalt  }
0x40: {  	_ =	shalt  }
0x41: {  	_ =	shalt  }
0x42: {  	_ =	shalt  }
0x43: {  	_ =	shalt  }
0x44: {  	_ =	shalt  }
0x45: {  	_ =	shalt  }
0x46: {  	_ =	shalt  }
0x47: {  	_ =	shalt  }
0x48: {  	_ =	shalt  }
0x49: {  	_ =	shalt  }
0x4a: {  	_ =	shalt  }
0x4b: {  	_ =	shalt  }
0x4c: {  	_ =	shalt  }
0x4d: {  	_ =	shalt  }
0x4e: {  	_ =	shalt  }
0x4f: {  	_ =	shalt  }
0x50: {  	_ =	shalt  }
0x51: {  	_ =	shalt  }
0x52: {  	_ =	shalt  }
0x53: {  	_ =	shalt  }
0x54: {  	_ =	shalt  }
0x55: {  	_ =	shalt  }
0x56: {  	_ =	shalt  }
0x57: {  	_ =	shalt  }
0x58: {  	_ =	shalt  }
0x59: {  	_ =	shalt  }
0x5a: {  	_ =	shalt  }
0x5b: {  	_ =	shalt  }
0x5c: {  	_ =	shalt  }
0x5d: {  	_ =	shalt  }
0x5e: {  	_ =	shalt  }
0x5f: {  	_ =	shalt  }
0x60: {  	_ =	shalt  }
0x61: {  	_ =	shalt  }
0x62: {  	_ =	shalt  }
0x63: {  	_ =	shalt  }
0x64: {  	_ =	shalt  }
0x65: {  	_ =	shalt  }
0x66: {  	_ =	shalt  }
0x67: {  	_ =	shalt  }
0x68: {  	_ =	shalt  }
0x69: {  	_ =	shalt  }
0x6a: {  	_ =	shalt  }
0x6b: {  	_ =	shalt  }
0x6c: {  	_ =	shalt  }
0x6d: {  	_ =	shalt  }
0x6e: {  	_ =	shalt  }
0x6f: {  	_ =	shalt  }
0x70: {  	_ =	shalt  }
0x71: {  	_ =	shalt  }
0x72: {  	_ =	shalt  }
0x73: {  	_ =	shalt  }
0x74: {  	_ =	shalt  }
0x75: {  	_ =	shalt  }
0x76: {  	_ =	shalt  }
0x77: {  	_ =	shalt  }
0x78: {  	_ =	shalt  }
0x79: {  	_ =	shalt  }
0x7a: {  	_ =	shalt  }
0x7b: {  	_ =	shalt  }
0x7c: {  	_ =	shalt  }
0x7d: {  	_ =	shalt  }
0x7e: {  	_ =	shalt  }
0x7f: {  	_ =	shalt  }
0x80: {  	_ =	shalt  }
0x81: {  	_ =	shalt  }
0x82: {  	_ =	shalt  }
0x83: {  	_ =	shalt  }
0x84: {  	_ =	shalt  }
0x85: {  	_ =	shalt  }
0x86: {  	_ =	shalt  }
0x87: {  	_ =	shalt  }
.Lfunc_end0:
.L_simem_size_0:
called_computation_lowered:
.L_overlay_start_0:
0x88: {  	s2 =	sld [smem:$0x3FD9]  }
0x89: {  	s3 =	sld [smem:$0x3FFE];
	_ =	sdelay $0x1  }
0x8a: {  	s1 =	srdreg.scid  }
0x8b: {  	s0 =	sand.u32 $0x1, s1  }
0x8c: {  	s17 =	sshll.u32 s0, $0xA;
	s2 =	sadd.s32 s3, s2  }
0x8d: {  	s2 =	sadd.s32 s2, s17  }
0x8e: {  	[smem:$0x3FBA] =	sst s2  }
0x8f: {  	_ = 	snop  }
0x90: {  	s2 =	sld [smem:$0x3FC7];
	(tm) =	ssettm $0x1  }
0x91: {  	s18 =	sld [smem:$0x3FFB];
	_ =	sdelay $0x3  }
0x92: {  	_ =	strace s18  }
0x93: {  	s3 =	sld [smem:$0x3FFC];
	_ =	sdelay $0x3  }
0x94: {  	_ =	strace s3  }
0x95: {  	s3 =	sld [smem:$0x3FFD];
	_ =	sdelay $0x3  }
0x96: {  	_ =	strace s3  }
0x97: {  	_ =	strace $0x8FFFFFFF  }
0x98: {  	s19 =	sld [smem:$0x3FDB];
	_ =	sdelay $0x1  }
0x99: {  	s4 =	simm.s32 $_scs_section_size  }
0x9a: {  	s5 =	simm.s32 $_size__tile_overlayer_lowered;
	s6 =	simm.s32 $_tile_overlayer_lowered  }
0x9b: {  	s22 =	simm.s32 $0x1BFF;
	s21 =	sshll.u32 s6, $0x1;
	s3 =	sadd.s32 s4, s19  }
0x9c: {  	s7 =	simm.s32 $0x0;
	s20 =	sshll.u32 s5, $0x1;
	s5 =	sadd.s32 s21, s3  }
0x9d: {  	[timem:s7], [sflag:s22] =	dma.local [hbm:s5], s20  }
0x9e: {  	_ =	swait.ge [sflag:s22], s20  }
0x9f: {  	s4 =	ssub.s32 $0x0, s20;
	[sflag:s22] =	ssyncset.done $0x0  }
0xa0: {  	[sflag:s22] =	ssyncadd.s32 s4;
	_ =	sdelay $0x1  }
0xa1: {  	s23 =	simm.s32 $0x1B8B  }
0xa2: {  	_ =	swait.ge [sflag:s23], $0x1  }
0xa3: {  	[sflag:s23] =	ssyncset.done $0x0  }
0xa4: {  	s25 =	simm.s32 $0x1B8E;
	s24 =	sld [smem:$0x3FFE];
	[sflag:s23] =	ssyncadd.s32 $0xFFFFFFFF  }
0xa5: {  	s26 =	simm.s32 $execute0_lowered;
	[smem:$0x3FD2] =	sst s25  }
0xa6: {  	s5 =	sshll.u32 s26, $0x1;
	_ =	strace $0x80000046;
	[dreg:$0x1] =	wrdreg $0xFFFFFFFF  }
0xa7: {  	s28 =	simm.s32 $_size_execute0_lowered;
	s3 =	sadd.s32 s3, s5;
	[dreg:$0x0] =	wrdreg $0x0  }
0xa8: {  	s5 =	sshll.u32 s28, $0x1;
	[dreg:$0x2] =	wrdreg s3  }
0xa9: {  	[dreg:$0x3] =	wrdreg s5  }
0xaa: {  	[dreg:$0x4] =	wrdreg $0xC0  }
0xab: {  	_ =	task [dreg:s7], $0x5FFFF  }
0xac: {  	[dreg:$0x1] =	wrdreg $0xFFFFFFFF  }
0xad: {  	[dreg:$0x0] =	wrdreg $0x60  }
0xae: {  	[dreg:$0x2] =	wrdreg s2  }
0xaf: {  	[dreg:$0x3] =	wrdreg s24  }
0xb0: {  	[dreg:$0x4] =	wrdreg $0x9  }
0xb1: {  	_ =	task.clear_ibuf [dreg:s7], $0x5FFFF;
	_ =	strace $0x90000046  }
0xb2: {  	s29 =	simm.s32 $0x9;
	_ =	strace $0x80000048  }
0xb3: {  	_ =	swait.ge [sflag:s29], $0x1  }
0xb4: {  	[sflag:s29] =	ssyncadd.s32 $0xFFFFFFFF  }
0xb5: {  	_ =	strace $0x90000048  }
0xb6: {  	_ =	sfence  }
0xb7: {  	s30 =	sld [smem:$0x0];
	_ =	sdelay $0x2  }
0xb8: {  	s31 =	sshll.u32 s1, $0xD;
	s1 =	sshrl.u32 s1, $0x2  }
0xb9: {  	s3 =	sand.u32 $0x4000, s31;
	s1 =	sadd.s32 s1, s30  }
0xba: {  	s0 =	sor.u32 s3, s0;
	s1 =	sshll.u32 s1, $0x11  }
0xbb: {  	s0 =	sor.u32 s1, s0  }
0xbc: {  	s0 =	sadd.s32 $0x8F2B, s0  }
0xbd: {  	[sflag:s0] =	ssyncadd.remote.s32 $0x1  }
0xbe: {  	_ =	sfence.sel $0xFFFF  }
0xbf: {  	[dreg:$0x0] =	wrdreg $0xFFFFFFFF;
	(pc) =	sbr.abs _section_cstart, $3  }
0xc0: {  	[dreg:$0x1] =	wrdreg $0xFFFFFFFF  }
0xc1: {  	_ =	task.clear_ibuf [dreg:s7], $0x2FFFF;
	_ =	strace $0x9FFFFFFF  }
0xc2: {  	(tm) =	ssettm $0x7FFFFFFF  }
0xc3: {  	_ =	shalt  }
tec
execute0_lowered:
.L_overlay_start_1:
0x0: {  	(tag) =	ssettag $0x1  }
0x1: {  	s4 =	rddreg [dreg:$0x0];
	s1 =	srdreg.scid  }
0x2: {  	s0 =	stileid.u32;
	s3 =	rddreg [dreg:$0x1]  }
0x3: {  	s2 =	simm.s32 $0x0;
	s5 =	sand.u32 $0x1, s1;
	s6 =	sshll.u32 s0, $0x1  }
0x4: {  	s1 =	rddreg [dreg:$0x2];
	s9 =	smul.u32 $0x9C, s0;
	s6 =	sor.u32 s5, s6  }
0x5: {  	[smem:$0x7FF] =	sst s2;
	p0 =	slt.u32 s0, $0x2;
	s7 =	smul.u32 $0x780, s6  }
0x6: {  	_ =	strace $0x80000047;
	s28 =	ssub.s32 $0x2, s5;
	s8 =	smul.u32 $0x4E, s6  }
0x7: {  	s5 =	smul.u32 $0x4E, s5;
	s10 =	sshrl.u32 s28, $0x1;
	s6 =	smin.u32 s6, $0x4  }
0x8: {  	s10 =	ssub.s32 s28, s10;
	s7 =	sadd.s32 s7, s3;
	s29 =	sadd.s32 s6, s8  }
0x9: {  	s6 =	sadd.s32 s9, s6;
	s3 =	simm.s32 $0x4F;
	s9 =	simm.s32 $0x4F00  }
0xa: {  	s8 =	smin.u32 s29, $0x975;
	s5 =	sadd.s32 s5, s6;
	s3 =	simm.s32 @!p0 $0x4E  }
0xb: {  	s6 =	smax.u32 s10, $0x1;
	s10 =	simm.s32 $0x0;
	s5 =	smax.u32 s5, $0x975  }
0xc: {  	s30 =	sshll.u32 s8, $0x5;
	s8 =	simm.s32 $0x1;
	s31 =	sshll.u32 s5, $0x8  }
0xd: {  	v0 =	vimm.f32 $0.0e+00;
	v1 =	vimm.f32 $1.000000000e+00;
	s4 =	sadd.s32 s4, s30;
	s5 =	sadd.s32 $0x3000, s7;
	s7 =	sadd.s32 $0xFFF68BF0, s31  }
.LBB2_1:
0xe: {  	[tilespmem:s2], [sflag:$0x1] =	stream.linear.gather [hbm4b:s4+s2], $0x4F00, $0x38;
	[tilespmem:$0x8B00] =	vst v63  }
0xf: {  	_ =	swait.ge [sflag:s8], $0x4F00  }
0x10: {  	[sflag:s8] =	ssyncset.done $0x0  }
0x11: {  	s11 =	simm.s32 $0x40;
	s12 =	simm.s32 $0x0;
	[sflag:s8] =	ssyncadd.s32 $0xFFFFB100  }
.LBB2_2:
0x12: {  	p0 =	sne.s32 s11, $0xEFC0;
	[tilespmem:s12+$0x4F00] =	vst v0;
	s12 =	smov.u32 s11;
	s11 =	sadd.s32 $0x40, s11  }
.Ltmp0:
0x13: {  	(pc) =	sbr.rel @p0 .LBB2_2-.Ltmp0, $2  }
0x14: {  	_ =	sdelay $0x2  }
0x15: {  	s12 =	sshra.s32 s12, $0x2  }
0x16: {  	[tilespmem:s12+$0x4F00] =	vst v0;
	s11 =	smov.u32 s7;
	s12 =	smov.u32 s3  }
.LBB2_4:
0x17: {  	v2 =	vld [tilespmem:s11+$0xFFFFFF90];
	_ =	sdelay $0x7  }
0x18: {  	[tilespmem:v2+s9+$0x0] =	vst.idx.add.f32.msk $0xffff, v1  }
0x19: {  	v2 =	vld [tilespmem:s11+$0xFFFFFFA0];
	_ =	sdelay $0x7  }
0x1a: {  	[tilespmem:v2+s9+$0x0] =	vst.idx.add.f32.msk $0xffff, v1  }
0x1b: {  	v2 =	vld [tilespmem:s11+$0xFFFFFFB0];
	_ =	sdelay $0x7  }
0x1c: {  	[tilespmem:v2+s9+$0x0] =	vst.idx.add.f32.msk $0xffff, v1  }
0x1d: {  	v2 =	vld [tilespmem:s11+$0xFFFFFFC0];
	_ =	sdelay $0x7  }
0x1e: {  	[tilespmem:v2+s9+$0x0] =	vst.idx.add.f32.msk $0xffff, v1  }
0x1f: {  	v2 =	vld [tilespmem:s11+$0xFFFFFFD0];
	_ =	sdelay $0x7  }
0x20: {  	[tilespmem:v2+s9+$0x0] =	vst.idx.add.f32.msk $0xffff, v1  }
0x21: {  	v2 =	vld [tilespmem:s11+$0xFFFFFFE0];
	_ =	sdelay $0x7  }
0x22: {  	[tilespmem:v2+s9+$0x0] =	vst.idx.add.f32.msk $0xffff, v1  }
0x23: {  	v2 =	vld [tilespmem:s11+$0xFFFFFFF0];
	_ =	sdelay $0x7  }
0x24: {  	[tilespmem:v2+s9+$0x0] =	vst.idx.add.f32.msk $0xffff, v1  }
0x25: {  	v2 =	vld [tilespmem:s11+$0x0];
	_ =	sdelay $0x2  }
0x26: {  	p0 =	sne.s32 s12, $0x1  }
.Ltmp1:
0x27: {  	_ = 	snop;
	(pc) =	sbr.rel @p0 .LBB2_4-.Ltmp1, $2  }
0x28: {  	_ =	sdelay $0x2  }
0x29: {  	s12 =	sadd.s32 $0xFFFFFFFF, s12;
	s11 =	sadd.s32 $0x100, s11;
	[tilespmem:v2+s9+$0x0] =	vst.idx.add.f32.msk $0xffff, v1  }
0x2a: {  	s10 =	sadd.s32 $0x1, s10  }
0x2b: {  	p0 =	sne.s32 s10, s6  }
.Ltmp2:
0x2c: {  	_ = 	snop;
	(pc) =	sbr.rel @p0 .LBB2_1-.Ltmp2, $4  }
0x2d: {  	[hbm4b:s5+s2] =	stream.linear.scatter [tilespmem:s9], [sflag:$0x1], $0x3C00, $0x38;
	[tilespmem:$0x8B00] =	vst v63  }
0x2e: {  	_ =	swait.ge [sflag:s8], $0x3C00  }
0x2f: {  	[sflag:s8] =	ssyncset.done $0x0  }
0x30: {  	[sflag:s8] =	ssyncadd.s32 $0xFFFFC400  }
0x31: {  	_ =	sfence.sel $0x180000  }
0x32: {  	[bflag:$0x0] =	sbarrier.arrive $0xFFFF  }
0x33: {  	p0 =	sne.s32 s0, $0x0;
	_ =	strace $0x90000047  }
0x34: {  	s0 =	sadd.s32 @!p0 $0x100000, s1;
	[bflag:$0x2] =	sbarrier.arrive $0xFFFF  }
0x35: {  	[sflag:s0] =	ssyncadd.tile.s32 @!p0 $0x1;
	_ =	shalt  }
.Lfunc_end2:
_tile_overlayer_lowered:
.L_overlay_start_2:
0x36: {  	(tag) =	ssettag $0x2  }
0x37: {  	s0 =	rddreg [dreg:$0x0];
	s2 =	stileid.u32  }
0x38: {  	s1 =	rddreg [dreg:$0x1];
	p0 =	sne.s32 s2, $0x0  }
0x39: {  	s3 =	rddreg [dreg:$0x2];
	[bflag:$0x3] =	sbarrier.arrive $0xFFFF;
	s2 =	simm.s32 @!p0 $0x1C01  }
0x3a: {  	[timem:s3], [sflag:s2] =	dma.local @!p0 [hbm:s0], s1  }
0x3b: {  	s0 =	simm.s32 @!p0 $0x1  }
0x3c: {  	_ =	swait.ge @!p0 [sflag:s0], s1  }
0x3d: {  	s1 =	ssub.s32 @!p0 $0x0, s1;
	[sflag:s0] =	ssyncset.done @!p0 $0x0  }
0x3e: {  	[sflag:s0] =	ssyncadd.s32 @!p0 s1  }
0x3f: {  	[bflag:$0x3] =	sbarrier.arrive $0xFFFF  }
0x40: {  	_ =	shalt  }

// kernel: kernel.13.cloned.1.call-start
scs
__scs_entry_jumppad:
0x0: {  	(pc) =	sbr.rel $0x88, $3  }
0x1: {  	(tag) =	ssettag $0x0;
	lr =	simm.s32 $0x1  }
0x2: {  	[smem:$0x3F93] =	sst lr;
	_ =	strace $0xD0000000  }
0x3: {  	_ = 	snop  }
0x4: {  	_ = 	snop  }
0x5: {  	_ = 	snop  }
0x6: {  	_ = 	snop  }
0x7: {  	_ = 	snop  }
__scs_overlays_trampoline_lowered:
0x8: {  	[smem:$0x3FA2] =	sst s0  }
0x9: {  	[smem:$0x3FA3] =	sst s1  }
0xa: {  	[smem:$0x3FA4] =	sst s2  }
0xb: {  	[smem:$0x3FA5] =	sst s3  }
0xc: {  	[smem:$0x3FA6] =	sst s4  }
0xd: {  	[smem:$0x3FA7] =	sst s5  }
0xe: {  	[smem:$0x3FA8] =	sst s6  }
0xf: {  	[smem:$0x3FA9] =	sst s7  }
0x10: {  	[smem:$0x3FAA] =	sst s8  }
0x11: {  	[smem:$0x3FAB] =	sst s9;
	s0 =	simm.s32 @!p0 $0x0  }
0x12: {  	s1 =	sld [smem:$0x3F91];
	s0 =	simm.s32 @p0 $0x1  }
0x13: {  	[smem:$0x3FAC] =	sst s0;
	s0 =	simm.s32 @!p1 $0x0  }
0x14: {  	s2 =	sld [smem:$0x3F90];
	s0 =	simm.s32 @p1 $0x1  }
0x15: {  	[smem:$0x3FAD] =	sst s0;
	s0 =	simm.s32 @!p2 $0x0  }
0x16: {  	s3 =	sld [smem:$0x3FDB];
	s0 =	simm.s32 @p2 $0x1  }
0x17: {  	s4 =	simm.s32 $0x1BF5;
	[smem:$0x3FAF] =	sst s0  }
0x18: {  	s0 =	sld [smem:$0x3F92];
	_ =	swait.ge [sflag:s4], $0x0  }
0x19: {  	s7 =	sld [smem:$0x3F93]  }
0x1a: {  	s8 =	sadd.s32 $0xFFFFE003, lr  }
0x1b: {  	s9 =	sadd.s32 $0xFFFFFEF7, lr;
	s5 =	simm.s32 $0xFFFFFFFF;
	p2 =	slt.u32 s8, $0xFFFFF086  }
0x1c: {  	p1 =	slt.u32 s9, $0xF7A;
	s5 =	simm.s32 @!p2 $0x0  }
0x1d: {  	s5 =	simm.s32 @p1 $0x1;
	p0 =	seq.s32 s7, s2  }
0x1e: {  	s7 =	smul.u32 @!p0 $0xF7A, s2;
	p2 =	seq.s32 @!p0 s5, $0x0  }
0x1f: {  	s9 =	smul.u32 $0xF7A, s1;
	s8 =	simm.s32 @!p0 $0x1BF5;
	p2 =	por !p2, p0  }
0x20: {  	[sflag:s8] =	ssyncset.s32 @!p0 $0xFFFFF086;
	s6 =	sadd.s32 @!p0 s3, s7;
	s7 =	simm.s32 @!p0 $0x108  }
0x21: {  	s3 =	sadd.s32 s3, s9;
	s6 =	sadd.s32 @!p0 $0x88, s6;
	s7 =	simm.s32 @p2 $0x1082  }
0x22: {  	[simem:s7], [sflag:s8] =	dma.local @!p0 [hbm:s6], $0xF7A  }
0x23: {  	s9 =	sor.u32 $0xD0000000, s2;
	s6 =	simm.s32 $0x108;
	_ =	swait.ge @!p0 [sflag:s8], $0x0  }
0x24: {  	s3 =	sadd.s32 $0x88, s3;
	s6 =	simm.s32 @!p1 $0x1082;
	[sflag:s4] =	ssyncset.s32 $0xFFFFF086  }
0x25: {  	[simem:s6], [sflag:s4] =	dma.local [hbm:s3], $0xF7A  }
0x26: {  	[smem:$0x3F93] =	sst s1;
	(tag) =	ssettag s2;
	_ =	strace s9  }
0x27: {  	s1 =	sld [smem:$0x3FA3]  }
0x28: {  	s2 =	sld [smem:$0x3FA4]  }
0x29: {  	s4 =	sld [smem:$0x3FA6]  }
0x2a: {  	p0 =	seq.s32 s5, $0x0;
	s5 =	sld [smem:$0x3FA7]  }
0x2b: {  	s6 =	sld [smem:$0x3FA8]  }
0x2c: {  	s7 =	sld [smem:$0x3FA9]  }
0x2d: {  	s3 =	simm.s32 $0x108;
	s8 =	sld [smem:$0x3FAA]  }
0x2e: {  	s3 =	simm.s32 @!p0 $0x1082;
	s9 =	sld [smem:$0x3FAB]  }
0x2f: {  	lr =	sadd.s32 s0, s3;
	s0 =	sld [smem:$0x3FA2]  }
0x30: {  	s3 =	sld [smem:$0x3FA5]  }
0x31: {  	[smem:$0x3FAE] =	sst s10  }
0x32: {  	s10 =	sld [smem:$0x3FAC];
	_ =	sdelay $0x3  }
0x33: {  	p0 =	seq.s32 s10, $0x1;
	s10 =	sld [smem:$0x3FAE];
	_ =	sdelay $0x3  }
0x34: {  	[smem:$0x3FAE] =	sst s10  }
0x35: {  	s10 =	sld [smem:$0x3FAD];
	_ =	sdelay $0x3  }
0x36: {  	p1 =	seq.s32 s10, $0x1;
	s10 =	sld [smem:$0x3FAE];
	_ =	sdelay $0x3  }
0x37: {  	[smem:$0x3FAE] =	sst s10  }
0x38: {  	s10 =	sld [smem:$0x3FAF]  }
0x39: {  	_ = 	snop;
	(pc) =	sbr.ind lr, $3  }
0x3a: {  	_ = 	snop  }
0x3b: {  	_ = 	snop  }
0x3c: {  	p2 =	seq.s32 s10, $0x1;
	s10 =	sld [smem:$0x3FAE]  }
0x3d: {  	_ =	shalt  }
0x3e: {  	_ =	shalt  }
0x3f: {  	_ =	shalt  }
0x40: {  	_ =	shalt  }
0x41: {  	_ =	shalt  }
0x42: {  	_ =	shalt  }
0x43: {  	_ =	shalt  }
0x44: {  	_ =	shalt  }
0x45: {  	_ =	shalt  }
0x46: {  	_ =	shalt  }
0x47: {  	_ =	shalt  }
0x48: {  	_ =	shalt  }
0x49: {  	_ =	shalt  }
0x4a: {  	_ =	shalt  }
0x4b: {  	_ =	shalt  }
0x4c: {  	_ =	shalt  }
0x4d: {  	_ =	shalt  }
0x4e: {  	_ =	shalt  }
0x4f: {  	_ =	shalt  }
0x50: {  	_ =	shalt  }
0x51: {  	_ =	shalt  }
0x52: {  	_ =	shalt  }
0x53: {  	_ =	shalt  }
0x54: {  	_ =	shalt  }
0x55: {  	_ =	shalt  }
0x56: {  	_ =	shalt  }
0x57: {  	_ =	shalt  }
0x58: {  	_ =	shalt  }
0x59: {  	_ =	shalt  }
0x5a: {  	_ =	shalt  }
0x5b: {  	_ =	shalt  }
0x5c: {  	_ =	shalt  }
0x5d: {  	_ =	shalt  }
0x5e: {  	_ =	shalt  }
0x5f: {  	_ =	shalt  }
0x60: {  	_ =	shalt  }
0x61: {  	_ =	shalt  }
0x62: {  	_ =	shalt  }
0x63: {  	_ =	shalt  }
0x64: {  	_ =	shalt  }
0x65: {  	_ =	shalt  }
0x66: {  	_ =	shalt  }
0x67: {  	_ =	shalt  }
0x68: {  	_ =	shalt  }
0x69: {  	_ =	shalt  }
0x6a: {  	_ =	shalt  }
0x6b: {  	_ =	shalt  }
0x6c: {  	_ =	shalt  }
0x6d: {  	_ =	shalt  }
0x6e: {  	_ =	shalt  }
0x6f: {  	_ =	shalt  }
0x70: {  	_ =	shalt  }
0x71: {  	_ =	shalt  }
0x72: {  	_ =	shalt  }
0x73: {  	_ =	shalt  }
0x74: {  	_ =	shalt  }
0x75: {  	_ =	shalt  }
0x76: {  	_ =	shalt  }
0x77: {  	_ =	shalt  }
0x78: {  	_ =	shalt  }
0x79: {  	_ =	shalt  }
0x7a: {  	_ =	shalt  }
0x7b: {  	_ =	shalt  }
0x7c: {  	_ =	shalt  }
0x7d: {  	_ =	shalt  }
0x7e: {  	_ =	shalt  }
0x7f: {  	_ =	shalt  }
0x80: {  	_ =	shalt  }
0x81: {  	_ =	shalt  }
0x82: {  	_ =	shalt  }
0x83: {  	_ =	shalt  }
0x84: {  	_ =	shalt  }
0x85: {  	_ =	shalt  }
0x86: {  	_ =	shalt  }
0x87: {  	_ =	shalt  }
.Lfunc_end0:
.L_simem_size_0:
called_computation.1_lowered:
.L_overlay_start_0:
0x88: {  	s2 =	sld [smem:$0x3FD9]  }
0x89: {  	s3 =	sld [smem:$0x3FFE];
	_ =	sdelay $0x1  }
0x8a: {  	s1 =	srdreg.scid  }
0x8b: {  	s0 =	sand.u32 $0x1, s1  }
0x8c: {  	s14 =	sshll.u32 s0, $0xA;
	s2 =	sadd.s32 s3, s2  }
0x8d: {  	s2 =	sadd.s32 s2, s14  }
0x8e: {  	[smem:$0x3FBA] =	sst s2  }
0x8f: {  	_ = 	snop  }
0x90: {  	s2 =	sld [smem:$0x3FD0];
	_ =	sdelay $0x2  }
0x91: {  	s4 =	simm.s32 $0xA;
	s5 =	simm.s32 $0x10;
	s15 =	sld [smem:$0x3FC7]  }
0x92: {  	[smem:s5], [sflag:s4] =	dma.local [hbm:s2], $0x1  }
0x93: {  	_ =	swait.eq [sflag:s4], $0x1  }
0x94: {  	[sflag:s4] =	ssyncset.done $0x0  }
0x95: {  	[sflag:s4] =	ssyncadd.s32 $0xFFFFFFFF  }
0x96: {  	s16 =	sld [smem:$0x11];
	(tm) =	ssettm $0x1  }
0x97: {  	s17 =	sld [smem:$0x3FFB];
	_ =	sdelay $0x3  }
0x98: {  	_ =	strace s17  }
0x99: {  	s4 =	sld [smem:$0x3FFC];
	_ =	sdelay $0x3  }
0x9a: {  	_ =	strace s4  }
0x9b: {  	s4 =	sld [smem:$0x3FFD];
	_ =	sdelay $0x3  }
0x9c: {  	_ =	strace s4  }
0x9d: {  	_ =	strace $0x8FFFFFFF  }
0x9e: {  	s18 =	sld [smem:$0x3FDB];
	_ =	sdelay $0x1  }
0x9f: {  	s19 =	simm.s32 $_scs_section_size  }
0xa0: {  	s6 =	simm.s32 $_size__tile_overlayer_lowered;
	s7 =	simm.s32 $_tile_overlayer_lowered  }
0xa1: {  	s22 =	simm.s32 $0x1BFF;
	s21 =	sshll.u32 s7, $0x1;
	s4 =	sadd.s32 s19, s18  }
0xa2: {  	s8 =	simm.s32 $0x0;
	s20 =	sshll.u32 s6, $0x1;
	s6 =	sadd.s32 s21, s4  }
0xa3: {  	[timem:s8], [sflag:s22] =	dma.local [hbm:s6], s20  }
0xa4: {  	_ =	swait.ge [sflag:s22], s20  }
0xa5: {  	s5 =	ssub.s32 $0x0, s20;
	[sflag:s22] =	ssyncset.done $0x0  }
0xa6: {  	[sflag:s22] =	ssyncadd.s32 s5;
	_ =	sdelay $0x1  }
0xa7: {  	s23 =	simm.s32 $0x1B8B  }
0xa8: {  	_ =	swait.ge [sflag:s23], $0x1  }
0xa9: {  	[sflag:s23] =	ssyncset.done $0x0  }
0xaa: {  	s25 =	simm.s32 $0x1B8E;
	s24 =	sld [smem:$0x3FFE];
	[sflag:s23] =	ssyncadd.s32 $0xFFFFFFFF  }
0xab: {  	s26 =	simm.s32 $execute0_lowered;
	[smem:$0x3FD2] =	sst s25  }
0xac: {  	s6 =	sshll.u32 s26, $0x1;
	_ =	strace $0x80000049;
	[dreg:$0x1] =	wrdreg $0xFFFFFFFF  }
0xad: {  	s28 =	simm.s32 $_size_execute0_lowered;
	s4 =	sadd.s32 s4, s6;
	[dreg:$0x0] =	wrdreg $0x0  }
0xae: {  	s6 =	sshll.u32 s28, $0x1;
	[dreg:$0x2] =	wrdreg s4  }
0xaf: {  	[dreg:$0x3] =	wrdreg s6  }
0xb0: {  	[dreg:$0x4] =	wrdreg $0xC0  }
0xb1: {  	_ =	task [dreg:s8], $0x5FFFF  }
0xb2: {  	[dreg:$0x1] =	wrdreg $0xFFFFFFFF  }
0xb3: {  	[dreg:$0x0] =	wrdreg $0x60  }
0xb4: {  	[dreg:$0x2] =	wrdreg s24  }
0xb5: {  	[dreg:$0x3] =	wrdreg s15  }
0xb6: {  	[dreg:$0x4] =	wrdreg s16  }
0xb7: {  	[dreg:$0x5] =	wrdreg $0xF2000  }
0xb8: {  	[dreg:$0x6] =	wrdreg $0x9  }
0xb9: {  	_ =	task.clear_ibuf [dreg:s8], $0x7FFFF;
	_ =	strace $0x90000049  }
0xba: {  	s29 =	simm.s32 $0x9;
	_ =	strace $0x8000004B  }
0xbb: {  	_ =	swait.ge [sflag:s29], $0x1  }
0xbc: {  	[sflag:s29] =	ssyncadd.s32 $0xFFFFFFFF  }
0xbd: {  	_ =	strace $0x9000004B  }
0xbe: {  	_ =	sfence  }
0xbf: {  	s30 =	sld [smem:$0x0];
	_ =	sdelay $0x2  }
0xc0: {  	s31 =	sshll.u32 s1, $0xD;
	s1 =	sshrl.u32 s1, $0x2  }
0xc1: {  	s3 =	sand.u32 $0x4000, s31;
	s1 =	sadd.s32 s1, s30  }
0xc2: {  	s0 =	sor.u32 s3, s0;
	s1 =	sshll.u32 s1, $0x11  }
0xc3: {  	s0 =	sor.u32 s1, s0  }
0xc4: {  	s0 =	sadd.s32 $0x8F2B, s0  }
0xc5: {  	[sflag:s0] =	ssyncadd.remote.s32 $0x1  }
0xc6: {  	_ =	sfence.sel $0xFFFF  }
0xc7: {  	[dreg:$0x0] =	wrdreg $0xFFFFFFFF;
	(pc) =	sbr.abs _section_cstart, $3  }
0xc8: {  	[dreg:$0x1] =	wrdreg $0xFFFFFFFF  }
0xc9: {  	_ =	task.clear_ibuf [dreg:s8], $0x2FFFF;
	_ =	strace $0x9FFFFFFF  }
0xca: {  	(tm) =	ssettm $0x7FFFFFFF  }
0xcb: {  	_ =	shalt  }
tec
execute0_lowered:
.L_overlay_start_1:
0x0: {  	(tag) =	ssettag $0x1  }
0x1: {  	s0 =	rddreg [dreg:$0x0]  }
0x2: {  	s6 =	rddreg [dreg:$0x1];
	s24 =	stileid.u32  }
0x3: {  	s1 =	srdreg.scid;
	s9 =	smul.u32 $0xF000, s24  }
0x4: {  	s3 =	rddreg [dreg:$0x3];
	s4 =	simm.s32 $0x0;
	s2 =	smul.u32 $0x4C, s24  }
0x5: {  	s28 =	simm.s32 $0x80;
	s29 =	simm.s32 $0xD200;
	s8 =	smul.u32 $0x4E, s24  }
0x6: {  	s7 =	sand.u32 $0x1, s1;
	[smem:$0x7FF] =	sst s4;
	s10 =	smul.u32 $0x50, s24  }
0x7: {  	s5 =	sadd.s32 $0x3800, s0;
	p0 =	slt.u32 s24, $0x7;
	s25 =	smul.u32 $0x3C000, s24  }
0x8: {  	p1 =	slt.u32 s24, $0xB;
	s1 =	smul.u32 $0xF0000, s7;
	s22 =	ssub.s32 $0x2, s7  }
0x9: {  	_ =	strace $0x8000004A;
	s11 =	sadd.s32 $0xE, s2;
	s23 =	sshrl.u32 s22, $0x1  }
0xa: {  	s10 =	sadd.s32 $0x4CE, s10;
	s13 =	sadd.s32 $0x4E4, s8;
	s16 =	sshrl.u32 s25, $0x2  }
0xb: {  	s1 =	sadd.s32 s9, s1;
	s11 =	smov.u32 @p0 s8;
	s2 =	ssub.s32 s22, s23  }
0xc: {  	s13 =	smov.u32 @p1 s10;
	s8 =	simm.s32 $0x28;
	s10 =	sadd.s32 s9, s3  }
0xd: {  	s1 =	sshrl.u32 s1, $0x3;
	s12 =	smin.u32 s11, $0x480;
	s14 =	smin.u32 s13, $0x974  }
0xe: {  	s8 =	simm.s32 @!p1 $0x27;
	s19 =	sshll.u32 s13, $0xA;
	s22 =	sshll.u32 s11, $0xA  }
0xf: {  	s31 =	smax.u32 s2, $0x1;
	p1 =	sgt.u32 s24, $0x7;
	s1 =	sadd.s32 s1, s0  }
0x10: {  	s0 =	simm.s32 $0x27;
	s20 =	ssub.s32 s11, s12;
	s17 =	ssub.s32 s13, s14  }
0x11: {  	s15 =	sshll.u32 s14, $0x5;
	s26 =	sshll.u32 s12, $0x5;
	s21 =	sshll.u32 s14, $0xA  }
0x12: {  	s13 =	sshll.u32 s13, $0x8;
	s14 =	sshll.u32 s14, $0x8;
	s23 =	sshll.u32 s12, $0xA  }
0x13: {  	s11 =	sshll.u32 s11, $0x8;
	s12 =	sshll.u32 s12, $0x8;
	s0 =	simm.s32 @!p0 $0x26  }
0x14: {  	s15 =	sadd.s32 s6, s15;
	s6 =	sadd.s32 s6, s26;
	[dreg:$0x6] =	wrdreg s17  }
0x15: {  	s9 =	ssub.s32 s19, s21;
	s13 =	ssub.s32 s13, s14;
	[dreg:$0x5] =	wrdreg s20  }
0x16: {  	s11 =	ssub.s32 s11, s12;
	s12 =	sshll.u32 s17, $0xA;
	[dreg:$0x7] =	wrdreg s15  }
0x17: {  	p0 =	sne.s32 s7, $0x0;
	s21 =	sshll.u32 s24, $0x7;
	[dreg:$0x8] =	wrdreg s6  }
0x18: {  	s30 =	sadd.s32 $0x21800, s1;
	s6 =	sadd.s32 s16, s3;
	[dreg:$0xb] =	wrdreg s13  }
0x19: {  	s13 =	ssub.s32 s22, s23;
	[dreg:$0xe] =	wrdreg s11;
	s14 =	sshra.s32 s12, $0x2  }
0x1a: {  	s22 =	sor.u32 $0x10, s24;
	s9 =	sshra.s32 s9, $0x2;
	s18 =	sadd.s32 $0x2000, s6  }
0x1b: {  	s16 =	sadd.s32 $0x4000, s6;
	s25 =	sadd.s32 $0x6000, s6;
	[dreg:$0x9] =	wrdreg s18  }
0x1c: {  	s26 =	sadd.s32 $0x8000, s6;
	s17 =	sadd.s32 $0xA000, s6;
	[dreg:$0xa] =	wrdreg s16  }
0x1d: {  	s19 =	sadd.s32 $0xE000, s6;
	s15 =	sadd.s32 $0x4E00, s14;
	[dreg:$0xc] =	wrdreg s25  }
0x1e: {  	s7 =	sadd.s32 $0x4F00, s14;
	s23 =	sshll.u32 s22, $0x7;
	[dreg:$0xd] =	wrdreg s26  }
0x1f: {  	s18 =	sadd.s32 $0xC000, s6;
	[dreg:$0xf] =	wrdreg s15;
	s16 =	sshll.u32 s24, $0xD  }
0x20: {  	[dreg:$0x10] =	wrdreg s7;
	s7 =	sadd.s32 $0x9E00, s21;
	s25 =	sor.u32 $0x20, s24  }
0x21: {  	s15 =	sshll.u32 s20, $0xA;
	s21 =	sadd.s32 $0x4E00, s9;
	s24 =	simm.s32 $0x1  }
0x22: {  	s6 =	sadd.s32 s16, s3;
	[dreg:$0x11] =	wrdreg s7;
	s7 =	sadd.s32 $0x9E00, s23  }
0x23: {  	s26 =	sshll.u32 s25, $0xD;
	s12 =	sshll.u32 s25, $0x7;
	s16 =	sshra.s32 s15, $0x2  }
0x24: {  	s23 =	sshll.u32 s8, $0x1;
	s25 =	sshll.u32 s0, $0x1;
	s8 =	sshll.u32 s8, $0xB  }
0x25: {  	s0 =	sshll.u32 s0, $0xB;
	s6 =	sadd.s32 $0x9C400, s6;
	[dreg:$0x13] =	wrdreg s7  }
0x26: {  	s7 =	sadd.s32 s26, s3;
	s1 =	sadd.s32 $0xFFFFFFFE, s23;
	s2 =	sadd.s32 $0xFFFFFFFD, s23  }
0x27: {  	s20 =	sadd.s32 $0xFFFFF800, s8;
	s23 =	sshra.s32 s13, $0x2;
	[dreg:$0x17] =	wrdreg s16  }
0x28: {  	s26 =	sadd.s32 $0x100, s16;
	[dreg:$0x12] =	wrdreg s6;
	s6 =	sshll.u32 s22, $0xD  }
.Ltmp0:
0x29: {  	s14 =	sadd.s32 $0x9C400, s7;
	s7 =	sadd.s32 $0xFFFFFFFD, s25;
	(pc) =	sbr.rel .LBB2_1-.Ltmp0, $4  }
0x2a: {  	s22 =	sadd.s32 $0xFFFFF800, s0;
	[dreg:$0x18] =	wrdreg s26;
	s6 =	sadd.s32 s6, s3  }
0x2b: {  	s26 =	simm.s32 $0x3;
	[dreg:$0x16] =	wrdreg s14;
	s6 =	sadd.s32 $0x9C400, s6  }
0x2c: {  	s0 =	simm.s32 $0x2;
	[dreg:$0x14] =	wrdreg s6;
	s6 =	sadd.s32 $0x9E00, s12  }
0x2d: {  	v0 =	vimm.f32 $0.0e+00;
	[dreg:$0x15] =	wrdreg s6;
	s6 =	sadd.s32 $0xFFFFFFFE, s25;
	s25 =	simm.s32 $0xB200  }
.LBB2_10:
0x2e: {  	s8 =	sadd.s32 $0x300, s11  }
0x2f: {  	[tilespmem:s29], [sflag:$0x2] =	stream.indirect.gather [hbm4b:s5+s28], $0x40, s8, s28, $0xb8;
	[tilespmem:$0x1E200] =	vst v63  }
.LBB2_11:
0x30: {  	s8 =	stileid.u32;
	s4 =	sadd.s32 $0x1, s4  }
0x31: {  	[bflag:$0x0] =	sbarrier.arrive $0xFFFF;
	s8 =	sshll.u32 s8, $0x6;
	p2 =	sne.s32 s4, s31  }
.Ltmp1:
0x32: {  	s9 =	sshrl.u32 s10, $0x3;
	s8 =	sor.u32 $0x1C03, s8;
	(pc) =	sbr.rel @!p2 .LBB2_12-.Ltmp1, $4  }
0x33: {  	[hbm:s30], [sflag:s8] =	dma.local [spmem:s9], $0x1E00  }
0x34: {  	_ =	swait.ge [sflag:s26], $0x1E00  }
0x35: {  	[sflag:s26] =	ssyncset.done $0x0  }
0x36: {  	[sflag:s26] =	ssyncadd.s32 $0xFFFFE200  }
.LBB2_1:
0x37: {  	s8 =	simm.s32 @p0 $0x0;
	s9 =	simm.s32 @p0 $0x4E00;
	s11 =	rddreg [dreg:$0x7]  }
0x38: {  	[tilespmem:s9], [sflag:$0x3] =	stream.linear.gather @p0 [hbm4b:s11+s8], $0x5000, $0x38;
	[tilespmem:$0x1E200] =	vst v63  }
0x39: {  	s8 =	simm.s32 @p0 $0x3  }
0x3a: {  	_ =	swait.ge @p0 [sflag:s8], $0x5000  }
0x3b: {  	[sflag:s8] =	ssyncset.done @p0 $0x0  }
0x3c: {  	s9 =	rddreg [dreg:$0x8];
	[sflag:s8] =	ssyncadd.s32 @p0 $0xFFFFB000;
	s8 =	simm.s32 @!p0 $0x0  }
0x3d: {  	[tilespmem:s8], [sflag:$0x3] =	stream.linear.gather @!p0 [hbm4b:s9+s8], $0x4E00, $0x38;
	[tilespmem:$0x1E200] =	vst v63  }
0x3e: {  	s9 =	simm.s32 @!p0 $0x3  }
0x3f: {  	_ =	swait.ge @!p0 [sflag:s9], $0x4E00  }
0x40: {  	[sflag:s9] =	ssyncset.done @!p0 $0x0  }
0x41: {  	[sflag:s9] =	ssyncadd.s32 @!p0 $0xFFFFB200  }
0x42: {  	s11 =	simm.s32 @!p0 $0x9E00;
	s12 =	rddreg [dreg:$0x2]  }
0x43: {  	[tilespmem:s11], [sflag:$0x3] =	stream.linear.gather @!p0 [hbm4b:s12+s8], $0x1400, $0x38;
	[tilespmem:$0x1E200] =	vst v63  }
0x44: {  	_ =	swait.ge @!p0 [sflag:s9], $0x1400  }
0x45: {  	[sflag:s9] =	ssyncset.done @!p0 $0x0  }
0x46: {  	s8 =	simm.s32 $0x0;
	[sflag:s9] =	ssyncadd.s32 @!p0 $0xFFFFEC00;
	s9 =	simm.s32 $0x100  }
.LBB2_2:
0x47: {  	p2 =	sne.s32 s9, $0x7F00;
	[tilespmem:s8+$0xB230] =	vst v0;
	s11 =	smov.u32 s9;
	s9 =	sadd.s32 $0x100, s9  }
.Ltmp2:
0x48: {  	[tilespmem:s8+$0xB220] =	vst v0;
	(pc) =	sbr.rel @p2 .LBB2_2-.Ltmp2, $3  }
0x49: {  	[tilespmem:s8+$0xB200] =	vst v0  }
0x4a: {  	[tilespmem:s8+$0xB210] =	vst v0;
	_ =	sdelay $0x1  }
0x4b: {  	s8 =	sshra.s32 s11, $0x2  }
0x4c: {  	[tilespmem:s8+$0xB230] =	vst v0  }
0x4d: {  	[tilespmem:s8+$0xB220] =	vst v0  }
0x4e: {  	[tilespmem:s8+$0xB200] =	vst v0  }
0x4f: {  	[tilespmem:s8+$0xB210] =	vst v0  }
0x50: {  	[spmem:s10] =	stream.linear.scatter [tilespmem:s25], [sflag:$0x3], $0x2000, $0x38;
	[tilespmem:$0x1E200] =	vst v63  }
0x51: {  	_ =	swait.ge [sflag:s26], $0x2000  }
0x52: {  	[sflag:s26] =	ssyncset.done $0x0  }
0x53: {  	s13 =	rddreg [dreg:$0x9];
	[sflag:s26] =	ssyncadd.s32 $0xFFFFE000  }
0x54: {  	[spmem:s13] =	stream.linear.scatter [tilespmem:s25], [sflag:$0x3], $0x2000, $0x38;
	[tilespmem:$0x1E200] =	vst v63  }
0x55: {  	_ =	swait.ge [sflag:s26], $0x2000  }
0x56: {  	[sflag:s26] =	ssyncset.done $0x0  }
0x57: {  	s14 =	rddreg [dreg:$0xa];
	[sflag:s26] =	ssyncadd.s32 $0xFFFFE000  }
0x58: {  	[spmem:s14] =	stream.linear.scatter [tilespmem:s25], [sflag:$0x3], $0x2000, $0x38;
	[tilespmem:$0x1E200] =	vst v63  }
0x59: {  	_ =	swait.ge [sflag:s26], $0x2000  }
0x5a: {  	[sflag:s26] =	ssyncset.done $0x0  }
0x5b: {  	s15 =	rddreg [dreg:$0xc];
	[sflag:s26] =	ssyncadd.s32 $0xFFFFE000  }
0x5c: {  	[spmem:s15] =	stream.linear.scatter [tilespmem:s25], [sflag:$0x3], $0x2000, $0x38;
	[tilespmem:$0x1E200] =	vst v63  }
0x5d: {  	_ =	swait.ge [sflag:s26], $0x2000  }
0x5e: {  	[sflag:s26] =	ssyncset.done $0x0  }
0x5f: {  	s16 =	rddreg [dreg:$0xd];
	[sflag:s26] =	ssyncadd.s32 $0xFFFFE000  }
0x60: {  	[spmem:s16] =	stream.linear.scatter [tilespmem:s25], [sflag:$0x3], $0x2000, $0x38;
	[tilespmem:$0x1E200] =	vst v63  }
0x61: {  	_ =	swait.ge [sflag:s26], $0x2000  }
0x62: {  	[sflag:s26] =	ssyncset.done $0x0  }
0x63: {  	[sflag:s26] =	ssyncadd.s32 $0xFFFFE000  }
0x64: {  	[spmem:s17] =	stream.linear.scatter [tilespmem:s25], [sflag:$0x3], $0x2000, $0x38;
	[tilespmem:$0x1E200] =	vst v63  }
0x65: {  	_ =	swait.ge [sflag:s26], $0x2000  }
0x66: {  	[sflag:s26] =	ssyncset.done $0x0  }
0x67: {  	[sflag:s26] =	ssyncadd.s32 $0xFFFFE000  }
0x68: {  	[spmem:s18] =	stream.linear.scatter [tilespmem:s25], [sflag:$0x3], $0x2000, $0x38;
	[tilespmem:$0x1E200] =	vst v63  }
0x69: {  	_ =	swait.ge [sflag:s26], $0x2000  }
0x6a: {  	[sflag:s26] =	ssyncset.done $0x0  }
0x6b: {  	[sflag:s26] =	ssyncadd.s32 $0xFFFFE000  }
0x6c: {  	[spmem:s19] =	stream.linear.scatter [tilespmem:s25], [sflag:$0x3], $0x1000, $0x38;
	[tilespmem:$0x1E200] =	vst v63  }
.Ltmp3:
0x6d: {  	_ =	swait.ge [sflag:s26], $0x1000;
	(pc) =	sbr.rel @p0 .LBB2_7-.Ltmp3, $3  }
0x6e: {  	[sflag:s26] =	ssyncset.done $0x0  }
0x6f: {  	[sflag:s26] =	ssyncadd.s32 $0xFFFFF000  }
0x70: {  	[bflag:$0x0] =	sbarrier.arrive $0xFFFF;
	_ =	sdelay $0x1  }
0x71: {  	s8 =	rddreg [dreg:$0x11]  }
0x72: {  	[tilespmem:s25], [sflag:$0x1] =	stream.indirect.gather [hbm4b:s5+s28], $0x40, s8, s28, $0xb8;
	[tilespmem:$0x1E200] =	vst v63  }
0x73: {  	_ =	swait.ge [sflag:s24], $0x2000  }
0x74: {  	[sflag:s24] =	ssyncset.done $0x0  }
0x75: {  	s16 =	rddreg [dreg:$0x12];
	[sflag:s24] =	ssyncadd.s32 $0xFFFFE000  }
0x76: {  	[spmem:s16] =	stream.linear.scatter [tilespmem:s25], [sflag:$0x3], $0x2000, $0x38;
	[tilespmem:$0x1E200] =	vst v63  }
0x77: {  	_ =	swait.ge [sflag:s26], $0x2000  }
0x78: {  	[sflag:s26] =	ssyncset.done $0x0  }
0x79: {  	s9 =	rddreg [dreg:$0x13];
	[sflag:s26] =	ssyncadd.s32 $0xFFFFE000  }
0x7a: {  	[tilespmem:s25], [sflag:$0x1] =	stream.indirect.gather [hbm4b:s5+s28], $0x40, s9, s28, $0xb8;
	[tilespmem:$0x1E200] =	vst v63  }
0x7b: {  	_ =	swait.ge [sflag:s24], $0x2000  }
0x7c: {  	[sflag:s24] =	ssyncset.done $0x0  }
0x7d: {  	s11 =	rddreg [dreg:$0x14];
	[sflag:s24] =	ssyncadd.s32 $0xFFFFE000  }
0x7e: {  	[spmem:s11] =	stream.linear.scatter [tilespmem:s25], [sflag:$0x3], $0x2000, $0x38;
	[tilespmem:$0x1E200] =	vst v63  }
0x7f: {  	_ =	swait.ge [sflag:s26], $0x2000  }
0x80: {  	s8 =	simm.s32 @!p1 $0x80;
	[sflag:s26] =	ssyncset.done $0x0  }
0x81: {  	s9 =	simm.s32 @!p1 $0xB200;
	s11 =	rddreg [dreg:$0x15];
	[sflag:s26] =	ssyncadd.s32 $0xFFFFE000  }
0x82: {  	[tilespmem:s9], [sflag:$0x1] =	stream.indirect.gather @!p1 [hbm4b:s5+s8], $0x40, s11, s8, $0xb8;
	[tilespmem:$0x1E200] =	vst v63  }
0x83: {  	s8 =	simm.s32 @!p1 $0x1  }
0x84: {  	_ =	swait.ge @!p1 [sflag:s8], $0x2000  }
0x85: {  	[sflag:s8] =	ssyncset.done @!p1 $0x0  }
0x86: {  	[sflag:s8] =	ssyncadd.s32 @!p1 $0xFFFFE000;
	s8 =	rddreg [dreg:$0x16]  }
0x87: {  	[spmem:s8] =	stream.linear.scatter @!p1 [tilespmem:s9], [sflag:$0x3], $0x2000, $0x38;
	[tilespmem:$0x1E200] =	vst v63  }
0x88: {  	s8 =	simm.s32 @!p1 $0x3  }
0x89: {  	_ =	swait.ge @!p1 [sflag:s8], $0x2000  }
0x8a: {  	[sflag:s8] =	ssyncset.done @!p1 $0x0  }
0x8b: {  	s12 =	rddreg [dreg:$0x17];
	[sflag:s8] =	ssyncadd.s32 @!p1 $0xFFFFE000  }
0x8c: {  	[tilespmem:s25], [sflag:$0x1] =	stream.indirect.gather [hbm4b:s5+s28], $0x40, s12, s28, $0xb8;
	[tilespmem:$0x1E200] =	vst v63  }
0x8d: {  	s13 =	rddreg [dreg:$0x18]  }
0x8e: {  	[tilespmem:s29], [sflag:$0x2] =	stream.indirect.gather [hbm4b:s5+s28], $0x40, s13, s28, $0xb8;
	[tilespmem:$0x1E200] =	vst v63  }
0x8f: {  	_ =	swait.ge [sflag:s24], $0x2000  }
0x90: {  	s14 =	sadd.s32 $0x0, s23;
	[sflag:s24] =	ssyncset.done $0x0  }
0x91: {  	s8 =	sadd.s32 $0x80, s14;
	[sflag:s24] =	ssyncadd.s32 $0xFFFFE000  }
0x92: {  	[spmem:s3] =	stream.indirect.scatter.add.f32 [tilespmem:s25], [sflag:$0x3], $0x40, s8, s28, $0xb8;
	[tilespmem:$0x1E200] =	vst v63  }
0x93: {  	p2 =	sle.u32 s6, $0x0;
	p3 =	sle.u32 s7, $0x0;
	_ =	swait.ge [sflag:s26], $0x2000  }
0x94: {  	s11 =	simm.s32 @!p2 $0x80;
	s8 =	sadd.s32 @!p2 $0x0, s23;
	[sflag:s26] =	ssyncset.done $0x0  }
0x95: {  	s9 =	simm.s32 @!p2 $0xB200;
	s8 =	sadd.s32 @!p2 $0x200, s8;
	[sflag:s26] =	ssyncadd.s32 $0xFFFFE000  }
0x96: {  	[tilespmem:s9], [sflag:$0x1] =	stream.indirect.gather @!p2 [hbm4b:s5+s11], $0x40, s8, s11, $0xb8;
	[tilespmem:$0x1E200] =	vst v63  }
0x97: {  	s14 =	simm.s32 @!p3 $0x80;
	_ =	swait.ge [sflag:s0], $0x2000  }
0x98: {  	p2 =	seq.s32 s22, $0x800;
	[sflag:s0] =	ssyncset.done $0x0;
	s15 =	rddreg [dreg:$0xe]  }
.Ltmp4:
0x99: {  	[sflag:s0] =	ssyncadd.s32 $0xFFFFE000;
	s16 =	sor.u32 $0x180, s15;
	(pc) =	sbr.rel @p2 .LBB2_6-.Ltmp4, $4  }
0x9a: {  	[spmem:s3] =	stream.indirect.scatter.add.f32 [tilespmem:s29], [sflag:$0x3], $0x40, s16, s28, $0xb8;
	[tilespmem:$0x1E200] =	vst v63  }
0x9b: {  	s12 =	simm.s32 @!p3 $0xD200;
	s13 =	sadd.s32 @!p3 $0x0, s23;
	_ =	swait.ge [sflag:s26], $0x2000  }
0x9c: {  	s13 =	sadd.s32 @!p3 $0x300, s13;
	s9 =	simm.s32 $0x800;
	[sflag:s26] =	ssyncset.done $0x0  }
0x9d: {  	s8 =	simm.s32 $0x2;
	s11 =	sadd.s32 $0x200, s15;
	[sflag:s26] =	ssyncadd.s32 $0xFFFFE000  }
.LBB2_5:
0x9e: {  	[tilespmem:s12], [sflag:$0x2] =	stream.indirect.gather @!p3 [hbm4b:s5+s14], $0x40, s13, s14, $0xb8;
	[tilespmem:$0x1E200] =	vst v63  }
0x9f: {  	s12 =	smov.u32 s9;
	s13 =	smov.u32 s11  }
0xa0: {  	s9 =	sadd.s32 $0x800, s9;
	_ =	swait.ge [sflag:s24], $0x2000;
	s14 =	sshra.s32 s12, $0x2  }
0xa1: {  	p2 =	seq.s32 s22, s9;
	[sflag:s24] =	ssyncset.done $0x0;
	s14 =	sadd.s32 s14, s23  }
0xa2: {  	p3 =	sge.u32 s8, s6;
	[sflag:s24] =	ssyncadd.s32 $0xFFFFE000;
	s14 =	sadd.s32 $0x80, s14  }
0xa3: {  	[spmem:s3] =	stream.indirect.scatter.add.f32 [tilespmem:s25], [sflag:$0x3], $0x40, s14, s28, $0xb8;
	[tilespmem:$0x1E200] =	vst v63  }
0xa4: {  	s14 =	sshra.s32 @!p3 s12, $0x2;
	_ =	swait.ge [sflag:s26], $0x2000  }
0xa5: {  	s15 =	simm.s32 @!p3 $0xB200;
	s14 =	sadd.s32 @!p3 s14, s23;
	[sflag:s26] =	ssyncset.done $0x0  }
0xa6: {  	s16 =	simm.s32 @!p3 $0x80;
	s14 =	sadd.s32 @!p3 $0x200, s14;
	[sflag:s26] =	ssyncadd.s32 $0xFFFFE000  }
0xa7: {  	[tilespmem:s15], [sflag:$0x1] =	stream.indirect.gather @!p3 [hbm4b:s5+s16], $0x40, s14, s16, $0xb8;
	[tilespmem:$0x1E200] =	vst v63  }
0xa8: {  	_ =	swait.ge [sflag:s0], $0x2000  }
0xa9: {  	s11 =	sadd.s32 $0x200, s11;
	p3 =	sge.u32 s8, s7;
	[sflag:s0] =	ssyncset.done $0x0  }
.Ltmp5:
0xaa: {  	s13 =	sor.u32 $0x180, s13;
	[sflag:s0] =	ssyncadd.s32 $0xFFFFE000;
	(pc) =	sbr.rel @!p2 .LBB2_5-.Ltmp5, $4  }
0xab: {  	[spmem:s3] =	stream.indirect.scatter.add.f32 [tilespmem:s29], [sflag:$0x3], $0x40, s13, s28, $0xb8;
	[tilespmem:$0x1E200] =	vst v63  }
0xac: {  	s8 =	sadd.s32 $0x2, s8;
	s12 =	sshra.s32 @!p3 s12, $0x2;
	_ =	swait.ge [sflag:s26], $0x2000  }
0xad: {  	s13 =	sadd.s32 @!p3 s12, s23;
	s12 =	simm.s32 @!p3 $0xD200;
	[sflag:s26] =	ssyncset.done $0x0  }
0xae: {  	s14 =	simm.s32 @!p3 $0x80;
	s13 =	sadd.s32 @!p3 $0x300, s13;
	[sflag:s26] =	ssyncadd.s32 $0xFFFFE000  }
.LBB2_6:
0xaf: {  	[tilespmem:s12], [sflag:$0x2] =	stream.indirect.gather @!p3 [hbm4b:s5+s14], $0x40, s13, s14, $0xb8;
	[tilespmem:$0x1E200] =	vst v63  }
0xb0: {  	s11 =	sshra.s32 s9, $0x2;
	_ =	swait.ge [sflag:s24], $0x2000  }
0xb1: {  	s11 =	sadd.s32 s11, s23;
	[sflag:s24] =	ssyncset.done $0x0  }
0xb2: {  	p2 =	sge.u32 s8, s6;
	s15 =	sadd.s32 $0x80, s11;
	[sflag:s24] =	ssyncadd.s32 $0xFFFFE000  }
0xb3: {  	[spmem:s3] =	stream.indirect.scatter.add.f32 [tilespmem:s25], [sflag:$0x3], $0x40, s15, s28, $0xb8;
	[tilespmem:$0x1E200] =	vst v63  }
0xb4: {  	s9 =	sshra.s32 @!p2 s9, $0x2;
	s12 =	simm.s32 @!p2 $0x80;
	_ =	swait.ge [sflag:s26], $0x2000  }
0xb5: {  	s13 =	simm.s32 @!p2 $0xB200;
	s9 =	sadd.s32 @!p2 s9, s23;
	[sflag:s26] =	ssyncset.done $0x0  }
0xb6: {  	s9 =	sadd.s32 @!p2 $0x200, s9;
	s16 =	rddreg [dreg:$0x5];
	[sflag:s26] =	ssyncadd.s32 $0xFFFFE000  }
0xb7: {  	[tilespmem:s13], [sflag:$0x1] =	stream.indirect.gather @!p2 [hbm4b:s5+s12], $0x40, s9, s12, $0xb8;
	[tilespmem:$0x1E200] =	vst v63  }
0xb8: {  	s9 =	sadd.s32 s8, s16;
	_ =	swait.ge [sflag:s0], $0x2000  }
0xb9: {  	s9 =	sshll.u32 s9, $0x8;
	[sflag:s0] =	ssyncset.done $0x0  }
0xba: {  	p2 =	slt.u32 s8, s7;
	s9 =	sor.u32 $0x180, s9;
	[sflag:s0] =	ssyncadd.s32 $0xFFFFE000  }
0xbb: {  	[spmem:s3] =	stream.indirect.scatter.add.f32 [tilespmem:s29], [sflag:$0x3], $0x40, s9, s28, $0xb8;
	[tilespmem:$0x1E200] =	vst v63  }
.Ltmp6:
0xbc: {  	_ = 	snop;
	(pc) =	sbr.rel @p2 .LBB2_10-.Ltmp6, $4  }
.Ltmp7:
0xbd: {  	_ = 	snop;
	(pc) =	sbr.rel @!p2 .LBB2_11-.Ltmp7, $4  }
0xbe: {  	_ =	swait.ge [sflag:s26], $0x2000  }
0xbf: {  	[sflag:s26] =	ssyncset.done $0x0  }
0xc0: {  	[sflag:s26] =	ssyncadd.s32 $0xFFFFE000  }
0xc1: {  	_ = 	snop  }
.LBB2_7:
0xc2: {  	s8 =	rddreg [dreg:$0xf]  }
0xc3: {  	[tilespmem:s25], [sflag:$0x1] =	stream.indirect.gather [hbm4b:s5+s28], $0x40, s8, s28, $0xb8;
	[tilespmem:$0x1E200] =	vst v63  }
0xc4: {  	s13 =	rddreg [dreg:$0x10]  }
0xc5: {  	[tilespmem:s29], [sflag:$0x2] =	stream.indirect.gather [hbm4b:s5+s28], $0x40, s13, s28, $0xb8;
	[tilespmem:$0x1E200] =	vst v63  }
0xc6: {  	_ =	swait.ge [sflag:s24], $0x2000  }
0xc7: {  	s14 =	sadd.s32 $0x0, s21;
	[sflag:s24] =	ssyncset.done $0x0  }
0xc8: {  	s8 =	sadd.s32 $0x80, s14;
	[sflag:s24] =	ssyncadd.s32 $0xFFFFE000  }
0xc9: {  	[spmem:s3] =	stream.indirect.scatter.add.f32 [tilespmem:s25], [sflag:$0x3], $0x40, s8, s28, $0xb8;
	[tilespmem:$0x1E200] =	vst v63  }
0xca: {  	p2 =	sle.u32 s1, $0x0;
	_ =	swait.ge [sflag:s26], $0x2000  }
0xcb: {  	s9 =	simm.s32 @!p2 $0xB200;
	s8 =	sadd.s32 @!p2 $0x0, s21;
	[sflag:s26] =	ssyncset.done $0x0  }
0xcc: {  	s11 =	simm.s32 @!p2 $0x80;
	s8 =	sadd.s32 @!p2 $0x200, s8;
	[sflag:s26] =	ssyncadd.s32 $0xFFFFE000  }
0xcd: {  	[tilespmem:s9], [sflag:$0x1] =	stream.indirect.gather @!p2 [hbm4b:s5+s11], $0x40, s8, s11, $0xb8;
	[tilespmem:$0x1E200] =	vst v63  }
0xce: {  	p3 =	sle.u32 s2, $0x0;
	_ =	swait.ge [sflag:s0], $0x2000  }
0xcf: {  	s12 =	simm.s32 @!p3 $0xD200;
	s15 =	rddreg [dreg:$0xb]  }
0xd0: {  	p2 =	seq.s32 s20, $0x800;
	[sflag:s0] =	ssyncset.done $0x0;
	s16 =	sor.u32 $0x180, s15  }
.Ltmp8:
0xd1: {  	[sflag:s0] =	ssyncadd.s32 $0xFFFFE000;
	s8 =	sadd.s32 $0x4E00, s16;
	(pc) =	sbr.rel @p2 .LBB2_9-.Ltmp8, $4  }
0xd2: {  	[spmem:s3] =	stream.indirect.scatter.add.f32 [tilespmem:s29], [sflag:$0x3], $0x40, s8, s28, $0xb8;
	[tilespmem:$0x1E200] =	vst v63  }
0xd3: {  	s14 =	simm.s32 @!p3 $0x80;
	s13 =	sadd.s32 @!p3 $0x0, s21;
	_ =	swait.ge [sflag:s26], $0x2000  }
0xd4: {  	s13 =	sadd.s32 @!p3 $0x300, s13;
	s9 =	simm.s32 $0x800;
	[sflag:s26] =	ssyncset.done $0x0  }
0xd5: {  	s11 =	sadd.s32 $0x200, s15;
	s8 =	simm.s32 $0x2;
	[sflag:s26] =	ssyncadd.s32 $0xFFFFE000  }
.LBB2_8:
0xd6: {  	[tilespmem:s12], [sflag:$0x2] =	stream.indirect.gather @!p3 [hbm4b:s5+s14], $0x40, s13, s14, $0xb8;
	[tilespmem:$0x1E200] =	vst v63  }
0xd7: {  	s12 =	smov.u32 s9;
	s13 =	smov.u32 s11  }
0xd8: {  	s9 =	sadd.s32 $0x800, s9;
	_ =	swait.ge [sflag:s24], $0x2000;
	s14 =	sshra.s32 s12, $0x2  }
0xd9: {  	p2 =	seq.s32 s20, s9;
	[sflag:s24] =	ssyncset.done $0x0;
	s14 =	sadd.s32 s14, s21  }
0xda: {  	p3 =	sge.u32 s8, s1;
	[sflag:s24] =	ssyncadd.s32 $0xFFFFE000;
	s14 =	sadd.s32 $0x80, s14  }
0xdb: {  	[spmem:s3] =	stream.indirect.scatter.add.f32 [tilespmem:s25], [sflag:$0x3], $0x40, s14, s28, $0xb8;
	[tilespmem:$0x1E200] =	vst v63  }
0xdc: {  	s14 =	sshra.s32 @!p3 s12, $0x2;
	_ =	swait.ge [sflag:s26], $0x2000  }
0xdd: {  	s15 =	simm.s32 @!p3 $0xB200;
	s14 =	sadd.s32 @!p3 s14, s21;
	[sflag:s26] =	ssyncset.done $0x0  }
0xde: {  	s16 =	simm.s32 @!p3 $0x80;
	s14 =	sadd.s32 @!p3 $0x200, s14;
	[sflag:s26] =	ssyncadd.s32 $0xFFFFE000  }
0xdf: {  	[tilespmem:s15], [sflag:$0x1] =	stream.indirect.gather @!p3 [hbm4b:s5+s16], $0x40, s14, s16, $0xb8;
	[tilespmem:$0x1E200] =	vst v63  }
0xe0: {  	s11 =	sadd.s32 $0x200, s11;
	_ =	swait.ge [sflag:s0], $0x2000  }
0xe1: {  	s13 =	sor.u32 $0x180, s13;
	p3 =	sge.u32 s8, s2;
	[sflag:s0] =	ssyncset.done $0x0  }
.Ltmp9:
0xe2: {  	s13 =	sadd.s32 $0x4E00, s13;
	[sflag:s0] =	ssyncadd.s32 $0xFFFFE000;
	(pc) =	sbr.rel @!p2 .LBB2_8-.Ltmp9, $4  }
0xe3: {  	[spmem:s3] =	stream.indirect.scatter.add.f32 [tilespmem:s29], [sflag:$0x3], $0x40, s13, s28, $0xb8;
	[tilespmem:$0x1E200] =	vst v63  }
0xe4: {  	s8 =	sadd.s32 $0x2, s8;
	s12 =	sshra.s32 @!p3 s12, $0x2;
	_ =	swait.ge [sflag:s26], $0x2000  }
0xe5: {  	s13 =	sadd.s32 @!p3 s12, s21;
	s12 =	simm.s32 @!p3 $0xD200;
	[sflag:s26] =	ssyncset.done $0x0  }
0xe6: {  	s14 =	simm.s32 @!p3 $0x80;
	s13 =	sadd.s32 @!p3 $0x300, s13;
	[sflag:s26] =	ssyncadd.s32 $0xFFFFE000  }
.LBB2_9:
0xe7: {  	[tilespmem:s12], [sflag:$0x2] =	stream.indirect.gather @!p3 [hbm4b:s5+s14], $0x40, s13, s14, $0xb8;
	[tilespmem:$0x1E200] =	vst v63  }
0xe8: {  	s11 =	sshra.s32 s9, $0x2;
	_ =	swait.ge [sflag:s24], $0x2000  }
0xe9: {  	p2 =	sge.u32 s8, s1;
	s11 =	sadd.s32 s11, s21;
	[sflag:s24] =	ssyncset.done $0x0  }
0xea: {  	s9 =	sshra.s32 @!p2 s9, $0x2;
	s14 =	sadd.s32 $0x80, s11;
	[sflag:s24] =	ssyncadd.s32 $0xFFFFE000  }
0xeb: {  	[spmem:s3] =	stream.indirect.scatter.add.f32 [tilespmem:s25], [sflag:$0x3], $0x40, s14, s28, $0xb8;
	[tilespmem:$0x1E200] =	vst v63  }
0xec: {  	s13 =	simm.s32 @!p2 $0x80;
	s9 =	sadd.s32 @!p2 s9, s21;
	_ =	swait.ge [sflag:s26], $0x2000  }
0xed: {  	s9 =	sadd.s32 @!p2 $0x200, s9;
	[sflag:s26] =	ssyncset.done $0x0;
	s15 =	rddreg [dreg:$0x6]  }
0xee: {  	s14 =	simm.s32 @!p2 $0xB200;
	s12 =	sadd.s32 s8, s15;
	[sflag:s26] =	ssyncadd.s32 $0xFFFFE000  }
0xef: {  	[tilespmem:s14], [sflag:$0x1] =	stream.indirect.gather @!p2 [hbm4b:s5+s13], $0x40, s9, s13, $0xb8;
	[tilespmem:$0x1E200] =	vst v63  }
0xf0: {  	s16 =	sshll.u32 s12, $0x8;
	_ =	swait.ge [sflag:s0], $0x2000  }
0xf1: {  	s9 =	sor.u32 $0x180, s16;
	[sflag:s0] =	ssyncset.done $0x0  }
0xf2: {  	p2 =	sge.u32 s8, s2;
	s9 =	sadd.s32 $0x4E00, s9;
	[sflag:s0] =	ssyncadd.s32 $0xFFFFE000  }
0xf3: {  	[spmem:s3] =	stream.indirect.scatter.add.f32 [tilespmem:s29], [sflag:$0x3], $0x40, s9, s28, $0xb8;
	[tilespmem:$0x1E200] =	vst v63  }
.Ltmp10:
0xf4: {  	_ = 	snop;
	(pc) =	sbr.rel @p2 .LBB2_11-.Ltmp10, $4  }
.Ltmp11:
0xf5: {  	_ = 	snop;
	(pc) =	sbr.rel @!p2 .LBB2_10-.Ltmp11, $4  }
0xf6: {  	_ =	swait.ge [sflag:s26], $0x2000  }
0xf7: {  	[sflag:s26] =	ssyncset.done $0x0  }
0xf8: {  	[sflag:s26] =	ssyncadd.s32 $0xFFFFE000  }
0xf9: {  	_ = 	snop  }
.LBB2_12:
0xfa: {  	_ =	sfence.sel $0x180000  }
0xfb: {  	[bflag:$0x0] =	sbarrier.arrive $0xFFFF  }
0xfc: {  	_ =	strace $0x9000004A  }
0xfd: {  	s0 =	stileid.u32;
	[bflag:$0x2] =	sbarrier.arrive $0xFFFF  }
0xfe: {  	p0 =	sne.s32 s0, $0x0;
	s0 =	rddreg [dreg:$0x4]  }
0xff: {  	s0 =	sadd.s32 @!p0 $0x100000, s0  }
0x100: {  	[sflag:s0] =	ssyncadd.tile.s32 @!p0 $0x1;
	_ =	shalt  }
.Lfunc_end2:
_tile_overlayer_lowered:
.L_overlay_start_2:
0x101: {  	(tag) =	ssettag $0x2  }
0x102: {  	s0 =	rddreg [dreg:$0x0];
	s2 =	stileid.u32  }
0x103: {  	s1 =	rddreg [dreg:$0x1];
	p0 =	sne.s32 s2, $0x0  }
0x104: {  	s3 =	rddreg [dreg:$0x2];
	[bflag:$0x3] =	sbarrier.arrive $0xFFFF;
	s2 =	simm.s32 @!p0 $0x1C03  }
0x105: {  	[timem:s3], [sflag:s2] =	dma.local @!p0 [hbm:s0], s1  }
0x106: {  	s0 =	simm.s32 @!p0 $0x3  }
0x107: {  	_ =	swait.ge @!p0 [sflag:s0], s1  }
0x108: {  	s1 =	ssub.s32 @!p0 $0x0, s1;
	[sflag:s0] =	ssyncset.done @!p0 $0x0  }
0x109: {  	[sflag:s0] =	ssyncadd.s32 @!p0 s1  }
0x10a: {  	[bflag:$0x3] =	sbarrier.arrive $0xFFFF  }
0x10b: {  	_ =	shalt  }

// kernel: kernel.16.cloned.1.call-start
scs
__scs_entry_jumppad:
0x0: {  	(pc) =	sbr.rel $0x88, $3  }
0x1: {  	(tag) =	ssettag $0x0;
	lr =	simm.s32 $0x1  }
0x2: {  	[smem:$0x3F93] =	sst lr;
	_ =	strace $0xD0000000  }
0x3: {  	_ = 	snop  }
0x4: {  	_ = 	snop  }
0x5: {  	_ = 	snop  }
0x6: {  	_ = 	snop  }
0x7: {  	_ = 	snop  }
__scs_overlays_trampoline_lowered:
0x8: {  	[smem:$0x3FA2] =	sst s0  }
0x9: {  	[smem:$0x3FA3] =	sst s1  }
0xa: {  	[smem:$0x3FA4] =	sst s2  }
0xb: {  	[smem:$0x3FA5] =	sst s3  }
0xc: {  	[smem:$0x3FA6] =	sst s4  }
0xd: {  	[smem:$0x3FA7] =	sst s5  }
0xe: {  	[smem:$0x3FA8] =	sst s6  }
0xf: {  	[smem:$0x3FA9] =	sst s7  }
0x10: {  	[smem:$0x3FAA] =	sst s8  }
0x11: {  	[smem:$0x3FAB] =	sst s9;
	s0 =	simm.s32 @!p0 $0x0  }
0x12: {  	s1 =	sld [smem:$0x3F91];
	s0 =	simm.s32 @p0 $0x1  }
0x13: {  	[smem:$0x3FAC] =	sst s0;
	s0 =	simm.s32 @!p1 $0x0  }
0x14: {  	s2 =	sld [smem:$0x3F90];
	s0 =	simm.s32 @p1 $0x1  }
0x15: {  	[smem:$0x3FAD] =	sst s0;
	s0 =	simm.s32 @!p2 $0x0  }
0x16: {  	s3 =	sld [smem:$0x3FDB];
	s0 =	simm.s32 @p2 $0x1  }
0x17: {  	s4 =	simm.s32 $0x1BF5;
	[smem:$0x3FAF] =	sst s0  }
0x18: {  	s0 =	sld [smem:$0x3F92];
	_ =	swait.ge [sflag:s4], $0x0  }
0x19: {  	s7 =	sld [smem:$0x3F93]  }
0x1a: {  	s8 =	sadd.s32 $0xFFFFE003, lr  }
0x1b: {  	s9 =	sadd.s32 $0xFFFFFEF7, lr;
	s5 =	simm.s32 $0xFFFFFFFF;
	p2 =	slt.u32 s8, $0xFFFFF086  }
0x1c: {  	p1 =	slt.u32 s9, $0xF7A;
	s5 =	simm.s32 @!p2 $0x0  }
0x1d: {  	s5 =	simm.s32 @p1 $0x1;
	p0 =	seq.s32 s7, s2  }
0x1e: {  	s7 =	smul.u32 @!p0 $0xF7A, s2;
	p2 =	seq.s32 @!p0 s5, $0x0  }
0x1f: {  	s9 =	smul.u32 $0xF7A, s1;
	s8 =	simm.s32 @!p0 $0x1BF5;
	p2 =	por !p2, p0  }
0x20: {  	[sflag:s8] =	ssyncset.s32 @!p0 $0xFFFFF086;
	s6 =	sadd.s32 @!p0 s3, s7;
	s7 =	simm.s32 @!p0 $0x108  }
0x21: {  	s3 =	sadd.s32 s3, s9;
	s6 =	sadd.s32 @!p0 $0x88, s6;
	s7 =	simm.s32 @p2 $0x1082  }
0x22: {  	[simem:s7], [sflag:s8] =	dma.local @!p0 [hbm:s6], $0xF7A  }
0x23: {  	s9 =	sor.u32 $0xD0000000, s2;
	s6 =	simm.s32 $0x108;
	_ =	swait.ge @!p0 [sflag:s8], $0x0  }
0x24: {  	s3 =	sadd.s32 $0x88, s3;
	s6 =	simm.s32 @!p1 $0x1082;
	[sflag:s4] =	ssyncset.s32 $0xFFFFF086  }
0x25: {  	[simem:s6], [sflag:s4] =	dma.local [hbm:s3], $0xF7A  }
0x26: {  	[smem:$0x3F93] =	sst s1;
	(tag) =	ssettag s2;
	_ =	strace s9  }
0x27: {  	s1 =	sld [smem:$0x3FA3]  }
0x28: {  	s2 =	sld [smem:$0x3FA4]  }
0x29: {  	s4 =	sld [smem:$0x3FA6]  }
0x2a: {  	p0 =	seq.s32 s5, $0x0;
	s5 =	sld [smem:$0x3FA7]  }
0x2b: {  	s6 =	sld [smem:$0x3FA8]  }
0x2c: {  	s7 =	sld [smem:$0x3FA9]  }
0x2d: {  	s3 =	simm.s32 $0x108;
	s8 =	sld [smem:$0x3FAA]  }
0x2e: {  	s3 =	simm.s32 @!p0 $0x1082;
	s9 =	sld [smem:$0x3FAB]  }
0x2f: {  	lr =	sadd.s32 s0, s3;
	s0 =	sld [smem:$0x3FA2]  }
0x30: {  	s3 =	sld [smem:$0x3FA5]  }
0x31: {  	[smem:$0x3FAE] =	sst s10  }
0x32: {  	s10 =	sld [smem:$0x3FAC];
	_ =	sdelay $0x3  }
0x33: {  	p0 =	seq.s32 s10, $0x1;
	s10 =	sld [smem:$0x3FAE];
	_ =	sdelay $0x3  }
0x34: {  	[smem:$0x3FAE] =	sst s10  }
0x35: {  	s10 =	sld [smem:$0x3FAD];
	_ =	sdelay $0x3  }
0x36: {  	p1 =	seq.s32 s10, $0x1;
	s10 =	sld [smem:$0x3FAE];
	_ =	sdelay $0x3  }
0x37: {  	[smem:$0x3FAE] =	sst s10  }
0x38: {  	s10 =	sld [smem:$0x3FAF]  }
0x39: {  	_ = 	snop;
	(pc) =	sbr.ind lr, $3  }
0x3a: {  	_ = 	snop  }
0x3b: {  	_ = 	snop  }
0x3c: {  	p2 =	seq.s32 s10, $0x1;
	s10 =	sld [smem:$0x3FAE]  }
0x3d: {  	_ =	shalt  }
0x3e: {  	_ =	shalt  }
0x3f: {  	_ =	shalt  }
0x40: {  	_ =	shalt  }
0x41: {  	_ =	shalt  }
0x42: {  	_ =	shalt  }
0x43: {  	_ =	shalt  }
0x44: {  	_ =	shalt  }
0x45: {  	_ =	shalt  }
0x46: {  	_ =	shalt  }
0x47: {  	_ =	shalt  }
0x48: {  	_ =	shalt  }
0x49: {  	_ =	shalt  }
0x4a: {  	_ =	shalt  }
0x4b: {  	_ =	shalt  }
0x4c: {  	_ =	shalt  }
0x4d: {  	_ =	shalt  }
0x4e: {  	_ =	shalt  }
0x4f: {  	_ =	shalt  }
0x50: {  	_ =	shalt  }
0x51: {  	_ =	shalt  }
0x52: {  	_ =	shalt  }
0x53: {  	_ =	shalt  }
0x54: {  	_ =	shalt  }
0x55: {  	_ =	shalt  }
0x56: {  	_ =	shalt  }
0x57: {  	_ =	shalt  }
0x58: {  	_ =	shalt  }
0x59: {  	_ =	shalt  }
0x5a: {  	_ =	shalt  }
0x5b: {  	_ =	shalt  }
0x5c: {  	_ =	shalt  }
0x5d: {  	_ =	shalt  }
0x5e: {  	_ =	shalt  }
0x5f: {  	_ =	shalt  }
0x60: {  	_ =	shalt  }
0x61: {  	_ =	shalt  }
0x62: {  	_ =	shalt  }
0x63: {  	_ =	shalt  }
0x64: {  	_ =	shalt  }
0x65: {  	_ =	shalt  }
0x66: {  	_ =	shalt  }
0x67: {  	_ =	shalt  }
0x68: {  	_ =	shalt  }
0x69: {  	_ =	shalt  }
0x6a: {  	_ =	shalt  }
0x6b: {  	_ =	shalt  }
0x6c: {  	_ =	shalt  }
0x6d: {  	_ =	shalt  }
0x6e: {  	_ =	shalt  }
0x6f: {  	_ =	shalt  }
0x70: {  	_ =	shalt  }
0x71: {  	_ =	shalt  }
0x72: {  	_ =	shalt  }
0x73: {  	_ =	shalt  }
0x74: {  	_ =	shalt  }
0x75: {  	_ =	shalt  }
0x76: {  	_ =	shalt  }
0x77: {  	_ =	shalt  }
0x78: {  	_ =	shalt  }
0x79: {  	_ =	shalt  }
0x7a: {  	_ =	shalt  }
0x7b: {  	_ =	shalt  }
0x7c: {  	_ =	shalt  }
0x7d: {  	_ =	shalt  }
0x7e: {  	_ =	shalt  }
0x7f: {  	_ =	shalt  }
0x80: {  	_ =	shalt  }
0x81: {  	_ =	shalt  }
0x82: {  	_ =	shalt  }
0x83: {  	_ =	shalt  }
0x84: {  	_ =	shalt  }
0x85: {  	_ =	shalt  }
0x86: {  	_ =	shalt  }
0x87: {  	_ =	shalt  }
.Lfunc_end0:
.L_simem_size_0:
called_computation.2_lowered:
.L_overlay_start_0:
0x88: {  	s2 =	sld [smem:$0x3FD9]  }
0x89: {  	s3 =	sld [smem:$0x3FFE];
	_ =	sdelay $0x1  }
0x8a: {  	s1 =	srdreg.scid  }
0x8b: {  	s0 =	sand.u32 $0x1, s1  }
0x8c: {  	s16 =	sshll.u32 s0, $0xA;
	s2 =	sadd.s32 s3, s2  }
0x8d: {  	s2 =	sadd.s32 s2, s16  }
0x8e: {  	[smem:$0x3FBA] =	sst s2  }
0x8f: {  	_ = 	snop  }
0x90: {  	(tm) =	ssettm $0x1  }
0x91: {  	s17 =	sld [smem:$0x3FFB];
	_ =	sdelay $0x3  }
0x92: {  	_ =	strace s17  }
0x93: {  	s2 =	sld [smem:$0x3FFC];
	_ =	sdelay $0x3  }
0x94: {  	_ =	strace s2  }
0x95: {  	s2 =	sld [smem:$0x3FFD];
	_ =	sdelay $0x3  }
0x96: {  	_ =	strace s2  }
0x97: {  	_ =	strace $0x8FFFFFFF  }
0x98: {  	s18 =	sld [smem:$0x3FDB];
	_ =	sdelay $0x1  }
0x99: {  	s19 =	simm.s32 $_scs_section_size  }
0x9a: {  	s4 =	simm.s32 $_size__tile_overlayer_lowered;
	s5 =	simm.s32 $_tile_overlayer_lowered  }
0x9b: {  	s22 =	simm.s32 $0x1BFF;
	s21 =	sshll.u32 s5, $0x1;
	s2 =	sadd.s32 s19, s18  }
0x9c: {  	s6 =	simm.s32 $0x0;
	s20 =	sshll.u32 s4, $0x1;
	s4 =	sadd.s32 s21, s2  }
0x9d: {  	[timem:s6], [sflag:s22] =	dma.local [hbm:s4], s20  }
0x9e: {  	_ =	swait.ge [sflag:s22], s20  }
0x9f: {  	s3 =	ssub.s32 $0x0, s20;
	[sflag:s22] =	ssyncset.done $0x0  }
0xa0: {  	[sflag:s22] =	ssyncadd.s32 s3;
	_ =	sdelay $0x1  }
0xa1: {  	s23 =	simm.s32 $0x1B8B  }
0xa2: {  	_ =	swait.ge [sflag:s23], $0x1  }
0xa3: {  	[sflag:s23] =	ssyncset.done $0x0  }
0xa4: {  	s25 =	simm.s32 $0x1B8E;
	s24 =	sld [smem:$0x3FFE];
	[sflag:s23] =	ssyncadd.s32 $0xFFFFFFFF  }
0xa5: {  	s26 =	simm.s32 $execute0_lowered;
	[smem:$0x3FD2] =	sst s25  }
0xa6: {  	s4 =	sshll.u32 s26, $0x1;
	_ =	strace $0x8000004C;
	[dreg:$0x1] =	wrdreg $0xFFFFFFFF  }
0xa7: {  	s28 =	simm.s32 $_size_execute0_lowered;
	s2 =	sadd.s32 s2, s4;
	[dreg:$0x0] =	wrdreg $0x0  }
0xa8: {  	s4 =	sshll.u32 s28, $0x1;
	[dreg:$0x2] =	wrdreg s2  }
0xa9: {  	[dreg:$0x3] =	wrdreg s4  }
0xaa: {  	[dreg:$0x4] =	wrdreg $0xC0  }
0xab: {  	_ =	task [dreg:s6], $0x5FFFF  }
0xac: {  	[dreg:$0x1] =	wrdreg $0xFFFFFFFF  }
0xad: {  	[dreg:$0x0] =	wrdreg $0x60  }
0xae: {  	[dreg:$0x2] =	wrdreg s24  }
0xaf: {  	[dreg:$0x3] =	wrdreg $0x9  }
0xb0: {  	_ =	task.clear_ibuf [dreg:s6], $0x4FFFF;
	_ =	strace $0x9000004C  }
0xb1: {  	s29 =	simm.s32 $0x9;
	_ =	strace $0x8000004E  }
0xb2: {  	_ =	swait.ge [sflag:s29], $0x1  }
0xb3: {  	[sflag:s29] =	ssyncadd.s32 $0xFFFFFFFF  }
0xb4: {  	_ =	strace $0x9000004E  }
0xb5: {  	_ =	sfence  }
0xb6: {  	s30 =	sld [smem:$0x0];
	_ =	sdelay $0x2  }
0xb7: {  	s31 =	sshll.u32 s1, $0xD;
	s1 =	sshrl.u32 s1, $0x2  }
0xb8: {  	s3 =	sand.u32 $0x4000, s31;
	s1 =	sadd.s32 s1, s30  }
0xb9: {  	s0 =	sor.u32 s3, s0;
	s1 =	sshll.u32 s1, $0x11  }
0xba: {  	s0 =	sor.u32 s1, s0  }
0xbb: {  	s0 =	sadd.s32 $0x8F2B, s0  }
0xbc: {  	[sflag:s0] =	ssyncadd.remote.s32 $0x1  }
0xbd: {  	_ =	sfence.sel $0xFFFF  }
0xbe: {  	[dreg:$0x0] =	wrdreg $0xFFFFFFFF;
	(pc) =	sbr.abs _section_cstart, $3  }
0xbf: {  	[dreg:$0x1] =	wrdreg $0xFFFFFFFF  }
0xc0: {  	_ =	task.clear_ibuf [dreg:s6], $0x2FFFF;
	_ =	strace $0x9FFFFFFF  }
0xc1: {  	(tm) =	ssettm $0x7FFFFFFF  }
tec
execute0_lowered:
.L_overlay_start_1:
0x0: {  	(tag) =	ssettag $0x1  }
0x1: {  	s1 =	srdreg.scid  }
0x2: {  	s0 =	stileid.u32;
	s5 =	rddreg [dreg:$0x0];
	s2 =	simm.s32 $0x0  }
0x3: {  	s11 =	simm.s32 $0x1;
	s12 =	simm.s32 $0x7800;
	s13 =	simm.s32 $0xF000  }
0x4: {  	s14 =	simm.s32 $0x16800;
	s15 =	simm.s32 $0x16BC0;
	s16 =	simm.s32 $0x16FC0  }
0x5: {  	s17 =	simm.s32 $0x169E0;
	s4 =	sand.u32 $0x1, s1;
	s29 =	sshll.u32 s0, $0x1  }
0x6: {  	s18 =	simm.s32 $0x0;
	[smem:$0x7FF] =	sst s2;
	s3 =	sor.u32 s4, s29  }
0x7: {  	s1 =	rddreg [dreg:$0x1];
	_ =	strace $0x8000004D;
	s6 =	smul.u32 $0x7800, s3  }
0x8: {  	s30 =	ssub.s32 $0x2, s4;
	s4 =	sadd.s32 $0x5DA00, s5;
	s7 =	smul.u32 $0x3C, s3  }
0x9: {  	v0 =	vlaneseq.u32;
	s3 =	sadd.s32 $0x5D800, s5;
	s31 =	sshrl.u32 s30, $0x1;
	s6 =	sshrl.u32 s6, $0x3  }
0xa: {  	v0 =	vmul.u32 $0x40, v0;
	s10 =	ssub.s32 s30, s31;
	s9 =	sadd.s32 s7, s5;
	s8 =	sadd.s32 s6, s5  }
0xb: {  	s10 =	smax.u32 s10, $0x1;
	s5 =	sadd.s32 $0x21800, s8;
	s6 =	sadd.s32 $0x3F800, s8  }
0xc: {  	[tilespmem:$0x1FFF0] =	vst v0;
	s7 =	sadd.s32 $0x3800, s8;
	s8 =	sadd.s32 $0x3000, s9;
	s9 =	sadd.s32 $0x5DC00, s9  }
.LBB2_1:
0xd: {  	[tilespmem:s2], [sflag:$0x1] =	stream.linear.gather [hbm4b:s5+s2], $0x7800, $0x38;
	[tilespmem:$0x173C0] =	vst v63  }
0xe: {  	_ =	swait.ge [sflag:s11], $0x7800  }
0xf: {  	[sflag:s11] =	ssyncset.done $0x0  }
0x10: {  	[sflag:s11] =	ssyncadd.s32 $0xFFFF8800  }
0x11: {  	[tilespmem:s12], [sflag:$0x1] =	stream.linear.gather [hbm4b:s6+s2], $0x7800, $0x38;
	[tilespmem:$0x173C0] =	vst v63  }
0x12: {  	_ =	swait.ge [sflag:s11], $0x7800  }
0x13: {  	[sflag:s11] =	ssyncset.done $0x0  }
0x14: {  	[sflag:s11] =	ssyncadd.s32 $0xFFFF8800  }
0x15: {  	[tilespmem:s13], [sflag:$0x1] =	stream.linear.gather [hbm4b:s7+s2], $0x7800, $0x38;
	[tilespmem:$0x173C0] =	vst v63  }
0x16: {  	_ =	swait.ge [sflag:s11], $0x7800  }
0x17: {  	[sflag:s11] =	ssyncset.done $0x0  }
0x18: {  	[sflag:s11] =	ssyncadd.s32 $0xFFFF8800  }
0x19: {  	[tilespmem:s14], [sflag:$0x1] =	stream.linear.gather [hbm4b:s8+s2], $0x1E0, $0x38;
	[tilespmem:$0x173C0] =	vst v63  }
0x1a: {  	_ =	swait.ge [sflag:s11], $0x1E0  }
0x1b: {  	[sflag:s11] =	ssyncset.done $0x0  }
0x1c: {  	[sflag:s11] =	ssyncadd.s32 $0xFFFFFE20  }
0x1d: {  	[tilespmem:s15], [sflag:$0x1] =	stream.linear.gather [hbm4b:s3+s2], $0x400, $0x38;
	[tilespmem:$0x173C0] =	vst v63  }
0x1e: {  	_ =	swait.ge [sflag:s11], $0x400  }
0x1f: {  	[sflag:s11] =	ssyncset.done $0x0  }
0x20: {  	[sflag:s11] =	ssyncadd.s32 $0xFFFFFC00  }
0x21: {  	[tilespmem:s16], [sflag:$0x1] =	stream.linear.gather [hbm4b:s4+s2], $0x400, $0x38;
	[tilespmem:$0x173C0] =	vst v63  }
0x22: {  	_ =	swait.ge [sflag:s11], $0x400  }
0x23: {  	[sflag:s11] =	ssyncset.done $0x0  }
0x24: {  	s19 =	simm.s32 $0x0;
	[sflag:s11] =	ssyncadd.s32 $0xFFFFFC00  }
0x25: {  	v6 =	vld [tilespmem:s19+$0xF000]  }
0x26: {  	v5 =	vld [tilespmem:s19+$0xF010]  }
0x27: {  	v4 =	vld [tilespmem:s19+$0x7800]  }
0x28: {  	v3 =	vld [tilespmem:s19+$0x7810]  }
0x29: {  	v2 =	vld [tilespmem:s19+$0x7820]  }
0x2a: {  	v1 =	vld [tilespmem:s19+$0x7830]  }
0x2b: {  	v8 =	vld [tilespmem:s19+$0x0]  }
0x2c: {  	v9 =	vld [tilespmem:s19+$0x10]  }
0x2d: {  	s20 =	simm.s32 $0x100;
	v7 =	vld [tilespmem:s19+$0x20]  }
.LBB2_2:
0x2e: {  	p0 =	sne.s32 s20, $0x1DF00;
	v10 =	vld [tilespmem:s19+$0x30]  }
0x2f: {  	v11 =	vld [tilespmem:s19+$0xF020]  }
0x30: {  	s21 =	sshra.s32 s20, $0x2;
	v4 =	vadd.f32 v4, v8;
	v8 =	vld [tilespmem:s19+$0xF030]  }
0x31: {  	v12 =	vld [tilespmem:s21+$0xF000];
	v3 =	vadd.f32 v3, v9  }
0x32: {  	v9 =	vld [tilespmem:s21+$0xF010];
	v6 =	vadd.f32 v6, v4;
	v2 =	vadd.f32 v2, v7  }
0x33: {  	v4 =	vld [tilespmem:s21+$0x7800];
	v5 =	vadd.f32 v5, v3;
	v1 =	vadd.f32 v1, v10  }
0x34: {  	v3 =	vld [tilespmem:s21+$0x7810];
	[tilespmem:s19+$0x0] =	vst v6;
	v7 =	vadd.f32 v11, v2  }
.Ltmp0:
0x35: {  	v2 =	vld [tilespmem:s21+$0x7820];
	[tilespmem:s19+$0x10] =	vst v5;
	v10 =	vadd.f32 v8, v1;
	(pc) =	sbr.rel @p0 .LBB2_2-.Ltmp0, $4  }
0x36: {  	v1 =	vld [tilespmem:s21+$0x7830];
	[tilespmem:s19+$0x20] =	vst v7;
	v6 =	vmov v12  }
0x37: {  	v8 =	vld [tilespmem:s21+$0x0];
	[tilespmem:s19+$0x30] =	vst v10;
	v5 =	vmov v9;
	s19 =	smov.u32 s21  }
0x38: {  	v9 =	vld [tilespmem:s19+$0x10]  }
0x39: {  	s20 =	sadd.s32 $0x100, s20;
	v7 =	vld [tilespmem:s19+$0x20]  }
0x3a: {  	v10 =	vld [tilespmem:s19+$0x30]  }
0x3b: {  	v11 =	vld [tilespmem:s19+$0xF020]  }
0x3c: {  	v63 =	vld [tilespmem:s19+$0xF030];
	v4 =	vadd.f32 v4, v8  }
0x3d: {  	v3 =	vadd.f32 v3, v9  }
0x3e: {  	v4 =	vadd.f32 v6, v4;
	v2 =	vadd.f32 v2, v7  }
0x3f: {  	v3 =	vadd.f32 v5, v3;
	v1 =	vadd.f32 v1, v10  }
0x40: {  	[tilespmem:s19+$0x0] =	vst v4;
	v2 =	vadd.f32 v11, v2  }
0x41: {  	[tilespmem:s19+$0x10] =	vst v3;
	v1 =	vadd.f32 v63, v1  }
0x42: {  	[tilespmem:s19+$0x20] =	vst v2  }
0x43: {  	s20 =	simm.s32 $0x16800;
	s21 =	simm.s32 $0x169E0;
	[tilespmem:s19+$0x30] =	vst v1;
	s19 =	simm.s32 $0x0  }
.LBB2_4:
0x44: {  	_ =	sdelay $0x1  }
0x45: {  	v1 =	vmov s19  }
0x46: {  	v1 =	vshll.u32 v1, $0x6  }
0x47: {  	v2 =	vor.u32 v0, v1  }
0x48: {  	v5 =	vor.u32 $0x14, v2;
	_ =	sdelay $0x4  }
0x49: {  	v16 =	vor.u32 $0x15, v2;
	v0 =	vld.idx.msk [tilespmem:v5+s2+$0x0], $0xffff;
	_ =	sdelay $0x2  }
0x4a: {  	v42 =	vor.u32 $0x6, v2  }
0x4b: {  	v48 =	vor.u32 $0xE, v2  }
0x4c: {  	v18 =	vor.u32 $0x16, v2;
	[tilespmem:$0x1FED0] =	vst v0;
	v0 =	vld.idx.msk [tilespmem:v16+s2+$0x0], $0xffff;
	_ =	sdelay $0x2  }
0x4d: {  	v63 =	vld.idx.msk [tilespmem:v42+s2+$0x0], $0xffff  }
0x4e: {  	v42 =	vld.idx.msk [tilespmem:v48+s2+$0x0], $0xffff  }
0x4f: {  	v48 =	vor.u32 $0x17, v2;
	[tilespmem:$0x1FEE0] =	vst v0;
	v0 =	vld.idx.msk [tilespmem:v18+s2+$0x0], $0xffff  }
0x50: {  	v31 =	vld [tilespmem:$0x16BC0]  }
0x51: {  	v32 =	vld [tilespmem:$0x16FC0]  }
0x52: {  	v37 =	vld [tilespmem:$0x16BD0]  }
0x53: {  	v41 =	vld [tilespmem:$0x16FD0]  }
0x54: {  	v52 =	vor.u32 $0x18, v2;
	[tilespmem:$0x1FEF0] =	vst v0;
	v0 =	vld.idx.msk [tilespmem:v48+s2+$0x0], $0xffff  }
0x55: {  	v43 =	vld [tilespmem:$0x16BE0]  }
0x56: {  	v45 =	vld [tilespmem:$0x16FE0]  }
0x57: {  	v56 =	vld [tilespmem:$0x16BF0]  }
0x58: {  	v28 =	vld [tilespmem:$0x16FF0];
	v58 =	vor.u32 $0x11, v2  }
0x59: {  	v53 =	vor.u32 $0x19, v2;
	[tilespmem:$0x1FF00] =	vst v0;
	v0 =	vld.idx.msk [tilespmem:v52+s2+$0x0], $0xffff  }
0x5a: {  	v57 =	vld [tilespmem:$0x16C00]  }
0x5b: {  	v60 =	vld [tilespmem:$0x17000]  }
0x5c: {  	v62 =	vld [tilespmem:$0x16C10];
	v4 =	vor.u32 $0x2, v2  }
0x5d: {  	v59 =	vor.u32 $0x12, v2;
	v24 =	vld.idx.msk [tilespmem:v58+s2+$0x0], $0xffff  }
0x5e: {  	v58 =	vor.u32 $0x1A, v2;
	[tilespmem:$0x1FF10] =	vst v0;
	v0 =	vld.idx.msk [tilespmem:v53+s2+$0x0], $0xffff  }
0x5f: {  	v29 =	vld [tilespmem:$0x17010]  }
0x60: {  	v15 =	vld [tilespmem:$0x16C20]  }
0x61: {  	v40 =	vld.idx.msk [tilespmem:v4+s2+$0x0], $0xffff  }
0x62: {  	v4 =	vor.u32 $0x13, v2;
	v22 =	vld.idx.msk [tilespmem:v59+s2+$0x0], $0xffff  }
0x63: {  	v59 =	vor.u32 $0x1B, v2;
	[tilespmem:$0x1FF20] =	vst v0;
	v0 =	vld.idx.msk [tilespmem:v58+s2+$0x0], $0xffff  }
0x64: {  	v34 =	vld [tilespmem:$0x17020]  }
0x65: {  	v17 =	vld [tilespmem:$0x16C30]  }
0x66: {  	v50 =	vld [tilespmem:$0x17030]  }
0x67: {  	v21 =	vld.idx.msk [tilespmem:v4+s2+$0x0], $0xffff  }
0x68: {  	v4 =	vor.u32 $0x1C, v2;
	[tilespmem:$0x1FF30] =	vst v0;
	v0 =	vld.idx.msk [tilespmem:v59+s2+$0x0], $0xffff  }
0x69: {  	v19 =	vld [tilespmem:$0x16C40]  }
0x6a: {  	v38 =	vld [tilespmem:$0x17040]  }
0x6b: {  	v54 =	vld [tilespmem:$0x16C50]  }
0x6c: {  	v35 =	vld [tilespmem:$0x17050]  }
0x6d: {  	v5 =	vor.u32 $0x1D, v2;
	[tilespmem:$0x1FF40] =	vst v0;
	v0 =	vld.idx.msk [tilespmem:v4+s2+$0x0], $0xffff  }
0x6e: {  	v27 =	vld [tilespmem:$0x16C60]  }
0x6f: {  	v25 =	vld [tilespmem:$0x17060]  }
0x70: {  	v30 =	vld [tilespmem:$0x17070];
	v3 =	vor.u32 $0x1, v2  }
0x71: {  	v7 =	vld [tilespmem:$0x17080];
	v39 =	vor.u32 $0x4, v2  }
0x72: {  	v48 =	vor.u32 $0x1E, v2;
	[tilespmem:$0x1FF50] =	vst v0;
	v0 =	vld.idx.msk [tilespmem:v5+s2+$0x0], $0xffff  }
0x73: {  	v1 =	vld [tilespmem:s20+$0x0];
	v44 =	vor.u32 $0x8, v2  }
0x74: {  	v6 =	vor.u32 $0x9, v2;
	v26 =	vld.idx.msk [tilespmem:v2+s2+$0x0], $0xffff  }
0x75: {  	v8 =	vor.u32 $0xA, v2;
	v36 =	vld.idx.msk [tilespmem:v3+s2+$0x0], $0xffff  }
0x76: {  	v12 =	vor.u32 $0x10, v2;
	v47 =	vld.idx.msk [tilespmem:v39+s2+$0x0], $0xffff  }
0x77: {  	v52 =	vor.u32 $0x1F, v2;
	[tilespmem:$0x1FF60] =	vst v0;
	v0 =	vld.idx.msk [tilespmem:v48+s2+$0x0], $0xffff  }
0x78: {  	v9 =	vor.u32 $0xB, v2;
	v14 =	vld.idx.msk [tilespmem:v44+s2+$0x0], $0xffff  }
0x79: {  	v20 =	vld.idx.msk [tilespmem:v6+s2+$0x0], $0xffff  }
0x7a: {  	v46 =	vor.u32 $0xC, v2;
	v44 =	vld.idx.msk [tilespmem:v8+s2+$0x0], $0xffff  }
0x7b: {  	v10 =	vor.u32 $0xD, v2;
	v23 =	vld.idx.msk [tilespmem:v12+s2+$0x0], $0xffff  }
0x7c: {  	v12 =	vor.u32 $0x20, v2;
	[tilespmem:$0x1FF70] =	vst v0;
	v0 =	vld.idx.msk [tilespmem:v52+s2+$0x0], $0xffff  }
0x7d: {  	v3 =	vor.u32 $0x3, v2;
	v51 =	vld.idx.msk [tilespmem:v9+s2+$0x0], $0xffff  }
0x7e: {  	v11 =	vor.u32 $0xF, v2;
	v39 =	vld [tilespmem:$0x16C70]  }
0x7f: {  	v55 =	vld.idx.msk [tilespmem:v46+s2+$0x0], $0xffff  }
0x80: {  	v46 =	vld.idx.msk [tilespmem:v10+s2+$0x0], $0xffff  }
0x81: {  	v53 =	vor.u32 $0x21, v2;
	[tilespmem:$0x1FF80] =	vst v0;
	v0 =	vld.idx.msk [tilespmem:v12+s2+$0x0], $0xffff  }
0x82: {  	v49 =	vld.idx.msk [tilespmem:v3+s2+$0x0], $0xffff;
	v3 =	vor.u32 $0x5, v2  }
0x83: {  	v33 =	vld.idx.msk [tilespmem:v11+s2+$0x0], $0xffff  }
0x84: {  	v9 =	vld [tilespmem:$0x17090]  }
0x85: {  	v8 =	vld [tilespmem:$0x170A0]  }
0x86: {  	v58 =	vor.u32 $0x22, v2;
	[tilespmem:$0x1FF90] =	vst v0;
	v0 =	vld.idx.msk [tilespmem:v53+s2+$0x0], $0xffff  }
0x87: {  	v61 =	vld.idx.msk [tilespmem:v3+s2+$0x0], $0xffff;
	v3 =	vor.u32 $0x7, v2  }
0x88: {  	v6 =	vld [tilespmem:$0x16CB0]  }
0x89: {  	v11 =	vld [tilespmem:$0x170B0]  }
0x8a: {  	v10 =	vld [tilespmem:$0x16CD0]  }
0x8b: {  	v26 =	vmul.f32 v26, v1;
	v16 =	vor.u32 $0x23, v2;
	[tilespmem:$0x1FFA0] =	vst v0;
	v0 =	vld.idx.msk [tilespmem:v58+s2+$0x0], $0xffff  }
0x8c: {  	v40 =	vmul.f32 v40, v1;
	v13 =	vld.idx.msk [tilespmem:v3+s2+$0x0], $0xffff  }
0x8d: {  	v14 =	vmul.f32 v14, v1;
	v31 =	vadd.f32 v31, v26;
	v26 =	vld [tilespmem:$0x17110]  }
0x8e: {  	v40 =	vadd.f32 v43, v40;
	v43 =	vmul.f32 v47, v1;
	v47 =	vld [tilespmem:$0x16D20]  }
0x8f: {  	v14 =	vadd.f32 v19, v14;
	v3 =	vld [tilespmem:$0x16C80]  }
0x90: {  	v31 =	vmax.f32 v31, $0.0e+00;
	v18 =	vor.u32 $0x24, v2;
	[tilespmem:$0x1FFB0] =	vst v0;
	v0 =	vld.idx.msk [tilespmem:v16+s2+$0x0], $0xffff  }
0x91: {  	v31 =	vmul.f32 v31, v32;
	v32 =	vld [tilespmem:$0x17120];
	v14 =	vmax.f32 v14, $0.0e+00;
	v13 =	vmul.f32 v13, v1  }
0x92: {  	v55 =	vmul.f32 v55, v1;
	v14 =	vmul.f32 v14, v38;
	v38 =	vld [tilespmem:$0x17180]  }
0x93: {  	v13 =	vadd.f32 v17, v13;
	v4 =	vld [tilespmem:$0x16CA0]  }
0x94: {  	v3 =	vadd.f32 v3, v55;
	v55 =	vld [tilespmem:$0x1FED0]  }
0x95: {  	v13 =	vmax.f32 v13, $0.0e+00;
	v59 =	vor.u32 $0x25, v2;
	[tilespmem:$0x1FFC0] =	vst v0;
	v0 =	vld.idx.msk [tilespmem:v18+s2+$0x0], $0xffff  }
0x96: {  	v42 =	vmul.f32 v42, v1;
	v13 =	vmul.f32 v13, v50;
	v50 =	vld [tilespmem:$0x16D80]  }
0x97: {  	v5 =	vld [tilespmem:$0x16C90]  }
0x98: {  	v4 =	vadd.f32 v4, v42;
	v42 =	vld [tilespmem:$0x16DC0]  }
0x99: {  	v48 =	vld [tilespmem:$0x170F0]  }
0x9a: {  	[tilespmem:$0x1FFD0] =	vst v0;
	v0 =	vld.idx.msk [tilespmem:v59+s2+$0x0], $0xffff  }
0x9b: {  	v52 =	vld [tilespmem:$0x170E0]  }
0x9c: {  	v12 =	vld [tilespmem:$0x16CC0]  }
0x9d: {  	v53 =	vld [tilespmem:$0x16D00]  }
0x9e: {  	v58 =	vld [tilespmem:$0x170C0]  }
0x9f: {  	v16 =	vld [tilespmem:$0x16CE0];
	[tilespmem:$0x1FFE0] =	vst v0;
	v0 =	vmul.f32 v36, v1  }
0xa0: {  	v18 =	vld [tilespmem:$0x16CF0]  }
0xa1: {  	v59 =	vld [tilespmem:$0x170D0];
	v37 =	vadd.f32 v37, v0  }
0xa2: {  	v36 =	vld [tilespmem:$0x17100]  }
0xa3: {  	v40 =	vmax.f32 v40, $0.0e+00;
	v0 =	vld [tilespmem:$0x16D10];
	v37 =	vmax.f32 v37, $0.0e+00  }
0xa4: {  	v37 =	vmul.f32 v37, v41;
	v41 =	vadd.f32 v57, v43;
	v43 =	vmul.f32 v49, v1;
	v49 =	vld [tilespmem:$0x16D30]  }
0xa5: {  	v57 =	vmul.f32 v40, v45;
	v45 =	vmul.f32 v61, v1;
	v40 =	vld [tilespmem:$0x17130]  }
0xa6: {  	v43 =	vadd.f32 v56, v43;
	v56 =	vld [tilespmem:$0x16D40]  }
0xa7: {  	v61 =	vmul.f32 v63, v1;
	v62 =	vadd.f32 v62, v45;
	v45 =	vld [tilespmem:$0x16D50]  }
0xa8: {  	v41 =	vmax.f32 v41, $0.0e+00;
	v19 =	vadd.f32 $0.0e+00, v37;
	v37 =	vld [tilespmem:$0x16D70]  }
0xa9: {  	v15 =	vadd.f32 v15, v61;
	v60 =	vmul.f32 v41, v60;
	v41 =	vld [tilespmem:$0x17140];
	v43 =	vmax.f32 v43, $0.0e+00  }
0xaa: {  	v31 =	vadd.f32 $0.0e+00, v31;
	v61 =	vmul.f32 v43, v28;
	v28 =	vld [tilespmem:$0x17150]  }
0xab: {  	v20 =	vmul.f32 v20, v1;
	v63 =	vmul.f32 v44, v1;
	v15 =	vmax.f32 v15, $0.0e+00;
	v43 =	vld [tilespmem:$0x16D60]  }
0xac: {  	v31 =	vadd.f32 v60, v31;
	v15 =	vmul.f32 v15, v34;
	v34 =	vld [tilespmem:$0x17160]  }
0xad: {  	v60 =	vmax.f32 v62, $0.0e+00;
	v62 =	vadd.f32 v54, v20;
	v20 =	vadd.f32 v27, v63;
	v27 =	vld [tilespmem:$0x171A0]  }
0xae: {  	v63 =	vmul.f32 v23, v1;
	v23 =	vld [tilespmem:$0x171E0]  }
0xaf: {  	v57 =	vadd.f32 $0.0e+00, v57;
	v54 =	vmul.f32 v51, v1;
	v51 =	vld [tilespmem:$0x16E00]  }
0xb0: {  	v17 =	vmul.f32 v60, v29;
	v29 =	vld [tilespmem:$0x17170]  }
0xb1: {  	v15 =	vadd.f32 v15, v57;
	v57 =	vld [tilespmem:$0x16D90]  }
0xb2: {  	v3 =	vmax.f32 v3, $0.0e+00;
	v44 =	vadd.f32 v39, v54;
	v39 =	vld [tilespmem:$0x16DA0]  }
0xb3: {  	v3 =	vmul.f32 v3, v7;
	v54 =	vld [tilespmem:$0x16DD0]  }
0xb4: {  	v20 =	vmax.f32 v20, $0.0e+00;
	v7 =	vadd.f32 v12, v63;
	v12 =	vmul.f32 v55, v1;
	v55 =	vld [tilespmem:$0x16E10]  }
0xb5: {  	v60 =	vadd.f32 $0.0e+00, v61;
	v20 =	vmul.f32 v20, v25;
	v25 =	vld [tilespmem:$0x171B0]  }
0xb6: {  	v17 =	vadd.f32 v17, v19;
	v19 =	vmax.f32 v62, $0.0e+00;
	v62 =	vmul.f32 v33, v1;
	v33 =	vld [tilespmem:$0x171D0]  }
0xb7: {  	v19 =	vmul.f32 v19, v35;
	v35 =	vld [tilespmem:$0x17190]  }
0xb8: {  	v14 =	vadd.f32 v14, v31;
	v13 =	vadd.f32 v13, v60;
	v60 =	vmul.f32 v46, v1;
	v46 =	vld [tilespmem:$0x16DB0]  }
0xb9: {  	v61 =	vmax.f32 v44, $0.0e+00;
	v44 =	vld [tilespmem:$0x16DE0]  }
0xba: {  	v63 =	vor.u32 $0x28, v2;
	v3 =	vadd.f32 v3, v14;
	v14 =	vmul.f32 v24, v1;
	v24 =	vld [tilespmem:$0x16DF0]  }
0xbb: {  	v15 =	vadd.f32 v20, v15;
	v20 =	vld [tilespmem:$0x17210]  }
0xbc: {  	v4 =	vmax.f32 v4, $0.0e+00;
	v30 =	vmul.f32 v61, v30;
	v6 =	vadd.f32 v6, v62;
	v62 =	vld [tilespmem:$0x1FEE0]  }
0xbd: {  	v4 =	vmul.f32 v4, v8;
	v17 =	vadd.f32 v19, v17;
	v19 =	vmul.f32 v21, v1;
	v21 =	vld [tilespmem:$0x171F0]  }
0xbe: {  	v31 =	vor.u32 $0x26, v2;
	v61 =	vadd.f32 v53, v12;
	v13 =	vadd.f32 v30, v13;
	v30 =	vld [tilespmem:$0x171C0]  }
0xbf: {  	v5 =	vadd.f32 v5, v60;
	v8 =	vadd.f32 v10, v14;
	v12 =	vld.idx.msk [tilespmem:v63+s2+$0x0], $0xffff  }
0xc0: {  	v6 =	vmax.f32 v6, $0.0e+00;
	v4 =	vadd.f32 v4, v15;
	v15 =	vmax.f32 v61, $0.0e+00;
	v61 =	vld [tilespmem:$0x1FF30]  }
0xc1: {  	v6 =	vmul.f32 v6, v11;
	v10 =	vadd.f32 v18, v19;
	v11 =	vld [tilespmem:$0x16E20]  }
0xc2: {  	v7 =	vmax.f32 v7, $0.0e+00;
	v5 =	vmax.f32 v5, $0.0e+00;
	v8 =	vmax.f32 v8, $0.0e+00;
	v18 =	vld [tilespmem:$0x17220]  }
0xc3: {  	v5 =	vmul.f32 v5, v9;
	v8 =	vmul.f32 v8, v59;
	v59 =	vmax.f32 v10, $0.0e+00;
	v10 =	vld.idx.msk [tilespmem:v31+s2+$0x0], $0xffff  }
0xc4: {  	v7 =	vmul.f32 v7, v58;
	v6 =	vadd.f32 v6, v13;
	v31 =	vld [tilespmem:$0x1FEF0]  }
0xc5: {  	v13 =	vor.u32 $0x27, v2;
	v5 =	vadd.f32 v5, v17;
	v17 =	vmul.f32 v22, v1;
	v22 =	vld [tilespmem:$0x17200]  }
0xc6: {  	v3 =	vadd.f32 v7, v3;
	v7 =	vmul.f32 v62, v1;
	v62 =	vmul.f32 v61, v1;
	v61 =	vld [tilespmem:$0x1FF80]  }
0xc7: {  	v9 =	vadd.f32 v16, v17;
	v5 =	vadd.f32 v8, v5;
	v8 =	vmul.f32 v15, v36;
	v36 =	vld [tilespmem:$0x1FF00]  }
0xc8: {  	v17 =	vld [tilespmem:$0x16E30]  }
0xc9: {  	v0 =	vadd.f32 v0, v7;
	v16 =	vld [tilespmem:$0x17230];
	v9 =	vmax.f32 v9, $0.0e+00  }
0xca: {  	v13 =	vld.idx.msk [tilespmem:v13+s2+$0x0], $0xffff;
	v58 =	vmul.f32 v9, v52;
	v9 =	vmul.f32 v31, v1  }
0xcb: {  	v15 =	vld [tilespmem:$0x17240];
	v0 =	vmax.f32 v0, $0.0e+00  }
0xcc: {  	v0 =	vmul.f32 v0, v26;
	v26 =	vld [tilespmem:$0x16E40];
	v7 =	vmul.f32 v36, v1;
	v9 =	vadd.f32 v47, v9  }
0xcd: {  	v53 =	vor.u32 $0x2A, v2;
	v47 =	vld [tilespmem:$0x1FF10]  }
0xce: {  	v36 =	vld [tilespmem:$0x16E50];
	v7 =	vadd.f32 v49, v7;
	v49 =	vmax.f32 v9, $0.0e+00  }
0xcf: {  	v3 =	vadd.f32 v8, v3;
	v13 =	vmul.f32 v13, v1;
	v8 =	vmul.f32 v49, v32;
	v49 =	vld [tilespmem:$0x1FF50]  }
0xd0: {  	v4 =	vadd.f32 v58, v4;
	v32 =	vld [tilespmem:$0x16E60]  }
0xd1: {  	v13 =	vadd.f32 v17, v13;
	v17 =	vld [tilespmem:$0x16EE0]  }
0xd2: {  	v4 =	vadd.f32 v8, v4;
	v8 =	vld.idx.msk [tilespmem:v53+s2+$0x0], $0xffff  }
0xd3: {  	v63 =	vor.u32 $0x2B, v2;
	v60 =	vmul.f32 v59, v48;
	v53 =	vld [tilespmem:$0x1FF60]  }
0xd4: {  	v7 =	vmax.f32 v7, $0.0e+00;
	v14 =	vmul.f32 v47, v1;
	v47 =	vadd.f32 v43, v62;
	v43 =	vld [tilespmem:$0x17260]  }
0xd5: {  	v48 =	vor.u32 $0x29, v2;
	v58 =	vmul.f32 v7, v40;
	v40 =	vmul.f32 v61, v1;
	v61 =	vld [tilespmem:$0x1FFD0]  }
0xd6: {  	v52 =	vadd.f32 v56, v14;
	v56 =	vld [tilespmem:$0x1FF20]  }
0xd7: {  	v7 =	vmax.f32 v47, $0.0e+00;
	v47 =	vadd.f32 v46, v40;
	v40 =	vld [tilespmem:$0x172B0]  }
0xd8: {  	v7 =	vmul.f32 v7, v34;
	v34 =	vld.idx.msk [tilespmem:v63+s2+$0x0], $0xffff  }
0xd9: {  	v31 =	vmul.f32 v49, v1;
	v49 =	vld [tilespmem:$0x1FFA0];
	v9 =	vmax.f32 v52, $0.0e+00  }
0xda: {  	v59 =	vmul.f32 v9, v41;
	v9 =	vld.idx.msk [tilespmem:v48+s2+$0x0], $0xffff  }
0xdb: {  	v48 =	vld [tilespmem:$0x1FF40];
	v31 =	vadd.f32 v50, v31  }
0xdc: {  	v41 =	vld [tilespmem:$0x16E80];
	v8 =	vmul.f32 v8, v1  }
0xdd: {  	v14 =	vmul.f32 v56, v1;
	v3 =	vadd.f32 v59, v3;
	v59 =	vmax.f32 v31, $0.0e+00;
	v31 =	vld [tilespmem:$0x17270]  }
0xde: {  	v8 =	vadd.f32 v32, v8;
	v32 =	vld [tilespmem:$0x17320]  }
0xdf: {  	v6 =	vadd.f32 v60, v6;
	v60 =	vadd.f32 v45, v14;
	v14 =	vld [tilespmem:$0x17250]  }
0xe0: {  	v10 =	vmul.f32 v10, v1;
	v52 =	vor.u32 $0x2C, v2;
	v19 =	vmul.f32 v48, v1;
	v48 =	vld [tilespmem:$0x1FF90]  }
0xe1: {  	v0 =	vadd.f32 v0, v5;
	v5 =	vadd.f32 v58, v6;
	v45 =	vmax.f32 v60, $0.0e+00;
	v60 =	vld [tilespmem:$0x1FF70]  }
0xe2: {  	v6 =	vmul.f32 v45, v28;
	v28 =	vmul.f32 v53, v1;
	v19 =	vadd.f32 v37, v19;
	v53 =	vld [tilespmem:$0x1FFB0]  }
0xe3: {  	v12 =	vmul.f32 v12, v1;
	v10 =	vadd.f32 v11, v10;
	v45 =	vld [tilespmem:$0x16EA0]  }
0xe4: {  	v62 =	vor.u32 $0x2E, v2;
	v56 =	vadd.f32 v57, v28;
	v28 =	vld [tilespmem:$0x16E70];
	v58 =	vmax.f32 v19, $0.0e+00  }
0xe5: {  	v4 =	vadd.f32 v7, v4;
	v57 =	vor.u32 $0x2D, v2;
	v7 =	vmul.f32 v58, v29;
	v29 =	vld.idx.msk [tilespmem:v52+s2+$0x0], $0xffff  }
0xe6: {  	v19 =	vmul.f32 v59, v38;
	v59 =	vor.u32 $0x31, v2;
	v58 =	vld [tilespmem:$0x1FFC0];
	v38 =	vmul.f32 v60, v1  }
0xe7: {  	v0 =	vadd.f32 v6, v0;
	v6 =	vmax.f32 v56, $0.0e+00;
	v5 =	vadd.f32 v7, v5;
	v7 =	vld [tilespmem:$0x17280]  }
0xe8: {  	v6 =	vmul.f32 v6, v35;
	v35 =	vmax.f32 v47, $0.0e+00;
	v63 =	vadd.f32 v39, v38;
	v39 =	vld [tilespmem:$0x16E90]  }
0xe9: {  	v25 =	vmul.f32 v35, v25;
	v35 =	vld [tilespmem:$0x16EB0]  }
0xea: {  	v10 =	vmax.f32 v10, $0.0e+00;
	v12 =	vadd.f32 v26, v12;
	v38 =	vmul.f32 v48, v1;
	v37 =	vld.idx.msk [tilespmem:v57+s2+$0x0], $0xffff  }
0xeb: {  	v50 =	vor.u32 $0x2F, v2;
	v0 =	vadd.f32 v6, v0;
	v6 =	vmul.f32 v49, v1;
	v48 =	vld.idx.msk [tilespmem:v59+s2+$0x0], $0xffff  }
0xec: {  	v3 =	vadd.f32 v19, v3;
	v19 =	vmax.f32 v63, $0.0e+00;
	v38 =	vadd.f32 v42, v38;
	v42 =	vld [tilespmem:$0x17290]  }
0xed: {  	v5 =	vadd.f32 v25, v5;
	v19 =	vmul.f32 v19, v27;
	v6 =	vadd.f32 v54, v6;
	v27 =	vld.idx.msk [tilespmem:v62+s2+$0x0], $0xffff  }
0xee: {  	v25 =	vmul.f32 v61, v1;
	v63 =	vor.u32 $0x32, v2;
	v62 =	vld [tilespmem:$0x1FFE0];
	v52 =	vmax.f32 v38, $0.0e+00  }
0xef: {  	v38 =	vmul.f32 v53, v1;
	v56 =	vmul.f32 v52, v30;
	v6 =	vmax.f32 v6, $0.0e+00;
	v30 =	vld [tilespmem:$0x172A0]  }
0xf0: {  	v12 =	vmax.f32 v12, $0.0e+00;
	v25 =	vadd.f32 v51, v25;
	v6 =	vmul.f32 v6, v33;
	v33 =	vld.idx.msk [tilespmem:v50+s2+$0x0], $0xffff  }
0xf1: {  	v9 =	vmul.f32 v9, v1;
	v54 =	vor.u32 $0x30, v2;
	v57 =	vadd.f32 v44, v38;
	v44 =	vld [tilespmem:$0x16EC0]  }
0xf2: {  	v10 =	vmul.f32 v10, v18;
	v12 =	vmul.f32 v12, v15;
	v25 =	vmax.f32 v25, $0.0e+00;
	v38 =	vld [tilespmem:$0x172D0]  }
0xf3: {  	v9 =	vadd.f32 v36, v9;
	v53 =	vor.u32 $0x35, v2;
	v49 =	vmul.f32 v25, v22;
	v22 =	vld [tilespmem:$0x16ED0]  }
0xf4: {  	v8 =	vmax.f32 v8, $0.0e+00;
	v4 =	vadd.f32 v19, v4;
	v19 =	vmul.f32 v58, v1;
	v18 =	vld.idx.msk [tilespmem:v63+s2+$0x0], $0xffff  }
0xf5: {  	v8 =	vmul.f32 v8, v43;
	v43 =	vor.u32 $0x39, v2;
	v9 =	vmax.f32 v9, $0.0e+00;
	v25 =	vld [tilespmem:$0x172F0]  }
0xf6: {  	v9 =	vmul.f32 v9, v14;
	v51 =	vor.u32 $0x34, v2;
	v19 =	vadd.f32 v24, v19;
	v24 =	vld.idx.msk [tilespmem:v54+s2+$0x0], $0xffff  }
0xf7: {  	v3 =	vadd.f32 v56, v3;
	v54 =	vmul.f32 v34, v1;
	v34 =	vmul.f32 v27, v1;
	v27 =	vld [tilespmem:$0x16F20]  }
0xf8: {  	v52 =	vmax.f32 v13, $0.0e+00;
	v58 =	vmul.f32 v29, v1;
	v50 =	vor.u32 $0x33, v2;
	v14 =	vld.idx.msk [tilespmem:v53+s2+$0x0], $0xffff  }
0xf9: {  	v59 =	vmul.f32 v37, v1;
	v37 =	vor.u32 $0x38, v2;
	v3 =	vadd.f32 v49, v3;
	v49 =	vld [tilespmem:$0x16F40]  }
0xfa: {  	v48 =	vmul.f32 v48, v1;
	v0 =	vadd.f32 v6, v0;
	v60 =	vmax.f32 v57, $0.0e+00;
	v53 =	vld [tilespmem:$0x17340]  }
0xfb: {  	v6 =	vmul.f32 v60, v23;
	v23 =	vmul.f32 v62, v1;
	v62 =	vadd.f32 v41, v58;
	v58 =	vld [tilespmem:$0x17350]  }
0xfc: {  	v63 =	vadd.f32 v39, v59;
	v19 =	vmax.f32 v19, $0.0e+00;
	v56 =	vadd.f32 v28, v54;
	v28 =	vld [tilespmem:$0x16F10]  }
0xfd: {  	v57 =	vor.u32 $0x36, v2;
	v60 =	vor.u32 $0x37, v2;
	v19 =	vmul.f32 v19, v21;
	v54 =	vld.idx.msk [tilespmem:v43+s2+$0x0], $0xffff  }
0xfe: {  	v21 =	vmax.f32 v63, $0.0e+00;
	v26 =	vadd.f32 v45, v34;
	v34 =	vld [tilespmem:$0x16F70];
	v4 =	vadd.f32 v6, v4  }
0xff: {  	v47 =	vadd.f32 v55, v23;
	v23 =	vld [tilespmem:$0x172C0];
	v3 =	vadd.f32 v12, v3;
	v36 =	vmul.f32 v33, v1  }
0x100: {  	v13 =	vld.idx.msk [tilespmem:v50+s2+$0x0], $0xffff;
	v39 =	vmul.f32 v21, v42;
	v5 =	vadd.f32 v19, v5;
	v26 =	vmax.f32 v26, $0.0e+00  }
0x101: {  	v55 =	vld.idx.msk [tilespmem:v51+s2+$0x0], $0xffff;
	v4 =	vadd.f32 v10, v4;
	v10 =	vmul.f32 v52, v16;
	v24 =	vmul.f32 v24, v1  }
0x102: {  	v12 =	vld [tilespmem:$0x17300];
	v6 =	vmax.f32 v47, $0.0e+00;
	v45 =	vmul.f32 v26, v30;
	v52 =	vmul.f32 v18, v1  }
0x103: {  	v42 =	vld [tilespmem:$0x16F30];
	v50 =	vor.u32 $0x3A, v2;
	v6 =	vmul.f32 v6, v20;
	v14 =	vmul.f32 v14, v1  }
0x104: {  	v16 =	vld [tilespmem:$0x16F00];
	v5 =	vadd.f32 v10, v5;
	v10 =	vmax.f32 v56, $0.0e+00;
	v4 =	vadd.f32 v8, v4  }
0x105: {  	v19 =	vld.idx.msk [tilespmem:v57+s2+$0x0], $0xffff;
	v8 =	vadd.f32 v35, v36;
	v46 =	vadd.f32 v44, v24;
	v56 =	vor.u32 $0x3B, v2  }
0x106: {  	v26 =	vld [tilespmem:$0x17330];
	v35 =	vor.u32 $0x3D, v2;
	v43 =	vmul.f32 v54, v1;
	v0 =	vadd.f32 v6, v0  }
0x107: {  	v47 =	vld.idx.msk [tilespmem:v37+s2+$0x0], $0xffff;
	v61 =	vmul.f32 v10, v31;
	v10 =	vmax.f32 v62, $0.0e+00;
	v13 =	vmul.f32 v13, v1  }
0x108: {  	v20 =	vld [tilespmem:$0x16EF0];
	v15 =	vmul.f32 v55, v1;
	v33 =	vadd.f32 v28, v14;
	v7 =	vmul.f32 v10, v7  }
0x109: {  	v37 =	vld [tilespmem:$0x17370];
	v8 =	vmax.f32 v8, $0.0e+00;
	v4 =	vadd.f32 v45, v4;
	v10 =	vadd.f32 v17, v52  }
0x10a: {  	v6 =	vld [tilespmem:$0x172E0];
	v51 =	vmax.f32 v46, $0.0e+00;
	v0 =	vadd.f32 v9, v0;
	v5 =	vadd.f32 v61, v5  }
0x10b: {  	v55 =	vld [tilespmem:$0x16F50];
	v8 =	vmul.f32 v8, v40;
	v15 =	vadd.f32 v16, v15;
	v61 =	vor.u32 $0x3C, v2  }
0x10c: {  	v59 =	vld.idx.msk [tilespmem:v50+s2+$0x0], $0xffff;
	v36 =	vmul.f32 v19, v1;
	v40 =	vmul.f32 v47, v1;
	v3 =	vadd.f32 v7, v3  }
0x10d: {  	v41 =	vld.idx.msk [tilespmem:v60+s2+$0x0], $0xffff;
	v7 =	vadd.f32 v22, v48;
	v57 =	vadd.f32 v20, v13;
	v10 =	vmax.f32 v10, $0.0e+00  }
0x10e: {  	v60 =	vld [tilespmem:$0x16F60];
	v0 =	vadd.f32 v39, v0;
	v5 =	vadd.f32 v8, v5;
	v8 =	vmul.f32 v51, v23  }
0x10f: {  	v44 =	vld [tilespmem:$0x17380];
	v15 =	vmax.f32 v15, $0.0e+00;
	v39 =	vor.u32 $0x3E, v2;
	v2 =	vor.u32 $0x3F, v2  }
0x110: {  	v62 =	vld [tilespmem:$0x17360];
	v11 =	vadd.f32 v49, v40;
	v7 =	vmax.f32 v7, $0.0e+00;
	v6 =	vmul.f32 v10, v6  }
0x111: {  	v9 =	vld [tilespmem:$0x17310];
	v16 =	vmul.f32 v59, v1;
	v46 =	vadd.f32 v55, v43;
	v3 =	vadd.f32 v8, v3  }
0x112: {  	v31 =	vld.idx.msk [tilespmem:v56+s2+$0x0], $0xffff;
	v7 =	vmul.f32 v7, v38;
	v8 =	vmax.f32 v57, $0.0e+00;
	v38 =	vmul.f32 v41, v1  }
0x113: {  	v52 =	vld [tilespmem:$0x16FB0];
	v11 =	vmax.f32 v11, $0.0e+00;
	v63 =	vmul.f32 v8, v25;
	v25 =	vmul.f32 v15, v12  }
0x114: {  	v41 =	vld [tilespmem:$0x16F80];
	v4 =	vadd.f32 v6, v4;
	v6 =	vmax.f32 v33, $0.0e+00;
	v10 =	vadd.f32 v60, v16  }
0x115: {  	v20 =	vld.idx.msk [tilespmem:v61+s2+$0x0], $0xffff;
	v11 =	vmul.f32 v11, v53;
	v0 =	vadd.f32 v7, v0;
	v7 =	vadd.f32 v27, v36  }
0x116: {  	v15 =	vld.idx.msk [tilespmem:v35+s2+$0x0], $0xffff;
	v6 =	vmul.f32 v6, v9;
	v42 =	vadd.f32 v42, v38;
	v5 =	vadd.f32 v63, v5  }
0x117: {  	v3 =	vadd.f32 v25, v3;
	v48 =	vld.idx.msk [tilespmem:v39+s2+$0x0], $0xffff;
	v50 =	vmax.f32 v10, $0.0e+00;
	v53 =	vmul.f32 v31, v1  }
0x118: {  	v2 =	vld.idx.msk [tilespmem:v2+s2+$0x0], $0xffff;
	v7 =	vmax.f32 v7, $0.0e+00;
	v0 =	vadd.f32 v6, v0;
	v9 =	vmax.f32 v42, $0.0e+00  }
0x119: {  	v47 =	vld [tilespmem:$0x16F90];
	v45 =	vmul.f32 v7, v32;
	v9 =	vmul.f32 v9, v26;
	v7 =	vmax.f32 v46, $0.0e+00  }
0x11a: {  	v51 =	vld [tilespmem:$0x16FA0];
	v3 =	vadd.f32 v11, v3;
	v6 =	vadd.f32 v34, v53;
	v49 =	vmul.f32 v7, v58  }
0x11b: {  	v55 =	vld [tilespmem:$0x17390];
	v7 =	vmul.f32 v50, v62;
	v54 =	vmul.f32 v20, v1;
	v4 =	vadd.f32 v45, v4  }
0x11c: {  	v59 =	vld [tilespmem:$0x173B0];
	v56 =	vmul.f32 v15, v1;
	v5 =	vadd.f32 v9, v5;
	v0 =	vadd.f32 v49, v0  }
0x11d: {  	v58 =	vld [tilespmem:$0x173A0];
	v57 =	vmul.f32 v48, v1;
	v11 =	vadd.f32 v41, v54;
	v2 =	vmul.f32 v2, v1  }
0x11e: {  	v6 =	vmax.f32 v6, $0.0e+00;
	v4 =	vadd.f32 v7, v4;
	v7 =	vadd.f32 v47, v56  }
0x11f: {  	v10 =	vadd.f32 v51, v57;
	v2 =	vadd.f32 v52, v2;
	v60 =	vmax.f32 v11, $0.0e+00  }
0x120: {  	v6 =	vmul.f32 v6, v37;
	v61 =	vmul.f32 v60, v44;
	v7 =	vmax.f32 v7, $0.0e+00  }
0x121: {  	v7 =	vmul.f32 v7, v55;
	v62 =	vmax.f32 v10, $0.0e+00;
	v2 =	vmax.f32 v2, $0.0e+00  }
0x122: {  	v5 =	vadd.f32 v6, v5;
	v63 =	vmul.f32 v62, v58;
	v2 =	vmul.f32 v2, v59  }
0x123: {  	v3 =	vadd.f32 v61, v3;
	v0 =	vadd.f32 v7, v0  }
0x124: {  	v4 =	vadd.f32 v63, v4;
	v2 =	vadd.f32 v2, v5;
	_ =	sdelay $0x1  }
0x125: {  	v0 =	vadd.f32 v0, v3;
	v2 =	vadd.f32 v2, v4  }
0x126: {  	p0 =	sne.s32 s19, $0x1D0  }
.Ltmp1:
0x127: {  	v0 =	vadd.f32 v2, v0;
	(pc) =	sbr.rel @p0 .LBB2_4-.Ltmp1, $3  }
0x128: {  	_ = 	snop  }
0x129: {  	v0 =	vmul.f32 v0, v1;
	_ =	sdelay $0x1  }
0x12a: {  	s19 =	sadd.s32 $0x10, s19;
	s20 =	sadd.s32 $0x10, s20;
	[tilespmem:s21+$0x0] =	vst v0;
	v0 =	vld [tilespmem:$0x1FFF0];
	s21 =	sadd.s32 $0x10, s21  }
0x12b: {  	s18 =	sadd.s32 $0x1, s18  }
0x12c: {  	p0 =	sne.s32 s18, s10  }
.Ltmp2:
0x12d: {  	_ = 	snop;
	(pc) =	sbr.rel @p0 .LBB2_1-.Ltmp2, $4  }
0x12e: {  	[hbm4b:s9+s2] =	stream.linear.scatter [tilespmem:s17], [sflag:$0x1], $0x1E0, $0x38;
	[tilespmem:$0x173C0] =	vst v63  }
0x12f: {  	_ =	swait.ge [sflag:s11], $0x1E0  }
0x130: {  	[sflag:s11] =	ssyncset.done $0x0  }
0x131: {  	[sflag:s11] =	ssyncadd.s32 $0xFFFFFE20  }
0x132: {  	_ =	sfence.sel $0x180000  }
0x133: {  	[bflag:$0x0] =	sbarrier.arrive $0xFFFF  }
0x134: {  	p0 =	sne.s32 s0, $0x0;
	_ =	strace $0x9000004D  }
0x135: {  	s0 =	sadd.s32 @!p0 $0x100000, s1;
	[bflag:$0x2] =	sbarrier.arrive $0xFFFF  }
0x136: {  	[sflag:s0] =	ssyncadd.tile.s32 @!p0 $0x1;
	_ =	shalt  }
.Lfunc_end2:
_tile_overlayer_lowered:
.L_overlay_start_2:
0x137: {  	(tag) =	ssettag $0x2  }
0x138: {  	s0 =	rddreg [dreg:$0x0];
	s2 =	stileid.u32  }
0x139: {  	s1 =	rddreg [dreg:$0x1];
	p0 =	sne.s32 s2, $0x0  }
0x13a: {  	s3 =	rddreg [dreg:$0x2];
	[bflag:$0x3] =	sbarrier.arrive $0xFFFF;
	s2 =	simm.s32 @!p0 $0x1C01  }
0x13b: {  	[timem:s3], [sflag:s2] =	dma.local @!p0 [hbm:s0], s1  }
0x13c: {  	s0 =	simm.s32 @!p0 $0x1  }
0x13d: {  	_ =	swait.ge @!p0 [sflag:s0], s1  }
0x13e: {  	s1 =	ssub.s32 @!p0 $0x0, s1;
	[sflag:s0] =	ssyncset.done @!p0 $0x0  }
0x13f: {  	[sflag:s0] =	ssyncadd.s32 @!p0 s1  }
0x140: {  	[bflag:$0x3] =	sbarrier.arrive $0xFFFF  }
0x141: {  	_ =	shalt  }

// kernel: kernel.19.cloned.1.call-start
scs
__scs_entry_jumppad:
0x0: {  	(pc) =	sbr.rel $0x88, $3  }
0x1: {  	(tag) =	ssettag $0x0;
	lr =	simm.s32 $0x1  }
0x2: {  	[smem:$0x3F93] =	sst lr;
	_ =	strace $0xD0000000  }
0x3: {  	_ = 	snop  }
0x4: {  	_ = 	snop  }
0x5: {  	_ = 	snop  }
0x6: {  	_ = 	snop  }
0x7: {  	_ = 	snop  }
__scs_overlays_trampoline_lowered:
0x8: {  	[smem:$0x3FA2] =	sst s0  }
0x9: {  	[smem:$0x3FA3] =	sst s1  }
0xa: {  	[smem:$0x3FA4] =	sst s2  }
0xb: {  	[smem:$0x3FA5] =	sst s3  }
0xc: {  	[smem:$0x3FA6] =	sst s4  }
0xd: {  	[smem:$0x3FA7] =	sst s5  }
0xe: {  	[smem:$0x3FA8] =	sst s6  }
0xf: {  	[smem:$0x3FA9] =	sst s7  }
0x10: {  	[smem:$0x3FAA] =	sst s8  }
0x11: {  	[smem:$0x3FAB] =	sst s9;
	s0 =	simm.s32 @!p0 $0x0  }
0x12: {  	s1 =	sld [smem:$0x3F91];
	s0 =	simm.s32 @p0 $0x1  }
0x13: {  	[smem:$0x3FAC] =	sst s0;
	s0 =	simm.s32 @!p1 $0x0  }
0x14: {  	s2 =	sld [smem:$0x3F90];
	s0 =	simm.s32 @p1 $0x1  }
0x15: {  	[smem:$0x3FAD] =	sst s0;
	s0 =	simm.s32 @!p2 $0x0  }
0x16: {  	s3 =	sld [smem:$0x3FDB];
	s0 =	simm.s32 @p2 $0x1  }
0x17: {  	s4 =	simm.s32 $0x1BF5;
	[smem:$0x3FAF] =	sst s0  }
0x18: {  	s0 =	sld [smem:$0x3F92];
	_ =	swait.ge [sflag:s4], $0x0  }
0x19: {  	s7 =	sld [smem:$0x3F93]  }
0x1a: {  	s8 =	sadd.s32 $0xFFFFE003, lr  }
0x1b: {  	s9 =	sadd.s32 $0xFFFFFEF7, lr;
	s5 =	simm.s32 $0xFFFFFFFF;
	p2 =	slt.u32 s8, $0xFFFFF086  }
0x1c: {  	p1 =	slt.u32 s9, $0xF7A;
	s5 =	simm.s32 @!p2 $0x0  }
0x1d: {  	s5 =	simm.s32 @p1 $0x1;
	p0 =	seq.s32 s7, s2  }
0x1e: {  	s7 =	smul.u32 @!p0 $0xF7A, s2;
	p2 =	seq.s32 @!p0 s5, $0x0  }
0x1f: {  	s9 =	smul.u32 $0xF7A, s1;
	s8 =	simm.s32 @!p0 $0x1BF5;
	p2 =	por !p2, p0  }
0x20: {  	[sflag:s8] =	ssyncset.s32 @!p0 $0xFFFFF086;
	s6 =	sadd.s32 @!p0 s3, s7;
	s7 =	simm.s32 @!p0 $0x108  }
0x21: {  	s3 =	sadd.s32 s3, s9;
	s6 =	sadd.s32 @!p0 $0x88, s6;
	s7 =	simm.s32 @p2 $0x1082  }
0x22: {  	[simem:s7], [sflag:s8] =	dma.local @!p0 [hbm:s6], $0xF7A  }
0x23: {  	s9 =	sor.u32 $0xD0000000, s2;
	s6 =	simm.s32 $0x108;
	_ =	swait.ge @!p0 [sflag:s8], $0x0  }
0x24: {  	s3 =	sadd.s32 $0x88, s3;
	s6 =	simm.s32 @!p1 $0x1082;
	[sflag:s4] =	ssyncset.s32 $0xFFFFF086  }
0x25: {  	[simem:s6], [sflag:s4] =	dma.local [hbm:s3], $0xF7A  }
0x26: {  	[smem:$0x3F93] =	sst s1;
	(tag) =	ssettag s2;
	_ =	strace s9  }
0x27: {  	s1 =	sld [smem:$0x3FA3]  }
0x28: {  	s2 =	sld [smem:$0x3FA4]  }
0x29: {  	s4 =	sld [smem:$0x3FA6]  }
0x2a: {  	p0 =	seq.s32 s5, $0x0;
	s5 =	sld [smem:$0x3FA7]  }
0x2b: {  	s6 =	sld [smem:$0x3FA8]  }
0x2c: {  	s7 =	sld [smem:$0x3FA9]  }
0x2d: {  	s3 =	simm.s32 $0x108;
	s8 =	sld [smem:$0x3FAA]  }
0x2e: {  	s3 =	simm.s32 @!p0 $0x1082;
	s9 =	sld [smem:$0x3FAB]  }
0x2f: {  	lr =	sadd.s32 s0, s3;
	s0 =	sld [smem:$0x3FA2]  }
0x30: {  	s3 =	sld [smem:$0x3FA5]  }
0x31: {  	[smem:$0x3FAE] =	sst s10  }
0x32: {  	s10 =	sld [smem:$0x3FAC];
	_ =	sdelay $0x3  }
0x33: {  	p0 =	seq.s32 s10, $0x1;
	s10 =	sld [smem:$0x3FAE];
	_ =	sdelay $0x3  }
0x34: {  	[smem:$0x3FAE] =	sst s10  }
0x35: {  	s10 =	sld [smem:$0x3FAD];
	_ =	sdelay $0x3  }
0x36: {  	p1 =	seq.s32 s10, $0x1;
	s10 =	sld [smem:$0x3FAE];
	_ =	sdelay $0x3  }
0x37: {  	[smem:$0x3FAE] =	sst s10  }
0x38: {  	s10 =	sld [smem:$0x3FAF]  }
0x39: {  	_ = 	snop;
	(pc) =	sbr.ind lr, $3  }
0x3a: {  	_ = 	snop  }
0x3b: {  	_ = 	snop  }
0x3c: {  	p2 =	seq.s32 s10, $0x1;
	s10 =	sld [smem:$0x3FAE]  }
0x3d: {  	_ =	shalt  }
0x3e: {  	_ =	shalt  }
0x3f: {  	_ =	shalt  }
0x40: {  	_ =	shalt  }
0x41: {  	_ =	shalt  }
0x42: {  	_ =	shalt  }
0x43: {  	_ =	shalt  }
0x44: {  	_ =	shalt  }
0x45: {  	_ =	shalt  }
0x46: {  	_ =	shalt  }
0x47: {  	_ =	shalt  }
0x48: {  	_ =	shalt  }
0x49: {  	_ =	shalt  }
0x4a: {  	_ =	shalt  }
0x4b: {  	_ =	shalt  }
0x4c: {  	_ =	shalt  }
0x4d: {  	_ =	shalt  }
0x4e: {  	_ =	shalt  }
0x4f: {  	_ =	shalt  }
0x50: {  	_ =	shalt  }
0x51: {  	_ =	shalt  }
0x52: {  	_ =	shalt  }
0x53: {  	_ =	shalt  }
0x54: {  	_ =	shalt  }
0x55: {  	_ =	shalt  }
0x56: {  	_ =	shalt  }
0x57: {  	_ =	shalt  }
0x58: {  	_ =	shalt  }
0x59: {  	_ =	shalt  }
0x5a: {  	_ =	shalt  }
0x5b: {  	_ =	shalt  }
0x5c: {  	_ =	shalt  }
0x5d: {  	_ =	shalt  }
0x5e: {  	_ =	shalt  }
0x5f: {  	_ =	shalt  }
0x60: {  	_ =	shalt  }
0x61: {  	_ =	shalt  }
0x62: {  	_ =	shalt  }
0x63: {  	_ =	shalt  }
0x64: {  	_ =	shalt  }
0x65: {  	_ =	shalt  }
0x66: {  	_ =	shalt  }
0x67: {  	_ =	shalt  }
0x68: {  	_ =	shalt  }
0x69: {  	_ =	shalt  }
0x6a: {  	_ =	shalt  }
0x6b: {  	_ =	shalt  }
0x6c: {  	_ =	shalt  }
0x6d: {  	_ =	shalt  }
0x6e: {  	_ =	shalt  }
0x6f: {  	_ =	shalt  }
0x70: {  	_ =	shalt  }
0x71: {  	_ =	shalt  }
0x72: {  	_ =	shalt  }
0x73: {  	_ =	shalt  }
0x74: {  	_ =	shalt  }
0x75: {  	_ =	shalt  }
0x76: {  	_ =	shalt  }
0x77: {  	_ =	shalt  }
0x78: {  	_ =	shalt  }
0x79: {  	_ =	shalt  }
0x7a: {  	_ =	shalt  }
0x7b: {  	_ =	shalt  }
0x7c: {  	_ =	shalt  }
0x7d: {  	_ =	shalt  }
0x7e: {  	_ =	shalt  }
0x7f: {  	_ =	shalt  }
0x80: {  	_ =	shalt  }
0x81: {  	_ =	shalt  }
0x82: {  	_ =	shalt  }
0x83: {  	_ =	shalt  }
0x84: {  	_ =	shalt  }
0x85: {  	_ =	shalt  }
0x86: {  	_ =	shalt  }
0x87: {  	_ =	shalt  }
.Lfunc_end0:
.L_simem_size_0:
called_computation.3_lowered:
.L_overlay_start_0:
0x88: {  	s2 =	sld [smem:$0x3FD9]  }
0x89: {  	s3 =	sld [smem:$0x3FFE];
	_ =	sdelay $0x1  }
0x8a: {  	s1 =	srdreg.scid  }
0x8b: {  	s0 =	sand.u32 $0x1, s1  }
0x8c: {  	s14 =	sshll.u32 s0, $0xA;
	s2 =	sadd.s32 s3, s2  }
0x8d: {  	s2 =	sadd.s32 s2, s14  }
0x8e: {  	[smem:$0x3FBA] =	sst s2  }
0x8f: {  	_ = 	snop  }
0x90: {  	s2 =	sld [smem:$0x3FD0];
	_ =	sdelay $0x2  }
0x91: {  	s4 =	simm.s32 $0xA;
	s5 =	simm.s32 $0x10;
	s15 =	sld [smem:$0x3FC7]  }
0x92: {  	[smem:s5], [sflag:s4] =	dma.local [hbm:s2], $0x1  }
0x93: {  	_ =	swait.eq [sflag:s4], $0x1  }
0x94: {  	[sflag:s4] =	ssyncset.done $0x0  }
0x95: {  	[sflag:s4] =	ssyncadd.s32 $0xFFFFFFFF  }
0x96: {  	s16 =	sld [smem:$0x11];
	(tm) =	ssettm $0x1  }
0x97: {  	s17 =	sld [smem:$0x3FFB];
	_ =	sdelay $0x3  }
0x98: {  	_ =	strace s17  }
0x99: {  	s4 =	sld [smem:$0x3FFC];
	_ =	sdelay $0x3  }
0x9a: {  	_ =	strace s4  }
0x9b: {  	s4 =	sld [smem:$0x3FFD];
	_ =	sdelay $0x3  }
0x9c: {  	_ =	strace s4  }
0x9d: {  	_ =	strace $0x8FFFFFFF  }
0x9e: {  	s18 =	sld [smem:$0x3FDB];
	_ =	sdelay $0x1  }
0x9f: {  	s19 =	simm.s32 $_scs_section_size  }
0xa0: {  	s6 =	simm.s32 $_size__tile_overlayer_lowered;
	s7 =	simm.s32 $_tile_overlayer_lowered  }
0xa1: {  	s22 =	simm.s32 $0x1BFF;
	s21 =	sshll.u32 s7, $0x1;
	s4 =	sadd.s32 s19, s18  }
0xa2: {  	s8 =	simm.s32 $0x0;
	s20 =	sshll.u32 s6, $0x1;
	s6 =	sadd.s32 s21, s4  }
0xa3: {  	[timem:s8], [sflag:s22] =	dma.local [hbm:s6], s20  }
0xa4: {  	_ =	swait.ge [sflag:s22], s20  }
0xa5: {  	s5 =	ssub.s32 $0x0, s20;
	[sflag:s22] =	ssyncset.done $0x0  }
0xa6: {  	[sflag:s22] =	ssyncadd.s32 s5;
	_ =	sdelay $0x1  }
0xa7: {  	s23 =	simm.s32 $0x1B8B  }
0xa8: {  	_ =	swait.ge [sflag:s23], $0x1  }
0xa9: {  	[sflag:s23] =	ssyncset.done $0x0  }
0xaa: {  	s25 =	simm.s32 $0x1B8E;
	s24 =	sld [smem:$0x3FFE];
	[sflag:s23] =	ssyncadd.s32 $0xFFFFFFFF  }
0xab: {  	s26 =	simm.s32 $execute0_lowered;
	[smem:$0x3FD2] =	sst s25  }
0xac: {  	s6 =	sshll.u32 s26, $0x1;
	_ =	strace $0x8000004F;
	[dreg:$0x1] =	wrdreg $0xFFFFFFFF  }
0xad: {  	s28 =	simm.s32 $_size_execute0_lowered;
	s4 =	sadd.s32 s4, s6;
	[dreg:$0x0] =	wrdreg $0x0  }
0xae: {  	s6 =	sshll.u32 s28, $0x1;
	[dreg:$0x2] =	wrdreg s4  }
0xaf: {  	[dreg:$0x3] =	wrdreg s6  }
0xb0: {  	[dreg:$0x4] =	wrdreg $0xC0  }
0xb1: {  	_ =	task [dreg:s8], $0x5FFFF  }
0xb2: {  	[dreg:$0x1] =	wrdreg $0xFFFFFFFF  }
0xb3: {  	[dreg:$0x0] =	wrdreg $0x60  }
0xb4: {  	[dreg:$0x2] =	wrdreg s24  }
0xb5: {  	[dreg:$0x3] =	wrdreg s15  }
0xb6: {  	[dreg:$0x4] =	wrdreg s16  }
0xb7: {  	[dreg:$0x5] =	wrdreg $0x9  }
0xb8: {  	_ =	task.clear_ibuf [dreg:s8], $0x6FFFF;
	_ =	strace $0x9000004F  }
0xb9: {  	s29 =	simm.s32 $0x9;
	_ =	strace $0x80000051  }
0xba: {  	_ =	swait.ge [sflag:s29], $0x1  }
0xbb: {  	[sflag:s29] =	ssyncadd.s32 $0xFFFFFFFF  }
0xbc: {  	_ =	strace $0x90000051  }
0xbd: {  	_ =	sfence  }
0xbe: {  	s30 =	sld [smem:$0x0];
	_ =	sdelay $0x2  }
0xbf: {  	s31 =	sshll.u32 s1, $0xD;
	s1 =	sshrl.u32 s1, $0x2  }
0xc0: {  	s3 =	sand.u32 $0x4000, s31;
	s1 =	sadd.s32 s1, s30  }
0xc1: {  	s0 =	sor.u32 s3, s0;
	s1 =	sshll.u32 s1, $0x11  }
0xc2: {  	s0 =	sor.u32 s1, s0  }
0xc3: {  	s0 =	sadd.s32 $0x8F2B, s0  }
0xc4: {  	[sflag:s0] =	ssyncadd.remote.s32 $0x1  }
0xc5: {  	_ =	sfence.sel $0xFFFF  }
0xc6: {  	[dreg:$0x0] =	wrdreg $0xFFFFFFFF;
	(pc) =	sbr.abs _section_cstart, $3  }
0xc7: {  	[dreg:$0x1] =	wrdreg $0xFFFFFFFF  }
0xc8: {  	_ =	task.clear_ibuf [dreg:s8], $0x2FFFF;
	_ =	strace $0x9FFFFFFF  }
0xc9: {  	(tm) =	ssettm $0x7FFFFFFF  }
tec
execute0_lowered:
.L_overlay_start_1:
0x0: {  	(tag) =	ssettag $0x1  }
0x1: {  	s5 =	rddreg [dreg:$0x0]  }
0x2: {  	s7 =	rddreg [dreg:$0x1];
	s1 =	srdreg.scid  }
0x3: {  	s0 =	stileid.u32;
	s2 =	rddreg [dreg:$0x2]  }
0x4: {  	s3 =	simm.s32 $0x0;
	s14 =	simm.s32 $0x6300;
	s15 =	simm.s32 $0x9F00  }
0x5: {  	s16 =	simm.s32 $0x0;
	s6 =	sand.u32 $0x1, s1;
	s1 =	rddreg [dreg:$0x3]  }
0x6: {  	s4 =	sshll.u32 s0, $0x1;
	[smem:$0x7FF] =	sst s3;
	s13 =	smul.u32 $0x9C, s0  }
0x7: {  	s8 =	sor.u32 s6, s4;
	s31 =	ssub.s32 $0x2, s6;
	s6 =	smul.u32 $0x4E, s6  }
0x8: {  	p0 =	slt.u32 s0, $0x2;
	_ =	strace $0x80000050;
	s9 =	smul.u32 $0x780, s8  }
0x9: {  	s4 =	sadd.s32 $0x5DC00, s5;
	s10 =	smul.u32 $0x4E, s8;
	s11 =	sshrl.u32 s31, $0x1  }
0xa: {  	s12 =	smin.u32 s8, $0x4;
	s11 =	ssub.s32 s31, s11;
	s9 =	sadd.s32 s9, s5  }
0xb: {  	s10 =	sadd.s32 s12, s10;
	s5 =	simm.s32 $0x4F;
	s12 =	sadd.s32 s13, s12  }
0xc: {  	s13 =	simm.s32 $0x4F00;
	s5 =	simm.s32 @!p0 $0x4E;
	s10 =	smin.u32 s10, $0x975  }
0xd: {  	s12 =	sadd.s32 s6, s12;
	s6 =	sshll.u32 s8, $0x7;
	s9 =	sadd.s32 $0x3800, s9  }
0xe: {  	p0 =	sgt.u32 s0, $0x3;
	s10 =	sshll.u32 s10, $0x5;
	s12 =	smax.u32 s12, $0x975  }
0xf: {  	s8 =	sor.u32 $0x1000, s6;
	s7 =	sadd.s32 s7, s10;
	s12 =	sshll.u32 s12, $0x8  }
0x10: {  	v0 =	vimm.f32 $0.0e+00;
	s10 =	smax.u32 s11, $0x1;
	s11 =	sadd.s32 $0xFFF68B80, s12;
	s12 =	simm.s32 $0x1  }
.LBB2_1:
0x11: {  	[tilespmem:s3], [sflag:$0x1] =	stream.linear.gather [hbm4b:s7+s3], $0x4F00, $0x38;
	[tilespmem:$0xDB00] =	vst v63  }
0x12: {  	_ =	swait.ge [sflag:s12], $0x4F00  }
0x13: {  	[sflag:s12] =	ssyncset.done $0x0  }
0x14: {  	[sflag:s12] =	ssyncadd.s32 $0xFFFFB100  }
0x15: {  	[tilespmem:s13], [sflag:$0x1] =	stream.linear.gather [hbm4b:s2+s3], $0x1400, $0x38;
	[tilespmem:$0xDB00] =	vst v63  }
0x16: {  	_ =	swait.ge [sflag:s12], $0x1400  }
0x17: {  	[sflag:s12] =	ssyncset.done $0x0  }
0x18: {  	[sflag:s12] =	ssyncadd.s32 $0xFFFFEC00  }
0x19: {  	[tilespmem:s14], [sflag:$0x1] =	stream.linear.gather [hbm4b:s4+s3], $0x3C00, $0x38;
	[tilespmem:$0xDB00] =	vst v63  }
0x1a: {  	_ =	swait.ge [sflag:s12], $0x3C00  }
0x1b: {  	[sflag:s12] =	ssyncset.done $0x0  }
0x1c: {  	s17 =	simm.s32 $0x40;
	s18 =	simm.s32 $0x0;
	[sflag:s12] =	ssyncadd.s32 $0xFFFFC400  }
.LBB2_2:
0x1d: {  	p1 =	sne.s32 s17, $0xEFC0;
	[tilespmem:s18+$0x9F00] =	vst v0;
	s18 =	smov.u32 s17;
	s17 =	sadd.s32 $0x40, s17  }
.Ltmp0:
0x1e: {  	(pc) =	sbr.rel @p1 .LBB2_2-.Ltmp0, $2  }
0x1f: {  	_ =	sdelay $0x2  }
0x20: {  	s18 =	sshra.s32 s18, $0x2  }
0x21: {  	[tilespmem:s18+$0x9F00] =	vst v0;
	s17 =	smov.u32 s11;
	s18 =	smov.u32 s5  }
.LBB2_4:
0x22: {  	v1 =	vld [tilespmem:s17+$0xFFFFFF80];
	_ =	sdelay $0x4  }
0x23: {  	v2 =	vld [tilespmem:s17+$0x0];
	_ =	sdelay $0x2  }
0x24: {  	v1 =	vld.idx.msk [tilespmem:v1+s14+$0x0], $0xffff;
	_ =	sdelay $0x4  }
0x25: {  	[tilespmem:v2+s15+$0x0] =	vst.idx.add.f32.msk $0xffff, v1  }
0x26: {  	v1 =	vld [tilespmem:s17+$0xFFFFFF90];
	_ =	sdelay $0x4  }
0x27: {  	v2 =	vld [tilespmem:s17+$0x10];
	_ =	sdelay $0x2  }
0x28: {  	v1 =	vld.idx.msk [tilespmem:v1+s14+$0x0], $0xffff;
	_ =	sdelay $0x4  }
0x29: {  	[tilespmem:v2+s15+$0x0] =	vst.idx.add.f32.msk $0xffff, v1  }
0x2a: {  	v1 =	vld [tilespmem:s17+$0xFFFFFFA0];
	_ =	sdelay $0x4  }
0x2b: {  	v2 =	vld [tilespmem:s17+$0x20];
	_ =	sdelay $0x2  }
0x2c: {  	v1 =	vld.idx.msk [tilespmem:v1+s14+$0x0], $0xffff;
	_ =	sdelay $0x4  }
0x2d: {  	[tilespmem:v2+s15+$0x0] =	vst.idx.add.f32.msk $0xffff, v1  }
0x2e: {  	v1 =	vld [tilespmem:s17+$0xFFFFFFB0];
	_ =	sdelay $0x4  }
0x2f: {  	v2 =	vld [tilespmem:s17+$0x30];
	_ =	sdelay $0x2  }
0x30: {  	v1 =	vld.idx.msk [tilespmem:v1+s14+$0x0], $0xffff;
	_ =	sdelay $0x4  }
0x31: {  	[tilespmem:v2+s15+$0x0] =	vst.idx.add.f32.msk $0xffff, v1  }
0x32: {  	v1 =	vld [tilespmem:s17+$0xFFFFFFC0];
	_ =	sdelay $0x4  }
0x33: {  	v2 =	vld [tilespmem:s17+$0x40];
	_ =	sdelay $0x2  }
0x34: {  	v1 =	vld.idx.msk [tilespmem:v1+s14+$0x0], $0xffff;
	_ =	sdelay $0x4  }
0x35: {  	[tilespmem:v2+s15+$0x0] =	vst.idx.add.f32.msk $0xffff, v1  }
0x36: {  	v1 =	vld [tilespmem:s17+$0xFFFFFFD0];
	_ =	sdelay $0x4  }
0x37: {  	v2 =	vld [tilespmem:s17+$0x50];
	_ =	sdelay $0x2  }
0x38: {  	v1 =	vld.idx.msk [tilespmem:v1+s14+$0x0], $0xffff;
	_ =	sdelay $0x4  }
0x39: {  	[tilespmem:v2+s15+$0x0] =	vst.idx.add.f32.msk $0xffff, v1  }
0x3a: {  	v1 =	vld [tilespmem:s17+$0xFFFFFFE0];
	_ =	sdelay $0x4  }
0x3b: {  	v2 =	vld [tilespmem:s17+$0x60];
	_ =	sdelay $0x2  }
0x3c: {  	v1 =	vld.idx.msk [tilespmem:v1+s14+$0x0], $0xffff;
	_ =	sdelay $0x4  }
0x3d: {  	[tilespmem:v2+s15+$0x0] =	vst.idx.add.f32.msk $0xffff, v1  }
0x3e: {  	v1 =	vld [tilespmem:s17+$0xFFFFFFF0];
	_ =	sdelay $0x4  }
0x3f: {  	v2 =	vld [tilespmem:s17+$0x70];
	_ =	sdelay $0x2  }
0x40: {  	p1 =	sne.s32 s18, $0x1;
	v1 =	vld.idx.msk [tilespmem:v1+s14+$0x0], $0xffff  }
.Ltmp1:
0x41: {  	_ = 	snop;
	(pc) =	sbr.rel @p1 .LBB2_4-.Ltmp1, $2  }
0x42: {  	_ =	sdelay $0x2  }
0x43: {  	s18 =	sadd.s32 $0xFFFFFFFF, s18;
	s17 =	sadd.s32 $0x100, s17;
	[tilespmem:v2+s15+$0x0] =	vst.idx.add.f32.msk $0xffff, v1  }
0x44: {  	v1 =	vld [tilespmem:s6+$0x4F00];
	_ =	sdelay $0x5  }
0x45: {  	v2 =	vld [tilespmem:s6+$0x4F10];
	_ =	sdelay $0x1  }
0x46: {  	v1 =	vld.idx.msk [tilespmem:v1+s14+$0x0], $0xffff;
	_ =	sdelay $0x3  }
0x47: {  	v3 =	vld [tilespmem:s6+$0x4F20]  }
0x48: {  	[tilespmem:s6+$0xC610] =	vst v1  }
0x49: {  	v1 =	vld.idx.msk [tilespmem:v2+s14+$0x0], $0xffff;
	_ =	sdelay $0x3  }
0x4a: {  	v2 =	vld [tilespmem:s6+$0x4F30]  }
0x4b: {  	[tilespmem:s6+$0xC620] =	vst v1  }
0x4c: {  	v1 =	vld.idx.msk [tilespmem:v3+s14+$0x0], $0xffff;
	_ =	sdelay $0x3  }
0x4d: {  	v3 =	vld [tilespmem:s6+$0x4F40]  }
0x4e: {  	[tilespmem:s6+$0xC630] =	vst v1  }
0x4f: {  	v1 =	vld.idx.msk [tilespmem:v2+s14+$0x0], $0xffff;
	_ =	sdelay $0x3  }
0x50: {  	v2 =	vld [tilespmem:s6+$0x4F50]  }
0x51: {  	[tilespmem:s6+$0xC640] =	vst v1  }
0x52: {  	v1 =	vld.idx.msk [tilespmem:v3+s14+$0x0], $0xffff;
	_ =	sdelay $0x3  }
0x53: {  	v3 =	vld [tilespmem:s6+$0x4F60]  }
0x54: {  	[tilespmem:s6+$0xC650] =	vst v1  }
0x55: {  	v1 =	vld.idx.msk [tilespmem:v2+s14+$0x0], $0xffff;
	_ =	sdelay $0x3  }
0x56: {  	v2 =	vld [tilespmem:s6+$0x4F70]  }
0x57: {  	[tilespmem:s6+$0xC660] =	vst v1  }
0x58: {  	v1 =	vld.idx.msk [tilespmem:v3+s14+$0x0], $0xffff;
	_ =	sdelay $0x4  }
0x59: {  	[tilespmem:s6+$0xC670] =	vst v1  }
0x5a: {  	v1 =	vld.idx.msk [tilespmem:v2+s14+$0x0], $0xffff;
	_ =	sdelay $0x4  }
0x5b: {  	[tilespmem:s6+$0xC680] =	vst v1  }
0x5c: {  	v1 =	vld @!p0 [tilespmem:s8+$0x4F00];
	_ =	sdelay $0x5  }
0x5d: {  	v2 =	vld @!p0 [tilespmem:s8+$0x4F10]  }
0x5e: {  	s17 =	simm.s32 @!p0 $0x6300  }
0x5f: {  	v1 =	vld.idx.msk @!p0 [tilespmem:v1+s17+$0x0], $0xffff;
	_ =	sdelay $0x3  }
0x60: {  	v3 =	vld @!p0 [tilespmem:s8+$0x4F20]  }
0x61: {  	[tilespmem:s8+$0xC610] =	vst @!p0 v1  }
0x62: {  	v1 =	vld.idx.msk @!p0 [tilespmem:v2+s17+$0x0], $0xffff;
	_ =	sdelay $0x3  }
0x63: {  	v2 =	vld @!p0 [tilespmem:s8+$0x4F30]  }
0x64: {  	[tilespmem:s8+$0xC620] =	vst @!p0 v1  }
0x65: {  	v1 =	vld.idx.msk @!p0 [tilespmem:v3+s17+$0x0], $0xffff;
	_ =	sdelay $0x3  }
0x66: {  	v3 =	vld @!p0 [tilespmem:s8+$0x4F40]  }
0x67: {  	[tilespmem:s8+$0xC630] =	vst @!p0 v1  }
0x68: {  	v1 =	vld.idx.msk @!p0 [tilespmem:v2+s17+$0x0], $0xffff;
	_ =	sdelay $0x3  }
0x69: {  	v2 =	vld @!p0 [tilespmem:s8+$0x4F50]  }
0x6a: {  	[tilespmem:s8+$0xC640] =	vst @!p0 v1  }
0x6b: {  	v1 =	vld.idx.msk @!p0 [tilespmem:v3+s17+$0x0], $0xffff;
	_ =	sdelay $0x3  }
0x6c: {  	v3 =	vld @!p0 [tilespmem:s8+$0x4F60]  }
0x6d: {  	[tilespmem:s8+$0xC650] =	vst @!p0 v1  }
0x6e: {  	v1 =	vld.idx.msk @!p0 [tilespmem:v2+s17+$0x0], $0xffff;
	_ =	sdelay $0x3  }
0x6f: {  	v2 =	vld @!p0 [tilespmem:s8+$0x4F70]  }
0x70: {  	[tilespmem:s8+$0xC660] =	vst @!p0 v1  }
0x71: {  	v1 =	vld.idx.msk @!p0 [tilespmem:v3+s17+$0x0], $0xffff;
	_ =	sdelay $0x4  }
0x72: {  	[tilespmem:s8+$0xC670] =	vst @!p0 v1  }
0x73: {  	v1 =	vld.idx.msk @!p0 [tilespmem:v2+s17+$0x0], $0xffff;
	_ =	sdelay $0x2  }
0x74: {  	s16 =	sadd.s32 $0x1, s16  }
0x75: {  	p1 =	sne.s32 s16, s10  }
.Ltmp2:
0x76: {  	[tilespmem:s8+$0xC680] =	vst @!p0 v1;
	(pc) =	sbr.rel @p1 .LBB2_1-.Ltmp2, $4  }
0x77: {  	[hbm4b:s9+s3] =	stream.linear.scatter [tilespmem:s15], [sflag:$0x1], $0x3C00, $0x38;
	[tilespmem:$0xDB00] =	vst v63  }
0x78: {  	_ =	swait.ge [sflag:s12], $0x3C00  }
0x79: {  	[sflag:s12] =	ssyncset.done $0x0  }
0x7a: {  	[sflag:s12] =	ssyncadd.s32 $0xFFFFC400  }
0x7b: {  	_ =	sfence.sel $0x180000  }
0x7c: {  	[bflag:$0x0] =	sbarrier.arrive $0xFFFF  }
0x7d: {  	p0 =	sne.s32 s0, $0x0;
	_ =	strace $0x90000050  }
0x7e: {  	s0 =	sadd.s32 @!p0 $0x100000, s1;
	[bflag:$0x2] =	sbarrier.arrive $0xFFFF  }
0x7f: {  	[sflag:s0] =	ssyncadd.tile.s32 @!p0 $0x1;
	_ =	shalt  }
.Lfunc_end2:
_tile_overlayer_lowered:
.L_overlay_start_2:
0x80: {  	(tag) =	ssettag $0x2  }
0x81: {  	s0 =	rddreg [dreg:$0x0];
	s2 =	stileid.u32  }
0x82: {  	s1 =	rddreg [dreg:$0x1];
	p0 =	sne.s32 s2, $0x0  }
0x83: {  	s3 =	rddreg [dreg:$0x2];
	[bflag:$0x3] =	sbarrier.arrive $0xFFFF;
	s2 =	simm.s32 @!p0 $0x1C01  }
0x84: {  	[timem:s3], [sflag:s2] =	dma.local @!p0 [hbm:s0], s1  }
0x85: {  	s0 =	simm.s32 @!p0 $0x1  }
0x86: {  	_ =	swait.ge @!p0 [sflag:s0], s1  }
0x87: {  	s1 =	ssub.s32 @!p0 $0x0, s1;
	[sflag:s0] =	ssyncset.done @!p0 $0x0  }
0x88: {  	[sflag:s0] =	ssyncadd.s32 @!p0 s1  }
0x89: {  	[bflag:$0x3] =	sbarrier.arrive $0xFFFF  }
0x8a: {  	_ =	shalt  }

</sc_bundles>
